<compile_context>
chip_gen: v7x
topology: tpu7x:2x2x1
jax: 0.10.2.dev20260603
libtpu: 0.0.44.dev20260713+nightly
codegen_flags: <defaults>
</compile_context>

<pallas_src>
import jax
import jax.numpy as jnp
from jax import lax
from jax.experimental import pallas as pl
from jax.experimental.pallas import tpu as pltpu
from jax.experimental.pallas import tpu_sc as plsc

NUM_FIELDS = 26
VOCAB_P1 = 100001
D = 32
BATCH = 16384
LN_EPS = 1e-5

L = 16
NW = 32
NROWS = NUM_FIELDS * D
TPW = NROWS // NW
BCHUNK = 4096
NBC = BATCH // BCHUNK
LCHUNK = 512
NCH = BATCH // LCHUNK

_mesh = lambda: plsc.VectorSubcoreMesh(core_axis_name="c", subcore_axis_name="s")
_params = lambda: pltpu.CompilerParams(
    needs_layout_passes=False, use_tc_tiling_on_sc=True)


def _rsqrt(t):
    y = plsc.bitcast(jnp.int32(0x5F3759DF) - (plsc.bitcast(t, jnp.int32) >> 1),
                     jnp.float32)
    for _ in range(3):
        y = y * (1.5 - 0.5 * t * y * y)
    return y


def _body(xt_hbm, tab_hbm, cemb_hbm, w_hbm, b_hbm, out_hbm,
          rsem, sem0, sem1, sem2, sem3):
    wid = lax.axis_index("c") * 16 + lax.axis_index("s")
    t0 = wid * TPW

    def p1(idx_v, row_v, cemb_v, obuf_v):
        osems = (sem0, sem1)
        pltpu.sync_copy(cemb_hbm, cemb_v)
        pltpu.async_copy(tab_hbm.at[t0], row_v, rsem)
        pltpu.sync_copy(xt_hbm.at[t0 // D], idx_v)

        def wait_row():
            pltpu.make_async_copy(tab_hbm.at[t0], row_v, rsem).wait()

        def wait_out(p):
            pltpu.make_async_copy(
                obuf_v.at[p], out_hbm.at[0, 0, pl.ds(0, BCHUNK)],
                osems[p]).wait()

        def task(k, carry):
            t = t0 + k
            f = t // D
            d = t % D
            cvec = plsc.load_gather(cemb_v, [jnp.zeros((L,), jnp.int32) + t])
            wait_row()

            for c in range(NBC):
                p = c % 2
                if c < 2:
                    @pl.when(k > 0)
                    def _():
                        wait_out(p)
                else:
                    wait_out(p)

                @plsc.parallel_loop(0, BCHUNK, L, unroll=8)
                def _gather(i, _c=c, _p=p, _cvec=cvec):
                    o = pl.multiple_of(i, L)
                    iv = idx_v[pl.ds(_c * BCHUNK + o, L)] + 1
                    v = plsc.load_gather(row_v, [iv]) + _cvec
                    obuf_v[_p, pl.ds(o, L)] = v

                pltpu.async_copy(
                    obuf_v.at[p], out_hbm.at[f, d, pl.ds(c * BCHUNK, BCHUNK)],
                    osems[p])

            @pl.when(k + 1 < TPW)
            def _start_next():
                tn = t + 1
                pltpu.async_copy(tab_hbm.at[tn], row_v, rsem)

                @pl.when(tn // D != f)
                def _reload_x():
                    pltpu.sync_copy(xt_hbm.at[tn // D], idx_v)

            return carry

        lax.fori_loop(0, TPW, task, 0)
        wait_out(0)
        wait_out(1)

    pl.run_scoped(
        p1,
        pltpu.VMEM((BATCH,), jnp.int32),
        pltpu.VMEM((VOCAB_P1,), jnp.float32),
        pltpu.VMEM((NROWS,), jnp.float32),
        pltpu.VMEM((2, BCHUNK), jnp.float32),
    )

    plsc.subcore_barrier()

    def p2(ibuf_v, obuf_v, w_v, b_v):
        isems = (sem0, sem1)
        osems = (sem2, sem3)
        pltpu.sync_copy(w_hbm, w_v)
        pltpu.sync_copy(b_hbm, b_v)
        w_lo = w_v[pl.ds(0, L)]
        w_hi = w_v[pl.ds(L, L)]
        b_lo = b_v[pl.ds(0, L)]
        b_hi = b_v[pl.ds(L, L)]
        w_s = [w_lo[d] for d in range(L)] + [w_hi[d] for d in range(L)]
        b_s = [b_lo[d] for d in range(L)] + [b_hi[d] for d in range(L)]

        def slices(t):
            f = t // NCH
            co = pl.multiple_of((t % NCH) * LCHUNK, LCHUNK)
            return out_hbm.at[f, :, pl.ds(co, LCHUNK)]

        def start_in(t, p):
            pltpu.async_copy(slices(t), ibuf_v.at[p], isems[p])

        def wait_in(p):
            pltpu.make_async_copy(slices(t0), ibuf_v.at[p], isems[p]).wait()

        def wait_out(p):
            pltpu.make_async_copy(obuf_v.at[p], slices(t0), osems[p]).wait()

        start_in(t0, 0)
        start_in(t0 + 1, 1)

        def pair(kk, carry):
            for j in range(2):
                _task(kk * 2 + j, j)
            return carry

        def _task(k, p):
            t = t0 + k
            wait_in(p)

            @pl.when(k >= 2)
            def _drain_out():
                wait_out(p)

            @plsc.parallel_loop(0, LCHUNK, L, unroll=4)
            def _ln(g, _p=p):
                o = pl.multiple_of(g, L)
                s = None
                s2 = None
                for d in range(D):
                    v = ibuf_v[_p, d, pl.ds(o, L)]
                    s = v if d == 0 else s + v
                    s2 = v * v if d == 0 else s2 + v * v
                mean = s * (1.0 / D)
                var = s2 * (1.0 / D) - mean * mean
                rstd = _rsqrt(var + LN_EPS)
                for d in range(D):
                    v = ibuf_v[_p, d, pl.ds(o, L)]
                    obuf_v[_p, d, pl.ds(o, L)] = \
                        (v - mean) * (rstd * w_s[d]) + b_s[d]

            pltpu.async_copy(obuf_v.at[p], slices(t), osems[p])

            @pl.when(k + 2 < TPW)
            def _prefetch():
                start_in(t + 2, p)

        lax.fori_loop(0, TPW // 2, pair, 0)
        wait_out(0)
        wait_out(1)

    pl.run_scoped(
        p2,
        pltpu.VMEM((2, D, LCHUNK), jnp.float32),
        pltpu.VMEM((2, D, LCHUNK), jnp.float32),
        pltpu.VMEM((D,), jnp.float32),
        pltpu.VMEM((D,), jnp.float32),
    )


@jax.jit
def _run(xt, tab2, cembf, ln_w, ln_b):
    out = pl.kernel(
        _body,
        out_type=jax.ShapeDtypeStruct((NUM_FIELDS, D, BATCH), jnp.float32),
        mesh=_mesh(),
        scratch_types=[
            pltpu.SemaphoreType.DMA,
            pltpu.SemaphoreType.DMA,
            pltpu.SemaphoreType.DMA,
            pltpu.SemaphoreType.DMA,
            pltpu.SemaphoreType.DMA,
        ],
        compiler_params=_params(),
    )(xt, tab2, cembf, ln_w, ln_b)
    return out


def kernel(x, tables, column_embedding, ln_weight, ln_bias):
    xt = x.astype(jnp.int32).T
    tab2 = tables.transpose(0, 2, 1).reshape(NROWS, VOCAB_P1)
    cembf = column_embedding.reshape(NROWS)
    out = _run(xt, tab2, cembf, ln_weight, ln_bias)
    return out.transpose(2, 0, 1)

# --- scband reference (transcript-rebuilt; emitter-appended) ---
"""Pipeline reference for scband-feature-embedding-39840116637771 (READ-ONLY COPY).

The authoritative reference and input builder live on the scoring server;
editing this copy changes nothing except your own understanding.
"""

import jax, jax.numpy as jnp
import numpy as np

NUM_FIELDS = 26
VOCAB = 100000  # cardinality; table rows = VOCAB + 1 (padding_idx=0)
EMBED_DIM = 32
BATCH = 16384
LN_EPS = 1e-5


def setup_inputs(seed: int = 0) -> dict:
    key = jax.random.key(seed)
    k_x, k_tab, k_col, k_lnw = jax.random.split(key, 4)
    x = jax.random.randint(k_x, (BATCH, NUM_FIELDS), 0, VOCAB, dtype=jnp.int64)
    # Stacked embedding tables for the 26 fields, each (VOCAB+1, EMBED_DIM).
    tables = jax.random.normal(k_tab, (NUM_FIELDS, VOCAB + 1, EMBED_DIM), dtype=jnp.float32)
    # padding_idx=0 row is zeros in torch's nn.Embedding
    tables = tables.at[:, 0, :].set(0.0)
    column_embedding = jax.random.normal(k_col, (NUM_FIELDS, EMBED_DIM), dtype=jnp.float32) * 0.02
    ln_weight = jnp.ones((EMBED_DIM,), dtype=jnp.float32)
    ln_bias = jnp.zeros((EMBED_DIM,), dtype=jnp.float32)
    return {
        "x": x,
        "tables": tables,
        "column_embedding": column_embedding,
        "ln_weight": ln_weight,
        "ln_bias": ln_bias,
    }


def reference(x, tables, column_embedding, ln_weight, ln_bias):
    # embedded[i] = tables[i][x[:, i] + 1]  (gather per field)
    field_idx = jnp.arange(NUM_FIELDS)[None, :]            # [1, F]
    idx = x + 1                                            # [B, F], in [1, VOCAB]
    stacked = tables[field_idx, idx]                       # [B, F, D] gather
    out = stacked + column_embedding[None, :, :]           # add learned column positions
    # LayerNorm over last dim
    mean = jnp.mean(out, axis=-1, keepdims=True)
    var = jnp.mean((out - mean) ** 2, axis=-1, keepdims=True)
    normed = (out - mean) / jnp.sqrt(var + LN_EPS)
    normed = normed * ln_weight + ln_bias
    # dropout is identity in eval mode
    return normed

if __name__ == "__main__":
    import jax
    _d = setup_inputs()
    print(jax.jit(kernel)(*tuple(_d.values())))

</pallas_src>

<mosaic_0001>
#map = affine_map<(d0, d1) -> (0, 0)>
#map1 = affine_map<(d0, d1) -> (0)>
#map2 = affine_map<(d0, d1) -> (0, 0, 0)>
module attributes {stable_mosaic.version = 14 : i64} {
  func.func @_body(%arg0: i32, %arg1: i32, %arg2: memref<26x16384xi32, #tpu.memory_space<hbm>>, %arg3: memref<832x100001xf32, #tpu.memory_space<hbm>>, %arg4: memref<832xf32, #tpu.memory_space<hbm>>, %arg5: memref<32xf32, #tpu.memory_space<hbm>>, %arg6: memref<32xf32, #tpu.memory_space<hbm>>, %arg7: memref<26x32x16384xf32, #tpu.memory_space<hbm>>, %arg8: memref<!tpu.dma_semaphore, #tpu.memory_space<semaphore_mem>>, %arg9: memref<!tpu.dma_semaphore, #tpu.memory_space<semaphore_mem>>, %arg10: memref<!tpu.dma_semaphore, #tpu.memory_space<semaphore_mem>>, %arg11: memref<!tpu.dma_semaphore, #tpu.memory_space<semaphore_mem>>, %arg12: memref<!tpu.dma_semaphore, #tpu.memory_space<semaphore_mem>>) attributes {dimension_semantics = [#tpu.dimension_semantics<core_parallel>, #tpu.dimension_semantics<subcore_parallel>], iteration_bounds = array<i64: 2, 16>, scalar_prefetch = 0 : i64, scratch_operands = 5 : i64, tpu.core_type = #tpu.core_type<sc_vector_subcore>, window_params = [{transform_indices = #map}, {transform_indices = #map}, {transform_indices = #map1}, {transform_indices = #map1}, {transform_indices = #map1}, {transform_indices = #map2}]} {
    %mul3A = arith.constant 16 : i32
    %mul3A_0 = arith.muli %arg0, %mul3A : i32
    %add3A = arith.addi %mul3A_0, %arg1 : i32
    %mul3A_1 = arith.constant 26 : i32
    %mul3A_2 = arith.muli %add3A, %mul3A_1 : i32
    "tpu.region"() ({
      %run_scoped3A = memref.alloca() : memref<16384xi32, #tpu.memory_space<vmem>>
      %run_scoped3A_3 = memref.alloca() : memref<100001xf32, #tpu.memory_space<vmem>>
      %run_scoped3A_4 = memref.alloca() : memref<832xf32, #tpu.memory_space<vmem>>
      %run_scoped3A_5 = memref.alloca() : memref<2x4096xf32, #tpu.memory_space<vmem>>
      "tpu.region"() ({
        %run_scoped3A_61 = tpu.sem_alloc : memref<!tpu.dma_semaphore, #tpu.memory_space<semaphore_mem>>
        tpu.enqueue_dma source(%arg4 : memref<832xf32, #tpu.memory_space<hbm>>) target(%run_scoped3A_4 : memref<832xf32, #tpu.memory_space<vmem>>) target_semaphore(%run_scoped3A_61 : memref<!tpu.dma_semaphore, #tpu.memory_space<semaphore_mem>>)
        tpu.wait_dma2 semaphore(%run_scoped3A_61 : memref<!tpu.dma_semaphore, #tpu.memory_space<semaphore_mem>>) src(%arg4 : memref<832xf32, #tpu.memory_space<hbm>>) dst(%run_scoped3A_4 : memref<832xf32, #tpu.memory_space<vmem>>)
        tpu.yield
      }) : () -> ()
      %dma_start3A = arith.constant 0 : i32
      %dma_start3A_6 = tpu.memref_slice %arg3[%mul3A_2, %dma_start3A] : memref<832x100001xf32, #tpu.memory_space<hbm>> -> memref<1x100001xf32, #tpu.memory_space<hbm>>
      %dma_start3A_7 = tpu.memref_squeeze %dma_start3A_6 : memref<1x100001xf32, #tpu.memory_space<hbm>> -> memref<100001xf32, #tpu.memory_space<hbm>>
      %dma_start3A_8 = arith.constant 0 : i32
      %dma_start3A_9 = tpu.memref_slice %arg3[%mul3A_2, %dma_start3A_8] : memref<832x100001xf32, #tpu.memory_space<hbm>> -> memref<1x100001xf32, #tpu.memory_space<hbm>>
      %dma_start3A_10 = tpu.memref_squeeze %dma_start3A_9 : memref<1x100001xf32, #tpu.memory_space<hbm>> -> memref<100001xf32, #tpu.memory_space<hbm>>
      tpu.enqueue_dma source(%dma_start3A_10 : memref<100001xf32, #tpu.memory_space<hbm>>) target(%run_scoped3A_3 : memref<100001xf32, #tpu.memory_space<vmem>>) target_semaphore(%arg8 : memref<!tpu.dma_semaphore, #tpu.memory_space<semaphore_mem>>)
      %jit3A = arith.constant 32 : i32
      %div3A = arith.divsi %mul3A_2, %jit3A : i32
      %sign3A = arith.constant 0 : i32
      %sign3A_11 = arith.cmpi sgt, %mul3A_2, %sign3A : i32
      %sign3A_12 = arith.extui %sign3A_11 : i1 to i32
      %sign3A_13 = arith.constant 0 : i32
      %sign3A_14 = arith.cmpi slt, %mul3A_2, %sign3A_13 : i32
      %sign3A_15 = arith.extui %sign3A_14 : i1 to i32
      %sign3A_16 = arith.subi %sign3A_12, %sign3A_15 : i32
      %sign3A_17 = arith.constant 0 : i32
      %sign3A_18 = arith.cmpi sgt, %jit3A, %sign3A_17 : i32
      %sign3A_19 = arith.extui %sign3A_18 : i1 to i32
      %sign3A_20 = arith.constant 0 : i32
      %sign3A_21 = arith.cmpi slt, %jit3A, %sign3A_20 : i32
      %sign3A_22 = arith.extui %sign3A_21 : i1 to i32
      %sign3A_23 = arith.subi %sign3A_19, %sign3A_22 : i32
      %ne3A = arith.cmpi ne, %sign3A_16, %sign3A_23 : i32
      %rem3A = arith.remsi %mul3A_2, %jit3A : i32
      %ne3A_24 = arith.constant 0 : i32
      %ne3A_25 = arith.cmpi ne, %rem3A, %ne3A_24 : i32
      %and3A = arith.andi %ne3A, %ne3A_25 : i1
      %sub3A = arith.constant 1 : i32
      %sub3A_26 = arith.subi %div3A, %sub3A : i32
      %select_n3A = arith.select %and3A, %sub3A_26, %div3A : i32
      "tpu.region"() ({
        %run_scoped3A_61 = tpu.sem_alloc : memref<!tpu.dma_semaphore, #tpu.memory_space<semaphore_mem>>
        %dma_start3A_62 = arith.constant 0 : i32
        %dma_start3A_63 = tpu.memref_slice %arg2[%select_n3A, %dma_start3A_62] : memref<26x16384xi32, #tpu.memory_space<hbm>> -> memref<1x16384xi32, #tpu.memory_space<hbm>>
        %dma_start3A_64 = tpu.memref_squeeze %dma_start3A_63 : memref<1x16384xi32, #tpu.memory_space<hbm>> -> memref<16384xi32, #tpu.memory_space<hbm>>
        %dma_start3A_65 = arith.constant 0 : i32
        %dma_start3A_66 = tpu.memref_slice %arg2[%select_n3A, %dma_start3A_65] : memref<26x16384xi32, #tpu.memory_space<hbm>> -> memref<1x16384xi32, #tpu.memory_space<hbm>>
        %dma_start3A_67 = tpu.memref_squeeze %dma_start3A_66 : memref<1x16384xi32, #tpu.memory_space<hbm>> -> memref<16384xi32, #tpu.memory_space<hbm>>
        tpu.enqueue_dma source(%dma_start3A_67 : memref<16384xi32, #tpu.memory_space<hbm>>) target(%run_scoped3A : memref<16384xi32, #tpu.memory_space<vmem>>) target_semaphore(%run_scoped3A_61 : memref<!tpu.dma_semaphore, #tpu.memory_space<semaphore_mem>>)
        %dma_wait3A_68 = arith.constant 0 : i32
        %dma_wait3A_69 = tpu.memref_slice %arg2[%select_n3A, %dma_wait3A_68] : memref<26x16384xi32, #tpu.memory_space<hbm>> -> memref<1x16384xi32, #tpu.memory_space<hbm>>
        %dma_wait3A_70 = tpu.memref_squeeze %dma_wait3A_69 : memref<1x16384xi32, #tpu.memory_space<hbm>> -> memref<16384xi32, #tpu.memory_space<hbm>>
        %dma_wait3A_71 = arith.constant 0 : i32
        %dma_wait3A_72 = tpu.memref_slice %arg2[%select_n3A, %dma_wait3A_71] : memref<26x16384xi32, #tpu.memory_space<hbm>> -> memref<1x16384xi32, #tpu.memory_space<hbm>>
        %dma_wait3A_73 = tpu.memref_squeeze %dma_wait3A_72 : memref<1x16384xi32, #tpu.memory_space<hbm>> -> memref<16384xi32, #tpu.memory_space<hbm>>
        tpu.wait_dma2 semaphore(%run_scoped3A_61 : memref<!tpu.dma_semaphore, #tpu.memory_space<semaphore_mem>>) src(%dma_wait3A_73 : memref<16384xi32, #tpu.memory_space<hbm>>) dst(%run_scoped3A : memref<16384xi32, #tpu.memory_space<vmem>>)
        tpu.yield
      }) : () -> ()
      %scan3A = arith.constant 0 : i32
      %scan3A_27 = arith.constant 0 : i32
      %scan3A_28 = arith.constant 26 : i32
      %scan3A_29 = arith.addi %scan3A_27, %scan3A_28 : i32
      %scan3A_30 = arith.constant 1 : i32
      scf.for %scan3A_61 = %scan3A_27 to %scan3A_29 step %scan3A_30  : i32 {
        %add3A_62 = arith.addi %mul3A_2, %scan3A_61 : i32
        %jit3A_63 = arith.constant 32 : i32
        %div3A_64 = arith.divsi %add3A_62, %jit3A_63 : i32
        %sign3A_65 = arith.constant 0 : i32
        %sign3A_66 = arith.cmpi sgt, %add3A_62, %sign3A_65 : i32
        %sign3A_67 = arith.extui %sign3A_66 : i1 to i32
        %sign3A_68 = arith.constant 0 : i32
        %sign3A_69 = arith.cmpi slt, %add3A_62, %sign3A_68 : i32
        %sign3A_70 = arith.extui %sign3A_69 : i1 to i32
        %sign3A_71 = arith.subi %sign3A_67, %sign3A_70 : i32
        %sign3A_72 = arith.constant 0 : i32
        %sign3A_73 = arith.cmpi sgt, %jit3A_63, %sign3A_72 : i32
        %sign3A_74 = arith.extui %sign3A_73 : i1 to i32
        %sign3A_75 = arith.constant 0 : i32
        %sign3A_76 = arith.cmpi slt, %jit3A_63, %sign3A_75 : i32
        %sign3A_77 = arith.extui %sign3A_76 : i1 to i32
        %sign3A_78 = arith.subi %sign3A_74, %sign3A_77 : i32
        %ne3A_79 = arith.cmpi ne, %sign3A_71, %sign3A_78 : i32
        %rem3A_80 = arith.remsi %add3A_62, %jit3A_63 : i32
        %ne3A_81 = arith.constant 0 : i32
        %ne3A_82 = arith.cmpi ne, %rem3A_80, %ne3A_81 : i32
        %and3A_83 = arith.andi %ne3A_79, %ne3A_82 : i1
        %sub3A_84 = arith.constant 1 : i32
        %sub3A_85 = arith.subi %div3A_64, %sub3A_84 : i32
        %select_n3A_86 = arith.select %and3A_83, %sub3A_85, %div3A_64 : i32
        %jit3A_87 = arith.constant 32 : i32
        %eq3A = arith.constant 0 : i32
        %eq3A_88 = arith.cmpi eq, %jit3A_87, %eq3A : i32
        %jit3A_89 = arith.constant 1 : i32
        %select_n3A_90 = arith.select %eq3A_88, %jit3A_89, %jit3A_87 : i32
        %rem3A_91 = arith.remsi %add3A_62, %select_n3A_90 : i32
        %ne3A_92 = arith.constant 0 : i32
        %ne3A_93 = arith.cmpi ne, %rem3A_91, %ne3A_92 : i32
        %lt3A = arith.constant 0 : i32
        %lt3A_94 = arith.cmpi slt, %rem3A_91, %lt3A : i32
        %lt3A_95 = arith.constant 0 : i32
        %lt3A_96 = arith.cmpi slt, %select_n3A_90, %lt3A_95 : i32
        %ne3A_97 = arith.xori %lt3A_94, %lt3A_96 : i1
        %and3A_98 = arith.andi %ne3A_97, %ne3A_93 : i1
        %add3A_99 = arith.addi %rem3A_91, %select_n3A_90 : i32
        %select_n3A_100 = arith.select %and3A_98, %add3A_99, %rem3A_91 : i32
        %broadcast_in_dim3A = arith.constant 0 : i32
        %broadcast_in_dim3A_101 = vector.broadcast %broadcast_in_dim3A : i32 to vector<16xi32>
        %add3A_102 = vector.broadcast %add3A_62 : i32 to vector<16xi32>
        %add3A_103 = arith.addi %broadcast_in_dim3A_101, %add3A_102 : vector<16xi32>
        %gather3A = tpu.vector_load_idx %run_scoped3A_4[%add3A_103] : memref<832xf32, #tpu.memory_space<vmem>>[vector<16xi32>], vector<16xf32>,
        %dma_wait3A_104 = arith.constant 0 : i32
        %dma_wait3A_105 = tpu.memref_slice %arg3[%mul3A_2, %dma_wait3A_104] : memref<832x100001xf32, #tpu.memory_space<hbm>> -> memref<1x100001xf32, #tpu.memory_space<hbm>>
        %dma_wait3A_106 = tpu.memref_squeeze %dma_wait3A_105 : memref<1x100001xf32, #tpu.memory_space<hbm>> -> memref<100001xf32, #tpu.memory_space<hbm>>
        %dma_wait3A_107 = arith.constant 0 : i32
        %dma_wait3A_108 = tpu.memref_slice %arg3[%mul3A_2, %dma_wait3A_107] : memref<832x100001xf32, #tpu.memory_space<hbm>> -> memref<1x100001xf32, #tpu.memory_space<hbm>>
        %dma_wait3A_109 = tpu.memref_squeeze %dma_wait3A_108 : memref<1x100001xf32, #tpu.memory_space<hbm>> -> memref<100001xf32, #tpu.memory_space<hbm>>
        tpu.wait_dma2 semaphore(%arg8 : memref<!tpu.dma_semaphore, #tpu.memory_space<semaphore_mem>>) src(%dma_wait3A_109 : memref<100001xf32, #tpu.memory_space<hbm>>) dst(%run_scoped3A_3 : memref<100001xf32, #tpu.memory_space<vmem>>)
        %gt3A = arith.constant 0 : i32
        %gt3A_110 = arith.cmpi sgt, %scan3A_61, %gt3A : i32
        %convert_element_type3A = arith.extui %gt3A_110 : i1 to i32
        %cond3A = arith.constant 0 : i32
        %cond3A_111 = arith.cmpi ne, %convert_element_type3A, %cond3A : i32
        scf.if %cond3A_111 {
          %dma_wait3A_217 = arith.constant 0 : i32
          %dma_wait3A_218 = arith.constant 0 : i32
          %dma_wait3A_219 = arith.constant 0 : i32
          %dma_wait3A_220 = arith.constant 0 : i32
          %dma_wait3A_221 = tpu.memref_slice %run_scoped3A_5[%dma_wait3A_217, %dma_wait3A_220] : memref<2x4096xf32, #tpu.memory_space<vmem>> -> memref<1x4096xf32, #tpu.memory_space<vmem>>
          %dma_wait3A_222 = tpu.memref_squeeze %dma_wait3A_221 : memref<1x4096xf32, #tpu.memory_space<vmem>> -> memref<4096xf32, #tpu.memory_space<vmem>>
          %dma_wait3A_223 = arith.constant 0 : i32
          %dma_wait3A_224 = tpu.memref_slice %arg7[%dma_wait3A_218, %dma_wait3A_219, %dma_wait3A_223] : memref<26x32x16384xf32, #tpu.memory_space<hbm>> -> memref<1x1x4096xf32, #tpu.memory_space<hbm>>
          %dma_wait3A_225 = tpu.memref_squeeze %dma_wait3A_224 : memref<1x1x4096xf32, #tpu.memory_space<hbm>> -> memref<4096xf32, #tpu.memory_space<hbm>>
          %dma_wait3A_226 = arith.constant 0 : i32
          %dma_wait3A_227 = tpu.memref_slice %arg7[%dma_wait3A_218, %dma_wait3A_219, %dma_wait3A_226] : memref<26x32x16384xf32, #tpu.memory_space<hbm>> -> memref<1x1x4096xf32, #tpu.memory_space<hbm>>
          %dma_wait3A_228 = tpu.memref_squeeze %dma_wait3A_227 : memref<1x1x4096xf32, #tpu.memory_space<hbm>> -> memref<4096xf32, #tpu.memory_space<hbm>>
          %dma_wait3A_229 = arith.constant 0 : i32
          %dma_wait3A_230 = tpu.memref_slice %run_scoped3A_5[%dma_wait3A_217, %dma_wait3A_229] : memref<2x4096xf32, #tpu.memory_space<vmem>> -> memref<1x4096xf32, #tpu.memory_space<vmem>>
          %dma_wait3A_231 = tpu.memref_squeeze %dma_wait3A_230 : memref<1x4096xf32, #tpu.memory_space<vmem>> -> memref<4096xf32, #tpu.memory_space<vmem>>
          tpu.wait_dma2 semaphore(%arg9 : memref<!tpu.dma_semaphore, #tpu.memory_space<semaphore_mem>>) src(%dma_wait3A_231 : memref<4096xf32, #tpu.memory_space<vmem>>) dst(%dma_wait3A_228 : memref<4096xf32, #tpu.memory_space<hbm>>)
        } else {
        }
        %parallel_loop3A = arith.constant 0 : i32
        %parallel_loop3A_112 = arith.constant 4096 : i32
        %parallel_loop3A_113 = arith.constant 16 : i32
        scf.for %parallel_loop3A_217 = %parallel_loop3A to %parallel_loop3A_112 step %parallel_loop3A_113  : i32 {
          %parallel_loop3A_218 = tpu.assume_multiple %parallel_loop3A_217, 16 : i32
          %parallel_loop3A_219 = arith.constant 0 : i32
          %parallel_loop3A_220 = arith.addi %parallel_loop3A_219, %parallel_loop3A_218 : i32
          %parallel_loop3A_221 = arith.index_cast %parallel_loop3A_220 : i32 to index
          %parallel_loop3A_222 = tpu.vector_load %run_scoped3A[%parallel_loop3A_221] {strides = array<i32>} : memref<16384xi32, #tpu.memory_space<vmem>>, vector<16xi32>,
          %parallel_loop3A_223 = arith.constant 1 : i32
          %parallel_loop3A_224 = vector.broadcast %parallel_loop3A_223 : i32 to vector<16xi32>
          %parallel_loop3A_225 = arith.addi %parallel_loop3A_222, %parallel_loop3A_224 : vector<16xi32>
          %parallel_loop3A_226 = tpu.vector_load_idx %run_scoped3A_3[%parallel_loop3A_225] : memref<100001xf32, #tpu.memory_space<vmem>>[vector<16xi32>], vector<16xf32>,
          %parallel_loop3A_227 = arith.addf %parallel_loop3A_226, %gather3A : vector<16xf32>
          %parallel_loop3A_228 = arith.constant 0 : i32
          %parallel_loop3A_229 = arith.index_cast %parallel_loop3A_228 : i32 to index
          %parallel_loop3A_230 = arith.index_cast %parallel_loop3A_218 : i32 to index
          %parallel_loop3A_231 = tpu.vector_load %run_scoped3A_5[%parallel_loop3A_229, %parallel_loop3A_230] {strides = array<i32>} : memref<2x4096xf32, #tpu.memory_space<vmem>>, vector<16xf32>,
          tpu.vector_store %run_scoped3A_5[%parallel_loop3A_229, %parallel_loop3A_230], %parallel_loop3A_227 {strides = array<i32>} : memref<2x4096xf32, #tpu.memory_space<vmem>>, vector<16xf32>,
        } {sc.loop_unroll_factor = 8 : i64, sc.parallel_access}
        %dma_start3A_114 = arith.constant 0 : i32
        %dma_start3A_115 = arith.constant 0 : i32
        %dma_start3A_116 = tpu.memref_slice %run_scoped3A_5[%dma_start3A_114, %dma_start3A_115] : memref<2x4096xf32, #tpu.memory_space<vmem>> -> memref<1x4096xf32, #tpu.memory_space<vmem>>
        %dma_start3A_117 = tpu.memref_squeeze %dma_start3A_116 : memref<1x4096xf32, #tpu.memory_space<vmem>> -> memref<4096xf32, #tpu.memory_space<vmem>>
        %dma_start3A_118 = arith.constant 0 : i32
        %dma_start3A_119 = tpu.memref_slice %arg7[%select_n3A_86, %select_n3A_100, %dma_start3A_118] : memref<26x32x16384xf32, #tpu.memory_space<hbm>> -> memref<1x1x4096xf32, #tpu.memory_space<hbm>>
        %dma_start3A_120 = tpu.memref_squeeze %dma_start3A_119 : memref<1x1x4096xf32, #tpu.memory_space<hbm>> -> memref<4096xf32, #tpu.memory_space<hbm>>
        %dma_start3A_121 = arith.constant 0 : i32
        %dma_start3A_122 = tpu.memref_slice %arg7[%select_n3A_86, %select_n3A_100, %dma_start3A_121] : memref<26x32x16384xf32, #tpu.memory_space<hbm>> -> memref<1x1x4096xf32, #tpu.memory_space<hbm>>
        %dma_start3A_123 = tpu.memref_squeeze %dma_start3A_122 : memref<1x1x4096xf32, #tpu.memory_space<hbm>> -> memref<4096xf32, #tpu.memory_space<hbm>>
        %dma_start3A_124 = arith.constant 0 : i32
        %dma_start3A_125 = tpu.memref_slice %run_scoped3A_5[%dma_start3A_114, %dma_start3A_124] : memref<2x4096xf32, #tpu.memory_space<vmem>> -> memref<1x4096xf32, #tpu.memory_space<vmem>>
        %dma_start3A_126 = tpu.memref_squeeze %dma_start3A_125 : memref<1x4096xf32, #tpu.memory_space<vmem>> -> memref<4096xf32, #tpu.memory_space<vmem>>
        tpu.enqueue_dma source(%dma_start3A_126 : memref<4096xf32, #tpu.memory_space<vmem>>) target(%dma_start3A_123 : memref<4096xf32, #tpu.memory_space<hbm>>) target_semaphore(%arg9 : memref<!tpu.dma_semaphore, #tpu.memory_space<semaphore_mem>>)
        %gt3A_127 = arith.constant 0 : i32
        %gt3A_128 = arith.cmpi sgt, %scan3A_61, %gt3A_127 : i32
        %convert_element_type3A_129 = arith.extui %gt3A_128 : i1 to i32
        %cond3A_130 = arith.constant 0 : i32
        %cond3A_131 = arith.cmpi ne, %convert_element_type3A_129, %cond3A_130 : i32
        scf.if %cond3A_131 {
          %dma_wait3A_217 = arith.constant 1 : i32
          %dma_wait3A_218 = arith.constant 0 : i32
          %dma_wait3A_219 = arith.constant 0 : i32
          %dma_wait3A_220 = arith.constant 0 : i32
          %dma_wait3A_221 = tpu.memref_slice %run_scoped3A_5[%dma_wait3A_217, %dma_wait3A_220] : memref<2x4096xf32, #tpu.memory_space<vmem>> -> memref<1x4096xf32, #tpu.memory_space<vmem>>
          %dma_wait3A_222 = tpu.memref_squeeze %dma_wait3A_221 : memref<1x4096xf32, #tpu.memory_space<vmem>> -> memref<4096xf32, #tpu.memory_space<vmem>>
          %dma_wait3A_223 = arith.constant 0 : i32
          %dma_wait3A_224 = tpu.memref_slice %arg7[%dma_wait3A_218, %dma_wait3A_219, %dma_wait3A_223] : memref<26x32x16384xf32, #tpu.memory_space<hbm>> -> memref<1x1x4096xf32, #tpu.memory_space<hbm>>
          %dma_wait3A_225 = tpu.memref_squeeze %dma_wait3A_224 : memref<1x1x4096xf32, #tpu.memory_space<hbm>> -> memref<4096xf32, #tpu.memory_space<hbm>>
          %dma_wait3A_226 = arith.constant 0 : i32
          %dma_wait3A_227 = tpu.memref_slice %arg7[%dma_wait3A_218, %dma_wait3A_219, %dma_wait3A_226] : memref<26x32x16384xf32, #tpu.memory_space<hbm>> -> memref<1x1x4096xf32, #tpu.memory_space<hbm>>
          %dma_wait3A_228 = tpu.memref_squeeze %dma_wait3A_227 : memref<1x1x4096xf32, #tpu.memory_space<hbm>> -> memref<4096xf32, #tpu.memory_space<hbm>>
          %dma_wait3A_229 = arith.constant 0 : i32
          %dma_wait3A_230 = tpu.memref_slice %run_scoped3A_5[%dma_wait3A_217, %dma_wait3A_229] : memref<2x4096xf32, #tpu.memory_space<vmem>> -> memref<1x4096xf32, #tpu.memory_space<vmem>>
          %dma_wait3A_231 = tpu.memref_squeeze %dma_wait3A_230 : memref<1x4096xf32, #tpu.memory_space<vmem>> -> memref<4096xf32, #tpu.memory_space<vmem>>
          tpu.wait_dma2 semaphore(%arg10 : memref<!tpu.dma_semaphore, #tpu.memory_space<semaphore_mem>>) src(%dma_wait3A_231 : memref<4096xf32, #tpu.memory_space<vmem>>) dst(%dma_wait3A_228 : memref<4096xf32, #tpu.memory_space<hbm>>)
        } else {
        }
        %parallel_loop3A_132 = arith.constant 0 : i32
        %parallel_loop3A_133 = arith.constant 4096 : i32
        %parallel_loop3A_134 = arith.constant 16 : i32
        scf.for %parallel_loop3A_217 = %parallel_loop3A_132 to %parallel_loop3A_133 step %parallel_loop3A_134  : i32 {
          %parallel_loop3A_218 = tpu.assume_multiple %parallel_loop3A_217, 16 : i32
          %parallel_loop3A_219 = arith.constant 4096 : i32
          %parallel_loop3A_220 = arith.addi %parallel_loop3A_219, %parallel_loop3A_218 : i32
          %parallel_loop3A_221 = arith.index_cast %parallel_loop3A_220 : i32 to index
          %parallel_loop3A_222 = tpu.vector_load %run_scoped3A[%parallel_loop3A_221] {strides = array<i32>} : memref<16384xi32, #tpu.memory_space<vmem>>, vector<16xi32>,
          %parallel_loop3A_223 = arith.constant 1 : i32
          %parallel_loop3A_224 = vector.broadcast %parallel_loop3A_223 : i32 to vector<16xi32>
          %parallel_loop3A_225 = arith.addi %parallel_loop3A_222, %parallel_loop3A_224 : vector<16xi32>
          %parallel_loop3A_226 = tpu.vector_load_idx %run_scoped3A_3[%parallel_loop3A_225] : memref<100001xf32, #tpu.memory_space<vmem>>[vector<16xi32>], vector<16xf32>,
          %parallel_loop3A_227 = arith.addf %parallel_loop3A_226, %gather3A : vector<16xf32>
          %parallel_loop3A_228 = arith.constant 1 : i32
          %parallel_loop3A_229 = arith.index_cast %parallel_loop3A_228 : i32 to index
          %parallel_loop3A_230 = arith.index_cast %parallel_loop3A_218 : i32 to index
          %parallel_loop3A_231 = tpu.vector_load %run_scoped3A_5[%parallel_loop3A_229, %parallel_loop3A_230] {strides = array<i32>} : memref<2x4096xf32, #tpu.memory_space<vmem>>, vector<16xf32>,
          tpu.vector_store %run_scoped3A_5[%parallel_loop3A_229, %parallel_loop3A_230], %parallel_loop3A_227 {strides = array<i32>} : memref<2x4096xf32, #tpu.memory_space<vmem>>, vector<16xf32>,
        } {sc.loop_unroll_factor = 8 : i64, sc.parallel_access}
        %dma_start3A_135 = arith.constant 1 : i32
        %dma_start3A_136 = arith.constant 0 : i32
        %dma_start3A_137 = tpu.memref_slice %run_scoped3A_5[%dma_start3A_135, %dma_start3A_136] : memref<2x4096xf32, #tpu.memory_space<vmem>> -> memref<1x4096xf32, #tpu.memory_space<vmem>>
        %dma_start3A_138 = tpu.memref_squeeze %dma_start3A_137 : memref<1x4096xf32, #tpu.memory_space<vmem>> -> memref<4096xf32, #tpu.memory_space<vmem>>
        %dma_start3A_139 = arith.constant 4096 : i32
        %dma_start3A_140 = tpu.memref_slice %arg7[%select_n3A_86, %select_n3A_100, %dma_start3A_139] : memref<26x32x16384xf32, #tpu.memory_space<hbm>> -> memref<1x1x4096xf32, #tpu.memory_space<hbm>>
        %dma_start3A_141 = tpu.memref_squeeze %dma_start3A_140 : memref<1x1x4096xf32, #tpu.memory_space<hbm>> -> memref<4096xf32, #tpu.memory_space<hbm>>
        %dma_start3A_142 = arith.constant 4096 : i32
        %dma_start3A_143 = tpu.memref_slice %arg7[%select_n3A_86, %select_n3A_100, %dma_start3A_142] : memref<26x32x16384xf32, #tpu.memory_space<hbm>> -> memref<1x1x4096xf32, #tpu.memory_space<hbm>>
        %dma_start3A_144 = tpu.memref_squeeze %dma_start3A_143 : memref<1x1x4096xf32, #tpu.memory_space<hbm>> -> memref<4096xf32, #tpu.memory_space<hbm>>
        %dma_start3A_145 = arith.constant 0 : i32
        %dma_start3A_146 = tpu.memref_slice %run_scoped3A_5[%dma_start3A_135, %dma_start3A_145] : memref<2x4096xf32, #tpu.memory_space<vmem>> -> memref<1x4096xf32, #tpu.memory_space<vmem>>
        %dma_start3A_147 = tpu.memref_squeeze %dma_start3A_146 : memref<1x4096xf32, #tpu.memory_space<vmem>> -> memref<4096xf32, #tpu.memory_space<vmem>>
        tpu.enqueue_dma source(%dma_start3A_147 : memref<4096xf32, #tpu.memory_space<vmem>>) target(%dma_start3A_144 : memref<4096xf32, #tpu.memory_space<hbm>>) target_semaphore(%arg10 : memref<!tpu.dma_semaphore, #tpu.memory_space<semaphore_mem>>)
        %dma_wait3A_148 = arith.constant 0 : i32
        %dma_wait3A_149 = arith.constant 0 : i32
        %dma_wait3A_150 = arith.constant 0 : i32
        %dma_wait3A_151 = arith.constant 0 : i32
        %dma_wait3A_152 = tpu.memref_slice %run_scoped3A_5[%dma_wait3A_148, %dma_wait3A_151] : memref<2x4096xf32, #tpu.memory_space<vmem>> -> memref<1x4096xf32, #tpu.memory_space<vmem>>
        %dma_wait3A_153 = tpu.memref_squeeze %dma_wait3A_152 : memref<1x4096xf32, #tpu.memory_space<vmem>> -> memref<4096xf32, #tpu.memory_space<vmem>>
        %dma_wait3A_154 = arith.constant 0 : i32
        %dma_wait3A_155 = tpu.memref_slice %arg7[%dma_wait3A_149, %dma_wait3A_150, %dma_wait3A_154] : memref<26x32x16384xf32, #tpu.memory_space<hbm>> -> memref<1x1x4096xf32, #tpu.memory_space<hbm>>
        %dma_wait3A_156 = tpu.memref_squeeze %dma_wait3A_155 : memref<1x1x4096xf32, #tpu.memory_space<hbm>> -> memref<4096xf32, #tpu.memory_space<hbm>>
        %dma_wait3A_157 = arith.constant 0 : i32
        %dma_wait3A_158 = tpu.memref_slice %arg7[%dma_wait3A_149, %dma_wait3A_150, %dma_wait3A_157] : memref<26x32x16384xf32, #tpu.memory_space<hbm>> -> memref<1x1x4096xf32, #tpu.memory_space<hbm>>
        %dma_wait3A_159 = tpu.memref_squeeze %dma_wait3A_158 : memref<1x1x4096xf32, #tpu.memory_space<hbm>> -> memref<4096xf32, #tpu.memory_space<hbm>>
        %dma_wait3A_160 = arith.constant 0 : i32
        %dma_wait3A_161 = tpu.memref_slice %run_scoped3A_5[%dma_wait3A_148, %dma_wait3A_160] : memref<2x4096xf32, #tpu.memory_space<vmem>> -> memref<1x4096xf32, #tpu.memory_space<vmem>>
        %dma_wait3A_162 = tpu.memref_squeeze %dma_wait3A_161 : memref<1x4096xf32, #tpu.memory_space<vmem>> -> memref<4096xf32, #tpu.memory_space<vmem>>
        tpu.wait_dma2 semaphore(%arg9 : memref<!tpu.dma_semaphore, #tpu.memory_space<semaphore_mem>>) src(%dma_wait3A_162 : memref<4096xf32, #tpu.memory_space<vmem>>) dst(%dma_wait3A_159 : memref<4096xf32, #tpu.memory_space<hbm>>)
        %parallel_loop3A_163 = arith.constant 0 : i32
        %parallel_loop3A_164 = arith.constant 4096 : i32
        %parallel_loop3A_165 = arith.constant 16 : i32
        scf.for %parallel_loop3A_217 = %parallel_loop3A_163 to %parallel_loop3A_164 step %parallel_loop3A_165  : i32 {
          %parallel_loop3A_218 = tpu.assume_multiple %parallel_loop3A_217, 16 : i32
          %parallel_loop3A_219 = arith.constant 8192 : i32
          %parallel_loop3A_220 = arith.addi %parallel_loop3A_219, %parallel_loop3A_218 : i32
          %parallel_loop3A_221 = arith.index_cast %parallel_loop3A_220 : i32 to index
          %parallel_loop3A_222 = tpu.vector_load %run_scoped3A[%parallel_loop3A_221] {strides = array<i32>} : memref<16384xi32, #tpu.memory_space<vmem>>, vector<16xi32>,
          %parallel_loop3A_223 = arith.constant 1 : i32
          %parallel_loop3A_224 = vector.broadcast %parallel_loop3A_223 : i32 to vector<16xi32>
          %parallel_loop3A_225 = arith.addi %parallel_loop3A_222, %parallel_loop3A_224 : vector<16xi32>
          %parallel_loop3A_226 = tpu.vector_load_idx %run_scoped3A_3[%parallel_loop3A_225] : memref<100001xf32, #tpu.memory_space<vmem>>[vector<16xi32>], vector<16xf32>,
          %parallel_loop3A_227 = arith.addf %parallel_loop3A_226, %gather3A : vector<16xf32>
          %parallel_loop3A_228 = arith.constant 0 : i32
          %parallel_loop3A_229 = arith.index_cast %parallel_loop3A_228 : i32 to index
          %parallel_loop3A_230 = arith.index_cast %parallel_loop3A_218 : i32 to index
          %parallel_loop3A_231 = tpu.vector_load %run_scoped3A_5[%parallel_loop3A_229, %parallel_loop3A_230] {strides = array<i32>} : memref<2x4096xf32, #tpu.memory_space<vmem>>, vector<16xf32>,
          tpu.vector_store %run_scoped3A_5[%parallel_loop3A_229, %parallel_loop3A_230], %parallel_loop3A_227 {strides = array<i32>} : memref<2x4096xf32, #tpu.memory_space<vmem>>, vector<16xf32>,
        } {sc.loop_unroll_factor = 8 : i64, sc.parallel_access}
        %dma_start3A_166 = arith.constant 0 : i32
        %dma_start3A_167 = arith.constant 0 : i32
        %dma_start3A_168 = tpu.memref_slice %run_scoped3A_5[%dma_start3A_166, %dma_start3A_167] : memref<2x4096xf32, #tpu.memory_space<vmem>> -> memref<1x4096xf32, #tpu.memory_space<vmem>>
        %dma_start3A_169 = tpu.memref_squeeze %dma_start3A_168 : memref<1x4096xf32, #tpu.memory_space<vmem>> -> memref<4096xf32, #tpu.memory_space<vmem>>
        %dma_start3A_170 = arith.constant 8192 : i32
        %dma_start3A_171 = tpu.memref_slice %arg7[%select_n3A_86, %select_n3A_100, %dma_start3A_170] : memref<26x32x16384xf32, #tpu.memory_space<hbm>> -> memref<1x1x4096xf32, #tpu.memory_space<hbm>>
        %dma_start3A_172 = tpu.memref_squeeze %dma_start3A_171 : memref<1x1x4096xf32, #tpu.memory_space<hbm>> -> memref<4096xf32, #tpu.memory_space<hbm>>
        %dma_start3A_173 = arith.constant 8192 : i32
        %dma_start3A_174 = tpu.memref_slice %arg7[%select_n3A_86, %select_n3A_100, %dma_start3A_173] : memref<26x32x16384xf32, #tpu.memory_space<hbm>> -> memref<1x1x4096xf32, #tpu.memory_space<hbm>>
        %dma_start3A_175 = tpu.memref_squeeze %dma_start3A_174 : memref<1x1x4096xf32, #tpu.memory_space<hbm>> -> memref<4096xf32, #tpu.memory_space<hbm>>
        %dma_start3A_176 = arith.constant 0 : i32
        %dma_start3A_177 = tpu.memref_slice %run_scoped3A_5[%dma_start3A_166, %dma_start3A_176] : memref<2x4096xf32, #tpu.memory_space<vmem>> -> memref<1x4096xf32, #tpu.memory_space<vmem>>
        %dma_start3A_178 = tpu.memref_squeeze %dma_start3A_177 : memref<1x4096xf32, #tpu.memory_space<vmem>> -> memref<4096xf32, #tpu.memory_space<vmem>>
        tpu.enqueue_dma source(%dma_start3A_178 : memref<4096xf32, #tpu.memory_space<vmem>>) target(%dma_start3A_175 : memref<4096xf32, #tpu.memory_space<hbm>>) target_semaphore(%arg9 : memref<!tpu.dma_semaphore, #tpu.memory_space<semaphore_mem>>)
        %dma_wait3A_179 = arith.constant 1 : i32
        %dma_wait3A_180 = arith.constant 0 : i32
        %dma_wait3A_181 = arith.constant 0 : i32
        %dma_wait3A_182 = arith.constant 0 : i32
        %dma_wait3A_183 = tpu.memref_slice %run_scoped3A_5[%dma_wait3A_179, %dma_wait3A_182] : memref<2x4096xf32, #tpu.memory_space<vmem>> -> memref<1x4096xf32, #tpu.memory_space<vmem>>
        %dma_wait3A_184 = tpu.memref_squeeze %dma_wait3A_183 : memref<1x4096xf32, #tpu.memory_space<vmem>> -> memref<4096xf32, #tpu.memory_space<vmem>>
        %dma_wait3A_185 = arith.constant 0 : i32
        %dma_wait3A_186 = tpu.memref_slice %arg7[%dma_wait3A_180, %dma_wait3A_181, %dma_wait3A_185] : memref<26x32x16384xf32, #tpu.memory_space<hbm>> -> memref<1x1x4096xf32, #tpu.memory_space<hbm>>
        %dma_wait3A_187 = tpu.memref_squeeze %dma_wait3A_186 : memref<1x1x4096xf32, #tpu.memory_space<hbm>> -> memref<4096xf32, #tpu.memory_space<hbm>>
        %dma_wait3A_188 = arith.constant 0 : i32
        %dma_wait3A_189 = tpu.memref_slice %arg7[%dma_wait3A_180, %dma_wait3A_181, %dma_wait3A_188] : memref<26x32x16384xf32, #tpu.memory_space<hbm>> -> memref<1x1x4096xf32, #tpu.memory_space<hbm>>
        %dma_wait3A_190 = tpu.memref_squeeze %dma_wait3A_189 : memref<1x1x4096xf32, #tpu.memory_space<hbm>> -> memref<4096xf32, #tpu.memory_space<hbm>>
        %dma_wait3A_191 = arith.constant 0 : i32
        %dma_wait3A_192 = tpu.memref_slice %run_scoped3A_5[%dma_wait3A_179, %dma_wait3A_191] : memref<2x4096xf32, #tpu.memory_space<vmem>> -> memref<1x4096xf32, #tpu.memory_space<vmem>>
        %dma_wait3A_193 = tpu.memref_squeeze %dma_wait3A_192 : memref<1x4096xf32, #tpu.memory_space<vmem>> -> memref<4096xf32, #tpu.memory_space<vmem>>
        tpu.wait_dma2 semaphore(%arg10 : memref<!tpu.dma_semaphore, #tpu.memory_space<semaphore_mem>>) src(%dma_wait3A_193 : memref<4096xf32, #tpu.memory_space<vmem>>) dst(%dma_wait3A_190 : memref<4096xf32, #tpu.memory_space<hbm>>)
        %parallel_loop3A_194 = arith.constant 0 : i32
        %parallel_loop3A_195 = arith.constant 4096 : i32
        %parallel_loop3A_196 = arith.constant 16 : i32
        scf.for %parallel_loop3A_217 = %parallel_loop3A_194 to %parallel_loop3A_195 step %parallel_loop3A_196  : i32 {
          %parallel_loop3A_218 = tpu.assume_multiple %parallel_loop3A_217, 16 : i32
          %parallel_loop3A_219 = arith.constant 12288 : i32
          %parallel_loop3A_220 = arith.addi %parallel_loop3A_219, %parallel_loop3A_218 : i32
          %parallel_loop3A_221 = arith.index_cast %parallel_loop3A_220 : i32 to index
          %parallel_loop3A_222 = tpu.vector_load %run_scoped3A[%parallel_loop3A_221] {strides = array<i32>} : memref<16384xi32, #tpu.memory_space<vmem>>, vector<16xi32>,
          %parallel_loop3A_223 = arith.constant 1 : i32
          %parallel_loop3A_224 = vector.broadcast %parallel_loop3A_223 : i32 to vector<16xi32>
          %parallel_loop3A_225 = arith.addi %parallel_loop3A_222, %parallel_loop3A_224 : vector<16xi32>
          %parallel_loop3A_226 = tpu.vector_load_idx %run_scoped3A_3[%parallel_loop3A_225] : memref<100001xf32, #tpu.memory_space<vmem>>[vector<16xi32>], vector<16xf32>,
          %parallel_loop3A_227 = arith.addf %parallel_loop3A_226, %gather3A : vector<16xf32>
          %parallel_loop3A_228 = arith.constant 1 : i32
          %parallel_loop3A_229 = arith.index_cast %parallel_loop3A_228 : i32 to index
          %parallel_loop3A_230 = arith.index_cast %parallel_loop3A_218 : i32 to index
          %parallel_loop3A_231 = tpu.vector_load %run_scoped3A_5[%parallel_loop3A_229, %parallel_loop3A_230] {strides = array<i32>} : memref<2x4096xf32, #tpu.memory_space<vmem>>, vector<16xf32>,
          tpu.vector_store %run_scoped3A_5[%parallel_loop3A_229, %parallel_loop3A_230], %parallel_loop3A_227 {strides = array<i32>} : memref<2x4096xf32, #tpu.memory_space<vmem>>, vector<16xf32>,
        } {sc.loop_unroll_factor = 8 : i64, sc.parallel_access}
        %dma_start3A_197 = arith.constant 1 : i32
        %dma_start3A_198 = arith.constant 0 : i32
        %dma_start3A_199 = tpu.memref_slice %run_scoped3A_5[%dma_start3A_197, %dma_start3A_198] : memref<2x4096xf32, #tpu.memory_space<vmem>> -> memref<1x4096xf32, #tpu.memory_space<vmem>>
        %dma_start3A_200 = tpu.memref_squeeze %dma_start3A_199 : memref<1x4096xf32, #tpu.memory_space<vmem>> -> memref<4096xf32, #tpu.memory_space<vmem>>
        %dma_start3A_201 = arith.constant 12288 : i32
        %dma_start3A_202 = tpu.memref_slice %arg7[%select_n3A_86, %select_n3A_100, %dma_start3A_201] : memref<26x32x16384xf32, #tpu.memory_space<hbm>> -> memref<1x1x4096xf32, #tpu.memory_space<hbm>>
        %dma_start3A_203 = tpu.memref_squeeze %dma_start3A_202 : memref<1x1x4096xf32, #tpu.memory_space<hbm>> -> memref<4096xf32, #tpu.memory_space<hbm>>
        %dma_start3A_204 = arith.constant 12288 : i32
        %dma_start3A_205 = tpu.memref_slice %arg7[%select_n3A_86, %select_n3A_100, %dma_start3A_204] : memref<26x32x16384xf32, #tpu.memory_space<hbm>> -> memref<1x1x4096xf32, #tpu.memory_space<hbm>>
        %dma_start3A_206 = tpu.memref_squeeze %dma_start3A_205 : memref<1x1x4096xf32, #tpu.memory_space<hbm>> -> memref<4096xf32, #tpu.memory_space<hbm>>
        %dma_start3A_207 = arith.constant 0 : i32
        %dma_start3A_208 = tpu.memref_slice %run_scoped3A_5[%dma_start3A_197, %dma_start3A_207] : memref<2x4096xf32, #tpu.memory_space<vmem>> -> memref<1x4096xf32, #tpu.memory_space<vmem>>
        %dma_start3A_209 = tpu.memref_squeeze %dma_start3A_208 : memref<1x4096xf32, #tpu.memory_space<vmem>> -> memref<4096xf32, #tpu.memory_space<vmem>>
        tpu.enqueue_dma source(%dma_start3A_209 : memref<4096xf32, #tpu.memory_space<vmem>>) target(%dma_start3A_206 : memref<4096xf32, #tpu.memory_space<hbm>>) target_semaphore(%arg10 : memref<!tpu.dma_semaphore, #tpu.memory_space<semaphore_mem>>)
        %add3A_210 = arith.constant 1 : i32
        %add3A_211 = arith.addi %scan3A_61, %add3A_210 : i32
        %lt3A_212 = arith.constant 26 : i32
        %lt3A_213 = arith.cmpi slt, %add3A_211, %lt3A_212 : i32
        %convert_element_type3A_214 = arith.extui %lt3A_213 : i1 to i32
        %cond3A_215 = arith.constant 0 : i32
        %cond3A_216 = arith.cmpi ne, %convert_element_type3A_214, %cond3A_215 : i32
        scf.if %cond3A_216 {
          %add3A_217 = arith.constant 1 : i32
          %add3A_218 = arith.addi %add3A_62, %add3A_217 : i32
          %dma_start3A_219 = arith.constant 0 : i32
          %dma_start3A_220 = tpu.memref_slice %arg3[%add3A_218, %dma_start3A_219] : memref<832x100001xf32, #tpu.memory_space<hbm>> -> memref<1x100001xf32, #tpu.memory_space<hbm>>
          %dma_start3A_221 = tpu.memref_squeeze %dma_start3A_220 : memref<1x100001xf32, #tpu.memory_space<hbm>> -> memref<100001xf32, #tpu.memory_space<hbm>>
          %dma_start3A_222 = arith.constant 0 : i32
          %dma_start3A_223 = tpu.memref_slice %arg3[%add3A_218, %dma_start3A_222] : memref<832x100001xf32, #tpu.memory_space<hbm>> -> memref<1x100001xf32, #tpu.memory_space<hbm>>
          %dma_start3A_224 = tpu.memref_squeeze %dma_start3A_223 : memref<1x100001xf32, #tpu.memory_space<hbm>> -> memref<100001xf32, #tpu.memory_space<hbm>>
          tpu.enqueue_dma source(%dma_start3A_224 : memref<100001xf32, #tpu.memory_space<hbm>>) target(%run_scoped3A_3 : memref<100001xf32, #tpu.memory_space<vmem>>) target_semaphore(%arg8 : memref<!tpu.dma_semaphore, #tpu.memory_space<semaphore_mem>>)
          %jit3A_225 = arith.constant 32 : i32
          %div3A_226 = arith.divsi %add3A_218, %jit3A_225 : i32
          %sign3A_227 = arith.constant 0 : i32
          %sign3A_228 = arith.cmpi sgt, %add3A_218, %sign3A_227 : i32
          %sign3A_229 = arith.extui %sign3A_228 : i1 to i32
          %sign3A_230 = arith.constant 0 : i32
          %sign3A_231 = arith.cmpi slt, %add3A_218, %sign3A_230 : i32
          %sign3A_232 = arith.extui %sign3A_231 : i1 to i32
          %sign3A_233 = arith.subi %sign3A_229, %sign3A_232 : i32
          %sign3A_234 = arith.constant 0 : i32
          %sign3A_235 = arith.cmpi sgt, %jit3A_225, %sign3A_234 : i32
          %sign3A_236 = arith.extui %sign3A_235 : i1 to i32
          %sign3A_237 = arith.constant 0 : i32
          %sign3A_238 = arith.cmpi slt, %jit3A_225, %sign3A_237 : i32
          %sign3A_239 = arith.extui %sign3A_238 : i1 to i32
          %sign3A_240 = arith.subi %sign3A_236, %sign3A_239 : i32
          %ne3A_241 = arith.cmpi ne, %sign3A_233, %sign3A_240 : i32
          %rem3A_242 = arith.remsi %add3A_218, %jit3A_225 : i32
          %ne3A_243 = arith.constant 0 : i32
          %ne3A_244 = arith.cmpi ne, %rem3A_242, %ne3A_243 : i32
          %and3A_245 = arith.andi %ne3A_241, %ne3A_244 : i1
          %sub3A_246 = arith.constant 1 : i32
          %sub3A_247 = arith.subi %div3A_226, %sub3A_246 : i32
          %select_n3A_248 = arith.select %and3A_245, %sub3A_247, %div3A_226 : i32
          %ne3A_249 = arith.cmpi ne, %select_n3A_248, %select_n3A_86 : i32
          %convert_element_type3A_250 = arith.extui %ne3A_249 : i1 to i32
          %cond3A_251 = arith.constant 0 : i32
          %cond3A_252 = arith.cmpi ne, %convert_element_type3A_250, %cond3A_251 : i32
          scf.if %cond3A_252 {
            %jit3A_253 = arith.constant 32 : i32
            %div3A_254 = arith.divsi %add3A_218, %jit3A_253 : i32
            %sign3A_255 = arith.constant 0 : i32
            %sign3A_256 = arith.cmpi sgt, %add3A_218, %sign3A_255 : i32
            %sign3A_257 = arith.extui %sign3A_256 : i1 to i32
            %sign3A_258 = arith.constant 0 : i32
            %sign3A_259 = arith.cmpi slt, %add3A_218, %sign3A_258 : i32
            %sign3A_260 = arith.extui %sign3A_259 : i1 to i32
            %sign3A_261 = arith.subi %sign3A_257, %sign3A_260 : i32
            %sign3A_262 = arith.constant 0 : i32
            %sign3A_263 = arith.cmpi sgt, %jit3A_253, %sign3A_262 : i32
            %sign3A_264 = arith.extui %sign3A_263 : i1 to i32
            %sign3A_265 = arith.constant 0 : i32
            %sign3A_266 = arith.cmpi slt, %jit3A_253, %sign3A_265 : i32
            %sign3A_267 = arith.extui %sign3A_266 : i1 to i32
            %sign3A_268 = arith.subi %sign3A_264, %sign3A_267 : i32
            %ne3A_269 = arith.cmpi ne, %sign3A_261, %sign3A_268 : i32
            %rem3A_270 = arith.remsi %add3A_218, %jit3A_253 : i32
            %ne3A_271 = arith.constant 0 : i32
            %ne3A_272 = arith.cmpi ne, %rem3A_270, %ne3A_271 : i32
            %and3A_273 = arith.andi %ne3A_269, %ne3A_272 : i1
            %sub3A_274 = arith.constant 1 : i32
            %sub3A_275 = arith.subi %div3A_254, %sub3A_274 : i32
            %select_n3A_276 = arith.select %and3A_273, %sub3A_275, %div3A_254 : i32
            "tpu.region"() ({
              %run_scoped3A_277 = tpu.sem_alloc : memref<!tpu.dma_semaphore, #tpu.memory_space<semaphore_mem>>
              %dma_start3A_278 = arith.constant 0 : i32
              %dma_start3A_279 = tpu.memref_slice %arg2[%select_n3A_276, %dma_start3A_278] : memref<26x16384xi32, #tpu.memory_space<hbm>> -> memref<1x16384xi32, #tpu.memory_space<hbm>>
              %dma_start3A_280 = tpu.memref_squeeze %dma_start3A_279 : memref<1x16384xi32, #tpu.memory_space<hbm>> -> memref<16384xi32, #tpu.memory_space<hbm>>
              %dma_start3A_281 = arith.constant 0 : i32
              %dma_start3A_282 = tpu.memref_slice %arg2[%select_n3A_276, %dma_start3A_281] : memref<26x16384xi32, #tpu.memory_space<hbm>> -> memref<1x16384xi32, #tpu.memory_space<hbm>>
              %dma_start3A_283 = tpu.memref_squeeze %dma_start3A_282 : memref<1x16384xi32, #tpu.memory_space<hbm>> -> memref<16384xi32, #tpu.memory_space<hbm>>
              tpu.enqueue_dma source(%dma_start3A_283 : memref<16384xi32, #tpu.memory_space<hbm>>) target(%run_scoped3A : memref<16384xi32, #tpu.memory_space<vmem>>) target_semaphore(%run_scoped3A_277 : memref<!tpu.dma_semaphore, #tpu.memory_space<semaphore_mem>>)
              %dma_wait3A_284 = arith.constant 0 : i32
              %dma_wait3A_285 = tpu.memref_slice %arg2[%select_n3A_276, %dma_wait3A_284] : memref<26x16384xi32, #tpu.memory_space<hbm>> -> memref<1x16384xi32, #tpu.memory_space<hbm>>
              %dma_wait3A_286 = tpu.memref_squeeze %dma_wait3A_285 : memref<1x16384xi32, #tpu.memory_space<hbm>> -> memref<16384xi32, #tpu.memory_space<hbm>>
              %dma_wait3A_287 = arith.constant 0 : i32
              %dma_wait3A_288 = tpu.memref_slice %arg2[%select_n3A_276, %dma_wait3A_287] : memref<26x16384xi32, #tpu.memory_space<hbm>> -> memref<1x16384xi32, #tpu.memory_space<hbm>>
              %dma_wait3A_289 = tpu.memref_squeeze %dma_wait3A_288 : memref<1x16384xi32, #tpu.memory_space<hbm>> -> memref<16384xi32, #tpu.memory_space<hbm>>
              tpu.wait_dma2 semaphore(%run_scoped3A_277 : memref<!tpu.dma_semaphore, #tpu.memory_space<semaphore_mem>>) src(%dma_wait3A_289 : memref<16384xi32, #tpu.memory_space<hbm>>) dst(%run_scoped3A : memref<16384xi32, #tpu.memory_space<vmem>>)
              tpu.yield
            }) : () -> ()
          } else {
          }
        } else {
        }
      }
      %scan3A_31 = arith.constant 26 : i32
      %dma_wait3A = arith.constant 0 : i32
      %dma_wait3A_32 = arith.constant 0 : i32
      %dma_wait3A_33 = arith.constant 0 : i32
      %dma_wait3A_34 = arith.constant 0 : i32
      %dma_wait3A_35 = tpu.memref_slice %run_scoped3A_5[%dma_wait3A, %dma_wait3A_34] : memref<2x4096xf32, #tpu.memory_space<vmem>> -> memref<1x4096xf32, #tpu.memory_space<vmem>>
      %dma_wait3A_36 = tpu.memref_squeeze %dma_wait3A_35 : memref<1x4096xf32, #tpu.memory_space<vmem>> -> memref<4096xf32, #tpu.memory_space<vmem>>
      %dma_wait3A_37 = arith.constant 0 : i32
      %dma_wait3A_38 = tpu.memref_slice %arg7[%dma_wait3A_32, %dma_wait3A_33, %dma_wait3A_37] : memref<26x32x16384xf32, #tpu.memory_space<hbm>> -> memref<1x1x4096xf32, #tpu.memory_space<hbm>>
      %dma_wait3A_39 = tpu.memref_squeeze %dma_wait3A_38 : memref<1x1x4096xf32, #tpu.memory_space<hbm>> -> memref<4096xf32, #tpu.memory_space<hbm>>
      %dma_wait3A_40 = arith.constant 0 : i32
      %dma_wait3A_41 = tpu.memref_slice %arg7[%dma_wait3A_32, %dma_wait3A_33, %dma_wait3A_40] : memref<26x32x16384xf32, #tpu.memory_space<hbm>> -> memref<1x1x4096xf32, #tpu.memory_space<hbm>>
      %dma_wait3A_42 = tpu.memref_squeeze %dma_wait3A_41 : memref<1x1x4096xf32, #tpu.memory_space<hbm>> -> memref<4096xf32, #tpu.memory_space<hbm>>
      %dma_wait3A_43 = arith.constant 0 : i32
      %dma_wait3A_44 = tpu.memref_slice %run_scoped3A_5[%dma_wait3A, %dma_wait3A_43] : memref<2x4096xf32, #tpu.memory_space<vmem>> -> memref<1x4096xf32, #tpu.memory_space<vmem>>
      %dma_wait3A_45 = tpu.memref_squeeze %dma_wait3A_44 : memref<1x4096xf32, #tpu.memory_space<vmem>> -> memref<4096xf32, #tpu.memory_space<vmem>>
      tpu.wait_dma2 semaphore(%arg9 : memref<!tpu.dma_semaphore, #tpu.memory_space<semaphore_mem>>) src(%dma_wait3A_45 : memref<4096xf32, #tpu.memory_space<vmem>>) dst(%dma_wait3A_42 : memref<4096xf32, #tpu.memory_space<hbm>>)
      %dma_wait3A_46 = arith.constant 1 : i32
      %dma_wait3A_47 = arith.constant 0 : i32
      %dma_wait3A_48 = arith.constant 0 : i32
      %dma_wait3A_49 = arith.constant 0 : i32
      %dma_wait3A_50 = tpu.memref_slice %run_scoped3A_5[%dma_wait3A_46, %dma_wait3A_49] : memref<2x4096xf32, #tpu.memory_space<vmem>> -> memref<1x4096xf32, #tpu.memory_space<vmem>>
      %dma_wait3A_51 = tpu.memref_squeeze %dma_wait3A_50 : memref<1x4096xf32, #tpu.memory_space<vmem>> -> memref<4096xf32, #tpu.memory_space<vmem>>
      %dma_wait3A_52 = arith.constant 0 : i32
      %dma_wait3A_53 = tpu.memref_slice %arg7[%dma_wait3A_47, %dma_wait3A_48, %dma_wait3A_52] : memref<26x32x16384xf32, #tpu.memory_space<hbm>> -> memref<1x1x4096xf32, #tpu.memory_space<hbm>>
      %dma_wait3A_54 = tpu.memref_squeeze %dma_wait3A_53 : memref<1x1x4096xf32, #tpu.memory_space<hbm>> -> memref<4096xf32, #tpu.memory_space<hbm>>
      %dma_wait3A_55 = arith.constant 0 : i32
      %dma_wait3A_56 = tpu.memref_slice %arg7[%dma_wait3A_47, %dma_wait3A_48, %dma_wait3A_55] : memref<26x32x16384xf32, #tpu.memory_space<hbm>> -> memref<1x1x4096xf32, #tpu.memory_space<hbm>>
      %dma_wait3A_57 = tpu.memref_squeeze %dma_wait3A_56 : memref<1x1x4096xf32, #tpu.memory_space<hbm>> -> memref<4096xf32, #tpu.memory_space<hbm>>
      %dma_wait3A_58 = arith.constant 0 : i32
      %dma_wait3A_59 = tpu.memref_slice %run_scoped3A_5[%dma_wait3A_46, %dma_wait3A_58] : memref<2x4096xf32, #tpu.memory_space<vmem>> -> memref<1x4096xf32, #tpu.memory_space<vmem>>
      %dma_wait3A_60 = tpu.memref_squeeze %dma_wait3A_59 : memref<1x4096xf32, #tpu.memory_space<vmem>> -> memref<4096xf32, #tpu.memory_space<vmem>>
      tpu.wait_dma2 semaphore(%arg10 : memref<!tpu.dma_semaphore, #tpu.memory_space<semaphore_mem>>) src(%dma_wait3A_60 : memref<4096xf32, #tpu.memory_space<vmem>>) dst(%dma_wait3A_57 : memref<4096xf32, #tpu.memory_space<hbm>>)
      tpu.yield
    }) : () -> ()
    %barrier3A = arith.constant 0 : index
    tpu.barrier barrier_id(%barrier3A)
    "tpu.region"() ({
      %run_scoped3A = memref.alloca() : memref<2x32x512xf32, #tpu.memory_space<vmem>>
      %run_scoped3A_3 = memref.alloca() : memref<2x32x512xf32, #tpu.memory_space<vmem>>
      %run_scoped3A_4 = memref.alloca() : memref<32xf32, #tpu.memory_space<vmem>>
      %run_scoped3A_5 = memref.alloca() : memref<32xf32, #tpu.memory_space<vmem>>
      "tpu.region"() ({
        %run_scoped3A_365 = tpu.sem_alloc : memref<!tpu.dma_semaphore, #tpu.memory_space<semaphore_mem>>
        tpu.enqueue_dma source(%arg5 : memref<32xf32, #tpu.memory_space<hbm>>) target(%run_scoped3A_4 : memref<32xf32, #tpu.memory_space<vmem>>) target_semaphore(%run_scoped3A_365 : memref<!tpu.dma_semaphore, #tpu.memory_space<semaphore_mem>>)
        tpu.wait_dma2 semaphore(%run_scoped3A_365 : memref<!tpu.dma_semaphore, #tpu.memory_space<semaphore_mem>>) src(%arg5 : memref<32xf32, #tpu.memory_space<hbm>>) dst(%run_scoped3A_4 : memref<32xf32, #tpu.memory_space<vmem>>)
        tpu.yield
      }) : () -> ()
      "tpu.region"() ({
        %run_scoped3A_365 = tpu.sem_alloc : memref<!tpu.dma_semaphore, #tpu.memory_space<semaphore_mem>>
        tpu.enqueue_dma source(%arg6 : memref<32xf32, #tpu.memory_space<hbm>>) target(%run_scoped3A_5 : memref<32xf32, #tpu.memory_space<vmem>>) target_semaphore(%run_scoped3A_365 : memref<!tpu.dma_semaphore, #tpu.memory_space<semaphore_mem>>)
        tpu.wait_dma2 semaphore(%run_scoped3A_365 : memref<!tpu.dma_semaphore, #tpu.memory_space<semaphore_mem>>) src(%arg6 : memref<32xf32, #tpu.memory_space<hbm>>) dst(%run_scoped3A_5 : memref<32xf32, #tpu.memory_space<vmem>>)
        tpu.yield
      }) : () -> ()
      %get3A = arith.constant 0 : index
      %get3A_6 = tpu.vector_load %run_scoped3A_4[%get3A] {strides = array<i32>} : memref<32xf32, #tpu.memory_space<vmem>>, vector<16xf32>,
      %get3A_7 = arith.constant 16 : index
      %get3A_8 = tpu.vector_load %run_scoped3A_4[%get3A_7] {strides = array<i32>} : memref<32xf32, #tpu.memory_space<vmem>>, vector<16xf32>,
      %get3A_9 = arith.constant 0 : index
      %get3A_10 = tpu.vector_load %run_scoped3A_5[%get3A_9] {strides = array<i32>} : memref<32xf32, #tpu.memory_space<vmem>>, vector<16xf32>,
      %get3A_11 = arith.constant 16 : index
      %get3A_12 = tpu.vector_load %run_scoped3A_5[%get3A_11] {strides = array<i32>} : memref<32xf32, #tpu.memory_space<vmem>>, vector<16xf32>,
      %slice3A = vector.extract_strided_slice %get3A_6 {offsets = [0], sizes = [1], strides = [1]} : vector<16xf32> to vector<1xf32>
      %squeeze3A = vector.extract %slice3A[0] : f32 from vector<1xf32>
      %slice3A_13 = vector.extract_strided_slice %get3A_6 {offsets = [1], sizes = [1], strides = [1]} : vector<16xf32> to vector<1xf32>
      %squeeze3A_14 = vector.extract %slice3A_13[0] : f32 from vector<1xf32>
      %slice3A_15 = vector.extract_strided_slice %get3A_6 {offsets = [2], sizes = [1], strides = [1]} : vector<16xf32> to vector<1xf32>
      %squeeze3A_16 = vector.extract %slice3A_15[0] : f32 from vector<1xf32>
      %slice3A_17 = vector.extract_strided_slice %get3A_6 {offsets = [3], sizes = [1], strides = [1]} : vector<16xf32> to vector<1xf32>
      %squeeze3A_18 = vector.extract %slice3A_17[0] : f32 from vector<1xf32>
      %slice3A_19 = vector.extract_strided_slice %get3A_6 {offsets = [4], sizes = [1], strides = [1]} : vector<16xf32> to vector<1xf32>
      %squeeze3A_20 = vector.extract %slice3A_19[0] : f32 from vector<1xf32>
      %slice3A_21 = vector.extract_strided_slice %get3A_6 {offsets = [5], sizes = [1], strides = [1]} : vector<16xf32> to vector<1xf32>
      %squeeze3A_22 = vector.extract %slice3A_21[0] : f32 from vector<1xf32>
      %slice3A_23 = vector.extract_strided_slice %get3A_6 {offsets = [6], sizes = [1], strides = [1]} : vector<16xf32> to vector<1xf32>
      %squeeze3A_24 = vector.extract %slice3A_23[0] : f32 from vector<1xf32>
      %slice3A_25 = vector.extract_strided_slice %get3A_6 {offsets = [7], sizes = [1], strides = [1]} : vector<16xf32> to vector<1xf32>
      %squeeze3A_26 = vector.extract %slice3A_25[0] : f32 from vector<1xf32>
      %slice3A_27 = vector.extract_strided_slice %get3A_6 {offsets = [8], sizes = [1], strides = [1]} : vector<16xf32> to vector<1xf32>
      %squeeze3A_28 = vector.extract %slice3A_27[0] : f32 from vector<1xf32>
      %slice3A_29 = vector.extract_strided_slice %get3A_6 {offsets = [9], sizes = [1], strides = [1]} : vector<16xf32> to vector<1xf32>
      %squeeze3A_30 = vector.extract %slice3A_29[0] : f32 from vector<1xf32>
      %slice3A_31 = vector.extract_strided_slice %get3A_6 {offsets = [10], sizes = [1], strides = [1]} : vector<16xf32> to vector<1xf32>
      %squeeze3A_32 = vector.extract %slice3A_31[0] : f32 from vector<1xf32>
      %slice3A_33 = vector.extract_strided_slice %get3A_6 {offsets = [11], sizes = [1], strides = [1]} : vector<16xf32> to vector<1xf32>
      %squeeze3A_34 = vector.extract %slice3A_33[0] : f32 from vector<1xf32>
      %slice3A_35 = vector.extract_strided_slice %get3A_6 {offsets = [12], sizes = [1], strides = [1]} : vector<16xf32> to vector<1xf32>
      %squeeze3A_36 = vector.extract %slice3A_35[0] : f32 from vector<1xf32>
      %slice3A_37 = vector.extract_strided_slice %get3A_6 {offsets = [13], sizes = [1], strides = [1]} : vector<16xf32> to vector<1xf32>
      %squeeze3A_38 = vector.extract %slice3A_37[0] : f32 from vector<1xf32>
      %slice3A_39 = vector.extract_strided_slice %get3A_6 {offsets = [14], sizes = [1], strides = [1]} : vector<16xf32> to vector<1xf32>
      %squeeze3A_40 = vector.extract %slice3A_39[0] : f32 from vector<1xf32>
      %slice3A_41 = vector.extract_strided_slice %get3A_6 {offsets = [15], sizes = [1], strides = [1]} : vector<16xf32> to vector<1xf32>
      %squeeze3A_42 = vector.extract %slice3A_41[0] : f32 from vector<1xf32>
      %slice3A_43 = vector.extract_strided_slice %get3A_8 {offsets = [0], sizes = [1], strides = [1]} : vector<16xf32> to vector<1xf32>
      %squeeze3A_44 = vector.extract %slice3A_43[0] : f32 from vector<1xf32>
      %slice3A_45 = vector.extract_strided_slice %get3A_8 {offsets = [1], sizes = [1], strides = [1]} : vector<16xf32> to vector<1xf32>
      %squeeze3A_46 = vector.extract %slice3A_45[0] : f32 from vector<1xf32>
      %slice3A_47 = vector.extract_strided_slice %get3A_8 {offsets = [2], sizes = [1], strides = [1]} : vector<16xf32> to vector<1xf32>
      %squeeze3A_48 = vector.extract %slice3A_47[0] : f32 from vector<1xf32>
      %slice3A_49 = vector.extract_strided_slice %get3A_8 {offsets = [3], sizes = [1], strides = [1]} : vector<16xf32> to vector<1xf32>
      %squeeze3A_50 = vector.extract %slice3A_49[0] : f32 from vector<1xf32>
      %slice3A_51 = vector.extract_strided_slice %get3A_8 {offsets = [4], sizes = [1], strides = [1]} : vector<16xf32> to vector<1xf32>
      %squeeze3A_52 = vector.extract %slice3A_51[0] : f32 from vector<1xf32>
      %slice3A_53 = vector.extract_strided_slice %get3A_8 {offsets = [5], sizes = [1], strides = [1]} : vector<16xf32> to vector<1xf32>
      %squeeze3A_54 = vector.extract %slice3A_53[0] : f32 from vector<1xf32>
      %slice3A_55 = vector.extract_strided_slice %get3A_8 {offsets = [6], sizes = [1], strides = [1]} : vector<16xf32> to vector<1xf32>
      %squeeze3A_56 = vector.extract %slice3A_55[0] : f32 from vector<1xf32>
      %slice3A_57 = vector.extract_strided_slice %get3A_8 {offsets = [7], sizes = [1], strides = [1]} : vector<16xf32> to vector<1xf32>
      %squeeze3A_58 = vector.extract %slice3A_57[0] : f32 from vector<1xf32>
      %slice3A_59 = vector.extract_strided_slice %get3A_8 {offsets = [8], sizes = [1], strides = [1]} : vector<16xf32> to vector<1xf32>
      %squeeze3A_60 = vector.extract %slice3A_59[0] : f32 from vector<1xf32>
      %slice3A_61 = vector.extract_strided_slice %get3A_8 {offsets = [9], sizes = [1], strides = [1]} : vector<16xf32> to vector<1xf32>
      %squeeze3A_62 = vector.extract %slice3A_61[0] : f32 from vector<1xf32>
      %slice3A_63 = vector.extract_strided_slice %get3A_8 {offsets = [10], sizes = [1], strides = [1]} : vector<16xf32> to vector<1xf32>
      %squeeze3A_64 = vector.extract %slice3A_63[0] : f32 from vector<1xf32>
      %slice3A_65 = vector.extract_strided_slice %get3A_8 {offsets = [11], sizes = [1], strides = [1]} : vector<16xf32> to vector<1xf32>
      %squeeze3A_66 = vector.extract %slice3A_65[0] : f32 from vector<1xf32>
      %slice3A_67 = vector.extract_strided_slice %get3A_8 {offsets = [12], sizes = [1], strides = [1]} : vector<16xf32> to vector<1xf32>
      %squeeze3A_68 = vector.extract %slice3A_67[0] : f32 from vector<1xf32>
      %slice3A_69 = vector.extract_strided_slice %get3A_8 {offsets = [13], sizes = [1], strides = [1]} : vector<16xf32> to vector<1xf32>
      %squeeze3A_70 = vector.extract %slice3A_69[0] : f32 from vector<1xf32>
      %slice3A_71 = vector.extract_strided_slice %get3A_8 {offsets = [14], sizes = [1], strides = [1]} : vector<16xf32> to vector<1xf32>
      %squeeze3A_72 = vector.extract %slice3A_71[0] : f32 from vector<1xf32>
      %slice3A_73 = vector.extract_strided_slice %get3A_8 {offsets = [15], sizes = [1], strides = [1]} : vector<16xf32> to vector<1xf32>
      %squeeze3A_74 = vector.extract %slice3A_73[0] : f32 from vector<1xf32>
      %slice3A_75 = vector.extract_strided_slice %get3A_10 {offsets = [0], sizes = [1], strides = [1]} : vector<16xf32> to vector<1xf32>
      %squeeze3A_76 = vector.extract %slice3A_75[0] : f32 from vector<1xf32>
      %slice3A_77 = vector.extract_strided_slice %get3A_10 {offsets = [1], sizes = [1], strides = [1]} : vector<16xf32> to vector<1xf32>
      %squeeze3A_78 = vector.extract %slice3A_77[0] : f32 from vector<1xf32>
      %slice3A_79 = vector.extract_strided_slice %get3A_10 {offsets = [2], sizes = [1], strides = [1]} : vector<16xf32> to vector<1xf32>
      %squeeze3A_80 = vector.extract %slice3A_79[0] : f32 from vector<1xf32>
      %slice3A_81 = vector.extract_strided_slice %get3A_10 {offsets = [3], sizes = [1], strides = [1]} : vector<16xf32> to vector<1xf32>
      %squeeze3A_82 = vector.extract %slice3A_81[0] : f32 from vector<1xf32>
      %slice3A_83 = vector.extract_strided_slice %get3A_10 {offsets = [4], sizes = [1], strides = [1]} : vector<16xf32> to vector<1xf32>
      %squeeze3A_84 = vector.extract %slice3A_83[0] : f32 from vector<1xf32>
      %slice3A_85 = vector.extract_strided_slice %get3A_10 {offsets = [5], sizes = [1], strides = [1]} : vector<16xf32> to vector<1xf32>
      %squeeze3A_86 = vector.extract %slice3A_85[0] : f32 from vector<1xf32>
      %slice3A_87 = vector.extract_strided_slice %get3A_10 {offsets = [6], sizes = [1], strides = [1]} : vector<16xf32> to vector<1xf32>
      %squeeze3A_88 = vector.extract %slice3A_87[0] : f32 from vector<1xf32>
      %slice3A_89 = vector.extract_strided_slice %get3A_10 {offsets = [7], sizes = [1], strides = [1]} : vector<16xf32> to vector<1xf32>
      %squeeze3A_90 = vector.extract %slice3A_89[0] : f32 from vector<1xf32>
      %slice3A_91 = vector.extract_strided_slice %get3A_10 {offsets = [8], sizes = [1], strides = [1]} : vector<16xf32> to vector<1xf32>
      %squeeze3A_92 = vector.extract %slice3A_91[0] : f32 from vector<1xf32>
      %slice3A_93 = vector.extract_strided_slice %get3A_10 {offsets = [9], sizes = [1], strides = [1]} : vector<16xf32> to vector<1xf32>
      %squeeze3A_94 = vector.extract %slice3A_93[0] : f32 from vector<1xf32>
      %slice3A_95 = vector.extract_strided_slice %get3A_10 {offsets = [10], sizes = [1], strides = [1]} : vector<16xf32> to vector<1xf32>
      %squeeze3A_96 = vector.extract %slice3A_95[0] : f32 from vector<1xf32>
      %slice3A_97 = vector.extract_strided_slice %get3A_10 {offsets = [11], sizes = [1], strides = [1]} : vector<16xf32> to vector<1xf32>
      %squeeze3A_98 = vector.extract %slice3A_97[0] : f32 from vector<1xf32>
      %slice3A_99 = vector.extract_strided_slice %get3A_10 {offsets = [12], sizes = [1], strides = [1]} : vector<16xf32> to vector<1xf32>
      %squeeze3A_100 = vector.extract %slice3A_99[0] : f32 from vector<1xf32>
      %slice3A_101 = vector.extract_strided_slice %get3A_10 {offsets = [13], sizes = [1], strides = [1]} : vector<16xf32> to vector<1xf32>
      %squeeze3A_102 = vector.extract %slice3A_101[0] : f32 from vector<1xf32>
      %slice3A_103 = vector.extract_strided_slice %get3A_10 {offsets = [14], sizes = [1], strides = [1]} : vector<16xf32> to vector<1xf32>
      %squeeze3A_104 = vector.extract %slice3A_103[0] : f32 from vector<1xf32>
      %slice3A_105 = vector.extract_strided_slice %get3A_10 {offsets = [15], sizes = [1], strides = [1]} : vector<16xf32> to vector<1xf32>
      %squeeze3A_106 = vector.extract %slice3A_105[0] : f32 from vector<1xf32>
      %slice3A_107 = vector.extract_strided_slice %get3A_12 {offsets = [0], sizes = [1], strides = [1]} : vector<16xf32> to vector<1xf32>
      %squeeze3A_108 = vector.extract %slice3A_107[0] : f32 from vector<1xf32>
      %slice3A_109 = vector.extract_strided_slice %get3A_12 {offsets = [1], sizes = [1], strides = [1]} : vector<16xf32> to vector<1xf32>
      %squeeze3A_110 = vector.extract %slice3A_109[0] : f32 from vector<1xf32>
      %slice3A_111 = vector.extract_strided_slice %get3A_12 {offsets = [2], sizes = [1], strides = [1]} : vector<16xf32> to vector<1xf32>
      %squeeze3A_112 = vector.extract %slice3A_111[0] : f32 from vector<1xf32>
      %slice3A_113 = vector.extract_strided_slice %get3A_12 {offsets = [3], sizes = [1], strides = [1]} : vector<16xf32> to vector<1xf32>
      %squeeze3A_114 = vector.extract %slice3A_113[0] : f32 from vector<1xf32>
      %slice3A_115 = vector.extract_strided_slice %get3A_12 {offsets = [4], sizes = [1], strides = [1]} : vector<16xf32> to vector<1xf32>
      %squeeze3A_116 = vector.extract %slice3A_115[0] : f32 from vector<1xf32>
      %slice3A_117 = vector.extract_strided_slice %get3A_12 {offsets = [5], sizes = [1], strides = [1]} : vector<16xf32> to vector<1xf32>
      %squeeze3A_118 = vector.extract %slice3A_117[0] : f32 from vector<1xf32>
      %slice3A_119 = vector.extract_strided_slice %get3A_12 {offsets = [6], sizes = [1], strides = [1]} : vector<16xf32> to vector<1xf32>
      %squeeze3A_120 = vector.extract %slice3A_119[0] : f32 from vector<1xf32>
      %slice3A_121 = vector.extract_strided_slice %get3A_12 {offsets = [7], sizes = [1], strides = [1]} : vector<16xf32> to vector<1xf32>
      %squeeze3A_122 = vector.extract %slice3A_121[0] : f32 from vector<1xf32>
      %slice3A_123 = vector.extract_strided_slice %get3A_12 {offsets = [8], sizes = [1], strides = [1]} : vector<16xf32> to vector<1xf32>
      %squeeze3A_124 = vector.extract %slice3A_123[0] : f32 from vector<1xf32>
      %slice3A_125 = vector.extract_strided_slice %get3A_12 {offsets = [9], sizes = [1], strides = [1]} : vector<16xf32> to vector<1xf32>
      %squeeze3A_126 = vector.extract %slice3A_125[0] : f32 from vector<1xf32>
      %slice3A_127 = vector.extract_strided_slice %get3A_12 {offsets = [10], sizes = [1], strides = [1]} : vector<16xf32> to vector<1xf32>
      %squeeze3A_128 = vector.extract %slice3A_127[0] : f32 from vector<1xf32>
      %slice3A_129 = vector.extract_strided_slice %get3A_12 {offsets = [11], sizes = [1], strides = [1]} : vector<16xf32> to vector<1xf32>
      %squeeze3A_130 = vector.extract %slice3A_129[0] : f32 from vector<1xf32>
      %slice3A_131 = vector.extract_strided_slice %get3A_12 {offsets = [12], sizes = [1], strides = [1]} : vector<16xf32> to vector<1xf32>
      %squeeze3A_132 = vector.extract %slice3A_131[0] : f32 from vector<1xf32>
      %slice3A_133 = vector.extract_strided_slice %get3A_12 {offsets = [13], sizes = [1], strides = [1]} : vector<16xf32> to vector<1xf32>
      %squeeze3A_134 = vector.extract %slice3A_133[0] : f32 from vector<1xf32>
      %slice3A_135 = vector.extract_strided_slice %get3A_12 {offsets = [14], sizes = [1], strides = [1]} : vector<16xf32> to vector<1xf32>
      %squeeze3A_136 = vector.extract %slice3A_135[0] : f32 from vector<1xf32>
      %slice3A_137 = vector.extract_strided_slice %get3A_12 {offsets = [15], sizes = [1], strides = [1]} : vector<16xf32> to vector<1xf32>
      %squeeze3A_138 = vector.extract %slice3A_137[0] : f32 from vector<1xf32>
      %jit3A = arith.constant 32 : i32
      %div3A = arith.divsi %mul3A_2, %jit3A : i32
      %sign3A = arith.constant 0 : i32
      %sign3A_139 = arith.cmpi sgt, %mul3A_2, %sign3A : i32
      %sign3A_140 = arith.extui %sign3A_139 : i1 to i32
      %sign3A_141 = arith.constant 0 : i32
      %sign3A_142 = arith.cmpi slt, %mul3A_2, %sign3A_141 : i32
      %sign3A_143 = arith.extui %sign3A_142 : i1 to i32
      %sign3A_144 = arith.subi %sign3A_140, %sign3A_143 : i32
      %sign3A_145 = arith.constant 0 : i32
      %sign3A_146 = arith.cmpi sgt, %jit3A, %sign3A_145 : i32
      %sign3A_147 = arith.extui %sign3A_146 : i1 to i32
      %sign3A_148 = arith.constant 0 : i32
      %sign3A_149 = arith.cmpi slt, %jit3A, %sign3A_148 : i32
      %sign3A_150 = arith.extui %sign3A_149 : i1 to i32
      %sign3A_151 = arith.subi %sign3A_147, %sign3A_150 : i32
      %ne3A = arith.cmpi ne, %sign3A_144, %sign3A_151 : i32
      %rem3A = arith.remsi %mul3A_2, %jit3A : i32
      %ne3A_152 = arith.constant 0 : i32
      %ne3A_153 = arith.cmpi ne, %rem3A, %ne3A_152 : i32
      %and3A = arith.andi %ne3A, %ne3A_153 : i1
      %sub3A = arith.constant 1 : i32
      %sub3A_154 = arith.subi %div3A, %sub3A : i32
      %select_n3A = arith.select %and3A, %sub3A_154, %div3A : i32
      %jit3A_155 = arith.constant 32 : i32
      %eq3A = arith.constant 0 : i32
      %eq3A_156 = arith.cmpi eq, %jit3A_155, %eq3A : i32
      %jit3A_157 = arith.constant 1 : i32
      %select_n3A_158 = arith.select %eq3A_156, %jit3A_157, %jit3A_155 : i32
      %rem3A_159 = arith.remsi %mul3A_2, %select_n3A_158 : i32
      %ne3A_160 = arith.constant 0 : i32
      %ne3A_161 = arith.cmpi ne, %rem3A_159, %ne3A_160 : i32
      %lt3A = arith.constant 0 : i32
      %lt3A_162 = arith.cmpi slt, %rem3A_159, %lt3A : i32
      %lt3A_163 = arith.constant 0 : i32
      %lt3A_164 = arith.cmpi slt, %select_n3A_158, %lt3A_163 : i32
      %ne3A_165 = arith.xori %lt3A_162, %lt3A_164 : i1
      %and3A_166 = arith.andi %ne3A_165, %ne3A_161 : i1
      %add3A_167 = arith.addi %rem3A_159, %select_n3A_158 : i32
      %select_n3A_168 = arith.select %and3A_166, %add3A_167, %rem3A_159 : i32
      %mul3A_169 = arith.constant 512 : i32
      %mul3A_170 = arith.muli %select_n3A_168, %mul3A_169 : i32
      %multiple_of3A = tpu.assume_multiple %mul3A_170, 512 : i32
      %dma_start3A = arith.constant 0 : i32
      %dma_start3A_171 = arith.constant 0 : i32
      %dma_start3A_172 = arith.constant 0 : i32
      %dma_start3A_173 = tpu.memref_slice %run_scoped3A[%dma_start3A, %dma_start3A_171, %dma_start3A_172] : memref<2x32x512xf32, #tpu.memory_space<vmem>> -> memref<1x32x512xf32, #tpu.memory_space<vmem>>
      %dma_start3A_174 = tpu.memref_squeeze %dma_start3A_173 : memref<1x32x512xf32, #tpu.memory_space<vmem>> -> memref<32x512xf32, #tpu.memory_space<vmem>>
      %dma_start3A_175 = arith.constant 0 : i32
      %dma_start3A_176 = tpu.memref_slice %arg7[%select_n3A, %dma_start3A_175, %multiple_of3A] : memref<26x32x16384xf32, #tpu.memory_space<hbm>> -> memref<1x32x512xf32, #tpu.memory_space<hbm>>
      %dma_start3A_177 = tpu.memref_squeeze %dma_start3A_176 : memref<1x32x512xf32, #tpu.memory_space<hbm>> -> memref<32x512xf32, #tpu.memory_space<hbm>>
      %dma_start3A_178 = arith.constant 0 : i32
      %dma_start3A_179 = arith.constant 0 : i32
      %dma_start3A_180 = tpu.memref_slice %run_scoped3A[%dma_start3A, %dma_start3A_178, %dma_start3A_179] : memref<2x32x512xf32, #tpu.memory_space<vmem>> -> memref<1x32x512xf32, #tpu.memory_space<vmem>>
      %dma_start3A_181 = tpu.memref_squeeze %dma_start3A_180 : memref<1x32x512xf32, #tpu.memory_space<vmem>> -> memref<32x512xf32, #tpu.memory_space<vmem>>
      %dma_start3A_182 = arith.constant 0 : i32
      %dma_start3A_183 = tpu.memref_slice %arg7[%select_n3A, %dma_start3A_182, %multiple_of3A] : memref<26x32x16384xf32, #tpu.memory_space<hbm>> -> memref<1x32x512xf32, #tpu.memory_space<hbm>>
      %dma_start3A_184 = tpu.memref_squeeze %dma_start3A_183 : memref<1x32x512xf32, #tpu.memory_space<hbm>> -> memref<32x512xf32, #tpu.memory_space<hbm>>
      tpu.enqueue_dma source(%dma_start3A_184 : memref<32x512xf32, #tpu.memory_space<hbm>>) target(%dma_start3A_181 : memref<32x512xf32, #tpu.memory_space<vmem>>) target_semaphore(%arg9 : memref<!tpu.dma_semaphore, #tpu.memory_space<semaphore_mem>>)
      %add3A_185 = arith.constant 1 : i32
      %add3A_186 = arith.addi %mul3A_2, %add3A_185 : i32
      %jit3A_187 = arith.constant 32 : i32
      %div3A_188 = arith.divsi %add3A_186, %jit3A_187 : i32
      %sign3A_189 = arith.constant 0 : i32
      %sign3A_190 = arith.cmpi sgt, %add3A_186, %sign3A_189 : i32
      %sign3A_191 = arith.extui %sign3A_190 : i1 to i32
      %sign3A_192 = arith.constant 0 : i32
      %sign3A_193 = arith.cmpi slt, %add3A_186, %sign3A_192 : i32
      %sign3A_194 = arith.extui %sign3A_193 : i1 to i32
      %sign3A_195 = arith.subi %sign3A_191, %sign3A_194 : i32
      %sign3A_196 = arith.constant 0 : i32
      %sign3A_197 = arith.cmpi sgt, %jit3A_187, %sign3A_196 : i32
      %sign3A_198 = arith.extui %sign3A_197 : i1 to i32
      %sign3A_199 = arith.constant 0 : i32
      %sign3A_200 = arith.cmpi slt, %jit3A_187, %sign3A_199 : i32
      %sign3A_201 = arith.extui %sign3A_200 : i1 to i32
      %sign3A_202 = arith.subi %sign3A_198, %sign3A_201 : i32
      %ne3A_203 = arith.cmpi ne, %sign3A_195, %sign3A_202 : i32
      %rem3A_204 = arith.remsi %add3A_186, %jit3A_187 : i32
      %ne3A_205 = arith.constant 0 : i32
      %ne3A_206 = arith.cmpi ne, %rem3A_204, %ne3A_205 : i32
      %and3A_207 = arith.andi %ne3A_203, %ne3A_206 : i1
      %sub3A_208 = arith.constant 1 : i32
      %sub3A_209 = arith.subi %div3A_188, %sub3A_208 : i32
      %select_n3A_210 = arith.select %and3A_207, %sub3A_209, %div3A_188 : i32
      %jit3A_211 = arith.constant 32 : i32
      %eq3A_212 = arith.constant 0 : i32
      %eq3A_213 = arith.cmpi eq, %jit3A_211, %eq3A_212 : i32
      %jit3A_214 = arith.constant 1 : i32
      %select_n3A_215 = arith.select %eq3A_213, %jit3A_214, %jit3A_211 : i32
      %rem3A_216 = arith.remsi %add3A_186, %select_n3A_215 : i32
      %ne3A_217 = arith.constant 0 : i32
      %ne3A_218 = arith.cmpi ne, %rem3A_216, %ne3A_217 : i32
      %lt3A_219 = arith.constant 0 : i32
      %lt3A_220 = arith.cmpi slt, %rem3A_216, %lt3A_219 : i32
      %lt3A_221 = arith.constant 0 : i32
      %lt3A_222 = arith.cmpi slt, %select_n3A_215, %lt3A_221 : i32
      %ne3A_223 = arith.xori %lt3A_220, %lt3A_222 : i1
      %and3A_224 = arith.andi %ne3A_223, %ne3A_218 : i1
      %add3A_225 = arith.addi %rem3A_216, %select_n3A_215 : i32
      %select_n3A_226 = arith.select %and3A_224, %add3A_225, %rem3A_216 : i32
      %mul3A_227 = arith.constant 512 : i32
      %mul3A_228 = arith.muli %select_n3A_226, %mul3A_227 : i32
      %multiple_of3A_229 = tpu.assume_multiple %mul3A_228, 512 : i32
      %dma_start3A_230 = arith.constant 1 : i32
      %dma_start3A_231 = arith.constant 0 : i32
      %dma_start3A_232 = arith.constant 0 : i32
      %dma_start3A_233 = tpu.memref_slice %run_scoped3A[%dma_start3A_230, %dma_start3A_231, %dma_start3A_232] : memref<2x32x512xf32, #tpu.memory_space<vmem>> -> memref<1x32x512xf32, #tpu.memory_space<vmem>>
      %dma_start3A_234 = tpu.memref_squeeze %dma_start3A_233 : memref<1x32x512xf32, #tpu.memory_space<vmem>> -> memref<32x512xf32, #tpu.memory_space<vmem>>
      %dma_start3A_235 = arith.constant 0 : i32
      %dma_start3A_236 = tpu.memref_slice %arg7[%select_n3A_210, %dma_start3A_235, %multiple_of3A_229] : memref<26x32x16384xf32, #tpu.memory_space<hbm>> -> memref<1x32x512xf32, #tpu.memory_space<hbm>>
      %dma_start3A_237 = tpu.memref_squeeze %dma_start3A_236 : memref<1x32x512xf32, #tpu.memory_space<hbm>> -> memref<32x512xf32, #tpu.memory_space<hbm>>
      %dma_start3A_238 = arith.constant 0 : i32
      %dma_start3A_239 = arith.constant 0 : i32
      %dma_start3A_240 = tpu.memref_slice %run_scoped3A[%dma_start3A_230, %dma_start3A_238, %dma_start3A_239] : memref<2x32x512xf32, #tpu.memory_space<vmem>> -> memref<1x32x512xf32, #tpu.memory_space<vmem>>
      %dma_start3A_241 = tpu.memref_squeeze %dma_start3A_240 : memref<1x32x512xf32, #tpu.memory_space<vmem>> -> memref<32x512xf32, #tpu.memory_space<vmem>>
      %dma_start3A_242 = arith.constant 0 : i32
      %dma_start3A_243 = tpu.memref_slice %arg7[%select_n3A_210, %dma_start3A_242, %multiple_of3A_229] : memref<26x32x16384xf32, #tpu.memory_space<hbm>> -> memref<1x32x512xf32, #tpu.memory_space<hbm>>
      %dma_start3A_244 = tpu.memref_squeeze %dma_start3A_243 : memref<1x32x512xf32, #tpu.memory_space<hbm>> -> memref<32x512xf32, #tpu.memory_space<hbm>>
      tpu.enqueue_dma source(%dma_start3A_244 : memref<32x512xf32, #tpu.memory_space<hbm>>) target(%dma_start3A_241 : memref<32x512xf32, #tpu.memory_space<vmem>>) target_semaphore(%arg10 : memref<!tpu.dma_semaphore, #tpu.memory_space<semaphore_mem>>)
      %scan3A = arith.constant 0 : i32
      %scan3A_245 = arith.constant 0 : i32
      %scan3A_246 = arith.constant 13 : i32
      %scan3A_247 = arith.addi %scan3A_245, %scan3A_246 : i32
      %scan3A_248 = arith.constant 1 : i32
      scf.for %scan3A_365 = %scan3A_245 to %scan3A_247 step %scan3A_248  : i32 {
        %mul3A_366 = arith.constant 2 : i32
        %mul3A_367 = arith.muli %scan3A_365, %mul3A_366 : i32
        %add3A_368 = arith.constant 0 : i32
        %add3A_369 = arith.addi %mul3A_367, %add3A_368 : i32
        %add3A_370 = arith.addi %mul3A_2, %add3A_369 : i32
        %jit3A_371 = arith.constant 32 : i32
        %div3A_372 = arith.divsi %mul3A_2, %jit3A_371 : i32
        %sign3A_373 = arith.constant 0 : i32
        %sign3A_374 = arith.cmpi sgt, %mul3A_2, %sign3A_373 : i32
        %sign3A_375 = arith.extui %sign3A_374 : i1 to i32
        %sign3A_376 = arith.constant 0 : i32
        %sign3A_377 = arith.cmpi slt, %mul3A_2, %sign3A_376 : i32
        %sign3A_378 = arith.extui %sign3A_377 : i1 to i32
        %sign3A_379 = arith.subi %sign3A_375, %sign3A_378 : i32
        %sign3A_380 = arith.constant 0 : i32
        %sign3A_381 = arith.cmpi sgt, %jit3A_371, %sign3A_380 : i32
        %sign3A_382 = arith.extui %sign3A_381 : i1 to i32
        %sign3A_383 = arith.constant 0 : i32
        %sign3A_384 = arith.cmpi slt, %jit3A_371, %sign3A_383 : i32
        %sign3A_385 = arith.extui %sign3A_384 : i1 to i32
        %sign3A_386 = arith.subi %sign3A_382, %sign3A_385 : i32
        %ne3A_387 = arith.cmpi ne, %sign3A_379, %sign3A_386 : i32
        %rem3A_388 = arith.remsi %mul3A_2, %jit3A_371 : i32
        %ne3A_389 = arith.constant 0 : i32
        %ne3A_390 = arith.cmpi ne, %rem3A_388, %ne3A_389 : i32
        %and3A_391 = arith.andi %ne3A_387, %ne3A_390 : i1
        %sub3A_392 = arith.constant 1 : i32
        %sub3A_393 = arith.subi %div3A_372, %sub3A_392 : i32
        %select_n3A_394 = arith.select %and3A_391, %sub3A_393, %div3A_372 : i32
        %jit3A_395 = arith.constant 32 : i32
        %eq3A_396 = arith.constant 0 : i32
        %eq3A_397 = arith.cmpi eq, %jit3A_395, %eq3A_396 : i32
        %jit3A_398 = arith.constant 1 : i32
        %select_n3A_399 = arith.select %eq3A_397, %jit3A_398, %jit3A_395 : i32
        %rem3A_400 = arith.remsi %mul3A_2, %select_n3A_399 : i32
        %ne3A_401 = arith.constant 0 : i32
        %ne3A_402 = arith.cmpi ne, %rem3A_400, %ne3A_401 : i32
        %lt3A_403 = arith.constant 0 : i32
        %lt3A_404 = arith.cmpi slt, %rem3A_400, %lt3A_403 : i32
        %lt3A_405 = arith.constant 0 : i32
        %lt3A_406 = arith.cmpi slt, %select_n3A_399, %lt3A_405 : i32
        %ne3A_407 = arith.xori %lt3A_404, %lt3A_406 : i1
        %and3A_408 = arith.andi %ne3A_407, %ne3A_402 : i1
        %add3A_409 = arith.addi %rem3A_400, %select_n3A_399 : i32
        %select_n3A_410 = arith.select %and3A_408, %add3A_409, %rem3A_400 : i32
        %mul3A_411 = arith.constant 512 : i32
        %mul3A_412 = arith.muli %select_n3A_410, %mul3A_411 : i32
        %multiple_of3A_413 = tpu.assume_multiple %mul3A_412, 512 : i32
        %dma_wait3A_414 = arith.constant 0 : i32
        %dma_wait3A_415 = arith.constant 0 : i32
        %dma_wait3A_416 = arith.constant 0 : i32
        %dma_wait3A_417 = tpu.memref_slice %run_scoped3A[%dma_wait3A_414, %dma_wait3A_415, %dma_wait3A_416] : memref<2x32x512xf32, #tpu.memory_space<vmem>> -> memref<1x32x512xf32, #tpu.memory_space<vmem>>
        %dma_wait3A_418 = tpu.memref_squeeze %dma_wait3A_417 : memref<1x32x512xf32, #tpu.memory_space<vmem>> -> memref<32x512xf32, #tpu.memory_space<vmem>>
        %dma_wait3A_419 = arith.constant 0 : i32
        %dma_wait3A_420 = tpu.memref_slice %arg7[%select_n3A_394, %dma_wait3A_419, %multiple_of3A_413] : memref<26x32x16384xf32, #tpu.memory_space<hbm>> -> memref<1x32x512xf32, #tpu.memory_space<hbm>>
        %dma_wait3A_421 = tpu.memref_squeeze %dma_wait3A_420 : memref<1x32x512xf32, #tpu.memory_space<hbm>> -> memref<32x512xf32, #tpu.memory_space<hbm>>
        %dma_wait3A_422 = arith.constant 0 : i32
        %dma_wait3A_423 = arith.constant 0 : i32
        %dma_wait3A_424 = tpu.memref_slice %run_scoped3A[%dma_wait3A_414, %dma_wait3A_422, %dma_wait3A_423] : memref<2x32x512xf32, #tpu.memory_space<vmem>> -> memref<1x32x512xf32, #tpu.memory_space<vmem>>
        %dma_wait3A_425 = tpu.memref_squeeze %dma_wait3A_424 : memref<1x32x512xf32, #tpu.memory_space<vmem>> -> memref<32x512xf32, #tpu.memory_space<vmem>>
        %dma_wait3A_426 = arith.constant 0 : i32
        %dma_wait3A_427 = tpu.memref_slice %arg7[%select_n3A_394, %dma_wait3A_426, %multiple_of3A_413] : memref<26x32x16384xf32, #tpu.memory_space<hbm>> -> memref<1x32x512xf32, #tpu.memory_space<hbm>>
        %dma_wait3A_428 = tpu.memref_squeeze %dma_wait3A_427 : memref<1x32x512xf32, #tpu.memory_space<hbm>> -> memref<32x512xf32, #tpu.memory_space<hbm>>
        tpu.wait_dma2 semaphore(%arg9 : memref<!tpu.dma_semaphore, #tpu.memory_space<semaphore_mem>>) src(%dma_wait3A_428 : memref<32x512xf32, #tpu.memory_space<hbm>>) dst(%dma_wait3A_425 : memref<32x512xf32, #tpu.memory_space<vmem>>)
        %ge3A = arith.constant 2 : i32
        %ge3A_429 = arith.cmpi sge, %add3A_369, %ge3A : i32
        %convert_element_type3A = arith.extui %ge3A_429 : i1 to i32
        %cond3A = arith.constant 0 : i32
        %cond3A_430 = arith.cmpi ne, %convert_element_type3A, %cond3A : i32
        scf.if %cond3A_430 {
          %jit3A_634 = arith.constant 32 : i32
          %div3A_635 = arith.divsi %mul3A_2, %jit3A_634 : i32
          %sign3A_636 = arith.constant 0 : i32
          %sign3A_637 = arith.cmpi sgt, %mul3A_2, %sign3A_636 : i32
          %sign3A_638 = arith.extui %sign3A_637 : i1 to i32
          %sign3A_639 = arith.constant 0 : i32
          %sign3A_640 = arith.cmpi slt, %mul3A_2, %sign3A_639 : i32
          %sign3A_641 = arith.extui %sign3A_640 : i1 to i32
          %sign3A_642 = arith.subi %sign3A_638, %sign3A_641 : i32
          %sign3A_643 = arith.constant 0 : i32
          %sign3A_644 = arith.cmpi sgt, %jit3A_634, %sign3A_643 : i32
          %sign3A_645 = arith.extui %sign3A_644 : i1 to i32
          %sign3A_646 = arith.constant 0 : i32
          %sign3A_647 = arith.cmpi slt, %jit3A_634, %sign3A_646 : i32
          %sign3A_648 = arith.extui %sign3A_647 : i1 to i32
          %sign3A_649 = arith.subi %sign3A_645, %sign3A_648 : i32
          %ne3A_650 = arith.cmpi ne, %sign3A_642, %sign3A_649 : i32
          %rem3A_651 = arith.remsi %mul3A_2, %jit3A_634 : i32
          %ne3A_652 = arith.constant 0 : i32
          %ne3A_653 = arith.cmpi ne, %rem3A_651, %ne3A_652 : i32
          %and3A_654 = arith.andi %ne3A_650, %ne3A_653 : i1
          %sub3A_655 = arith.constant 1 : i32
          %sub3A_656 = arith.subi %div3A_635, %sub3A_655 : i32
          %select_n3A_657 = arith.select %and3A_654, %sub3A_656, %div3A_635 : i32
          %jit3A_658 = arith.constant 32 : i32
          %eq3A_659 = arith.constant 0 : i32
          %eq3A_660 = arith.cmpi eq, %jit3A_658, %eq3A_659 : i32
          %jit3A_661 = arith.constant 1 : i32
          %select_n3A_662 = arith.select %eq3A_660, %jit3A_661, %jit3A_658 : i32
          %rem3A_663 = arith.remsi %mul3A_2, %select_n3A_662 : i32
          %ne3A_664 = arith.constant 0 : i32
          %ne3A_665 = arith.cmpi ne, %rem3A_663, %ne3A_664 : i32
          %lt3A_666 = arith.constant 0 : i32
          %lt3A_667 = arith.cmpi slt, %rem3A_663, %lt3A_666 : i32
          %lt3A_668 = arith.constant 0 : i32
          %lt3A_669 = arith.cmpi slt, %select_n3A_662, %lt3A_668 : i32
          %ne3A_670 = arith.xori %lt3A_667, %lt3A_669 : i1
          %and3A_671 = arith.andi %ne3A_670, %ne3A_665 : i1
          %add3A_672 = arith.addi %rem3A_663, %select_n3A_662 : i32
          %select_n3A_673 = arith.select %and3A_671, %add3A_672, %rem3A_663 : i32
          %mul3A_674 = arith.constant 512 : i32
          %mul3A_675 = arith.muli %select_n3A_673, %mul3A_674 : i32
          %multiple_of3A_676 = tpu.assume_multiple %mul3A_675, 512 : i32
          %dma_wait3A_677 = arith.constant 0 : i32
          %dma_wait3A_678 = arith.constant 0 : i32
          %dma_wait3A_679 = arith.constant 0 : i32
          %dma_wait3A_680 = tpu.memref_slice %run_scoped3A_3[%dma_wait3A_677, %dma_wait3A_678, %dma_wait3A_679] : memref<2x32x512xf32, #tpu.memory_space<vmem>> -> memref<1x32x512xf32, #tpu.memory_space<vmem>>
          %dma_wait3A_681 = tpu.memref_squeeze %dma_wait3A_680 : memref<1x32x512xf32, #tpu.memory_space<vmem>> -> memref<32x512xf32, #tpu.memory_space<vmem>>
          %dma_wait3A_682 = arith.constant 0 : i32
          %dma_wait3A_683 = tpu.memref_slice %arg7[%select_n3A_657, %dma_wait3A_682, %multiple_of3A_676] : memref<26x32x16384xf32, #tpu.memory_space<hbm>> -> memref<1x32x512xf32, #tpu.memory_space<hbm>>
          %dma_wait3A_684 = tpu.memref_squeeze %dma_wait3A_683 : memref<1x32x512xf32, #tpu.memory_space<hbm>> -> memref<32x512xf32, #tpu.memory_space<hbm>>
          %dma_wait3A_685 = arith.constant 0 : i32
          %dma_wait3A_686 = tpu.memref_slice %arg7[%select_n3A_657, %dma_wait3A_685, %multiple_of3A_676] : memref<26x32x16384xf32, #tpu.memory_space<hbm>> -> memref<1x32x512xf32, #tpu.memory_space<hbm>>
          %dma_wait3A_687 = tpu.memref_squeeze %dma_wait3A_686 : memref<1x32x512xf32, #tpu.memory_space<hbm>> -> memref<32x512xf32, #tpu.memory_space<hbm>>
          %dma_wait3A_688 = arith.constant 0 : i32
          %dma_wait3A_689 = arith.constant 0 : i32
          %dma_wait3A_690 = tpu.memref_slice %run_scoped3A_3[%dma_wait3A_677, %dma_wait3A_688, %dma_wait3A_689] : memref<2x32x512xf32, #tpu.memory_space<vmem>> -> memref<1x32x512xf32, #tpu.memory_space<vmem>>
          %dma_wait3A_691 = tpu.memref_squeeze %dma_wait3A_690 : memref<1x32x512xf32, #tpu.memory_space<vmem>> -> memref<32x512xf32, #tpu.memory_space<vmem>>
          tpu.wait_dma2 semaphore(%arg11 : memref<!tpu.dma_semaphore, #tpu.memory_space<semaphore_mem>>) src(%dma_wait3A_691 : memref<32x512xf32, #tpu.memory_space<vmem>>) dst(%dma_wait3A_687 : memref<32x512xf32, #tpu.memory_space<hbm>>)
        } else {
        }
        %parallel_loop3A = arith.constant 0 : i32
        %parallel_loop3A_431 = arith.constant 512 : i32
        %parallel_loop3A_432 = arith.constant 16 : i32
        scf.for %parallel_loop3A_634 = %parallel_loop3A to %parallel_loop3A_431 step %parallel_loop3A_432  : i32 {
          %parallel_loop3A_635 = tpu.assume_multiple %parallel_loop3A_634, 16 : i32
          %parallel_loop3A_636 = arith.constant 0 : i32
          %parallel_loop3A_637 = arith.constant 0 : i32
          %parallel_loop3A_638 = arith.index_cast %parallel_loop3A_636 : i32 to index
          %parallel_loop3A_639 = arith.index_cast %parallel_loop3A_637 : i32 to index
          %parallel_loop3A_640 = arith.index_cast %parallel_loop3A_635 : i32 to index
          %parallel_loop3A_641 = tpu.vector_load %run_scoped3A[%parallel_loop3A_638, %parallel_loop3A_639, %parallel_loop3A_640] {strides = array<i32>} : memref<2x32x512xf32, #tpu.memory_space<vmem>>, vector<16xf32>,
          %parallel_loop3A_642 = arith.mulf %parallel_loop3A_641, %parallel_loop3A_641 : vector<16xf32>
          %parallel_loop3A_643 = arith.constant 0 : i32
          %parallel_loop3A_644 = arith.constant 1 : i32
          %parallel_loop3A_645 = arith.index_cast %parallel_loop3A_643 : i32 to index
          %parallel_loop3A_646 = arith.index_cast %parallel_loop3A_644 : i32 to index
          %parallel_loop3A_647 = arith.index_cast %parallel_loop3A_635 : i32 to index
          %parallel_loop3A_648 = tpu.vector_load %run_scoped3A[%parallel_loop3A_645, %parallel_loop3A_646, %parallel_loop3A_647] {strides = array<i32>} : memref<2x32x512xf32, #tpu.memory_space<vmem>>, vector<16xf32>,
          %parallel_loop3A_649 = arith.addf %parallel_loop3A_641, %parallel_loop3A_648 : vector<16xf32>
          %parallel_loop3A_650 = arith.mulf %parallel_loop3A_648, %parallel_loop3A_648 : vector<16xf32>
          %parallel_loop3A_651 = arith.addf %parallel_loop3A_642, %parallel_loop3A_650 : vector<16xf32>
          %parallel_loop3A_652 = arith.constant 0 : i32
          %parallel_loop3A_653 = arith.constant 2 : i32
          %parallel_loop3A_654 = arith.index_cast %parallel_loop3A_652 : i32 to index
          %parallel_loop3A_655 = arith.index_cast %parallel_loop3A_653 : i32 to index
          %parallel_loop3A_656 = arith.index_cast %parallel_loop3A_635 : i32 to index
          %parallel_loop3A_657 = tpu.vector_load %run_scoped3A[%parallel_loop3A_654, %parallel_loop3A_655, %parallel_loop3A_656] {strides = array<i32>} : memref<2x32x512xf32, #tpu.memory_space<vmem>>, vector<16xf32>,
          %parallel_loop3A_658 = arith.addf %parallel_loop3A_649, %parallel_loop3A_657 : vector<16xf32>
          %parallel_loop3A_659 = arith.mulf %parallel_loop3A_657, %parallel_loop3A_657 : vector<16xf32>
          %parallel_loop3A_660 = arith.addf %parallel_loop3A_651, %parallel_loop3A_659 : vector<16xf32>
          %parallel_loop3A_661 = arith.constant 0 : i32
          %parallel_loop3A_662 = arith.constant 3 : i32
          %parallel_loop3A_663 = arith.index_cast %parallel_loop3A_661 : i32 to index
          %parallel_loop3A_664 = arith.index_cast %parallel_loop3A_662 : i32 to index
          %parallel_loop3A_665 = arith.index_cast %parallel_loop3A_635 : i32 to index
          %parallel_loop3A_666 = tpu.vector_load %run_scoped3A[%parallel_loop3A_663, %parallel_loop3A_664, %parallel_loop3A_665] {strides = array<i32>} : memref<2x32x512xf32, #tpu.memory_space<vmem>>, vector<16xf32>,
          %parallel_loop3A_667 = arith.addf %parallel_loop3A_658, %parallel_loop3A_666 : vector<16xf32>
          %parallel_loop3A_668 = arith.mulf %parallel_loop3A_666, %parallel_loop3A_666 : vector<16xf32>
          %parallel_loop3A_669 = arith.addf %parallel_loop3A_660, %parallel_loop3A_668 : vector<16xf32>
          %parallel_loop3A_670 = arith.constant 0 : i32
          %parallel_loop3A_671 = arith.constant 4 : i32
          %parallel_loop3A_672 = arith.index_cast %parallel_loop3A_670 : i32 to index
          %parallel_loop3A_673 = arith.index_cast %parallel_loop3A_671 : i32 to index
          %parallel_loop3A_674 = arith.index_cast %parallel_loop3A_635 : i32 to index
          %parallel_loop3A_675 = tpu.vector_load %run_scoped3A[%parallel_loop3A_672, %parallel_loop3A_673, %parallel_loop3A_674] {strides = array<i32>} : memref<2x32x512xf32, #tpu.memory_space<vmem>>, vector<16xf32>,
          %parallel_loop3A_676 = arith.addf %parallel_loop3A_667, %parallel_loop3A_675 : vector<16xf32>
          %parallel_loop3A_677 = arith.mulf %parallel_loop3A_675, %parallel_loop3A_675 : vector<16xf32>
          %parallel_loop3A_678 = arith.addf %parallel_loop3A_669, %parallel_loop3A_677 : vector<16xf32>
          %parallel_loop3A_679 = arith.constant 0 : i32
          %parallel_loop3A_680 = arith.constant 5 : i32
          %parallel_loop3A_681 = arith.index_cast %parallel_loop3A_679 : i32 to index
          %parallel_loop3A_682 = arith.index_cast %parallel_loop3A_680 : i32 to index
          %parallel_loop3A_683 = arith.index_cast %parallel_loop3A_635 : i32 to index
          %parallel_loop3A_684 = tpu.vector_load %run_scoped3A[%parallel_loop3A_681, %parallel_loop3A_682, %parallel_loop3A_683] {strides = array<i32>} : memref<2x32x512xf32, #tpu.memory_space<vmem>>, vector<16xf32>,
          %parallel_loop3A_685 = arith.addf %parallel_loop3A_676, %parallel_loop3A_684 : vector<16xf32>
          %parallel_loop3A_686 = arith.mulf %parallel_loop3A_684, %parallel_loop3A_684 : vector<16xf32>
          %parallel_loop3A_687 = arith.addf %parallel_loop3A_678, %parallel_loop3A_686 : vector<16xf32>
          %parallel_loop3A_688 = arith.constant 0 : i32
          %parallel_loop3A_689 = arith.constant 6 : i32
          %parallel_loop3A_690 = arith.index_cast %parallel_loop3A_688 : i32 to index
          %parallel_loop3A_691 = arith.index_cast %parallel_loop3A_689 : i32 to index
          %parallel_loop3A_692 = arith.index_cast %parallel_loop3A_635 : i32 to index
          %parallel_loop3A_693 = tpu.vector_load %run_scoped3A[%parallel_loop3A_690, %parallel_loop3A_691, %parallel_loop3A_692] {strides = array<i32>} : memref<2x32x512xf32, #tpu.memory_space<vmem>>, vector<16xf32>,
          %parallel_loop3A_694 = arith.addf %parallel_loop3A_685, %parallel_loop3A_693 : vector<16xf32>
          %parallel_loop3A_695 = arith.mulf %parallel_loop3A_693, %parallel_loop3A_693 : vector<16xf32>
          %parallel_loop3A_696 = arith.addf %parallel_loop3A_687, %parallel_loop3A_695 : vector<16xf32>
          %parallel_loop3A_697 = arith.constant 0 : i32
          %parallel_loop3A_698 = arith.constant 7 : i32
          %parallel_loop3A_699 = arith.index_cast %parallel_loop3A_697 : i32 to index
          %parallel_loop3A_700 = arith.index_cast %parallel_loop3A_698 : i32 to index
          %parallel_loop3A_701 = arith.index_cast %parallel_loop3A_635 : i32 to index
          %parallel_loop3A_702 = tpu.vector_load %run_scoped3A[%parallel_loop3A_699, %parallel_loop3A_700, %parallel_loop3A_701] {strides = array<i32>} : memref<2x32x512xf32, #tpu.memory_space<vmem>>, vector<16xf32>,
          %parallel_loop3A_703 = arith.addf %parallel_loop3A_694, %parallel_loop3A_702 : vector<16xf32>
          %parallel_loop3A_704 = arith.mulf %parallel_loop3A_702, %parallel_loop3A_702 : vector<16xf32>
          %parallel_loop3A_705 = arith.addf %parallel_loop3A_696, %parallel_loop3A_704 : vector<16xf32>
          %parallel_loop3A_706 = arith.constant 0 : i32
          %parallel_loop3A_707 = arith.constant 8 : i32
          %parallel_loop3A_708 = arith.index_cast %parallel_loop3A_706 : i32 to index
          %parallel_loop3A_709 = arith.index_cast %parallel_loop3A_707 : i32 to index
          %parallel_loop3A_710 = arith.index_cast %parallel_loop3A_635 : i32 to index
          %parallel_loop3A_711 = tpu.vector_load %run_scoped3A[%parallel_loop3A_708, %parallel_loop3A_709, %parallel_loop3A_710] {strides = array<i32>} : memref<2x32x512xf32, #tpu.memory_space<vmem>>, vector<16xf32>,
          %parallel_loop3A_712 = arith.addf %parallel_loop3A_703, %parallel_loop3A_711 : vector<16xf32>
          %parallel_loop3A_713 = arith.mulf %parallel_loop3A_711, %parallel_loop3A_711 : vector<16xf32>
          %parallel_loop3A_714 = arith.addf %parallel_loop3A_705, %parallel_loop3A_713 : vector<16xf32>
          %parallel_loop3A_715 = arith.constant 0 : i32
          %parallel_loop3A_716 = arith.constant 9 : i32
          %parallel_loop3A_717 = arith.index_cast %parallel_loop3A_715 : i32 to index
          %parallel_loop3A_718 = arith.index_cast %parallel_loop3A_716 : i32 to index
          %parallel_loop3A_719 = arith.index_cast %parallel_loop3A_635 : i32 to index
          %parallel_loop3A_720 = tpu.vector_load %run_scoped3A[%parallel_loop3A_717, %parallel_loop3A_718, %parallel_loop3A_719] {strides = array<i32>} : memref<2x32x512xf32, #tpu.memory_space<vmem>>, vector<16xf32>,
          %parallel_loop3A_721 = arith.addf %parallel_loop3A_712, %parallel_loop3A_720 : vector<16xf32>
          %parallel_loop3A_722 = arith.mulf %parallel_loop3A_720, %parallel_loop3A_720 : vector<16xf32>
          %parallel_loop3A_723 = arith.addf %parallel_loop3A_714, %parallel_loop3A_722 : vector<16xf32>
          %parallel_loop3A_724 = arith.constant 0 : i32
          %parallel_loop3A_725 = arith.constant 10 : i32
          %parallel_loop3A_726 = arith.index_cast %parallel_loop3A_724 : i32 to index
          %parallel_loop3A_727 = arith.index_cast %parallel_loop3A_725 : i32 to index
          %parallel_loop3A_728 = arith.index_cast %parallel_loop3A_635 : i32 to index
          %parallel_loop3A_729 = tpu.vector_load %run_scoped3A[%parallel_loop3A_726, %parallel_loop3A_727, %parallel_loop3A_728] {strides = array<i32>} : memref<2x32x512xf32, #tpu.memory_space<vmem>>, vector<16xf32>,
          %parallel_loop3A_730 = arith.addf %parallel_loop3A_721, %parallel_loop3A_729 : vector<16xf32>
          %parallel_loop3A_731 = arith.mulf %parallel_loop3A_729, %parallel_loop3A_729 : vector<16xf32>
          %parallel_loop3A_732 = arith.addf %parallel_loop3A_723, %parallel_loop3A_731 : vector<16xf32>
          %parallel_loop3A_733 = arith.constant 0 : i32
          %parallel_loop3A_734 = arith.constant 11 : i32
          %parallel_loop3A_735 = arith.index_cast %parallel_loop3A_733 : i32 to index
          %parallel_loop3A_736 = arith.index_cast %parallel_loop3A_734 : i32 to index
          %parallel_loop3A_737 = arith.index_cast %parallel_loop3A_635 : i32 to index
          %parallel_loop3A_738 = tpu.vector_load %run_scoped3A[%parallel_loop3A_735, %parallel_loop3A_736, %parallel_loop3A_737] {strides = array<i32>} : memref<2x32x512xf32, #tpu.memory_space<vmem>>, vector<16xf32>,
          %parallel_loop3A_739 = arith.addf %parallel_loop3A_730, %parallel_loop3A_738 : vector<16xf32>
          %parallel_loop3A_740 = arith.mulf %parallel_loop3A_738, %parallel_loop3A_738 : vector<16xf32>
          %parallel_loop3A_741 = arith.addf %parallel_loop3A_732, %parallel_loop3A_740 : vector<16xf32>
          %parallel_loop3A_742 = arith.constant 0 : i32
          %parallel_loop3A_743 = arith.constant 12 : i32
          %parallel_loop3A_744 = arith.index_cast %parallel_loop3A_742 : i32 to index
          %parallel_loop3A_745 = arith.index_cast %parallel_loop3A_743 : i32 to index
          %parallel_loop3A_746 = arith.index_cast %parallel_loop3A_635 : i32 to index
          %parallel_loop3A_747 = tpu.vector_load %run_scoped3A[%parallel_loop3A_744, %parallel_loop3A_745, %parallel_loop3A_746] {strides = array<i32>} : memref<2x32x512xf32, #tpu.memory_space<vmem>>, vector<16xf32>,
          %parallel_loop3A_748 = arith.addf %parallel_loop3A_739, %parallel_loop3A_747 : vector<16xf32>
          %parallel_loop3A_749 = arith.mulf %parallel_loop3A_747, %parallel_loop3A_747 : vector<16xf32>
          %parallel_loop3A_750 = arith.addf %parallel_loop3A_741, %parallel_loop3A_749 : vector<16xf32>
          %parallel_loop3A_751 = arith.constant 0 : i32
          %parallel_loop3A_752 = arith.constant 13 : i32
          %parallel_loop3A_753 = arith.index_cast %parallel_loop3A_751 : i32 to index
          %parallel_loop3A_754 = arith.index_cast %parallel_loop3A_752 : i32 to index
          %parallel_loop3A_755 = arith.index_cast %parallel_loop3A_635 : i32 to index
          %parallel_loop3A_756 = tpu.vector_load %run_scoped3A[%parallel_loop3A_753, %parallel_loop3A_754, %parallel_loop3A_755] {strides = array<i32>} : memref<2x32x512xf32, #tpu.memory_space<vmem>>, vector<16xf32>,
          %parallel_loop3A_757 = arith.addf %parallel_loop3A_748, %parallel_loop3A_756 : vector<16xf32>
          %parallel_loop3A_758 = arith.mulf %parallel_loop3A_756, %parallel_loop3A_756 : vector<16xf32>
          %parallel_loop3A_759 = arith.addf %parallel_loop3A_750, %parallel_loop3A_758 : vector<16xf32>
          %parallel_loop3A_760 = arith.constant 0 : i32
          %parallel_loop3A_761 = arith.constant 14 : i32
          %parallel_loop3A_762 = arith.index_cast %parallel_loop3A_760 : i32 to index
          %parallel_loop3A_763 = arith.index_cast %parallel_loop3A_761 : i32 to index
          %parallel_loop3A_764 = arith.index_cast %parallel_loop3A_635 : i32 to index
          %parallel_loop3A_765 = tpu.vector_load %run_scoped3A[%parallel_loop3A_762, %parallel_loop3A_763, %parallel_loop3A_764] {strides = array<i32>} : memref<2x32x512xf32, #tpu.memory_space<vmem>>, vector<16xf32>,
          %parallel_loop3A_766 = arith.addf %parallel_loop3A_757, %parallel_loop3A_765 : vector<16xf32>
          %parallel_loop3A_767 = arith.mulf %parallel_loop3A_765, %parallel_loop3A_765 : vector<16xf32>
          %parallel_loop3A_768 = arith.addf %parallel_loop3A_759, %parallel_loop3A_767 : vector<16xf32>
          %parallel_loop3A_769 = arith.constant 0 : i32
          %parallel_loop3A_770 = arith.constant 15 : i32
          %parallel_loop3A_771 = arith.index_cast %parallel_loop3A_769 : i32 to index
          %parallel_loop3A_772 = arith.index_cast %parallel_loop3A_770 : i32 to index
          %parallel_loop3A_773 = arith.index_cast %parallel_loop3A_635 : i32 to index
          %parallel_loop3A_774 = tpu.vector_load %run_scoped3A[%parallel_loop3A_771, %parallel_loop3A_772, %parallel_loop3A_773] {strides = array<i32>} : memref<2x32x512xf32, #tpu.memory_space<vmem>>, vector<16xf32>,
          %parallel_loop3A_775 = arith.addf %parallel_loop3A_766, %parallel_loop3A_774 : vector<16xf32>
          %parallel_loop3A_776 = arith.mulf %parallel_loop3A_774, %parallel_loop3A_774 : vector<16xf32>
          %parallel_loop3A_777 = arith.addf %parallel_loop3A_768, %parallel_loop3A_776 : vector<16xf32>
          %parallel_loop3A_778 = arith.constant 0 : i32
          %parallel_loop3A_779 = arith.constant 16 : i32
          %parallel_loop3A_780 = arith.index_cast %parallel_loop3A_778 : i32 to index
          %parallel_loop3A_781 = arith.index_cast %parallel_loop3A_779 : i32 to index
          %parallel_loop3A_782 = arith.index_cast %parallel_loop3A_635 : i32 to index
          %parallel_loop3A_783 = tpu.vector_load %run_scoped3A[%parallel_loop3A_780, %parallel_loop3A_781, %parallel_loop3A_782] {strides = array<i32>} : memref<2x32x512xf32, #tpu.memory_space<vmem>>, vector<16xf32>,
          %parallel_loop3A_784 = arith.addf %parallel_loop3A_775, %parallel_loop3A_783 : vector<16xf32>
          %parallel_loop3A_785 = arith.mulf %parallel_loop3A_783, %parallel_loop3A_783 : vector<16xf32>
          %parallel_loop3A_786 = arith.addf %parallel_loop3A_777, %parallel_loop3A_785 : vector<16xf32>
          %parallel_loop3A_787 = arith.constant 0 : i32
          %parallel_loop3A_788 = arith.constant 17 : i32
          %parallel_loop3A_789 = arith.index_cast %parallel_loop3A_787 : i32 to index
          %parallel_loop3A_790 = arith.index_cast %parallel_loop3A_788 : i32 to index
          %parallel_loop3A_791 = arith.index_cast %parallel_loop3A_635 : i32 to index
          %parallel_loop3A_792 = tpu.vector_load %run_scoped3A[%parallel_loop3A_789, %parallel_loop3A_790, %parallel_loop3A_791] {strides = array<i32>} : memref<2x32x512xf32, #tpu.memory_space<vmem>>, vector<16xf32>,
          %parallel_loop3A_793 = arith.addf %parallel_loop3A_784, %parallel_loop3A_792 : vector<16xf32>
          %parallel_loop3A_794 = arith.mulf %parallel_loop3A_792, %parallel_loop3A_792 : vector<16xf32>
          %parallel_loop3A_795 = arith.addf %parallel_loop3A_786, %parallel_loop3A_794 : vector<16xf32>
          %parallel_loop3A_796 = arith.constant 0 : i32
          %parallel_loop3A_797 = arith.constant 18 : i32
          %parallel_loop3A_798 = arith.index_cast %parallel_loop3A_796 : i32 to index
          %parallel_loop3A_799 = arith.index_cast %parallel_loop3A_797 : i32 to index
          %parallel_loop3A_800 = arith.index_cast %parallel_loop3A_635 : i32 to index
          %parallel_loop3A_801 = tpu.vector_load %run_scoped3A[%parallel_loop3A_798, %parallel_loop3A_799, %parallel_loop3A_800] {strides = array<i32>} : memref<2x32x512xf32, #tpu.memory_space<vmem>>, vector<16xf32>,
          %parallel_loop3A_802 = arith.addf %parallel_loop3A_793, %parallel_loop3A_801 : vector<16xf32>
          %parallel_loop3A_803 = arith.mulf %parallel_loop3A_801, %parallel_loop3A_801 : vector<16xf32>
          %parallel_loop3A_804 = arith.addf %parallel_loop3A_795, %parallel_loop3A_803 : vector<16xf32>
          %parallel_loop3A_805 = arith.constant 0 : i32
          %parallel_loop3A_806 = arith.constant 19 : i32
          %parallel_loop3A_807 = arith.index_cast %parallel_loop3A_805 : i32 to index
          %parallel_loop3A_808 = arith.index_cast %parallel_loop3A_806 : i32 to index
          %parallel_loop3A_809 = arith.index_cast %parallel_loop3A_635 : i32 to index
          %parallel_loop3A_810 = tpu.vector_load %run_scoped3A[%parallel_loop3A_807, %parallel_loop3A_808, %parallel_loop3A_809] {strides = array<i32>} : memref<2x32x512xf32, #tpu.memory_space<vmem>>, vector<16xf32>,
          %parallel_loop3A_811 = arith.addf %parallel_loop3A_802, %parallel_loop3A_810 : vector<16xf32>
          %parallel_loop3A_812 = arith.mulf %parallel_loop3A_810, %parallel_loop3A_810 : vector<16xf32>
          %parallel_loop3A_813 = arith.addf %parallel_loop3A_804, %parallel_loop3A_812 : vector<16xf32>
          %parallel_loop3A_814 = arith.constant 0 : i32
          %parallel_loop3A_815 = arith.constant 20 : i32
          %parallel_loop3A_816 = arith.index_cast %parallel_loop3A_814 : i32 to index
          %parallel_loop3A_817 = arith.index_cast %parallel_loop3A_815 : i32 to index
          %parallel_loop3A_818 = arith.index_cast %parallel_loop3A_635 : i32 to index
          %parallel_loop3A_819 = tpu.vector_load %run_scoped3A[%parallel_loop3A_816, %parallel_loop3A_817, %parallel_loop3A_818] {strides = array<i32>} : memref<2x32x512xf32, #tpu.memory_space<vmem>>, vector<16xf32>,
          %parallel_loop3A_820 = arith.addf %parallel_loop3A_811, %parallel_loop3A_819 : vector<16xf32>
          %parallel_loop3A_821 = arith.mulf %parallel_loop3A_819, %parallel_loop3A_819 : vector<16xf32>
          %parallel_loop3A_822 = arith.addf %parallel_loop3A_813, %parallel_loop3A_821 : vector<16xf32>
          %parallel_loop3A_823 = arith.constant 0 : i32
          %parallel_loop3A_824 = arith.constant 21 : i32
          %parallel_loop3A_825 = arith.index_cast %parallel_loop3A_823 : i32 to index
          %parallel_loop3A_826 = arith.index_cast %parallel_loop3A_824 : i32 to index
          %parallel_loop3A_827 = arith.index_cast %parallel_loop3A_635 : i32 to index
          %parallel_loop3A_828 = tpu.vector_load %run_scoped3A[%parallel_loop3A_825, %parallel_loop3A_826, %parallel_loop3A_827] {strides = array<i32>} : memref<2x32x512xf32, #tpu.memory_space<vmem>>, vector<16xf32>,
          %parallel_loop3A_829 = arith.addf %parallel_loop3A_820, %parallel_loop3A_828 : vector<16xf32>
          %parallel_loop3A_830 = arith.mulf %parallel_loop3A_828, %parallel_loop3A_828 : vector<16xf32>
          %parallel_loop3A_831 = arith.addf %parallel_loop3A_822, %parallel_loop3A_830 : vector<16xf32>
          %parallel_loop3A_832 = arith.constant 0 : i32
          %parallel_loop3A_833 = arith.constant 22 : i32
          %parallel_loop3A_834 = arith.index_cast %parallel_loop3A_832 : i32 to index
          %parallel_loop3A_835 = arith.index_cast %parallel_loop3A_833 : i32 to index
          %parallel_loop3A_836 = arith.index_cast %parallel_loop3A_635 : i32 to index
          %parallel_loop3A_837 = tpu.vector_load %run_scoped3A[%parallel_loop3A_834, %parallel_loop3A_835, %parallel_loop3A_836] {strides = array<i32>} : memref<2x32x512xf32, #tpu.memory_space<vmem>>, vector<16xf32>,
          %parallel_loop3A_838 = arith.addf %parallel_loop3A_829, %parallel_loop3A_837 : vector<16xf32>
          %parallel_loop3A_839 = arith.mulf %parallel_loop3A_837, %parallel_loop3A_837 : vector<16xf32>
          %parallel_loop3A_840 = arith.addf %parallel_loop3A_831, %parallel_loop3A_839 : vector<16xf32>
          %parallel_loop3A_841 = arith.constant 0 : i32
          %parallel_loop3A_842 = arith.constant 23 : i32
          %parallel_loop3A_843 = arith.index_cast %parallel_loop3A_841 : i32 to index
          %parallel_loop3A_844 = arith.index_cast %parallel_loop3A_842 : i32 to index
          %parallel_loop3A_845 = arith.index_cast %parallel_loop3A_635 : i32 to index
          %parallel_loop3A_846 = tpu.vector_load %run_scoped3A[%parallel_loop3A_843, %parallel_loop3A_844, %parallel_loop3A_845] {strides = array<i32>} : memref<2x32x512xf32, #tpu.memory_space<vmem>>, vector<16xf32>,
          %parallel_loop3A_847 = arith.addf %parallel_loop3A_838, %parallel_loop3A_846 : vector<16xf32>
          %parallel_loop3A_848 = arith.mulf %parallel_loop3A_846, %parallel_loop3A_846 : vector<16xf32>
          %parallel_loop3A_849 = arith.addf %parallel_loop3A_840, %parallel_loop3A_848 : vector<16xf32>
          %parallel_loop3A_850 = arith.constant 0 : i32
          %parallel_loop3A_851 = arith.constant 24 : i32
          %parallel_loop3A_852 = arith.index_cast %parallel_loop3A_850 : i32 to index
          %parallel_loop3A_853 = arith.index_cast %parallel_loop3A_851 : i32 to index
          %parallel_loop3A_854 = arith.index_cast %parallel_loop3A_635 : i32 to index
          %parallel_loop3A_855 = tpu.vector_load %run_scoped3A[%parallel_loop3A_852, %parallel_loop3A_853, %parallel_loop3A_854] {strides = array<i32>} : memref<2x32x512xf32, #tpu.memory_space<vmem>>, vector<16xf32>,
          %parallel_loop3A_856 = arith.addf %parallel_loop3A_847, %parallel_loop3A_855 : vector<16xf32>
          %parallel_loop3A_857 = arith.mulf %parallel_loop3A_855, %parallel_loop3A_855 : vector<16xf32>
          %parallel_loop3A_858 = arith.addf %parallel_loop3A_849, %parallel_loop3A_857 : vector<16xf32>
          %parallel_loop3A_859 = arith.constant 0 : i32
          %parallel_loop3A_860 = arith.constant 25 : i32
          %parallel_loop3A_861 = arith.index_cast %parallel_loop3A_859 : i32 to index
          %parallel_loop3A_862 = arith.index_cast %parallel_loop3A_860 : i32 to index
          %parallel_loop3A_863 = arith.index_cast %parallel_loop3A_635 : i32 to index
          %parallel_loop3A_864 = tpu.vector_load %run_scoped3A[%parallel_loop3A_861, %parallel_loop3A_862, %parallel_loop3A_863] {strides = array<i32>} : memref<2x32x512xf32, #tpu.memory_space<vmem>>, vector<16xf32>,
          %parallel_loop3A_865 = arith.addf %parallel_loop3A_856, %parallel_loop3A_864 : vector<16xf32>
          %parallel_loop3A_866 = arith.mulf %parallel_loop3A_864, %parallel_loop3A_864 : vector<16xf32>
          %parallel_loop3A_867 = arith.addf %parallel_loop3A_858, %parallel_loop3A_866 : vector<16xf32>
          %parallel_loop3A_868 = arith.constant 0 : i32
          %parallel_loop3A_869 = arith.constant 26 : i32
          %parallel_loop3A_870 = arith.index_cast %parallel_loop3A_868 : i32 to index
          %parallel_loop3A_871 = arith.index_cast %parallel_loop3A_869 : i32 to index
          %parallel_loop3A_872 = arith.index_cast %parallel_loop3A_635 : i32 to index
          %parallel_loop3A_873 = tpu.vector_load %run_scoped3A[%parallel_loop3A_870, %parallel_loop3A_871, %parallel_loop3A_872] {strides = array<i32>} : memref<2x32x512xf32, #tpu.memory_space<vmem>>, vector<16xf32>,
          %parallel_loop3A_874 = arith.addf %parallel_loop3A_865, %parallel_loop3A_873 : vector<16xf32>
          %parallel_loop3A_875 = arith.mulf %parallel_loop3A_873, %parallel_loop3A_873 : vector<16xf32>
          %parallel_loop3A_876 = arith.addf %parallel_loop3A_867, %parallel_loop3A_875 : vector<16xf32>
          %parallel_loop3A_877 = arith.constant 0 : i32
          %parallel_loop3A_878 = arith.constant 27 : i32
          %parallel_loop3A_879 = arith.index_cast %parallel_loop3A_877 : i32 to index
          %parallel_loop3A_880 = arith.index_cast %parallel_loop3A_878 : i32 to index
          %parallel_loop3A_881 = arith.index_cast %parallel_loop3A_635 : i32 to index
          %parallel_loop3A_882 = tpu.vector_load %run_scoped3A[%parallel_loop3A_879, %parallel_loop3A_880, %parallel_loop3A_881] {strides = array<i32>} : memref<2x32x512xf32, #tpu.memory_space<vmem>>, vector<16xf32>,
          %parallel_loop3A_883 = arith.addf %parallel_loop3A_874, %parallel_loop3A_882 : vector<16xf32>
          %parallel_loop3A_884 = arith.mulf %parallel_loop3A_882, %parallel_loop3A_882 : vector<16xf32>
          %parallel_loop3A_885 = arith.addf %parallel_loop3A_876, %parallel_loop3A_884 : vector<16xf32>
          %parallel_loop3A_886 = arith.constant 0 : i32
          %parallel_loop3A_887 = arith.constant 28 : i32
          %parallel_loop3A_888 = arith.index_cast %parallel_loop3A_886 : i32 to index
          %parallel_loop3A_889 = arith.index_cast %parallel_loop3A_887 : i32 to index
          %parallel_loop3A_890 = arith.index_cast %parallel_loop3A_635 : i32 to index
          %parallel_loop3A_891 = tpu.vector_load %run_scoped3A[%parallel_loop3A_888, %parallel_loop3A_889, %parallel_loop3A_890] {strides = array<i32>} : memref<2x32x512xf32, #tpu.memory_space<vmem>>, vector<16xf32>,
          %parallel_loop3A_892 = arith.addf %parallel_loop3A_883, %parallel_loop3A_891 : vector<16xf32>
          %parallel_loop3A_893 = arith.mulf %parallel_loop3A_891, %parallel_loop3A_891 : vector<16xf32>
          %parallel_loop3A_894 = arith.addf %parallel_loop3A_885, %parallel_loop3A_893 : vector<16xf32>
          %parallel_loop3A_895 = arith.constant 0 : i32
          %parallel_loop3A_896 = arith.constant 29 : i32
          %parallel_loop3A_897 = arith.index_cast %parallel_loop3A_895 : i32 to index
          %parallel_loop3A_898 = arith.index_cast %parallel_loop3A_896 : i32 to index
          %parallel_loop3A_899 = arith.index_cast %parallel_loop3A_635 : i32 to index
          %parallel_loop3A_900 = tpu.vector_load %run_scoped3A[%parallel_loop3A_897, %parallel_loop3A_898, %parallel_loop3A_899] {strides = array<i32>} : memref<2x32x512xf32, #tpu.memory_space<vmem>>, vector<16xf32>,
          %parallel_loop3A_901 = arith.addf %parallel_loop3A_892, %parallel_loop3A_900 : vector<16xf32>
          %parallel_loop3A_902 = arith.mulf %parallel_loop3A_900, %parallel_loop3A_900 : vector<16xf32>
          %parallel_loop3A_903 = arith.addf %parallel_loop3A_894, %parallel_loop3A_902 : vector<16xf32>
          %parallel_loop3A_904 = arith.constant 0 : i32
          %parallel_loop3A_905 = arith.constant 30 : i32
          %parallel_loop3A_906 = arith.index_cast %parallel_loop3A_904 : i32 to index
          %parallel_loop3A_907 = arith.index_cast %parallel_loop3A_905 : i32 to index
          %parallel_loop3A_908 = arith.index_cast %parallel_loop3A_635 : i32 to index
          %parallel_loop3A_909 = tpu.vector_load %run_scoped3A[%parallel_loop3A_906, %parallel_loop3A_907, %parallel_loop3A_908] {strides = array<i32>} : memref<2x32x512xf32, #tpu.memory_space<vmem>>, vector<16xf32>,
          %parallel_loop3A_910 = arith.addf %parallel_loop3A_901, %parallel_loop3A_909 : vector<16xf32>
          %parallel_loop3A_911 = arith.mulf %parallel_loop3A_909, %parallel_loop3A_909 : vector<16xf32>
          %parallel_loop3A_912 = arith.addf %parallel_loop3A_903, %parallel_loop3A_911 : vector<16xf32>
          %parallel_loop3A_913 = arith.constant 0 : i32
          %parallel_loop3A_914 = arith.constant 31 : i32
          %parallel_loop3A_915 = arith.index_cast %parallel_loop3A_913 : i32 to index
          %parallel_loop3A_916 = arith.index_cast %parallel_loop3A_914 : i32 to index
          %parallel_loop3A_917 = arith.index_cast %parallel_loop3A_635 : i32 to index
          %parallel_loop3A_918 = tpu.vector_load %run_scoped3A[%parallel_loop3A_915, %parallel_loop3A_916, %parallel_loop3A_917] {strides = array<i32>} : memref<2x32x512xf32, #tpu.memory_space<vmem>>, vector<16xf32>,
          %parallel_loop3A_919 = arith.addf %parallel_loop3A_910, %parallel_loop3A_918 : vector<16xf32>
          %parallel_loop3A_920 = arith.mulf %parallel_loop3A_918, %parallel_loop3A_918 : vector<16xf32>
          %parallel_loop3A_921 = arith.addf %parallel_loop3A_912, %parallel_loop3A_920 : vector<16xf32>
          %parallel_loop3A_922 = arith.constant 3.125000e-02 : f32
          %parallel_loop3A_923 = vector.broadcast %parallel_loop3A_922 : f32 to vector<16xf32>
          %parallel_loop3A_924 = arith.mulf %parallel_loop3A_919, %parallel_loop3A_923 : vector<16xf32>
          %parallel_loop3A_925 = arith.constant 3.125000e-02 : f32
          %parallel_loop3A_926 = vector.broadcast %parallel_loop3A_925 : f32 to vector<16xf32>
          %parallel_loop3A_927 = arith.mulf %parallel_loop3A_921, %parallel_loop3A_926 : vector<16xf32>
          %parallel_loop3A_928 = arith.mulf %parallel_loop3A_924, %parallel_loop3A_924 : vector<16xf32>
          %parallel_loop3A_929 = arith.subf %parallel_loop3A_927, %parallel_loop3A_928 : vector<16xf32>
          %parallel_loop3A_930 = arith.constant 9.99999974E-6 : f32
          %parallel_loop3A_931 = vector.broadcast %parallel_loop3A_930 : f32 to vector<16xf32>
          %parallel_loop3A_932 = arith.addf %parallel_loop3A_929, %parallel_loop3A_931 : vector<16xf32>
          %parallel_loop3A_933 = vector.bitcast %parallel_loop3A_932 : vector<16xf32> to vector<16xi32>
          %parallel_loop3A_934 = arith.constant 1 : i32
          %parallel_loop3A_935 = vector.broadcast %parallel_loop3A_934 : i32 to vector<16xi32>
          %parallel_loop3A_936 = arith.shrsi %parallel_loop3A_933, %parallel_loop3A_935 : vector<16xi32>
          %parallel_loop3A_937 = arith.constant 1597463007 : i32
          %parallel_loop3A_938 = vector.broadcast %parallel_loop3A_937 : i32 to vector<16xi32>
          %parallel_loop3A_939 = arith.subi %parallel_loop3A_938, %parallel_loop3A_936 : vector<16xi32>
          %parallel_loop3A_940 = vector.bitcast %parallel_loop3A_939 : vector<16xi32> to vector<16xf32>
          %parallel_loop3A_941 = arith.constant 5.000000e-01 : f32
          %parallel_loop3A_942 = vector.broadcast %parallel_loop3A_941 : f32 to vector<16xf32>
          %parallel_loop3A_943 = arith.mulf %parallel_loop3A_942, %parallel_loop3A_932 : vector<16xf32>
          %parallel_loop3A_944 = arith.mulf %parallel_loop3A_943, %parallel_loop3A_940 : vector<16xf32>
          %parallel_loop3A_945 = arith.mulf %parallel_loop3A_944, %parallel_loop3A_940 : vector<16xf32>
          %parallel_loop3A_946 = arith.constant 1.500000e+00 : f32
          %parallel_loop3A_947 = vector.broadcast %parallel_loop3A_946 : f32 to vector<16xf32>
          %parallel_loop3A_948 = arith.subf %parallel_loop3A_947, %parallel_loop3A_945 : vector<16xf32>
          %parallel_loop3A_949 = arith.mulf %parallel_loop3A_940, %parallel_loop3A_948 : vector<16xf32>
          %parallel_loop3A_950 = arith.constant 5.000000e-01 : f32
          %parallel_loop3A_951 = vector.broadcast %parallel_loop3A_950 : f32 to vector<16xf32>
          %parallel_loop3A_952 = arith.mulf %parallel_loop3A_951, %parallel_loop3A_932 : vector<16xf32>
          %parallel_loop3A_953 = arith.mulf %parallel_loop3A_952, %parallel_loop3A_949 : vector<16xf32>
          %parallel_loop3A_954 = arith.mulf %parallel_loop3A_953, %parallel_loop3A_949 : vector<16xf32>
          %parallel_loop3A_955 = arith.constant 1.500000e+00 : f32
          %parallel_loop3A_956 = vector.broadcast %parallel_loop3A_955 : f32 to vector<16xf32>
          %parallel_loop3A_957 = arith.subf %parallel_loop3A_956, %parallel_loop3A_954 : vector<16xf32>
          %parallel_loop3A_958 = arith.mulf %parallel_loop3A_949, %parallel_loop3A_957 : vector<16xf32>
          %parallel_loop3A_959 = arith.constant 5.000000e-01 : f32
          %parallel_loop3A_960 = vector.broadcast %parallel_loop3A_959 : f32 to vector<16xf32>
          %parallel_loop3A_961 = arith.mulf %parallel_loop3A_960, %parallel_loop3A_932 : vector<16xf32>
          %parallel_loop3A_962 = arith.mulf %parallel_loop3A_961, %parallel_loop3A_958 : vector<16xf32>
          %parallel_loop3A_963 = arith.mulf %parallel_loop3A_962, %parallel_loop3A_958 : vector<16xf32>
          %parallel_loop3A_964 = arith.constant 1.500000e+00 : f32
          %parallel_loop3A_965 = vector.broadcast %parallel_loop3A_964 : f32 to vector<16xf32>
          %parallel_loop3A_966 = arith.subf %parallel_loop3A_965, %parallel_loop3A_963 : vector<16xf32>
          %parallel_loop3A_967 = arith.mulf %parallel_loop3A_958, %parallel_loop3A_966 : vector<16xf32>
          %parallel_loop3A_968 = arith.constant 0 : i32
          %parallel_loop3A_969 = arith.constant 0 : i32
          %parallel_loop3A_970 = arith.index_cast %parallel_loop3A_968 : i32 to index
          %parallel_loop3A_971 = arith.index_cast %parallel_loop3A_969 : i32 to index
          %parallel_loop3A_972 = arith.index_cast %parallel_loop3A_635 : i32 to index
          %parallel_loop3A_973 = tpu.vector_load %run_scoped3A[%parallel_loop3A_970, %parallel_loop3A_971, %parallel_loop3A_972] {strides = array<i32>} : memref<2x32x512xf32, #tpu.memory_space<vmem>>, vector<16xf32>,
          %parallel_loop3A_974 = arith.subf %parallel_loop3A_973, %parallel_loop3A_924 : vector<16xf32>
          %parallel_loop3A_975 = vector.broadcast %squeeze3A : f32 to vector<16xf32>
          %parallel_loop3A_976 = arith.mulf %parallel_loop3A_967, %parallel_loop3A_975 : vector<16xf32>
          %parallel_loop3A_977 = arith.mulf %parallel_loop3A_974, %parallel_loop3A_976 : vector<16xf32>
          %parallel_loop3A_978 = vector.broadcast %squeeze3A_76 : f32 to vector<16xf32>
          %parallel_loop3A_979 = arith.addf %parallel_loop3A_977, %parallel_loop3A_978 : vector<16xf32>
          %parallel_loop3A_980 = arith.constant 0 : i32
          %parallel_loop3A_981 = arith.constant 0 : i32
          %parallel_loop3A_982 = arith.index_cast %parallel_loop3A_980 : i32 to index
          %parallel_loop3A_983 = arith.index_cast %parallel_loop3A_981 : i32 to index
          %parallel_loop3A_984 = arith.index_cast %parallel_loop3A_635 : i32 to index
          %parallel_loop3A_985 = tpu.vector_load %run_scoped3A_3[%parallel_loop3A_982, %parallel_loop3A_983, %parallel_loop3A_984] {strides = array<i32>} : memref<2x32x512xf32, #tpu.memory_space<vmem>>, vector<16xf32>,
          tpu.vector_store %run_scoped3A_3[%parallel_loop3A_982, %parallel_loop3A_983, %parallel_loop3A_984], %parallel_loop3A_979 {strides = array<i32>} : memref<2x32x512xf32, #tpu.memory_space<vmem>>, vector<16xf32>,
          %parallel_loop3A_986 = arith.constant 0 : i32
          %parallel_loop3A_987 = arith.constant 1 : i32
          %parallel_loop3A_988 = arith.index_cast %parallel_loop3A_986 : i32 to index
          %parallel_loop3A_989 = arith.index_cast %parallel_loop3A_987 : i32 to index
          %parallel_loop3A_990 = arith.index_cast %parallel_loop3A_635 : i32 to index
          %parallel_loop3A_991 = tpu.vector_load %run_scoped3A[%parallel_loop3A_988, %parallel_loop3A_989, %parallel_loop3A_990] {strides = array<i32>} : memref<2x32x512xf32, #tpu.memory_space<vmem>>, vector<16xf32>,
          %parallel_loop3A_992 = arith.subf %parallel_loop3A_991, %parallel_loop3A_924 : vector<16xf32>
          %parallel_loop3A_993 = vector.broadcast %squeeze3A_14 : f32 to vector<16xf32>
          %parallel_loop3A_994 = arith.mulf %parallel_loop3A_967, %parallel_loop3A_993 : vector<16xf32>
          %parallel_loop3A_995 = arith.mulf %parallel_loop3A_992, %parallel_loop3A_994 : vector<16xf32>
          %parallel_loop3A_996 = vector.broadcast %squeeze3A_78 : f32 to vector<16xf32>
          %parallel_loop3A_997 = arith.addf %parallel_loop3A_995, %parallel_loop3A_996 : vector<16xf32>
          %parallel_loop3A_998 = arith.constant 0 : i32
          %parallel_loop3A_999 = arith.constant 1 : i32
          %parallel_loop3A_1000 = arith.index_cast %parallel_loop3A_998 : i32 to index
          %parallel_loop3A_1001 = arith.index_cast %parallel_loop3A_999 : i32 to index
          %parallel_loop3A_1002 = arith.index_cast %parallel_loop3A_635 : i32 to index
          %parallel_loop3A_1003 = tpu.vector_load %run_scoped3A_3[%parallel_loop3A_1000, %parallel_loop3A_1001, %parallel_loop3A_1002] {strides = array<i32>} : memref<2x32x512xf32, #tpu.memory_space<vmem>>, vector<16xf32>,
          tpu.vector_store %run_scoped3A_3[%parallel_loop3A_1000, %parallel_loop3A_1001, %parallel_loop3A_1002], %parallel_loop3A_997 {strides = array<i32>} : memref<2x32x512xf32, #tpu.memory_space<vmem>>, vector<16xf32>,
          %parallel_loop3A_1004 = arith.constant 0 : i32
          %parallel_loop3A_1005 = arith.constant 2 : i32
          %parallel_loop3A_1006 = arith.index_cast %parallel_loop3A_1004 : i32 to index
          %parallel_loop3A_1007 = arith.index_cast %parallel_loop3A_1005 : i32 to index
          %parallel_loop3A_1008 = arith.index_cast %parallel_loop3A_635 : i32 to index
          %parallel_loop3A_1009 = tpu.vector_load %run_scoped3A[%parallel_loop3A_1006, %parallel_loop3A_1007, %parallel_loop3A_1008] {strides = array<i32>} : memref<2x32x512xf32, #tpu.memory_space<vmem>>, vector<16xf32>,
          %parallel_loop3A_1010 = arith.subf %parallel_loop3A_1009, %parallel_loop3A_924 : vector<16xf32>
          %parallel_loop3A_1011 = vector.broadcast %squeeze3A_16 : f32 to vector<16xf32>
          %parallel_loop3A_1012 = arith.mulf %parallel_loop3A_967, %parallel_loop3A_1011 : vector<16xf32>
          %parallel_loop3A_1013 = arith.mulf %parallel_loop3A_1010, %parallel_loop3A_1012 : vector<16xf32>
          %parallel_loop3A_1014 = vector.broadcast %squeeze3A_80 : f32 to vector<16xf32>
          %parallel_loop3A_1015 = arith.addf %parallel_loop3A_1013, %parallel_loop3A_1014 : vector<16xf32>
          %parallel_loop3A_1016 = arith.constant 0 : i32
          %parallel_loop3A_1017 = arith.constant 2 : i32
          %parallel_loop3A_1018 = arith.index_cast %parallel_loop3A_1016 : i32 to index
          %parallel_loop3A_1019 = arith.index_cast %parallel_loop3A_1017 : i32 to index
          %parallel_loop3A_1020 = arith.index_cast %parallel_loop3A_635 : i32 to index
          %parallel_loop3A_1021 = tpu.vector_load %run_scoped3A_3[%parallel_loop3A_1018, %parallel_loop3A_1019, %parallel_loop3A_1020] {strides = array<i32>} : memref<2x32x512xf32, #tpu.memory_space<vmem>>, vector<16xf32>,
          tpu.vector_store %run_scoped3A_3[%parallel_loop3A_1018, %parallel_loop3A_1019, %parallel_loop3A_1020], %parallel_loop3A_1015 {strides = array<i32>} : memref<2x32x512xf32, #tpu.memory_space<vmem>>, vector<16xf32>,
          %parallel_loop3A_1022 = arith.constant 0 : i32
          %parallel_loop3A_1023 = arith.constant 3 : i32
          %parallel_loop3A_1024 = arith.index_cast %parallel_loop3A_1022 : i32 to index
          %parallel_loop3A_1025 = arith.index_cast %parallel_loop3A_1023 : i32 to index
          %parallel_loop3A_1026 = arith.index_cast %parallel_loop3A_635 : i32 to index
          %parallel_loop3A_1027 = tpu.vector_load %run_scoped3A[%parallel_loop3A_1024, %parallel_loop3A_1025, %parallel_loop3A_1026] {strides = array<i32>} : memref<2x32x512xf32, #tpu.memory_space<vmem>>, vector<16xf32>,
          %parallel_loop3A_1028 = arith.subf %parallel_loop3A_1027, %parallel_loop3A_924 : vector<16xf32>
          %parallel_loop3A_1029 = vector.broadcast %squeeze3A_18 : f32 to vector<16xf32>
          %parallel_loop3A_1030 = arith.mulf %parallel_loop3A_967, %parallel_loop3A_1029 : vector<16xf32>
          %parallel_loop3A_1031 = arith.mulf %parallel_loop3A_1028, %parallel_loop3A_1030 : vector<16xf32>
          %parallel_loop3A_1032 = vector.broadcast %squeeze3A_82 : f32 to vector<16xf32>
          %parallel_loop3A_1033 = arith.addf %parallel_loop3A_1031, %parallel_loop3A_1032 : vector<16xf32>
          %parallel_loop3A_1034 = arith.constant 0 : i32
          %parallel_loop3A_1035 = arith.constant 3 : i32
          %parallel_loop3A_1036 = arith.index_cast %parallel_loop3A_1034 : i32 to index
          %parallel_loop3A_1037 = arith.index_cast %parallel_loop3A_1035 : i32 to index
          %parallel_loop3A_1038 = arith.index_cast %parallel_loop3A_635 : i32 to index
          %parallel_loop3A_1039 = tpu.vector_load %run_scoped3A_3[%parallel_loop3A_1036, %parallel_loop3A_1037, %parallel_loop3A_1038] {strides = array<i32>} : memref<2x32x512xf32, #tpu.memory_space<vmem>>, vector<16xf32>,
          tpu.vector_store %run_scoped3A_3[%parallel_loop3A_1036, %parallel_loop3A_1037, %parallel_loop3A_1038], %parallel_loop3A_1033 {strides = array<i32>} : memref<2x32x512xf32, #tpu.memory_space<vmem>>, vector<16xf32>,
          %parallel_loop3A_1040 = arith.constant 0 : i32
          %parallel_loop3A_1041 = arith.constant 4 : i32
          %parallel_loop3A_1042 = arith.index_cast %parallel_loop3A_1040 : i32 to index
          %parallel_loop3A_1043 = arith.index_cast %parallel_loop3A_1041 : i32 to index
          %parallel_loop3A_1044 = arith.index_cast %parallel_loop3A_635 : i32 to index
          %parallel_loop3A_1045 = tpu.vector_load %run_scoped3A[%parallel_loop3A_1042, %parallel_loop3A_1043, %parallel_loop3A_1044] {strides = array<i32>} : memref<2x32x512xf32, #tpu.memory_space<vmem>>, vector<16xf32>,
          %parallel_loop3A_1046 = arith.subf %parallel_loop3A_1045, %parallel_loop3A_924 : vector<16xf32>
          %parallel_loop3A_1047 = vector.broadcast %squeeze3A_20 : f32 to vector<16xf32>
          %parallel_loop3A_1048 = arith.mulf %parallel_loop3A_967, %parallel_loop3A_1047 : vector<16xf32>
          %parallel_loop3A_1049 = arith.mulf %parallel_loop3A_1046, %parallel_loop3A_1048 : vector<16xf32>
          %parallel_loop3A_1050 = vector.broadcast %squeeze3A_84 : f32 to vector<16xf32>
          %parallel_loop3A_1051 = arith.addf %parallel_loop3A_1049, %parallel_loop3A_1050 : vector<16xf32>
          %parallel_loop3A_1052 = arith.constant 0 : i32
          %parallel_loop3A_1053 = arith.constant 4 : i32
          %parallel_loop3A_1054 = arith.index_cast %parallel_loop3A_1052 : i32 to index
          %parallel_loop3A_1055 = arith.index_cast %parallel_loop3A_1053 : i32 to index
          %parallel_loop3A_1056 = arith.index_cast %parallel_loop3A_635 : i32 to index
          %parallel_loop3A_1057 = tpu.vector_load %run_scoped3A_3[%parallel_loop3A_1054, %parallel_loop3A_1055, %parallel_loop3A_1056] {strides = array<i32>} : memref<2x32x512xf32, #tpu.memory_space<vmem>>, vector<16xf32>,
          tpu.vector_store %run_scoped3A_3[%parallel_loop3A_1054, %parallel_loop3A_1055, %parallel_loop3A_1056], %parallel_loop3A_1051 {strides = array<i32>} : memref<2x32x512xf32, #tpu.memory_space<vmem>>, vector<16xf32>,
          %parallel_loop3A_1058 = arith.constant 0 : i32
          %parallel_loop3A_1059 = arith.constant 5 : i32
          %parallel_loop3A_1060 = arith.index_cast %parallel_loop3A_1058 : i32 to index
          %parallel_loop3A_1061 = arith.index_cast %parallel_loop3A_1059 : i32 to index
          %parallel_loop3A_1062 = arith.index_cast %parallel_loop3A_635 : i32 to index
          %parallel_loop3A_1063 = tpu.vector_load %run_scoped3A[%parallel_loop3A_1060, %parallel_loop3A_1061, %parallel_loop3A_1062] {strides = array<i32>} : memref<2x32x512xf32, #tpu.memory_space<vmem>>, vector<16xf32>,
          %parallel_loop3A_1064 = arith.subf %parallel_loop3A_1063, %parallel_loop3A_924 : vector<16xf32>
          %parallel_loop3A_1065 = vector.broadcast %squeeze3A_22 : f32 to vector<16xf32>
          %parallel_loop3A_1066 = arith.mulf %parallel_loop3A_967, %parallel_loop3A_1065 : vector<16xf32>
          %parallel_loop3A_1067 = arith.mulf %parallel_loop3A_1064, %parallel_loop3A_1066 : vector<16xf32>
          %parallel_loop3A_1068 = vector.broadcast %squeeze3A_86 : f32 to vector<16xf32>
          %parallel_loop3A_1069 = arith.addf %parallel_loop3A_1067, %parallel_loop3A_1068 : vector<16xf32>
          %parallel_loop3A_1070 = arith.constant 0 : i32
          %parallel_loop3A_1071 = arith.constant 5 : i32
          %parallel_loop3A_1072 = arith.index_cast %parallel_loop3A_1070 : i32 to index
          %parallel_loop3A_1073 = arith.index_cast %parallel_loop3A_1071 : i32 to index
          %parallel_loop3A_1074 = arith.index_cast %parallel_loop3A_635 : i32 to index
          %parallel_loop3A_1075 = tpu.vector_load %run_scoped3A_3[%parallel_loop3A_1072, %parallel_loop3A_1073, %parallel_loop3A_1074] {strides = array<i32>} : memref<2x32x512xf32, #tpu.memory_space<vmem>>, vector<16xf32>,
          tpu.vector_store %run_scoped3A_3[%parallel_loop3A_1072, %parallel_loop3A_1073, %parallel_loop3A_1074], %parallel_loop3A_1069 {strides = array<i32>} : memref<2x32x512xf32, #tpu.memory_space<vmem>>, vector<16xf32>,
          %parallel_loop3A_1076 = arith.constant 0 : i32
          %parallel_loop3A_1077 = arith.constant 6 : i32
          %parallel_loop3A_1078 = arith.index_cast %parallel_loop3A_1076 : i32 to index
          %parallel_loop3A_1079 = arith.index_cast %parallel_loop3A_1077 : i32 to index
          %parallel_loop3A_1080 = arith.index_cast %parallel_loop3A_635 : i32 to index
          %parallel_loop3A_1081 = tpu.vector_load %run_scoped3A[%parallel_loop3A_1078, %parallel_loop3A_1079, %parallel_loop3A_1080] {strides = array<i32>} : memref<2x32x512xf32, #tpu.memory_space<vmem>>, vector<16xf32>,
          %parallel_loop3A_1082 = arith.subf %parallel_loop3A_1081, %parallel_loop3A_924 : vector<16xf32>
          %parallel_loop3A_1083 = vector.broadcast %squeeze3A_24 : f32 to vector<16xf32>
          %parallel_loop3A_1084 = arith.mulf %parallel_loop3A_967, %parallel_loop3A_1083 : vector<16xf32>
          %parallel_loop3A_1085 = arith.mulf %parallel_loop3A_1082, %parallel_loop3A_1084 : vector<16xf32>
          %parallel_loop3A_1086 = vector.broadcast %squeeze3A_88 : f32 to vector<16xf32>
          %parallel_loop3A_1087 = arith.addf %parallel_loop3A_1085, %parallel_loop3A_1086 : vector<16xf32>
          %parallel_loop3A_1088 = arith.constant 0 : i32
          %parallel_loop3A_1089 = arith.constant 6 : i32
          %parallel_loop3A_1090 = arith.index_cast %parallel_loop3A_1088 : i32 to index
          %parallel_loop3A_1091 = arith.index_cast %parallel_loop3A_1089 : i32 to index
          %parallel_loop3A_1092 = arith.index_cast %parallel_loop3A_635 : i32 to index
          %parallel_loop3A_1093 = tpu.vector_load %run_scoped3A_3[%parallel_loop3A_1090, %parallel_loop3A_1091, %parallel_loop3A_1092] {strides = array<i32>} : memref<2x32x512xf32, #tpu.memory_space<vmem>>, vector<16xf32>,
          tpu.vector_store %run_scoped3A_3[%parallel_loop3A_1090, %parallel_loop3A_1091, %parallel_loop3A_1092], %parallel_loop3A_1087 {strides = array<i32>} : memref<2x32x512xf32, #tpu.memory_space<vmem>>, vector<16xf32>,
          %parallel_loop3A_1094 = arith.constant 0 : i32
          %parallel_loop3A_1095 = arith.constant 7 : i32
          %parallel_loop3A_1096 = arith.index_cast %parallel_loop3A_1094 : i32 to index
          %parallel_loop3A_1097 = arith.index_cast %parallel_loop3A_1095 : i32 to index
          %parallel_loop3A_1098 = arith.index_cast %parallel_loop3A_635 : i32 to index
          %parallel_loop3A_1099 = tpu.vector_load %run_scoped3A[%parallel_loop3A_1096, %parallel_loop3A_1097, %parallel_loop3A_1098] {strides = array<i32>} : memref<2x32x512xf32, #tpu.memory_space<vmem>>, vector<16xf32>,
          %parallel_loop3A_1100 = arith.subf %parallel_loop3A_1099, %parallel_loop3A_924 : vector<16xf32>
          %parallel_loop3A_1101 = vector.broadcast %squeeze3A_26 : f32 to vector<16xf32>
          %parallel_loop3A_1102 = arith.mulf %parallel_loop3A_967, %parallel_loop3A_1101 : vector<16xf32>
          %parallel_loop3A_1103 = arith.mulf %parallel_loop3A_1100, %parallel_loop3A_1102 : vector<16xf32>
          %parallel_loop3A_1104 = vector.broadcast %squeeze3A_90 : f32 to vector<16xf32>
          %parallel_loop3A_1105 = arith.addf %parallel_loop3A_1103, %parallel_loop3A_1104 : vector<16xf32>
          %parallel_loop3A_1106 = arith.constant 0 : i32
          %parallel_loop3A_1107 = arith.constant 7 : i32
          %parallel_loop3A_1108 = arith.index_cast %parallel_loop3A_1106 : i32 to index
          %parallel_loop3A_1109 = arith.index_cast %parallel_loop3A_1107 : i32 to index
          %parallel_loop3A_1110 = arith.index_cast %parallel_loop3A_635 : i32 to index
          %parallel_loop3A_1111 = tpu.vector_load %run_scoped3A_3[%parallel_loop3A_1108, %parallel_loop3A_1109, %parallel_loop3A_1110] {strides = array<i32>} : memref<2x32x512xf32, #tpu.memory_space<vmem>>, vector<16xf32>,
          tpu.vector_store %run_scoped3A_3[%parallel_loop3A_1108, %parallel_loop3A_1109, %parallel_loop3A_1110], %parallel_loop3A_1105 {strides = array<i32>} : memref<2x32x512xf32, #tpu.memory_space<vmem>>, vector<16xf32>,
          %parallel_loop3A_1112 = arith.constant 0 : i32
          %parallel_loop3A_1113 = arith.constant 8 : i32
          %parallel_loop3A_1114 = arith.index_cast %parallel_loop3A_1112 : i32 to index
          %parallel_loop3A_1115 = arith.index_cast %parallel_loop3A_1113 : i32 to index
          %parallel_loop3A_1116 = arith.index_cast %parallel_loop3A_635 : i32 to index
          %parallel_loop3A_1117 = tpu.vector_load %run_scoped3A[%parallel_loop3A_1114, %parallel_loop3A_1115, %parallel_loop3A_1116] {strides = array<i32>} : memref<2x32x512xf32, #tpu.memory_space<vmem>>, vector<16xf32>,
          %parallel_loop3A_1118 = arith.subf %parallel_loop3A_1117, %parallel_loop3A_924 : vector<16xf32>
          %parallel_loop3A_1119 = vector.broadcast %squeeze3A_28 : f32 to vector<16xf32>
          %parallel_loop3A_1120 = arith.mulf %parallel_loop3A_967, %parallel_loop3A_1119 : vector<16xf32>
          %parallel_loop3A_1121 = arith.mulf %parallel_loop3A_1118, %parallel_loop3A_1120 : vector<16xf32>
          %parallel_loop3A_1122 = vector.broadcast %squeeze3A_92 : f32 to vector<16xf32>
          %parallel_loop3A_1123 = arith.addf %parallel_loop3A_1121, %parallel_loop3A_1122 : vector<16xf32>
          %parallel_loop3A_1124 = arith.constant 0 : i32
          %parallel_loop3A_1125 = arith.constant 8 : i32
          %parallel_loop3A_1126 = arith.index_cast %parallel_loop3A_1124 : i32 to index
          %parallel_loop3A_1127 = arith.index_cast %parallel_loop3A_1125 : i32 to index
          %parallel_loop3A_1128 = arith.index_cast %parallel_loop3A_635 : i32 to index
          %parallel_loop3A_1129 = tpu.vector_load %run_scoped3A_3[%parallel_loop3A_1126, %parallel_loop3A_1127, %parallel_loop3A_1128] {strides = array<i32>} : memref<2x32x512xf32, #tpu.memory_space<vmem>>, vector<16xf32>,
          tpu.vector_store %run_scoped3A_3[%parallel_loop3A_1126, %parallel_loop3A_1127, %parallel_loop3A_1128], %parallel_loop3A_1123 {strides = array<i32>} : memref<2x32x512xf32, #tpu.memory_space<vmem>>, vector<16xf32>,
          %parallel_loop3A_1130 = arith.constant 0 : i32
          %parallel_loop3A_1131 = arith.constant 9 : i32
          %parallel_loop3A_1132 = arith.index_cast %parallel_loop3A_1130 : i32 to index
          %parallel_loop3A_1133 = arith.index_cast %parallel_loop3A_1131 : i32 to index
          %parallel_loop3A_1134 = arith.index_cast %parallel_loop3A_635 : i32 to index
          %parallel_loop3A_1135 = tpu.vector_load %run_scoped3A[%parallel_loop3A_1132, %parallel_loop3A_1133, %parallel_loop3A_1134] {strides = array<i32>} : memref<2x32x512xf32, #tpu.memory_space<vmem>>, vector<16xf32>,
          %parallel_loop3A_1136 = arith.subf %parallel_loop3A_1135, %parallel_loop3A_924 : vector<16xf32>
          %parallel_loop3A_1137 = vector.broadcast %squeeze3A_30 : f32 to vector<16xf32>
          %parallel_loop3A_1138 = arith.mulf %parallel_loop3A_967, %parallel_loop3A_1137 : vector<16xf32>
          %parallel_loop3A_1139 = arith.mulf %parallel_loop3A_1136, %parallel_loop3A_1138 : vector<16xf32>
          %parallel_loop3A_1140 = vector.broadcast %squeeze3A_94 : f32 to vector<16xf32>
          %parallel_loop3A_1141 = arith.addf %parallel_loop3A_1139, %parallel_loop3A_1140 : vector<16xf32>
          %parallel_loop3A_1142 = arith.constant 0 : i32
          %parallel_loop3A_1143 = arith.constant 9 : i32
          %parallel_loop3A_1144 = arith.index_cast %parallel_loop3A_1142 : i32 to index
          %parallel_loop3A_1145 = arith.index_cast %parallel_loop3A_1143 : i32 to index
          %parallel_loop3A_1146 = arith.index_cast %parallel_loop3A_635 : i32 to index
          %parallel_loop3A_1147 = tpu.vector_load %run_scoped3A_3[%parallel_loop3A_1144, %parallel_loop3A_1145, %parallel_loop3A_1146] {strides = array<i32>} : memref<2x32x512xf32, #tpu.memory_space<vmem>>, vector<16xf32>,
          tpu.vector_store %run_scoped3A_3[%parallel_loop3A_1144, %parallel_loop3A_1145, %parallel_loop3A_1146], %parallel_loop3A_1141 {strides = array<i32>} : memref<2x32x512xf32, #tpu.memory_space<vmem>>, vector<16xf32>,
          %parallel_loop3A_1148 = arith.constant 0 : i32
          %parallel_loop3A_1149 = arith.constant 10 : i32
          %parallel_loop3A_1150 = arith.index_cast %parallel_loop3A_1148 : i32 to index
          %parallel_loop3A_1151 = arith.index_cast %parallel_loop3A_1149 : i32 to index
          %parallel_loop3A_1152 = arith.index_cast %parallel_loop3A_635 : i32 to index
          %parallel_loop3A_1153 = tpu.vector_load %run_scoped3A[%parallel_loop3A_1150, %parallel_loop3A_1151, %parallel_loop3A_1152] {strides = array<i32>} : memref<2x32x512xf32, #tpu.memory_space<vmem>>, vector<16xf32>,
          %parallel_loop3A_1154 = arith.subf %parallel_loop3A_1153, %parallel_loop3A_924 : vector<16xf32>
          %parallel_loop3A_1155 = vector.broadcast %squeeze3A_32 : f32 to vector<16xf32>
          %parallel_loop3A_1156 = arith.mulf %parallel_loop3A_967, %parallel_loop3A_1155 : vector<16xf32>
          %parallel_loop3A_1157 = arith.mulf %parallel_loop3A_1154, %parallel_loop3A_1156 : vector<16xf32>
          %parallel_loop3A_1158 = vector.broadcast %squeeze3A_96 : f32 to vector<16xf32>
          %parallel_loop3A_1159 = arith.addf %parallel_loop3A_1157, %parallel_loop3A_1158 : vector<16xf32>
          %parallel_loop3A_1160 = arith.constant 0 : i32
          %parallel_loop3A_1161 = arith.constant 10 : i32
          %parallel_loop3A_1162 = arith.index_cast %parallel_loop3A_1160 : i32 to index
          %parallel_loop3A_1163 = arith.index_cast %parallel_loop3A_1161 : i32 to index
          %parallel_loop3A_1164 = arith.index_cast %parallel_loop3A_635 : i32 to index
          %parallel_loop3A_1165 = tpu.vector_load %run_scoped3A_3[%parallel_loop3A_1162, %parallel_loop3A_1163, %parallel_loop3A_1164] {strides = array<i32>} : memref<2x32x512xf32, #tpu.memory_space<vmem>>, vector<16xf32>,
          tpu.vector_store %run_scoped3A_3[%parallel_loop3A_1162, %parallel_loop3A_1163, %parallel_loop3A_1164], %parallel_loop3A_1159 {strides = array<i32>} : memref<2x32x512xf32, #tpu.memory_space<vmem>>, vector<16xf32>,
          %parallel_loop3A_1166 = arith.constant 0 : i32
          %parallel_loop3A_1167 = arith.constant 11 : i32
          %parallel_loop3A_1168 = arith.index_cast %parallel_loop3A_1166 : i32 to index
          %parallel_loop3A_1169 = arith.index_cast %parallel_loop3A_1167 : i32 to index
          %parallel_loop3A_1170 = arith.index_cast %parallel_loop3A_635 : i32 to index
          %parallel_loop3A_1171 = tpu.vector_load %run_scoped3A[%parallel_loop3A_1168, %parallel_loop3A_1169, %parallel_loop3A_1170] {strides = array<i32>} : memref<2x32x512xf32, #tpu.memory_space<vmem>>, vector<16xf32>,
          %parallel_loop3A_1172 = arith.subf %parallel_loop3A_1171, %parallel_loop3A_924 : vector<16xf32>
          %parallel_loop3A_1173 = vector.broadcast %squeeze3A_34 : f32 to vector<16xf32>
          %parallel_loop3A_1174 = arith.mulf %parallel_loop3A_967, %parallel_loop3A_1173 : vector<16xf32>
          %parallel_loop3A_1175 = arith.mulf %parallel_loop3A_1172, %parallel_loop3A_1174 : vector<16xf32>
          %parallel_loop3A_1176 = vector.broadcast %squeeze3A_98 : f32 to vector<16xf32>
          %parallel_loop3A_1177 = arith.addf %parallel_loop3A_1175, %parallel_loop3A_1176 : vector<16xf32>
          %parallel_loop3A_1178 = arith.constant 0 : i32
          %parallel_loop3A_1179 = arith.constant 11 : i32
          %parallel_loop3A_1180 = arith.index_cast %parallel_loop3A_1178 : i32 to index
          %parallel_loop3A_1181 = arith.index_cast %parallel_loop3A_1179 : i32 to index
          %parallel_loop3A_1182 = arith.index_cast %parallel_loop3A_635 : i32 to index
          %parallel_loop3A_1183 = tpu.vector_load %run_scoped3A_3[%parallel_loop3A_1180, %parallel_loop3A_1181, %parallel_loop3A_1182] {strides = array<i32>} : memref<2x32x512xf32, #tpu.memory_space<vmem>>, vector<16xf32>,
          tpu.vector_store %run_scoped3A_3[%parallel_loop3A_1180, %parallel_loop3A_1181, %parallel_loop3A_1182], %parallel_loop3A_1177 {strides = array<i32>} : memref<2x32x512xf32, #tpu.memory_space<vmem>>, vector<16xf32>,
          %parallel_loop3A_1184 = arith.constant 0 : i32
          %parallel_loop3A_1185 = arith.constant 12 : i32
          %parallel_loop3A_1186 = arith.index_cast %parallel_loop3A_1184 : i32 to index
          %parallel_loop3A_1187 = arith.index_cast %parallel_loop3A_1185 : i32 to index
          %parallel_loop3A_1188 = arith.index_cast %parallel_loop3A_635 : i32 to index
          %parallel_loop3A_1189 = tpu.vector_load %run_scoped3A[%parallel_loop3A_1186, %parallel_loop3A_1187, %parallel_loop3A_1188] {strides = array<i32>} : memref<2x32x512xf32, #tpu.memory_space<vmem>>, vector<16xf32>,
          %parallel_loop3A_1190 = arith.subf %parallel_loop3A_1189, %parallel_loop3A_924 : vector<16xf32>
          %parallel_loop3A_1191 = vector.broadcast %squeeze3A_36 : f32 to vector<16xf32>
          %parallel_loop3A_1192 = arith.mulf %parallel_loop3A_967, %parallel_loop3A_1191 : vector<16xf32>
          %parallel_loop3A_1193 = arith.mulf %parallel_loop3A_1190, %parallel_loop3A_1192 : vector<16xf32>
          %parallel_loop3A_1194 = vector.broadcast %squeeze3A_100 : f32 to vector<16xf32>
          %parallel_loop3A_1195 = arith.addf %parallel_loop3A_1193, %parallel_loop3A_1194 : vector<16xf32>
          %parallel_loop3A_1196 = arith.constant 0 : i32
          %parallel_loop3A_1197 = arith.constant 12 : i32
          %parallel_loop3A_1198 = arith.index_cast %parallel_loop3A_1196 : i32 to index
          %parallel_loop3A_1199 = arith.index_cast %parallel_loop3A_1197 : i32 to index
          %parallel_loop3A_1200 = arith.index_cast %parallel_loop3A_635 : i32 to index
          %parallel_loop3A_1201 = tpu.vector_load %run_scoped3A_3[%parallel_loop3A_1198, %parallel_loop3A_1199, %parallel_loop3A_1200] {strides = array<i32>} : memref<2x32x512xf32, #tpu.memory_space<vmem>>, vector<16xf32>,
          tpu.vector_store %run_scoped3A_3[%parallel_loop3A_1198, %parallel_loop3A_1199, %parallel_loop3A_1200], %parallel_loop3A_1195 {strides = array<i32>} : memref<2x32x512xf32, #tpu.memory_space<vmem>>, vector<16xf32>,
          %parallel_loop3A_1202 = arith.constant 0 : i32
          %parallel_loop3A_1203 = arith.constant 13 : i32
          %parallel_loop3A_1204 = arith.index_cast %parallel_loop3A_1202 : i32 to index
          %parallel_loop3A_1205 = arith.index_cast %parallel_loop3A_1203 : i32 to index
          %parallel_loop3A_1206 = arith.index_cast %parallel_loop3A_635 : i32 to index
          %parallel_loop3A_1207 = tpu.vector_load %run_scoped3A[%parallel_loop3A_1204, %parallel_loop3A_1205, %parallel_loop3A_1206] {strides = array<i32>} : memref<2x32x512xf32, #tpu.memory_space<vmem>>, vector<16xf32>,
          %parallel_loop3A_1208 = arith.subf %parallel_loop3A_1207, %parallel_loop3A_924 : vector<16xf32>
          %parallel_loop3A_1209 = vector.broadcast %squeeze3A_38 : f32 to vector<16xf32>
          %parallel_loop3A_1210 = arith.mulf %parallel_loop3A_967, %parallel_loop3A_1209 : vector<16xf32>
          %parallel_loop3A_1211 = arith.mulf %parallel_loop3A_1208, %parallel_loop3A_1210 : vector<16xf32>
          %parallel_loop3A_1212 = vector.broadcast %squeeze3A_102 : f32 to vector<16xf32>
          %parallel_loop3A_1213 = arith.addf %parallel_loop3A_1211, %parallel_loop3A_1212 : vector<16xf32>
          %parallel_loop3A_1214 = arith.constant 0 : i32
          %parallel_loop3A_1215 = arith.constant 13 : i32
          %parallel_loop3A_1216 = arith.index_cast %parallel_loop3A_1214 : i32 to index
          %parallel_loop3A_1217 = arith.index_cast %parallel_loop3A_1215 : i32 to index
          %parallel_loop3A_1218 = arith.index_cast %parallel_loop3A_635 : i32 to index
          %parallel_loop3A_1219 = tpu.vector_load %run_scoped3A_3[%parallel_loop3A_1216, %parallel_loop3A_1217, %parallel_loop3A_1218] {strides = array<i32>} : memref<2x32x512xf32, #tpu.memory_space<vmem>>, vector<16xf32>,
          tpu.vector_store %run_scoped3A_3[%parallel_loop3A_1216, %parallel_loop3A_1217, %parallel_loop3A_1218], %parallel_loop3A_1213 {strides = array<i32>} : memref<2x32x512xf32, #tpu.memory_space<vmem>>, vector<16xf32>,
          %parallel_loop3A_1220 = arith.constant 0 : i32
          %parallel_loop3A_1221 = arith.constant 14 : i32
          %parallel_loop3A_1222 = arith.index_cast %parallel_loop3A_1220 : i32 to index
          %parallel_loop3A_1223 = arith.index_cast %parallel_loop3A_1221 : i32 to index
          %parallel_loop3A_1224 = arith.index_cast %parallel_loop3A_635 : i32 to index
          %parallel_loop3A_1225 = tpu.vector_load %run_scoped3A[%parallel_loop3A_1222, %parallel_loop3A_1223, %parallel_loop3A_1224] {strides = array<i32>} : memref<2x32x512xf32, #tpu.memory_space<vmem>>, vector<16xf32>,
          %parallel_loop3A_1226 = arith.subf %parallel_loop3A_1225, %parallel_loop3A_924 : vector<16xf32>
          %parallel_loop3A_1227 = vector.broadcast %squeeze3A_40 : f32 to vector<16xf32>
          %parallel_loop3A_1228 = arith.mulf %parallel_loop3A_967, %parallel_loop3A_1227 : vector<16xf32>
          %parallel_loop3A_1229 = arith.mulf %parallel_loop3A_1226, %parallel_loop3A_1228 : vector<16xf32>
          %parallel_loop3A_1230 = vector.broadcast %squeeze3A_104 : f32 to vector<16xf32>
          %parallel_loop3A_1231 = arith.addf %parallel_loop3A_1229, %parallel_loop3A_1230 : vector<16xf32>
          %parallel_loop3A_1232 = arith.constant 0 : i32
          %parallel_loop3A_1233 = arith.constant 14 : i32
          %parallel_loop3A_1234 = arith.index_cast %parallel_loop3A_1232 : i32 to index
          %parallel_loop3A_1235 = arith.index_cast %parallel_loop3A_1233 : i32 to index
          %parallel_loop3A_1236 = arith.index_cast %parallel_loop3A_635 : i32 to index
          %parallel_loop3A_1237 = tpu.vector_load %run_scoped3A_3[%parallel_loop3A_1234, %parallel_loop3A_1235, %parallel_loop3A_1236] {strides = array<i32>} : memref<2x32x512xf32, #tpu.memory_space<vmem>>, vector<16xf32>,
          tpu.vector_store %run_scoped3A_3[%parallel_loop3A_1234, %parallel_loop3A_1235, %parallel_loop3A_1236], %parallel_loop3A_1231 {strides = array<i32>} : memref<2x32x512xf32, #tpu.memory_space<vmem>>, vector<16xf32>,
          %parallel_loop3A_1238 = arith.constant 0 : i32
          %parallel_loop3A_1239 = arith.constant 15 : i32
          %parallel_loop3A_1240 = arith.index_cast %parallel_loop3A_1238 : i32 to index
          %parallel_loop3A_1241 = arith.index_cast %parallel_loop3A_1239 : i32 to index
          %parallel_loop3A_1242 = arith.index_cast %parallel_loop3A_635 : i32 to index
          %parallel_loop3A_1243 = tpu.vector_load %run_scoped3A[%parallel_loop3A_1240, %parallel_loop3A_1241, %parallel_loop3A_1242] {strides = array<i32>} : memref<2x32x512xf32, #tpu.memory_space<vmem>>, vector<16xf32>,
          %parallel_loop3A_1244 = arith.subf %parallel_loop3A_1243, %parallel_loop3A_924 : vector<16xf32>
          %parallel_loop3A_1245 = vector.broadcast %squeeze3A_42 : f32 to vector<16xf32>
          %parallel_loop3A_1246 = arith.mulf %parallel_loop3A_967, %parallel_loop3A_1245 : vector<16xf32>
          %parallel_loop3A_1247 = arith.mulf %parallel_loop3A_1244, %parallel_loop3A_1246 : vector<16xf32>
          %parallel_loop3A_1248 = vector.broadcast %squeeze3A_106 : f32 to vector<16xf32>
          %parallel_loop3A_1249 = arith.addf %parallel_loop3A_1247, %parallel_loop3A_1248 : vector<16xf32>
          %parallel_loop3A_1250 = arith.constant 0 : i32
          %parallel_loop3A_1251 = arith.constant 15 : i32
          %parallel_loop3A_1252 = arith.index_cast %parallel_loop3A_1250 : i32 to index
          %parallel_loop3A_1253 = arith.index_cast %parallel_loop3A_1251 : i32 to index
          %parallel_loop3A_1254 = arith.index_cast %parallel_loop3A_635 : i32 to index
          %parallel_loop3A_1255 = tpu.vector_load %run_scoped3A_3[%parallel_loop3A_1252, %parallel_loop3A_1253, %parallel_loop3A_1254] {strides = array<i32>} : memref<2x32x512xf32, #tpu.memory_space<vmem>>, vector<16xf32>,
          tpu.vector_store %run_scoped3A_3[%parallel_loop3A_1252, %parallel_loop3A_1253, %parallel_loop3A_1254], %parallel_loop3A_1249 {strides = array<i32>} : memref<2x32x512xf32, #tpu.memory_space<vmem>>, vector<16xf32>,
          %parallel_loop3A_1256 = arith.constant 0 : i32
          %parallel_loop3A_1257 = arith.constant 16 : i32
          %parallel_loop3A_1258 = arith.index_cast %parallel_loop3A_1256 : i32 to index
          %parallel_loop3A_1259 = arith.index_cast %parallel_loop3A_1257 : i32 to index
          %parallel_loop3A_1260 = arith.index_cast %parallel_loop3A_635 : i32 to index
          %parallel_loop3A_1261 = tpu.vector_load %run_scoped3A[%parallel_loop3A_1258, %parallel_loop3A_1259, %parallel_loop3A_1260] {strides = array<i32>} : memref<2x32x512xf32, #tpu.memory_space<vmem>>, vector<16xf32>,
          %parallel_loop3A_1262 = arith.subf %parallel_loop3A_1261, %parallel_loop3A_924 : vector<16xf32>
          %parallel_loop3A_1263 = vector.broadcast %squeeze3A_44 : f32 to vector<16xf32>
          %parallel_loop3A_1264 = arith.mulf %parallel_loop3A_967, %parallel_loop3A_1263 : vector<16xf32>
          %parallel_loop3A_1265 = arith.mulf %parallel_loop3A_1262, %parallel_loop3A_1264 : vector<16xf32>
          %parallel_loop3A_1266 = vector.broadcast %squeeze3A_108 : f32 to vector<16xf32>
          %parallel_loop3A_1267 = arith.addf %parallel_loop3A_1265, %parallel_loop3A_1266 : vector<16xf32>
          %parallel_loop3A_1268 = arith.constant 0 : i32
          %parallel_loop3A_1269 = arith.constant 16 : i32
          %parallel_loop3A_1270 = arith.index_cast %parallel_loop3A_1268 : i32 to index
          %parallel_loop3A_1271 = arith.index_cast %parallel_loop3A_1269 : i32 to index
          %parallel_loop3A_1272 = arith.index_cast %parallel_loop3A_635 : i32 to index
          %parallel_loop3A_1273 = tpu.vector_load %run_scoped3A_3[%parallel_loop3A_1270, %parallel_loop3A_1271, %parallel_loop3A_1272] {strides = array<i32>} : memref<2x32x512xf32, #tpu.memory_space<vmem>>, vector<16xf32>,
          tpu.vector_store %run_scoped3A_3[%parallel_loop3A_1270, %parallel_loop3A_1271, %parallel_loop3A_1272], %parallel_loop3A_1267 {strides = array<i32>} : memref<2x32x512xf32, #tpu.memory_space<vmem>>, vector<16xf32>,
          %parallel_loop3A_1274 = arith.constant 0 : i32
          %parallel_loop3A_1275 = arith.constant 17 : i32
          %parallel_loop3A_1276 = arith.index_cast %parallel_loop3A_1274 : i32 to index
          %parallel_loop3A_1277 = arith.index_cast %parallel_loop3A_1275 : i32 to index
          %parallel_loop3A_1278 = arith.index_cast %parallel_loop3A_635 : i32 to index
          %parallel_loop3A_1279 = tpu.vector_load %run_scoped3A[%parallel_loop3A_1276, %parallel_loop3A_1277, %parallel_loop3A_1278] {strides = array<i32>} : memref<2x32x512xf32, #tpu.memory_space<vmem>>, vector<16xf32>,
          %parallel_loop3A_1280 = arith.subf %parallel_loop3A_1279, %parallel_loop3A_924 : vector<16xf32>
          %parallel_loop3A_1281 = vector.broadcast %squeeze3A_46 : f32 to vector<16xf32>
          %parallel_loop3A_1282 = arith.mulf %parallel_loop3A_967, %parallel_loop3A_1281 : vector<16xf32>
          %parallel_loop3A_1283 = arith.mulf %parallel_loop3A_1280, %parallel_loop3A_1282 : vector<16xf32>
          %parallel_loop3A_1284 = vector.broadcast %squeeze3A_110 : f32 to vector<16xf32>
          %parallel_loop3A_1285 = arith.addf %parallel_loop3A_1283, %parallel_loop3A_1284 : vector<16xf32>
          %parallel_loop3A_1286 = arith.constant 0 : i32
          %parallel_loop3A_1287 = arith.constant 17 : i32
          %parallel_loop3A_1288 = arith.index_cast %parallel_loop3A_1286 : i32 to index
          %parallel_loop3A_1289 = arith.index_cast %parallel_loop3A_1287 : i32 to index
          %parallel_loop3A_1290 = arith.index_cast %parallel_loop3A_635 : i32 to index
          %parallel_loop3A_1291 = tpu.vector_load %run_scoped3A_3[%parallel_loop3A_1288, %parallel_loop3A_1289, %parallel_loop3A_1290] {strides = array<i32>} : memref<2x32x512xf32, #tpu.memory_space<vmem>>, vector<16xf32>,
          tpu.vector_store %run_scoped3A_3[%parallel_loop3A_1288, %parallel_loop3A_1289, %parallel_loop3A_1290], %parallel_loop3A_1285 {strides = array<i32>} : memref<2x32x512xf32, #tpu.memory_space<vmem>>, vector<16xf32>,
          %parallel_loop3A_1292 = arith.constant 0 : i32
          %parallel_loop3A_1293 = arith.constant 18 : i32
          %parallel_loop3A_1294 = arith.index_cast %parallel_loop3A_1292 : i32 to index
          %parallel_loop3A_1295 = arith.index_cast %parallel_loop3A_1293 : i32 to index
          %parallel_loop3A_1296 = arith.index_cast %parallel_loop3A_635 : i32 to index
          %parallel_loop3A_1297 = tpu.vector_load %run_scoped3A[%parallel_loop3A_1294, %parallel_loop3A_1295, %parallel_loop3A_1296] {strides = array<i32>} : memref<2x32x512xf32, #tpu.memory_space<vmem>>, vector<16xf32>,
          %parallel_loop3A_1298 = arith.subf %parallel_loop3A_1297, %parallel_loop3A_924 : vector<16xf32>
          %parallel_loop3A_1299 = vector.broadcast %squeeze3A_48 : f32 to vector<16xf32>
          %parallel_loop3A_1300 = arith.mulf %parallel_loop3A_967, %parallel_loop3A_1299 : vector<16xf32>
          %parallel_loop3A_1301 = arith.mulf %parallel_loop3A_1298, %parallel_loop3A_1300 : vector<16xf32>
          %parallel_loop3A_1302 = vector.broadcast %squeeze3A_112 : f32 to vector<16xf32>
          %parallel_loop3A_1303 = arith.addf %parallel_loop3A_1301, %parallel_loop3A_1302 : vector<16xf32>
          %parallel_loop3A_1304 = arith.constant 0 : i32
          %parallel_loop3A_1305 = arith.constant 18 : i32
          %parallel_loop3A_1306 = arith.index_cast %parallel_loop3A_1304 : i32 to index
          %parallel_loop3A_1307 = arith.index_cast %parallel_loop3A_1305 : i32 to index
          %parallel_loop3A_1308 = arith.index_cast %parallel_loop3A_635 : i32 to index
          %parallel_loop3A_1309 = tpu.vector_load %run_scoped3A_3[%parallel_loop3A_1306, %parallel_loop3A_1307, %parallel_loop3A_1308] {strides = array<i32>} : memref<2x32x512xf32, #tpu.memory_space<vmem>>, vector<16xf32>,
          tpu.vector_store %run_scoped3A_3[%parallel_loop3A_1306, %parallel_loop3A_1307, %parallel_loop3A_1308], %parallel_loop3A_1303 {strides = array<i32>} : memref<2x32x512xf32, #tpu.memory_space<vmem>>, vector<16xf32>,
          %parallel_loop3A_1310 = arith.constant 0 : i32
          %parallel_loop3A_1311 = arith.constant 19 : i32
          %parallel_loop3A_1312 = arith.index_cast %parallel_loop3A_1310 : i32 to index
          %parallel_loop3A_1313 = arith.index_cast %parallel_loop3A_1311 : i32 to index
          %parallel_loop3A_1314 = arith.index_cast %parallel_loop3A_635 : i32 to index
          %parallel_loop3A_1315 = tpu.vector_load %run_scoped3A[%parallel_loop3A_1312, %parallel_loop3A_1313, %parallel_loop3A_1314] {strides = array<i32>} : memref<2x32x512xf32, #tpu.memory_space<vmem>>, vector<16xf32>,
          %parallel_loop3A_1316 = arith.subf %parallel_loop3A_1315, %parallel_loop3A_924 : vector<16xf32>
          %parallel_loop3A_1317 = vector.broadcast %squeeze3A_50 : f32 to vector<16xf32>
          %parallel_loop3A_1318 = arith.mulf %parallel_loop3A_967, %parallel_loop3A_1317 : vector<16xf32>
          %parallel_loop3A_1319 = arith.mulf %parallel_loop3A_1316, %parallel_loop3A_1318 : vector<16xf32>
          %parallel_loop3A_1320 = vector.broadcast %squeeze3A_114 : f32 to vector<16xf32>
          %parallel_loop3A_1321 = arith.addf %parallel_loop3A_1319, %parallel_loop3A_1320 : vector<16xf32>
          %parallel_loop3A_1322 = arith.constant 0 : i32
          %parallel_loop3A_1323 = arith.constant 19 : i32
          %parallel_loop3A_1324 = arith.index_cast %parallel_loop3A_1322 : i32 to index
          %parallel_loop3A_1325 = arith.index_cast %parallel_loop3A_1323 : i32 to index
          %parallel_loop3A_1326 = arith.index_cast %parallel_loop3A_635 : i32 to index
          %parallel_loop3A_1327 = tpu.vector_load %run_scoped3A_3[%parallel_loop3A_1324, %parallel_loop3A_1325, %parallel_loop3A_1326] {strides = array<i32>} : memref<2x32x512xf32, #tpu.memory_space<vmem>>, vector<16xf32>,
          tpu.vector_store %run_scoped3A_3[%parallel_loop3A_1324, %parallel_loop3A_1325, %parallel_loop3A_1326], %parallel_loop3A_1321 {strides = array<i32>} : memref<2x32x512xf32, #tpu.memory_space<vmem>>, vector<16xf32>,
          %parallel_loop3A_1328 = arith.constant 0 : i32
          %parallel_loop3A_1329 = arith.constant 20 : i32
          %parallel_loop3A_1330 = arith.index_cast %parallel_loop3A_1328 : i32 to index
          %parallel_loop3A_1331 = arith.index_cast %parallel_loop3A_1329 : i32 to index
          %parallel_loop3A_1332 = arith.index_cast %parallel_loop3A_635 : i32 to index
          %parallel_loop3A_1333 = tpu.vector_load %run_scoped3A[%parallel_loop3A_1330, %parallel_loop3A_1331, %parallel_loop3A_1332] {strides = array<i32>} : memref<2x32x512xf32, #tpu.memory_space<vmem>>, vector<16xf32>,
          %parallel_loop3A_1334 = arith.subf %parallel_loop3A_1333, %parallel_loop3A_924 : vector<16xf32>
          %parallel_loop3A_1335 = vector.broadcast %squeeze3A_52 : f32 to vector<16xf32>
          %parallel_loop3A_1336 = arith.mulf %parallel_loop3A_967, %parallel_loop3A_1335 : vector<16xf32>
          %parallel_loop3A_1337 = arith.mulf %parallel_loop3A_1334, %parallel_loop3A_1336 : vector<16xf32>
          %parallel_loop3A_1338 = vector.broadcast %squeeze3A_116 : f32 to vector<16xf32>
          %parallel_loop3A_1339 = arith.addf %parallel_loop3A_1337, %parallel_loop3A_1338 : vector<16xf32>
          %parallel_loop3A_1340 = arith.constant 0 : i32
          %parallel_loop3A_1341 = arith.constant 20 : i32
          %parallel_loop3A_1342 = arith.index_cast %parallel_loop3A_1340 : i32 to index
          %parallel_loop3A_1343 = arith.index_cast %parallel_loop3A_1341 : i32 to index
          %parallel_loop3A_1344 = arith.index_cast %parallel_loop3A_635 : i32 to index
          %parallel_loop3A_1345 = tpu.vector_load %run_scoped3A_3[%parallel_loop3A_1342, %parallel_loop3A_1343, %parallel_loop3A_1344] {strides = array<i32>} : memref<2x32x512xf32, #tpu.memory_space<vmem>>, vector<16xf32>,
          tpu.vector_store %run_scoped3A_3[%parallel_loop3A_1342, %parallel_loop3A_1343, %parallel_loop3A_1344], %parallel_loop3A_1339 {strides = array<i32>} : memref<2x32x512xf32, #tpu.memory_space<vmem>>, vector<16xf32>,
          %parallel_loop3A_1346 = arith.constant 0 : i32
          %parallel_loop3A_1347 = arith.constant 21 : i32
          %parallel_loop3A_1348 = arith.index_cast %parallel_loop3A_1346 : i32 to index
          %parallel_loop3A_1349 = arith.index_cast %parallel_loop3A_1347 : i32 to index
          %parallel_loop3A_1350 = arith.index_cast %parallel_loop3A_635 : i32 to index
          %parallel_loop3A_1351 = tpu.vector_load %run_scoped3A[%parallel_loop3A_1348, %parallel_loop3A_1349, %parallel_loop3A_1350] {strides = array<i32>} : memref<2x32x512xf32, #tpu.memory_space<vmem>>, vector<16xf32>,
          %parallel_loop3A_1352 = arith.subf %parallel_loop3A_1351, %parallel_loop3A_924 : vector<16xf32>
          %parallel_loop3A_1353 = vector.broadcast %squeeze3A_54 : f32 to vector<16xf32>
          %parallel_loop3A_1354 = arith.mulf %parallel_loop3A_967, %parallel_loop3A_1353 : vector<16xf32>
          %parallel_loop3A_1355 = arith.mulf %parallel_loop3A_1352, %parallel_loop3A_1354 : vector<16xf32>
          %parallel_loop3A_1356 = vector.broadcast %squeeze3A_118 : f32 to vector<16xf32>
          %parallel_loop3A_1357 = arith.addf %parallel_loop3A_1355, %parallel_loop3A_1356 : vector<16xf32>
          %parallel_loop3A_1358 = arith.constant 0 : i32
          %parallel_loop3A_1359 = arith.constant 21 : i32
          %parallel_loop3A_1360 = arith.index_cast %parallel_loop3A_1358 : i32 to index
          %parallel_loop3A_1361 = arith.index_cast %parallel_loop3A_1359 : i32 to index
          %parallel_loop3A_1362 = arith.index_cast %parallel_loop3A_635 : i32 to index
          %parallel_loop3A_1363 = tpu.vector_load %run_scoped3A_3[%parallel_loop3A_1360, %parallel_loop3A_1361, %parallel_loop3A_1362] {strides = array<i32>} : memref<2x32x512xf32, #tpu.memory_space<vmem>>, vector<16xf32>,
          tpu.vector_store %run_scoped3A_3[%parallel_loop3A_1360, %parallel_loop3A_1361, %parallel_loop3A_1362], %parallel_loop3A_1357 {strides = array<i32>} : memref<2x32x512xf32, #tpu.memory_space<vmem>>, vector<16xf32>,
          %parallel_loop3A_1364 = arith.constant 0 : i32
          %parallel_loop3A_1365 = arith.constant 22 : i32
          %parallel_loop3A_1366 = arith.index_cast %parallel_loop3A_1364 : i32 to index
          %parallel_loop3A_1367 = arith.index_cast %parallel_loop3A_1365 : i32 to index
          %parallel_loop3A_1368 = arith.index_cast %parallel_loop3A_635 : i32 to index
          %parallel_loop3A_1369 = tpu.vector_load %run_scoped3A[%parallel_loop3A_1366, %parallel_loop3A_1367, %parallel_loop3A_1368] {strides = array<i32>} : memref<2x32x512xf32, #tpu.memory_space<vmem>>, vector<16xf32>,
          %parallel_loop3A_1370 = arith.subf %parallel_loop3A_1369, %parallel_loop3A_924 : vector<16xf32>
          %parallel_loop3A_1371 = vector.broadcast %squeeze3A_56 : f32 to vector<16xf32>
          %parallel_loop3A_1372 = arith.mulf %parallel_loop3A_967, %parallel_loop3A_1371 : vector<16xf32>
          %parallel_loop3A_1373 = arith.mulf %parallel_loop3A_1370, %parallel_loop3A_1372 : vector<16xf32>
          %parallel_loop3A_1374 = vector.broadcast %squeeze3A_120 : f32 to vector<16xf32>
          %parallel_loop3A_1375 = arith.addf %parallel_loop3A_1373, %parallel_loop3A_1374 : vector<16xf32>
          %parallel_loop3A_1376 = arith.constant 0 : i32
          %parallel_loop3A_1377 = arith.constant 22 : i32
          %parallel_loop3A_1378 = arith.index_cast %parallel_loop3A_1376 : i32 to index
          %parallel_loop3A_1379 = arith.index_cast %parallel_loop3A_1377 : i32 to index
          %parallel_loop3A_1380 = arith.index_cast %parallel_loop3A_635 : i32 to index
          %parallel_loop3A_1381 = tpu.vector_load %run_scoped3A_3[%parallel_loop3A_1378, %parallel_loop3A_1379, %parallel_loop3A_1380] {strides = array<i32>} : memref<2x32x512xf32, #tpu.memory_space<vmem>>, vector<16xf32>,
          tpu.vector_store %run_scoped3A_3[%parallel_loop3A_1378, %parallel_loop3A_1379, %parallel_loop3A_1380], %parallel_loop3A_1375 {strides = array<i32>} : memref<2x32x512xf32, #tpu.memory_space<vmem>>, vector<16xf32>,
          %parallel_loop3A_1382 = arith.constant 0 : i32
          %parallel_loop3A_1383 = arith.constant 23 : i32
          %parallel_loop3A_1384 = arith.index_cast %parallel_loop3A_1382 : i32 to index
          %parallel_loop3A_1385 = arith.index_cast %parallel_loop3A_1383 : i32 to index
          %parallel_loop3A_1386 = arith.index_cast %parallel_loop3A_635 : i32 to index
          %parallel_loop3A_1387 = tpu.vector_load %run_scoped3A[%parallel_loop3A_1384, %parallel_loop3A_1385, %parallel_loop3A_1386] {strides = array<i32>} : memref<2x32x512xf32, #tpu.memory_space<vmem>>, vector<16xf32>,
          %parallel_loop3A_1388 = arith.subf %parallel_loop3A_1387, %parallel_loop3A_924 : vector<16xf32>
          %parallel_loop3A_1389 = vector.broadcast %squeeze3A_58 : f32 to vector<16xf32>
          %parallel_loop3A_1390 = arith.mulf %parallel_loop3A_967, %parallel_loop3A_1389 : vector<16xf32>
          %parallel_loop3A_1391 = arith.mulf %parallel_loop3A_1388, %parallel_loop3A_1390 : vector<16xf32>
          %parallel_loop3A_1392 = vector.broadcast %squeeze3A_122 : f32 to vector<16xf32>
          %parallel_loop3A_1393 = arith.addf %parallel_loop3A_1391, %parallel_loop3A_1392 : vector<16xf32>
          %parallel_loop3A_1394 = arith.constant 0 : i32
          %parallel_loop3A_1395 = arith.constant 23 : i32
          %parallel_loop3A_1396 = arith.index_cast %parallel_loop3A_1394 : i32 to index
          %parallel_loop3A_1397 = arith.index_cast %parallel_loop3A_1395 : i32 to index
          %parallel_loop3A_1398 = arith.index_cast %parallel_loop3A_635 : i32 to index
          %parallel_loop3A_1399 = tpu.vector_load %run_scoped3A_3[%parallel_loop3A_1396, %parallel_loop3A_1397, %parallel_loop3A_1398] {strides = array<i32>} : memref<2x32x512xf32, #tpu.memory_space<vmem>>, vector<16xf32>,
          tpu.vector_store %run_scoped3A_3[%parallel_loop3A_1396, %parallel_loop3A_1397, %parallel_loop3A_1398], %parallel_loop3A_1393 {strides = array<i32>} : memref<2x32x512xf32, #tpu.memory_space<vmem>>, vector<16xf32>,
          %parallel_loop3A_1400 = arith.constant 0 : i32
          %parallel_loop3A_1401 = arith.constant 24 : i32
          %parallel_loop3A_1402 = arith.index_cast %parallel_loop3A_1400 : i32 to index
          %parallel_loop3A_1403 = arith.index_cast %parallel_loop3A_1401 : i32 to index
          %parallel_loop3A_1404 = arith.index_cast %parallel_loop3A_635 : i32 to index
          %parallel_loop3A_1405 = tpu.vector_load %run_scoped3A[%parallel_loop3A_1402, %parallel_loop3A_1403, %parallel_loop3A_1404] {strides = array<i32>} : memref<2x32x512xf32, #tpu.memory_space<vmem>>, vector<16xf32>,
          %parallel_loop3A_1406 = arith.subf %parallel_loop3A_1405, %parallel_loop3A_924 : vector<16xf32>
          %parallel_loop3A_1407 = vector.broadcast %squeeze3A_60 : f32 to vector<16xf32>
          %parallel_loop3A_1408 = arith.mulf %parallel_loop3A_967, %parallel_loop3A_1407 : vector<16xf32>
          %parallel_loop3A_1409 = arith.mulf %parallel_loop3A_1406, %parallel_loop3A_1408 : vector<16xf32>
          %parallel_loop3A_1410 = vector.broadcast %squeeze3A_124 : f32 to vector<16xf32>
          %parallel_loop3A_1411 = arith.addf %parallel_loop3A_1409, %parallel_loop3A_1410 : vector<16xf32>
          %parallel_loop3A_1412 = arith.constant 0 : i32
          %parallel_loop3A_1413 = arith.constant 24 : i32
          %parallel_loop3A_1414 = arith.index_cast %parallel_loop3A_1412 : i32 to index
          %parallel_loop3A_1415 = arith.index_cast %parallel_loop3A_1413 : i32 to index
          %parallel_loop3A_1416 = arith.index_cast %parallel_loop3A_635 : i32 to index
          %parallel_loop3A_1417 = tpu.vector_load %run_scoped3A_3[%parallel_loop3A_1414, %parallel_loop3A_1415, %parallel_loop3A_1416] {strides = array<i32>} : memref<2x32x512xf32, #tpu.memory_space<vmem>>, vector<16xf32>,
          tpu.vector_store %run_scoped3A_3[%parallel_loop3A_1414, %parallel_loop3A_1415, %parallel_loop3A_1416], %parallel_loop3A_1411 {strides = array<i32>} : memref<2x32x512xf32, #tpu.memory_space<vmem>>, vector<16xf32>,
          %parallel_loop3A_1418 = arith.constant 0 : i32
          %parallel_loop3A_1419 = arith.constant 25 : i32
          %parallel_loop3A_1420 = arith.index_cast %parallel_loop3A_1418 : i32 to index
          %parallel_loop3A_1421 = arith.index_cast %parallel_loop3A_1419 : i32 to index
          %parallel_loop3A_1422 = arith.index_cast %parallel_loop3A_635 : i32 to index
          %parallel_loop3A_1423 = tpu.vector_load %run_scoped3A[%parallel_loop3A_1420, %parallel_loop3A_1421, %parallel_loop3A_1422] {strides = array<i32>} : memref<2x32x512xf32, #tpu.memory_space<vmem>>, vector<16xf32>,
          %parallel_loop3A_1424 = arith.subf %parallel_loop3A_1423, %parallel_loop3A_924 : vector<16xf32>
          %parallel_loop3A_1425 = vector.broadcast %squeeze3A_62 : f32 to vector<16xf32>
          %parallel_loop3A_1426 = arith.mulf %parallel_loop3A_967, %parallel_loop3A_1425 : vector<16xf32>
          %parallel_loop3A_1427 = arith.mulf %parallel_loop3A_1424, %parallel_loop3A_1426 : vector<16xf32>
          %parallel_loop3A_1428 = vector.broadcast %squeeze3A_126 : f32 to vector<16xf32>
          %parallel_loop3A_1429 = arith.addf %parallel_loop3A_1427, %parallel_loop3A_1428 : vector<16xf32>
          %parallel_loop3A_1430 = arith.constant 0 : i32
          %parallel_loop3A_1431 = arith.constant 25 : i32
          %parallel_loop3A_1432 = arith.index_cast %parallel_loop3A_1430 : i32 to index
          %parallel_loop3A_1433 = arith.index_cast %parallel_loop3A_1431 : i32 to index
          %parallel_loop3A_1434 = arith.index_cast %parallel_loop3A_635 : i32 to index
          %parallel_loop3A_1435 = tpu.vector_load %run_scoped3A_3[%parallel_loop3A_1432, %parallel_loop3A_1433, %parallel_loop3A_1434] {strides = array<i32>} : memref<2x32x512xf32, #tpu.memory_space<vmem>>, vector<16xf32>,
          tpu.vector_store %run_scoped3A_3[%parallel_loop3A_1432, %parallel_loop3A_1433, %parallel_loop3A_1434], %parallel_loop3A_1429 {strides = array<i32>} : memref<2x32x512xf32, #tpu.memory_space<vmem>>, vector<16xf32>,
          %parallel_loop3A_1436 = arith.constant 0 : i32
          %parallel_loop3A_1437 = arith.constant 26 : i32
          %parallel_loop3A_1438 = arith.index_cast %parallel_loop3A_1436 : i32 to index
          %parallel_loop3A_1439 = arith.index_cast %parallel_loop3A_1437 : i32 to index
          %parallel_loop3A_1440 = arith.index_cast %parallel_loop3A_635 : i32 to index
          %parallel_loop3A_1441 = tpu.vector_load %run_scoped3A[%parallel_loop3A_1438, %parallel_loop3A_1439, %parallel_loop3A_1440] {strides = array<i32>} : memref<2x32x512xf32, #tpu.memory_space<vmem>>, vector<16xf32>,
          %parallel_loop3A_1442 = arith.subf %parallel_loop3A_1441, %parallel_loop3A_924 : vector<16xf32>
          %parallel_loop3A_1443 = vector.broadcast %squeeze3A_64 : f32 to vector<16xf32>
          %parallel_loop3A_1444 = arith.mulf %parallel_loop3A_967, %parallel_loop3A_1443 : vector<16xf32>
          %parallel_loop3A_1445 = arith.mulf %parallel_loop3A_1442, %parallel_loop3A_1444 : vector<16xf32>
          %parallel_loop3A_1446 = vector.broadcast %squeeze3A_128 : f32 to vector<16xf32>
          %parallel_loop3A_1447 = arith.addf %parallel_loop3A_1445, %parallel_loop3A_1446 : vector<16xf32>
          %parallel_loop3A_1448 = arith.constant 0 : i32
          %parallel_loop3A_1449 = arith.constant 26 : i32
          %parallel_loop3A_1450 = arith.index_cast %parallel_loop3A_1448 : i32 to index
          %parallel_loop3A_1451 = arith.index_cast %parallel_loop3A_1449 : i32 to index
          %parallel_loop3A_1452 = arith.index_cast %parallel_loop3A_635 : i32 to index
          %parallel_loop3A_1453 = tpu.vector_load %run_scoped3A_3[%parallel_loop3A_1450, %parallel_loop3A_1451, %parallel_loop3A_1452] {strides = array<i32>} : memref<2x32x512xf32, #tpu.memory_space<vmem>>, vector<16xf32>,
          tpu.vector_store %run_scoped3A_3[%parallel_loop3A_1450, %parallel_loop3A_1451, %parallel_loop3A_1452], %parallel_loop3A_1447 {strides = array<i32>} : memref<2x32x512xf32, #tpu.memory_space<vmem>>, vector<16xf32>,
          %parallel_loop3A_1454 = arith.constant 0 : i32
          %parallel_loop3A_1455 = arith.constant 27 : i32
          %parallel_loop3A_1456 = arith.index_cast %parallel_loop3A_1454 : i32 to index
          %parallel_loop3A_1457 = arith.index_cast %parallel_loop3A_1455 : i32 to index
          %parallel_loop3A_1458 = arith.index_cast %parallel_loop3A_635 : i32 to index
          %parallel_loop3A_1459 = tpu.vector_load %run_scoped3A[%parallel_loop3A_1456, %parallel_loop3A_1457, %parallel_loop3A_1458] {strides = array<i32>} : memref<2x32x512xf32, #tpu.memory_space<vmem>>, vector<16xf32>,
          %parallel_loop3A_1460 = arith.subf %parallel_loop3A_1459, %parallel_loop3A_924 : vector<16xf32>
          %parallel_loop3A_1461 = vector.broadcast %squeeze3A_66 : f32 to vector<16xf32>
          %parallel_loop3A_1462 = arith.mulf %parallel_loop3A_967, %parallel_loop3A_1461 : vector<16xf32>
          %parallel_loop3A_1463 = arith.mulf %parallel_loop3A_1460, %parallel_loop3A_1462 : vector<16xf32>
          %parallel_loop3A_1464 = vector.broadcast %squeeze3A_130 : f32 to vector<16xf32>
          %parallel_loop3A_1465 = arith.addf %parallel_loop3A_1463, %parallel_loop3A_1464 : vector<16xf32>
          %parallel_loop3A_1466 = arith.constant 0 : i32
          %parallel_loop3A_1467 = arith.constant 27 : i32
          %parallel_loop3A_1468 = arith.index_cast %parallel_loop3A_1466 : i32 to index
          %parallel_loop3A_1469 = arith.index_cast %parallel_loop3A_1467 : i32 to index
          %parallel_loop3A_1470 = arith.index_cast %parallel_loop3A_635 : i32 to index
          %parallel_loop3A_1471 = tpu.vector_load %run_scoped3A_3[%parallel_loop3A_1468, %parallel_loop3A_1469, %parallel_loop3A_1470] {strides = array<i32>} : memref<2x32x512xf32, #tpu.memory_space<vmem>>, vector<16xf32>,
          tpu.vector_store %run_scoped3A_3[%parallel_loop3A_1468, %parallel_loop3A_1469, %parallel_loop3A_1470], %parallel_loop3A_1465 {strides = array<i32>} : memref<2x32x512xf32, #tpu.memory_space<vmem>>, vector<16xf32>,
          %parallel_loop3A_1472 = arith.constant 0 : i32
          %parallel_loop3A_1473 = arith.constant 28 : i32
          %parallel_loop3A_1474 = arith.index_cast %parallel_loop3A_1472 : i32 to index
          %parallel_loop3A_1475 = arith.index_cast %parallel_loop3A_1473 : i32 to index
          %parallel_loop3A_1476 = arith.index_cast %parallel_loop3A_635 : i32 to index
          %parallel_loop3A_1477 = tpu.vector_load %run_scoped3A[%parallel_loop3A_1474, %parallel_loop3A_1475, %parallel_loop3A_1476] {strides = array<i32>} : memref<2x32x512xf32, #tpu.memory_space<vmem>>, vector<16xf32>,
          %parallel_loop3A_1478 = arith.subf %parallel_loop3A_1477, %parallel_loop3A_924 : vector<16xf32>
          %parallel_loop3A_1479 = vector.broadcast %squeeze3A_68 : f32 to vector<16xf32>
          %parallel_loop3A_1480 = arith.mulf %parallel_loop3A_967, %parallel_loop3A_1479 : vector<16xf32>
          %parallel_loop3A_1481 = arith.mulf %parallel_loop3A_1478, %parallel_loop3A_1480 : vector<16xf32>
          %parallel_loop3A_1482 = vector.broadcast %squeeze3A_132 : f32 to vector<16xf32>
          %parallel_loop3A_1483 = arith.addf %parallel_loop3A_1481, %parallel_loop3A_1482 : vector<16xf32>
          %parallel_loop3A_1484 = arith.constant 0 : i32
          %parallel_loop3A_1485 = arith.constant 28 : i32
          %parallel_loop3A_1486 = arith.index_cast %parallel_loop3A_1484 : i32 to index
          %parallel_loop3A_1487 = arith.index_cast %parallel_loop3A_1485 : i32 to index
          %parallel_loop3A_1488 = arith.index_cast %parallel_loop3A_635 : i32 to index
          %parallel_loop3A_1489 = tpu.vector_load %run_scoped3A_3[%parallel_loop3A_1486, %parallel_loop3A_1487, %parallel_loop3A_1488] {strides = array<i32>} : memref<2x32x512xf32, #tpu.memory_space<vmem>>, vector<16xf32>,
          tpu.vector_store %run_scoped3A_3[%parallel_loop3A_1486, %parallel_loop3A_1487, %parallel_loop3A_1488], %parallel_loop3A_1483 {strides = array<i32>} : memref<2x32x512xf32, #tpu.memory_space<vmem>>, vector<16xf32>,
          %parallel_loop3A_1490 = arith.constant 0 : i32
          %parallel_loop3A_1491 = arith.constant 29 : i32
          %parallel_loop3A_1492 = arith.index_cast %parallel_loop3A_1490 : i32 to index
          %parallel_loop3A_1493 = arith.index_cast %parallel_loop3A_1491 : i32 to index
          %parallel_loop3A_1494 = arith.index_cast %parallel_loop3A_635 : i32 to index
          %parallel_loop3A_1495 = tpu.vector_load %run_scoped3A[%parallel_loop3A_1492, %parallel_loop3A_1493, %parallel_loop3A_1494] {strides = array<i32>} : memref<2x32x512xf32, #tpu.memory_space<vmem>>, vector<16xf32>,
          %parallel_loop3A_1496 = arith.subf %parallel_loop3A_1495, %parallel_loop3A_924 : vector<16xf32>
          %parallel_loop3A_1497 = vector.broadcast %squeeze3A_70 : f32 to vector<16xf32>
          %parallel_loop3A_1498 = arith.mulf %parallel_loop3A_967, %parallel_loop3A_1497 : vector<16xf32>
          %parallel_loop3A_1499 = arith.mulf %parallel_loop3A_1496, %parallel_loop3A_1498 : vector<16xf32>
          %parallel_loop3A_1500 = vector.broadcast %squeeze3A_134 : f32 to vector<16xf32>
          %parallel_loop3A_1501 = arith.addf %parallel_loop3A_1499, %parallel_loop3A_1500 : vector<16xf32>
          %parallel_loop3A_1502 = arith.constant 0 : i32
          %parallel_loop3A_1503 = arith.constant 29 : i32
          %parallel_loop3A_1504 = arith.index_cast %parallel_loop3A_1502 : i32 to index
          %parallel_loop3A_1505 = arith.index_cast %parallel_loop3A_1503 : i32 to index
          %parallel_loop3A_1506 = arith.index_cast %parallel_loop3A_635 : i32 to index
          %parallel_loop3A_1507 = tpu.vector_load %run_scoped3A_3[%parallel_loop3A_1504, %parallel_loop3A_1505, %parallel_loop3A_1506] {strides = array<i32>} : memref<2x32x512xf32, #tpu.memory_space<vmem>>, vector<16xf32>,
          tpu.vector_store %run_scoped3A_3[%parallel_loop3A_1504, %parallel_loop3A_1505, %parallel_loop3A_1506], %parallel_loop3A_1501 {strides = array<i32>} : memref<2x32x512xf32, #tpu.memory_space<vmem>>, vector<16xf32>,
          %parallel_loop3A_1508 = arith.constant 0 : i32
          %parallel_loop3A_1509 = arith.constant 30 : i32
          %parallel_loop3A_1510 = arith.index_cast %parallel_loop3A_1508 : i32 to index
          %parallel_loop3A_1511 = arith.index_cast %parallel_loop3A_1509 : i32 to index
          %parallel_loop3A_1512 = arith.index_cast %parallel_loop3A_635 : i32 to index
          %parallel_loop3A_1513 = tpu.vector_load %run_scoped3A[%parallel_loop3A_1510, %parallel_loop3A_1511, %parallel_loop3A_1512] {strides = array<i32>} : memref<2x32x512xf32, #tpu.memory_space<vmem>>, vector<16xf32>,
          %parallel_loop3A_1514 = arith.subf %parallel_loop3A_1513, %parallel_loop3A_924 : vector<16xf32>
          %parallel_loop3A_1515 = vector.broadcast %squeeze3A_72 : f32 to vector<16xf32>
          %parallel_loop3A_1516 = arith.mulf %parallel_loop3A_967, %parallel_loop3A_1515 : vector<16xf32>
          %parallel_loop3A_1517 = arith.mulf %parallel_loop3A_1514, %parallel_loop3A_1516 : vector<16xf32>
          %parallel_loop3A_1518 = vector.broadcast %squeeze3A_136 : f32 to vector<16xf32>
          %parallel_loop3A_1519 = arith.addf %parallel_loop3A_1517, %parallel_loop3A_1518 : vector<16xf32>
          %parallel_loop3A_1520 = arith.constant 0 : i32
          %parallel_loop3A_1521 = arith.constant 30 : i32
          %parallel_loop3A_1522 = arith.index_cast %parallel_loop3A_1520 : i32 to index
          %parallel_loop3A_1523 = arith.index_cast %parallel_loop3A_1521 : i32 to index
          %parallel_loop3A_1524 = arith.index_cast %parallel_loop3A_635 : i32 to index
          %parallel_loop3A_1525 = tpu.vector_load %run_scoped3A_3[%parallel_loop3A_1522, %parallel_loop3A_1523, %parallel_loop3A_1524] {strides = array<i32>} : memref<2x32x512xf32, #tpu.memory_space<vmem>>, vector<16xf32>,
          tpu.vector_store %run_scoped3A_3[%parallel_loop3A_1522, %parallel_loop3A_1523, %parallel_loop3A_1524], %parallel_loop3A_1519 {strides = array<i32>} : memref<2x32x512xf32, #tpu.memory_space<vmem>>, vector<16xf32>,
          %parallel_loop3A_1526 = arith.constant 0 : i32
          %parallel_loop3A_1527 = arith.constant 31 : i32
          %parallel_loop3A_1528 = arith.index_cast %parallel_loop3A_1526 : i32 to index
          %parallel_loop3A_1529 = arith.index_cast %parallel_loop3A_1527 : i32 to index
          %parallel_loop3A_1530 = arith.index_cast %parallel_loop3A_635 : i32 to index
          %parallel_loop3A_1531 = tpu.vector_load %run_scoped3A[%parallel_loop3A_1528, %parallel_loop3A_1529, %parallel_loop3A_1530] {strides = array<i32>} : memref<2x32x512xf32, #tpu.memory_space<vmem>>, vector<16xf32>,
          %parallel_loop3A_1532 = arith.subf %parallel_loop3A_1531, %parallel_loop3A_924 : vector<16xf32>
          %parallel_loop3A_1533 = vector.broadcast %squeeze3A_74 : f32 to vector<16xf32>
          %parallel_loop3A_1534 = arith.mulf %parallel_loop3A_967, %parallel_loop3A_1533 : vector<16xf32>
          %parallel_loop3A_1535 = arith.mulf %parallel_loop3A_1532, %parallel_loop3A_1534 : vector<16xf32>
          %parallel_loop3A_1536 = vector.broadcast %squeeze3A_138 : f32 to vector<16xf32>
          %parallel_loop3A_1537 = arith.addf %parallel_loop3A_1535, %parallel_loop3A_1536 : vector<16xf32>
          %parallel_loop3A_1538 = arith.constant 0 : i32
          %parallel_loop3A_1539 = arith.constant 31 : i32
          %parallel_loop3A_1540 = arith.index_cast %parallel_loop3A_1538 : i32 to index
          %parallel_loop3A_1541 = arith.index_cast %parallel_loop3A_1539 : i32 to index
          %parallel_loop3A_1542 = arith.index_cast %parallel_loop3A_635 : i32 to index
          %parallel_loop3A_1543 = tpu.vector_load %run_scoped3A_3[%parallel_loop3A_1540, %parallel_loop3A_1541, %parallel_loop3A_1542] {strides = array<i32>} : memref<2x32x512xf32, #tpu.memory_space<vmem>>, vector<16xf32>,
          tpu.vector_store %run_scoped3A_3[%parallel_loop3A_1540, %parallel_loop3A_1541, %parallel_loop3A_1542], %parallel_loop3A_1537 {strides = array<i32>} : memref<2x32x512xf32, #tpu.memory_space<vmem>>, vector<16xf32>,
        } {sc.loop_unroll_factor = 4 : i64, sc.parallel_access}
        %jit3A_433 = arith.constant 32 : i32
        %div3A_434 = arith.divsi %add3A_370, %jit3A_433 : i32
        %sign3A_435 = arith.constant 0 : i32
        %sign3A_436 = arith.cmpi sgt, %add3A_370, %sign3A_435 : i32
        %sign3A_437 = arith.extui %sign3A_436 : i1 to i32
        %sign3A_438 = arith.constant 0 : i32
        %sign3A_439 = arith.cmpi slt, %add3A_370, %sign3A_438 : i32
        %sign3A_440 = arith.extui %sign3A_439 : i1 to i32
        %sign3A_441 = arith.subi %sign3A_437, %sign3A_440 : i32
        %sign3A_442 = arith.constant 0 : i32
        %sign3A_443 = arith.cmpi sgt, %jit3A_433, %sign3A_442 : i32
        %sign3A_444 = arith.extui %sign3A_443 : i1 to i32
        %sign3A_445 = arith.constant 0 : i32
        %sign3A_446 = arith.cmpi slt, %jit3A_433, %sign3A_445 : i32
        %sign3A_447 = arith.extui %sign3A_446 : i1 to i32
        %sign3A_448 = arith.subi %sign3A_444, %sign3A_447 : i32
        %ne3A_449 = arith.cmpi ne, %sign3A_441, %sign3A_448 : i32
        %rem3A_450 = arith.remsi %add3A_370, %jit3A_433 : i32
        %ne3A_451 = arith.constant 0 : i32
        %ne3A_452 = arith.cmpi ne, %rem3A_450, %ne3A_451 : i32
        %and3A_453 = arith.andi %ne3A_449, %ne3A_452 : i1
        %sub3A_454 = arith.constant 1 : i32
        %sub3A_455 = arith.subi %div3A_434, %sub3A_454 : i32
        %select_n3A_456 = arith.select %and3A_453, %sub3A_455, %div3A_434 : i32
        %jit3A_457 = arith.constant 32 : i32
        %eq3A_458 = arith.constant 0 : i32
        %eq3A_459 = arith.cmpi eq, %jit3A_457, %eq3A_458 : i32
        %jit3A_460 = arith.constant 1 : i32
        %select_n3A_461 = arith.select %eq3A_459, %jit3A_460, %jit3A_457 : i32
        %rem3A_462 = arith.remsi %add3A_370, %select_n3A_461 : i32
        %ne3A_463 = arith.constant 0 : i32
        %ne3A_464 = arith.cmpi ne, %rem3A_462, %ne3A_463 : i32
        %lt3A_465 = arith.constant 0 : i32
        %lt3A_466 = arith.cmpi slt, %rem3A_462, %lt3A_465 : i32
        %lt3A_467 = arith.constant 0 : i32
        %lt3A_468 = arith.cmpi slt, %select_n3A_461, %lt3A_467 : i32
        %ne3A_469 = arith.xori %lt3A_466, %lt3A_468 : i1
        %and3A_470 = arith.andi %ne3A_469, %ne3A_464 : i1
        %add3A_471 = arith.addi %rem3A_462, %select_n3A_461 : i32
        %select_n3A_472 = arith.select %and3A_470, %add3A_471, %rem3A_462 : i32
        %mul3A_473 = arith.constant 512 : i32
        %mul3A_474 = arith.muli %select_n3A_472, %mul3A_473 : i32
        %multiple_of3A_475 = tpu.assume_multiple %mul3A_474, 512 : i32
        %dma_start3A_476 = arith.constant 0 : i32
        %dma_start3A_477 = arith.constant 0 : i32
        %dma_start3A_478 = arith.constant 0 : i32
        %dma_start3A_479 = tpu.memref_slice %run_scoped3A_3[%dma_start3A_476, %dma_start3A_477, %dma_start3A_478] : memref<2x32x512xf32, #tpu.memory_space<vmem>> -> memref<1x32x512xf32, #tpu.memory_space<vmem>>
        %dma_start3A_480 = tpu.memref_squeeze %dma_start3A_479 : memref<1x32x512xf32, #tpu.memory_space<vmem>> -> memref<32x512xf32, #tpu.memory_space<vmem>>
        %dma_start3A_481 = arith.constant 0 : i32
        %dma_start3A_482 = tpu.memref_slice %arg7[%select_n3A_456, %dma_start3A_481, %multiple_of3A_475] : memref<26x32x16384xf32, #tpu.memory_space<hbm>> -> memref<1x32x512xf32, #tpu.memory_space<hbm>>
        %dma_start3A_483 = tpu.memref_squeeze %dma_start3A_482 : memref<1x32x512xf32, #tpu.memory_space<hbm>> -> memref<32x512xf32, #tpu.memory_space<hbm>>
        %dma_start3A_484 = arith.constant 0 : i32
        %dma_start3A_485 = tpu.memref_slice %arg7[%select_n3A_456, %dma_start3A_484, %multiple_of3A_475] : memref<26x32x16384xf32, #tpu.memory_space<hbm>> -> memref<1x32x512xf32, #tpu.memory_space<hbm>>
        %dma_start3A_486 = tpu.memref_squeeze %dma_start3A_485 : memref<1x32x512xf32, #tpu.memory_space<hbm>> -> memref<32x512xf32, #tpu.memory_space<hbm>>
        %dma_start3A_487 = arith.constant 0 : i32
        %dma_start3A_488 = arith.constant 0 : i32
        %dma_start3A_489 = tpu.memref_slice %run_scoped3A_3[%dma_start3A_476, %dma_start3A_487, %dma_start3A_488] : memref<2x32x512xf32, #tpu.memory_space<vmem>> -> memref<1x32x512xf32, #tpu.memory_space<vmem>>
        %dma_start3A_490 = tpu.memref_squeeze %dma_start3A_489 : memref<1x32x512xf32, #tpu.memory_space<vmem>> -> memref<32x512xf32, #tpu.memory_space<vmem>>
        tpu.enqueue_dma source(%dma_start3A_490 : memref<32x512xf32, #tpu.memory_space<vmem>>) target(%dma_start3A_486 : memref<32x512xf32, #tpu.memory_space<hbm>>) target_semaphore(%arg11 : memref<!tpu.dma_semaphore, #tpu.memory_space<semaphore_mem>>)
        %add3A_491 = arith.constant 2 : i32
        %add3A_492 = arith.addi %add3A_369, %add3A_491 : i32
        %lt3A_493 = arith.constant 26 : i32
        %lt3A_494 = arith.cmpi slt, %add3A_492, %lt3A_493 : i32
        %convert_element_type3A_495 = arith.extui %lt3A_494 : i1 to i32
        %cond3A_496 = arith.constant 0 : i32
        %cond3A_497 = arith.cmpi ne, %convert_element_type3A_495, %cond3A_496 : i32
        scf.if %cond3A_497 {
          %add3A_634 = arith.constant 2 : i32
          %add3A_635 = arith.addi %add3A_370, %add3A_634 : i32
          %jit3A_636 = arith.constant 32 : i32
          %div3A_637 = arith.divsi %add3A_635, %jit3A_636 : i32
          %sign3A_638 = arith.constant 0 : i32
          %sign3A_639 = arith.cmpi sgt, %add3A_635, %sign3A_638 : i32
          %sign3A_640 = arith.extui %sign3A_639 : i1 to i32
          %sign3A_641 = arith.constant 0 : i32
          %sign3A_642 = arith.cmpi slt, %add3A_635, %sign3A_641 : i32
          %sign3A_643 = arith.extui %sign3A_642 : i1 to i32
          %sign3A_644 = arith.subi %sign3A_640, %sign3A_643 : i32
          %sign3A_645 = arith.constant 0 : i32
          %sign3A_646 = arith.cmpi sgt, %jit3A_636, %sign3A_645 : i32
          %sign3A_647 = arith.extui %sign3A_646 : i1 to i32
          %sign3A_648 = arith.constant 0 : i32
          %sign3A_649 = arith.cmpi slt, %jit3A_636, %sign3A_648 : i32
          %sign3A_650 = arith.extui %sign3A_649 : i1 to i32
          %sign3A_651 = arith.subi %sign3A_647, %sign3A_650 : i32
          %ne3A_652 = arith.cmpi ne, %sign3A_644, %sign3A_651 : i32
          %rem3A_653 = arith.remsi %add3A_635, %jit3A_636 : i32
          %ne3A_654 = arith.constant 0 : i32
          %ne3A_655 = arith.cmpi ne, %rem3A_653, %ne3A_654 : i32
          %and3A_656 = arith.andi %ne3A_652, %ne3A_655 : i1
          %sub3A_657 = arith.constant 1 : i32
          %sub3A_658 = arith.subi %div3A_637, %sub3A_657 : i32
          %select_n3A_659 = arith.select %and3A_656, %sub3A_658, %div3A_637 : i32
          %jit3A_660 = arith.constant 32 : i32
          %eq3A_661 = arith.constant 0 : i32
          %eq3A_662 = arith.cmpi eq, %jit3A_660, %eq3A_661 : i32
          %jit3A_663 = arith.constant 1 : i32
          %select_n3A_664 = arith.select %eq3A_662, %jit3A_663, %jit3A_660 : i32
          %rem3A_665 = arith.remsi %add3A_635, %select_n3A_664 : i32
          %ne3A_666 = arith.constant 0 : i32
          %ne3A_667 = arith.cmpi ne, %rem3A_665, %ne3A_666 : i32
          %lt3A_668 = arith.constant 0 : i32
          %lt3A_669 = arith.cmpi slt, %rem3A_665, %lt3A_668 : i32
          %lt3A_670 = arith.constant 0 : i32
          %lt3A_671 = arith.cmpi slt, %select_n3A_664, %lt3A_670 : i32
          %ne3A_672 = arith.xori %lt3A_669, %lt3A_671 : i1
          %and3A_673 = arith.andi %ne3A_672, %ne3A_667 : i1
          %add3A_674 = arith.addi %rem3A_665, %select_n3A_664 : i32
          %select_n3A_675 = arith.select %and3A_673, %add3A_674, %rem3A_665 : i32
          %mul3A_676 = arith.constant 512 : i32
          %mul3A_677 = arith.muli %select_n3A_675, %mul3A_676 : i32
          %multiple_of3A_678 = tpu.assume_multiple %mul3A_677, 512 : i32
          %dma_start3A_679 = arith.constant 0 : i32
          %dma_start3A_680 = arith.constant 0 : i32
          %dma_start3A_681 = arith.constant 0 : i32
          %dma_start3A_682 = tpu.memref_slice %run_scoped3A[%dma_start3A_679, %dma_start3A_680, %dma_start3A_681] : memref<2x32x512xf32, #tpu.memory_space<vmem>> -> memref<1x32x512xf32, #tpu.memory_space<vmem>>
          %dma_start3A_683 = tpu.memref_squeeze %dma_start3A_682 : memref<1x32x512xf32, #tpu.memory_space<vmem>> -> memref<32x512xf32, #tpu.memory_space<vmem>>
          %dma_start3A_684 = arith.constant 0 : i32
          %dma_start3A_685 = tpu.memref_slice %arg7[%select_n3A_659, %dma_start3A_684, %multiple_of3A_678] : memref<26x32x16384xf32, #tpu.memory_space<hbm>> -> memref<1x32x512xf32, #tpu.memory_space<hbm>>
          %dma_start3A_686 = tpu.memref_squeeze %dma_start3A_685 : memref<1x32x512xf32, #tpu.memory_space<hbm>> -> memref<32x512xf32, #tpu.memory_space<hbm>>
          %dma_start3A_687 = arith.constant 0 : i32
          %dma_start3A_688 = arith.constant 0 : i32
          %dma_start3A_689 = tpu.memref_slice %run_scoped3A[%dma_start3A_679, %dma_start3A_687, %dma_start3A_688] : memref<2x32x512xf32, #tpu.memory_space<vmem>> -> memref<1x32x512xf32, #tpu.memory_space<vmem>>
          %dma_start3A_690 = tpu.memref_squeeze %dma_start3A_689 : memref<1x32x512xf32, #tpu.memory_space<vmem>> -> memref<32x512xf32, #tpu.memory_space<vmem>>
          %dma_start3A_691 = arith.constant 0 : i32
          %dma_start3A_692 = tpu.memref_slice %arg7[%select_n3A_659, %dma_start3A_691, %multiple_of3A_678] : memref<26x32x16384xf32, #tpu.memory_space<hbm>> -> memref<1x32x512xf32, #tpu.memory_space<hbm>>
          %dma_start3A_693 = tpu.memref_squeeze %dma_start3A_692 : memref<1x32x512xf32, #tpu.memory_space<hbm>> -> memref<32x512xf32, #tpu.memory_space<hbm>>
          tpu.enqueue_dma source(%dma_start3A_693 : memref<32x512xf32, #tpu.memory_space<hbm>>) target(%dma_start3A_690 : memref<32x512xf32, #tpu.memory_space<vmem>>) target_semaphore(%arg9 : memref<!tpu.dma_semaphore, #tpu.memory_space<semaphore_mem>>)
        } else {
        }
        %mul3A_498 = arith.constant 2 : i32
        %mul3A_499 = arith.muli %scan3A_365, %mul3A_498 : i32
        %add3A_500 = arith.constant 1 : i32
        %add3A_501 = arith.addi %mul3A_499, %add3A_500 : i32
        %add3A_502 = arith.addi %mul3A_2, %add3A_501 : i32
        %jit3A_503 = arith.constant 32 : i32
        %div3A_504 = arith.divsi %mul3A_2, %jit3A_503 : i32
        %sign3A_505 = arith.constant 0 : i32
        %sign3A_506 = arith.cmpi sgt, %mul3A_2, %sign3A_505 : i32
        %sign3A_507 = arith.extui %sign3A_506 : i1 to i32
        %sign3A_508 = arith.constant 0 : i32
        %sign3A_509 = arith.cmpi slt, %mul3A_2, %sign3A_508 : i32
        %sign3A_510 = arith.extui %sign3A_509 : i1 to i32
        %sign3A_511 = arith.subi %sign3A_507, %sign3A_510 : i32
        %sign3A_512 = arith.constant 0 : i32
        %sign3A_513 = arith.cmpi sgt, %jit3A_503, %sign3A_512 : i32
        %sign3A_514 = arith.extui %sign3A_513 : i1 to i32
        %sign3A_515 = arith.constant 0 : i32
        %sign3A_516 = arith.cmpi slt, %jit3A_503, %sign3A_515 : i32
        %sign3A_517 = arith.extui %sign3A_516 : i1 to i32
        %sign3A_518 = arith.subi %sign3A_514, %sign3A_517 : i32
        %ne3A_519 = arith.cmpi ne, %sign3A_511, %sign3A_518 : i32
        %rem3A_520 = arith.remsi %mul3A_2, %jit3A_503 : i32
        %ne3A_521 = arith.constant 0 : i32
        %ne3A_522 = arith.cmpi ne, %rem3A_520, %ne3A_521 : i32
        %and3A_523 = arith.andi %ne3A_519, %ne3A_522 : i1
        %sub3A_524 = arith.constant 1 : i32
        %sub3A_525 = arith.subi %div3A_504, %sub3A_524 : i32
        %select_n3A_526 = arith.select %and3A_523, %sub3A_525, %div3A_504 : i32
        %jit3A_527 = arith.constant 32 : i32
        %eq3A_528 = arith.constant 0 : i32
        %eq3A_529 = arith.cmpi eq, %jit3A_527, %eq3A_528 : i32
        %jit3A_530 = arith.constant 1 : i32
        %select_n3A_531 = arith.select %eq3A_529, %jit3A_530, %jit3A_527 : i32
        %rem3A_532 = arith.remsi %mul3A_2, %select_n3A_531 : i32
        %ne3A_533 = arith.constant 0 : i32
        %ne3A_534 = arith.cmpi ne, %rem3A_532, %ne3A_533 : i32
        %lt3A_535 = arith.constant 0 : i32
        %lt3A_536 = arith.cmpi slt, %rem3A_532, %lt3A_535 : i32
        %lt3A_537 = arith.constant 0 : i32
        %lt3A_538 = arith.cmpi slt, %select_n3A_531, %lt3A_537 : i32
        %ne3A_539 = arith.xori %lt3A_536, %lt3A_538 : i1
        %and3A_540 = arith.andi %ne3A_539, %ne3A_534 : i1
        %add3A_541 = arith.addi %rem3A_532, %select_n3A_531 : i32
        %select_n3A_542 = arith.select %and3A_540, %add3A_541, %rem3A_532 : i32
        %mul3A_543 = arith.constant 512 : i32
        %mul3A_544 = arith.muli %select_n3A_542, %mul3A_543 : i32
        %multiple_of3A_545 = tpu.assume_multiple %mul3A_544, 512 : i32
        %dma_wait3A_546 = arith.constant 1 : i32
        %dma_wait3A_547 = arith.constant 0 : i32
        %dma_wait3A_548 = arith.constant 0 : i32
        %dma_wait3A_549 = tpu.memref_slice %run_scoped3A[%dma_wait3A_546, %dma_wait3A_547, %dma_wait3A_548] : memref<2x32x512xf32, #tpu.memory_space<vmem>> -> memref<1x32x512xf32, #tpu.memory_space<vmem>>
        %dma_wait3A_550 = tpu.memref_squeeze %dma_wait3A_549 : memref<1x32x512xf32, #tpu.memory_space<vmem>> -> memref<32x512xf32, #tpu.memory_space<vmem>>
        %dma_wait3A_551 = arith.constant 0 : i32
        %dma_wait3A_552 = tpu.memref_slice %arg7[%select_n3A_526, %dma_wait3A_551, %multiple_of3A_545] : memref<26x32x16384xf32, #tpu.memory_space<hbm>> -> memref<1x32x512xf32, #tpu.memory_space<hbm>>
        %dma_wait3A_553 = tpu.memref_squeeze %dma_wait3A_552 : memref<1x32x512xf32, #tpu.memory_space<hbm>> -> memref<32x512xf32, #tpu.memory_space<hbm>>
        %dma_wait3A_554 = arith.constant 0 : i32
        %dma_wait3A_555 = arith.constant 0 : i32
        %dma_wait3A_556 = tpu.memref_slice %run_scoped3A[%dma_wait3A_546, %dma_wait3A_554, %dma_wait3A_555] : memref<2x32x512xf32, #tpu.memory_space<vmem>> -> memref<1x32x512xf32, #tpu.memory_space<vmem>>
        %dma_wait3A_557 = tpu.memref_squeeze %dma_wait3A_556 : memref<1x32x512xf32, #tpu.memory_space<vmem>> -> memref<32x512xf32, #tpu.memory_space<vmem>>
        %dma_wait3A_558 = arith.constant 0 : i32
        %dma_wait3A_559 = tpu.memref_slice %arg7[%select_n3A_526, %dma_wait3A_558, %multiple_of3A_545] : memref<26x32x16384xf32, #tpu.memory_space<hbm>> -> memref<1x32x512xf32, #tpu.memory_space<hbm>>
        %dma_wait3A_560 = tpu.memref_squeeze %dma_wait3A_559 : memref<1x32x512xf32, #tpu.memory_space<hbm>> -> memref<32x512xf32, #tpu.memory_space<hbm>>
        tpu.wait_dma2 semaphore(%arg10 : memref<!tpu.dma_semaphore, #tpu.memory_space<semaphore_mem>>) src(%dma_wait3A_560 : memref<32x512xf32, #tpu.memory_space<hbm>>) dst(%dma_wait3A_557 : memref<32x512xf32, #tpu.memory_space<vmem>>)
        %ge3A_561 = arith.constant 2 : i32
        %ge3A_562 = arith.cmpi sge, %add3A_501, %ge3A_561 : i32
        %convert_element_type3A_563 = arith.extui %ge3A_562 : i1 to i32
        %cond3A_564 = arith.constant 0 : i32
        %cond3A_565 = arith.cmpi ne, %convert_element_type3A_563, %cond3A_564 : i32
        scf.if %cond3A_565 {
          %jit3A_634 = arith.constant 32 : i32
          %div3A_635 = arith.divsi %mul3A_2, %jit3A_634 : i32
          %sign3A_636 = arith.constant 0 : i32
          %sign3A_637 = arith.cmpi sgt, %mul3A_2, %sign3A_636 : i32
          %sign3A_638 = arith.extui %sign3A_637 : i1 to i32
          %sign3A_639 = arith.constant 0 : i32
          %sign3A_640 = arith.cmpi slt, %mul3A_2, %sign3A_639 : i32
          %sign3A_641 = arith.extui %sign3A_640 : i1 to i32
          %sign3A_642 = arith.subi %sign3A_638, %sign3A_641 : i32
          %sign3A_643 = arith.constant 0 : i32
          %sign3A_644 = arith.cmpi sgt, %jit3A_634, %sign3A_643 : i32
          %sign3A_645 = arith.extui %sign3A_644 : i1 to i32
          %sign3A_646 = arith.constant 0 : i32
          %sign3A_647 = arith.cmpi slt, %jit3A_634, %sign3A_646 : i32
          %sign3A_648 = arith.extui %sign3A_647 : i1 to i32
          %sign3A_649 = arith.subi %sign3A_645, %sign3A_648 : i32
          %ne3A_650 = arith.cmpi ne, %sign3A_642, %sign3A_649 : i32
          %rem3A_651 = arith.remsi %mul3A_2, %jit3A_634 : i32
          %ne3A_652 = arith.constant 0 : i32
          %ne3A_653 = arith.cmpi ne, %rem3A_651, %ne3A_652 : i32
          %and3A_654 = arith.andi %ne3A_650, %ne3A_653 : i1
          %sub3A_655 = arith.constant 1 : i32
          %sub3A_656 = arith.subi %div3A_635, %sub3A_655 : i32
          %select_n3A_657 = arith.select %and3A_654, %sub3A_656, %div3A_635 : i32
          %jit3A_658 = arith.constant 32 : i32
          %eq3A_659 = arith.constant 0 : i32
          %eq3A_660 = arith.cmpi eq, %jit3A_658, %eq3A_659 : i32
          %jit3A_661 = arith.constant 1 : i32
          %select_n3A_662 = arith.select %eq3A_660, %jit3A_661, %jit3A_658 : i32
          %rem3A_663 = arith.remsi %mul3A_2, %select_n3A_662 : i32
          %ne3A_664 = arith.constant 0 : i32
          %ne3A_665 = arith.cmpi ne, %rem3A_663, %ne3A_664 : i32
          %lt3A_666 = arith.constant 0 : i32
          %lt3A_667 = arith.cmpi slt, %rem3A_663, %lt3A_666 : i32
          %lt3A_668 = arith.constant 0 : i32
          %lt3A_669 = arith.cmpi slt, %select_n3A_662, %lt3A_668 : i32
          %ne3A_670 = arith.xori %lt3A_667, %lt3A_669 : i1
          %and3A_671 = arith.andi %ne3A_670, %ne3A_665 : i1
          %add3A_672 = arith.addi %rem3A_663, %select_n3A_662 : i32
          %select_n3A_673 = arith.select %and3A_671, %add3A_672, %rem3A_663 : i32
          %mul3A_674 = arith.constant 512 : i32
          %mul3A_675 = arith.muli %select_n3A_673, %mul3A_674 : i32
          %multiple_of3A_676 = tpu.assume_multiple %mul3A_675, 512 : i32
          %dma_wait3A_677 = arith.constant 1 : i32
          %dma_wait3A_678 = arith.constant 0 : i32
          %dma_wait3A_679 = arith.constant 0 : i32
          %dma_wait3A_680 = tpu.memref_slice %run_scoped3A_3[%dma_wait3A_677, %dma_wait3A_678, %dma_wait3A_679] : memref<2x32x512xf32, #tpu.memory_space<vmem>> -> memref<1x32x512xf32, #tpu.memory_space<vmem>>
          %dma_wait3A_681 = tpu.memref_squeeze %dma_wait3A_680 : memref<1x32x512xf32, #tpu.memory_space<vmem>> -> memref<32x512xf32, #tpu.memory_space<vmem>>
          %dma_wait3A_682 = arith.constant 0 : i32
          %dma_wait3A_683 = tpu.memref_slice %arg7[%select_n3A_657, %dma_wait3A_682, %multiple_of3A_676] : memref<26x32x16384xf32, #tpu.memory_space<hbm>> -> memref<1x32x512xf32, #tpu.memory_space<hbm>>
          %dma_wait3A_684 = tpu.memref_squeeze %dma_wait3A_683 : memref<1x32x512xf32, #tpu.memory_space<hbm>> -> memref<32x512xf32, #tpu.memory_space<hbm>>
          %dma_wait3A_685 = arith.constant 0 : i32
          %dma_wait3A_686 = tpu.memref_slice %arg7[%select_n3A_657, %dma_wait3A_685, %multiple_of3A_676] : memref<26x32x16384xf32, #tpu.memory_space<hbm>> -> memref<1x32x512xf32, #tpu.memory_space<hbm>>
          %dma_wait3A_687 = tpu.memref_squeeze %dma_wait3A_686 : memref<1x32x512xf32, #tpu.memory_space<hbm>> -> memref<32x512xf32, #tpu.memory_space<hbm>>
          %dma_wait3A_688 = arith.constant 0 : i32
          %dma_wait3A_689 = arith.constant 0 : i32
          %dma_wait3A_690 = tpu.memref_slice %run_scoped3A_3[%dma_wait3A_677, %dma_wait3A_688, %dma_wait3A_689] : memref<2x32x512xf32, #tpu.memory_space<vmem>> -> memref<1x32x512xf32, #tpu.memory_space<vmem>>
          %dma_wait3A_691 = tpu.memref_squeeze %dma_wait3A_690 : memref<1x32x512xf32, #tpu.memory_space<vmem>> -> memref<32x512xf32, #tpu.memory_space<vmem>>
          tpu.wait_dma2 semaphore(%arg12 : memref<!tpu.dma_semaphore, #tpu.memory_space<semaphore_mem>>) src(%dma_wait3A_691 : memref<32x512xf32, #tpu.memory_space<vmem>>) dst(%dma_wait3A_687 : memref<32x512xf32, #tpu.memory_space<hbm>>)
        } else {
        }
        %parallel_loop3A_566 = arith.constant 0 : i32
        %parallel_loop3A_567 = arith.constant 512 : i32
        %parallel_loop3A_568 = arith.constant 16 : i32
        scf.for %parallel_loop3A_634 = %parallel_loop3A_566 to %parallel_loop3A_567 step %parallel_loop3A_568  : i32 {
          %parallel_loop3A_635 = tpu.assume_multiple %parallel_loop3A_634, 16 : i32
          %parallel_loop3A_636 = arith.constant 1 : i32
          %parallel_loop3A_637 = arith.constant 0 : i32
          %parallel_loop3A_638 = arith.index_cast %parallel_loop3A_636 : i32 to index
          %parallel_loop3A_639 = arith.index_cast %parallel_loop3A_637 : i32 to index
          %parallel_loop3A_640 = arith.index_cast %parallel_loop3A_635 : i32 to index
          %parallel_loop3A_641 = tpu.vector_load %run_scoped3A[%parallel_loop3A_638, %parallel_loop3A_639, %parallel_loop3A_640] {strides = array<i32>} : memref<2x32x512xf32, #tpu.memory_space<vmem>>, vector<16xf32>,
          %parallel_loop3A_642 = arith.mulf %parallel_loop3A_641, %parallel_loop3A_641 : vector<16xf32>
          %parallel_loop3A_643 = arith.constant 1 : i32
          %parallel_loop3A_644 = arith.constant 1 : i32
          %parallel_loop3A_645 = arith.index_cast %parallel_loop3A_643 : i32 to index
          %parallel_loop3A_646 = arith.index_cast %parallel_loop3A_644 : i32 to index
          %parallel_loop3A_647 = arith.index_cast %parallel_loop3A_635 : i32 to index
          %parallel_loop3A_648 = tpu.vector_load %run_scoped3A[%parallel_loop3A_645, %parallel_loop3A_646, %parallel_loop3A_647] {strides = array<i32>} : memref<2x32x512xf32, #tpu.memory_space<vmem>>, vector<16xf32>,
          %parallel_loop3A_649 = arith.addf %parallel_loop3A_641, %parallel_loop3A_648 : vector<16xf32>
          %parallel_loop3A_650 = arith.mulf %parallel_loop3A_648, %parallel_loop3A_648 : vector<16xf32>
          %parallel_loop3A_651 = arith.addf %parallel_loop3A_642, %parallel_loop3A_650 : vector<16xf32>
          %parallel_loop3A_652 = arith.constant 1 : i32
          %parallel_loop3A_653 = arith.constant 2 : i32
          %parallel_loop3A_654 = arith.index_cast %parallel_loop3A_652 : i32 to index
          %parallel_loop3A_655 = arith.index_cast %parallel_loop3A_653 : i32 to index
          %parallel_loop3A_656 = arith.index_cast %parallel_loop3A_635 : i32 to index
          %parallel_loop3A_657 = tpu.vector_load %run_scoped3A[%parallel_loop3A_654, %parallel_loop3A_655, %parallel_loop3A_656] {strides = array<i32>} : memref<2x32x512xf32, #tpu.memory_space<vmem>>, vector<16xf32>,
          %parallel_loop3A_658 = arith.addf %parallel_loop3A_649, %parallel_loop3A_657 : vector<16xf32>
          %parallel_loop3A_659 = arith.mulf %parallel_loop3A_657, %parallel_loop3A_657 : vector<16xf32>
          %parallel_loop3A_660 = arith.addf %parallel_loop3A_651, %parallel_loop3A_659 : vector<16xf32>
          %parallel_loop3A_661 = arith.constant 1 : i32
          %parallel_loop3A_662 = arith.constant 3 : i32
          %parallel_loop3A_663 = arith.index_cast %parallel_loop3A_661 : i32 to index
          %parallel_loop3A_664 = arith.index_cast %parallel_loop3A_662 : i32 to index
          %parallel_loop3A_665 = arith.index_cast %parallel_loop3A_635 : i32 to index
          %parallel_loop3A_666 = tpu.vector_load %run_scoped3A[%parallel_loop3A_663, %parallel_loop3A_664, %parallel_loop3A_665] {strides = array<i32>} : memref<2x32x512xf32, #tpu.memory_space<vmem>>, vector<16xf32>,
          %parallel_loop3A_667 = arith.addf %parallel_loop3A_658, %parallel_loop3A_666 : vector<16xf32>
          %parallel_loop3A_668 = arith.mulf %parallel_loop3A_666, %parallel_loop3A_666 : vector<16xf32>
          %parallel_loop3A_669 = arith.addf %parallel_loop3A_660, %parallel_loop3A_668 : vector<16xf32>
          %parallel_loop3A_670 = arith.constant 1 : i32
          %parallel_loop3A_671 = arith.constant 4 : i32
          %parallel_loop3A_672 = arith.index_cast %parallel_loop3A_670 : i32 to index
          %parallel_loop3A_673 = arith.index_cast %parallel_loop3A_671 : i32 to index
          %parallel_loop3A_674 = arith.index_cast %parallel_loop3A_635 : i32 to index
          %parallel_loop3A_675 = tpu.vector_load %run_scoped3A[%parallel_loop3A_672, %parallel_loop3A_673, %parallel_loop3A_674] {strides = array<i32>} : memref<2x32x512xf32, #tpu.memory_space<vmem>>, vector<16xf32>,
          %parallel_loop3A_676 = arith.addf %parallel_loop3A_667, %parallel_loop3A_675 : vector<16xf32>
          %parallel_loop3A_677 = arith.mulf %parallel_loop3A_675, %parallel_loop3A_675 : vector<16xf32>
          %parallel_loop3A_678 = arith.addf %parallel_loop3A_669, %parallel_loop3A_677 : vector<16xf32>
          %parallel_loop3A_679 = arith.constant 1 : i32
          %parallel_loop3A_680 = arith.constant 5 : i32
          %parallel_loop3A_681 = arith.index_cast %parallel_loop3A_679 : i32 to index
          %parallel_loop3A_682 = arith.index_cast %parallel_loop3A_680 : i32 to index
          %parallel_loop3A_683 = arith.index_cast %parallel_loop3A_635 : i32 to index
          %parallel_loop3A_684 = tpu.vector_load %run_scoped3A[%parallel_loop3A_681, %parallel_loop3A_682, %parallel_loop3A_683] {strides = array<i32>} : memref<2x32x512xf32, #tpu.memory_space<vmem>>, vector<16xf32>,
          %parallel_loop3A_685 = arith.addf %parallel_loop3A_676, %parallel_loop3A_684 : vector<16xf32>
          %parallel_loop3A_686 = arith.mulf %parallel_loop3A_684, %parallel_loop3A_684 : vector<16xf32>
          %parallel_loop3A_687 = arith.addf %parallel_loop3A_678, %parallel_loop3A_686 : vector<16xf32>
          %parallel_loop3A_688 = arith.constant 1 : i32
          %parallel_loop3A_689 = arith.constant 6 : i32
          %parallel_loop3A_690 = arith.index_cast %parallel_loop3A_688 : i32 to index
          %parallel_loop3A_691 = arith.index_cast %parallel_loop3A_689 : i32 to index
          %parallel_loop3A_692 = arith.index_cast %parallel_loop3A_635 : i32 to index
          %parallel_loop3A_693 = tpu.vector_load %run_scoped3A[%parallel_loop3A_690, %parallel_loop3A_691, %parallel_loop3A_692] {strides = array<i32>} : memref<2x32x512xf32, #tpu.memory_space<vmem>>, vector<16xf32>,
          %parallel_loop3A_694 = arith.addf %parallel_loop3A_685, %parallel_loop3A_693 : vector<16xf32>
          %parallel_loop3A_695 = arith.mulf %parallel_loop3A_693, %parallel_loop3A_693 : vector<16xf32>
          %parallel_loop3A_696 = arith.addf %parallel_loop3A_687, %parallel_loop3A_695 : vector<16xf32>
          %parallel_loop3A_697 = arith.constant 1 : i32
          %parallel_loop3A_698 = arith.constant 7 : i32
          %parallel_loop3A_699 = arith.index_cast %parallel_loop3A_697 : i32 to index
          %parallel_loop3A_700 = arith.index_cast %parallel_loop3A_698 : i32 to index
          %parallel_loop3A_701 = arith.index_cast %parallel_loop3A_635 : i32 to index
          %parallel_loop3A_702 = tpu.vector_load %run_scoped3A[%parallel_loop3A_699, %parallel_loop3A_700, %parallel_loop3A_701] {strides = array<i32>} : memref<2x32x512xf32, #tpu.memory_space<vmem>>, vector<16xf32>,
          %parallel_loop3A_703 = arith.addf %parallel_loop3A_694, %parallel_loop3A_702 : vector<16xf32>
          %parallel_loop3A_704 = arith.mulf %parallel_loop3A_702, %parallel_loop3A_702 : vector<16xf32>
          %parallel_loop3A_705 = arith.addf %parallel_loop3A_696, %parallel_loop3A_704 : vector<16xf32>
          %parallel_loop3A_706 = arith.constant 1 : i32
          %parallel_loop3A_707 = arith.constant 8 : i32
          %parallel_loop3A_708 = arith.index_cast %parallel_loop3A_706 : i32 to index
          %parallel_loop3A_709 = arith.index_cast %parallel_loop3A_707 : i32 to index
          %parallel_loop3A_710 = arith.index_cast %parallel_loop3A_635 : i32 to index
          %parallel_loop3A_711 = tpu.vector_load %run_scoped3A[%parallel_loop3A_708, %parallel_loop3A_709, %parallel_loop3A_710] {strides = array<i32>} : memref<2x32x512xf32, #tpu.memory_space<vmem>>, vector<16xf32>,
          %parallel_loop3A_712 = arith.addf %parallel_loop3A_703, %parallel_loop3A_711 : vector<16xf32>
          %parallel_loop3A_713 = arith.mulf %parallel_loop3A_711, %parallel_loop3A_711 : vector<16xf32>
          %parallel_loop3A_714 = arith.addf %parallel_loop3A_705, %parallel_loop3A_713 : vector<16xf32>
          %parallel_loop3A_715 = arith.constant 1 : i32
          %parallel_loop3A_716 = arith.constant 9 : i32
          %parallel_loop3A_717 = arith.index_cast %parallel_loop3A_715 : i32 to index
          %parallel_loop3A_718 = arith.index_cast %parallel_loop3A_716 : i32 to index
          %parallel_loop3A_719 = arith.index_cast %parallel_loop3A_635 : i32 to index
          %parallel_loop3A_720 = tpu.vector_load %run_scoped3A[%parallel_loop3A_717, %parallel_loop3A_718, %parallel_loop3A_719] {strides = array<i32>} : memref<2x32x512xf32, #tpu.memory_space<vmem>>, vector<16xf32>,
          %parallel_loop3A_721 = arith.addf %parallel_loop3A_712, %parallel_loop3A_720 : vector<16xf32>
          %parallel_loop3A_722 = arith.mulf %parallel_loop3A_720, %parallel_loop3A_720 : vector<16xf32>
          %parallel_loop3A_723 = arith.addf %parallel_loop3A_714, %parallel_loop3A_722 : vector<16xf32>
          %parallel_loop3A_724 = arith.constant 1 : i32
          %parallel_loop3A_725 = arith.constant 10 : i32
          %parallel_loop3A_726 = arith.index_cast %parallel_loop3A_724 : i32 to index
          %parallel_loop3A_727 = arith.index_cast %parallel_loop3A_725 : i32 to index
          %parallel_loop3A_728 = arith.index_cast %parallel_loop3A_635 : i32 to index
          %parallel_loop3A_729 = tpu.vector_load %run_scoped3A[%parallel_loop3A_726, %parallel_loop3A_727, %parallel_loop3A_728] {strides = array<i32>} : memref<2x32x512xf32, #tpu.memory_space<vmem>>, vector<16xf32>,
          %parallel_loop3A_730 = arith.addf %parallel_loop3A_721, %parallel_loop3A_729 : vector<16xf32>
          %parallel_loop3A_731 = arith.mulf %parallel_loop3A_729, %parallel_loop3A_729 : vector<16xf32>
          %parallel_loop3A_732 = arith.addf %parallel_loop3A_723, %parallel_loop3A_731 : vector<16xf32>
          %parallel_loop3A_733 = arith.constant 1 : i32
          %parallel_loop3A_734 = arith.constant 11 : i32
          %parallel_loop3A_735 = arith.index_cast %parallel_loop3A_733 : i32 to index
          %parallel_loop3A_736 = arith.index_cast %parallel_loop3A_734 : i32 to index
          %parallel_loop3A_737 = arith.index_cast %parallel_loop3A_635 : i32 to index
          %parallel_loop3A_738 = tpu.vector_load %run_scoped3A[%parallel_loop3A_735, %parallel_loop3A_736, %parallel_loop3A_737] {strides = array<i32>} : memref<2x32x512xf32, #tpu.memory_space<vmem>>, vector<16xf32>,
          %parallel_loop3A_739 = arith.addf %parallel_loop3A_730, %parallel_loop3A_738 : vector<16xf32>
          %parallel_loop3A_740 = arith.mulf %parallel_loop3A_738, %parallel_loop3A_738 : vector<16xf32>
          %parallel_loop3A_741 = arith.addf %parallel_loop3A_732, %parallel_loop3A_740 : vector<16xf32>
          %parallel_loop3A_742 = arith.constant 1 : i32
          %parallel_loop3A_743 = arith.constant 12 : i32
          %parallel_loop3A_744 = arith.index_cast %parallel_loop3A_742 : i32 to index
          %parallel_loop3A_745 = arith.index_cast %parallel_loop3A_743 : i32 to index
          %parallel_loop3A_746 = arith.index_cast %parallel_loop3A_635 : i32 to index
          %parallel_loop3A_747 = tpu.vector_load %run_scoped3A[%parallel_loop3A_744, %parallel_loop3A_745, %parallel_loop3A_746] {strides = array<i32>} : memref<2x32x512xf32, #tpu.memory_space<vmem>>, vector<16xf32>,
          %parallel_loop3A_748 = arith.addf %parallel_loop3A_739, %parallel_loop3A_747 : vector<16xf32>
          %parallel_loop3A_749 = arith.mulf %parallel_loop3A_747, %parallel_loop3A_747 : vector<16xf32>
          %parallel_loop3A_750 = arith.addf %parallel_loop3A_741, %parallel_loop3A_749 : vector<16xf32>
          %parallel_loop3A_751 = arith.constant 1 : i32
          %parallel_loop3A_752 = arith.constant 13 : i32
          %parallel_loop3A_753 = arith.index_cast %parallel_loop3A_751 : i32 to index
          %parallel_loop3A_754 = arith.index_cast %parallel_loop3A_752 : i32 to index
          %parallel_loop3A_755 = arith.index_cast %parallel_loop3A_635 : i32 to index
          %parallel_loop3A_756 = tpu.vector_load %run_scoped3A[%parallel_loop3A_753, %parallel_loop3A_754, %parallel_loop3A_755] {strides = array<i32>} : memref<2x32x512xf32, #tpu.memory_space<vmem>>, vector<16xf32>,
          %parallel_loop3A_757 = arith.addf %parallel_loop3A_748, %parallel_loop3A_756 : vector<16xf32>
          %parallel_loop3A_758 = arith.mulf %parallel_loop3A_756, %parallel_loop3A_756 : vector<16xf32>
          %parallel_loop3A_759 = arith.addf %parallel_loop3A_750, %parallel_loop3A_758 : vector<16xf32>
          %parallel_loop3A_760 = arith.constant 1 : i32
          %parallel_loop3A_761 = arith.constant 14 : i32
          %parallel_loop3A_762 = arith.index_cast %parallel_loop3A_760 : i32 to index
          %parallel_loop3A_763 = arith.index_cast %parallel_loop3A_761 : i32 to index
          %parallel_loop3A_764 = arith.index_cast %parallel_loop3A_635 : i32 to index
          %parallel_loop3A_765 = tpu.vector_load %run_scoped3A[%parallel_loop3A_762, %parallel_loop3A_763, %parallel_loop3A_764] {strides = array<i32>} : memref<2x32x512xf32, #tpu.memory_space<vmem>>, vector<16xf32>,
          %parallel_loop3A_766 = arith.addf %parallel_loop3A_757, %parallel_loop3A_765 : vector<16xf32>
          %parallel_loop3A_767 = arith.mulf %parallel_loop3A_765, %parallel_loop3A_765 : vector<16xf32>
          %parallel_loop3A_768 = arith.addf %parallel_loop3A_759, %parallel_loop3A_767 : vector<16xf32>
          %parallel_loop3A_769 = arith.constant 1 : i32
          %parallel_loop3A_770 = arith.constant 15 : i32
          %parallel_loop3A_771 = arith.index_cast %parallel_loop3A_769 : i32 to index
          %parallel_loop3A_772 = arith.index_cast %parallel_loop3A_770 : i32 to index
          %parallel_loop3A_773 = arith.index_cast %parallel_loop3A_635 : i32 to index
          %parallel_loop3A_774 = tpu.vector_load %run_scoped3A[%parallel_loop3A_771, %parallel_loop3A_772, %parallel_loop3A_773] {strides = array<i32>} : memref<2x32x512xf32, #tpu.memory_space<vmem>>, vector<16xf32>,
          %parallel_loop3A_775 = arith.addf %parallel_loop3A_766, %parallel_loop3A_774 : vector<16xf32>
          %parallel_loop3A_776 = arith.mulf %parallel_loop3A_774, %parallel_loop3A_774 : vector<16xf32>
          %parallel_loop3A_777 = arith.addf %parallel_loop3A_768, %parallel_loop3A_776 : vector<16xf32>
          %parallel_loop3A_778 = arith.constant 1 : i32
          %parallel_loop3A_779 = arith.constant 16 : i32
          %parallel_loop3A_780 = arith.index_cast %parallel_loop3A_778 : i32 to index
          %parallel_loop3A_781 = arith.index_cast %parallel_loop3A_779 : i32 to index
          %parallel_loop3A_782 = arith.index_cast %parallel_loop3A_635 : i32 to index
          %parallel_loop3A_783 = tpu.vector_load %run_scoped3A[%parallel_loop3A_780, %parallel_loop3A_781, %parallel_loop3A_782] {strides = array<i32>} : memref<2x32x512xf32, #tpu.memory_space<vmem>>, vector<16xf32>,
          %parallel_loop3A_784 = arith.addf %parallel_loop3A_775, %parallel_loop3A_783 : vector<16xf32>
          %parallel_loop3A_785 = arith.mulf %parallel_loop3A_783, %parallel_loop3A_783 : vector<16xf32>
          %parallel_loop3A_786 = arith.addf %parallel_loop3A_777, %parallel_loop3A_785 : vector<16xf32>
          %parallel_loop3A_787 = arith.constant 1 : i32
          %parallel_loop3A_788 = arith.constant 17 : i32
          %parallel_loop3A_789 = arith.index_cast %parallel_loop3A_787 : i32 to index
          %parallel_loop3A_790 = arith.index_cast %parallel_loop3A_788 : i32 to index
          %parallel_loop3A_791 = arith.index_cast %parallel_loop3A_635 : i32 to index
          %parallel_loop3A_792 = tpu.vector_load %run_scoped3A[%parallel_loop3A_789, %parallel_loop3A_790, %parallel_loop3A_791] {strides = array<i32>} : memref<2x32x512xf32, #tpu.memory_space<vmem>>, vector<16xf32>,
          %parallel_loop3A_793 = arith.addf %parallel_loop3A_784, %parallel_loop3A_792 : vector<16xf32>
          %parallel_loop3A_794 = arith.mulf %parallel_loop3A_792, %parallel_loop3A_792 : vector<16xf32>
          %parallel_loop3A_795 = arith.addf %parallel_loop3A_786, %parallel_loop3A_794 : vector<16xf32>
          %parallel_loop3A_796 = arith.constant 1 : i32
          %parallel_loop3A_797 = arith.constant 18 : i32
          %parallel_loop3A_798 = arith.index_cast %parallel_loop3A_796 : i32 to index
          %parallel_loop3A_799 = arith.index_cast %parallel_loop3A_797 : i32 to index
          %parallel_loop3A_800 = arith.index_cast %parallel_loop3A_635 : i32 to index
          %parallel_loop3A_801 = tpu.vector_load %run_scoped3A[%parallel_loop3A_798, %parallel_loop3A_799, %parallel_loop3A_800] {strides = array<i32>} : memref<2x32x512xf32, #tpu.memory_space<vmem>>, vector<16xf32>,
          %parallel_loop3A_802 = arith.addf %parallel_loop3A_793, %parallel_loop3A_801 : vector<16xf32>
          %parallel_loop3A_803 = arith.mulf %parallel_loop3A_801, %parallel_loop3A_801 : vector<16xf32>
          %parallel_loop3A_804 = arith.addf %parallel_loop3A_795, %parallel_loop3A_803 : vector<16xf32>
          %parallel_loop3A_805 = arith.constant 1 : i32
          %parallel_loop3A_806 = arith.constant 19 : i32
          %parallel_loop3A_807 = arith.index_cast %parallel_loop3A_805 : i32 to index
          %parallel_loop3A_808 = arith.index_cast %parallel_loop3A_806 : i32 to index
          %parallel_loop3A_809 = arith.index_cast %parallel_loop3A_635 : i32 to index
          %parallel_loop3A_810 = tpu.vector_load %run_scoped3A[%parallel_loop3A_807, %parallel_loop3A_808, %parallel_loop3A_809] {strides = array<i32>} : memref<2x32x512xf32, #tpu.memory_space<vmem>>, vector<16xf32>,
          %parallel_loop3A_811 = arith.addf %parallel_loop3A_802, %parallel_loop3A_810 : vector<16xf32>
          %parallel_loop3A_812 = arith.mulf %parallel_loop3A_810, %parallel_loop3A_810 : vector<16xf32>
          %parallel_loop3A_813 = arith.addf %parallel_loop3A_804, %parallel_loop3A_812 : vector<16xf32>
          %parallel_loop3A_814 = arith.constant 1 : i32
          %parallel_loop3A_815 = arith.constant 20 : i32
          %parallel_loop3A_816 = arith.index_cast %parallel_loop3A_814 : i32 to index
          %parallel_loop3A_817 = arith.index_cast %parallel_loop3A_815 : i32 to index
          %parallel_loop3A_818 = arith.index_cast %parallel_loop3A_635 : i32 to index
          %parallel_loop3A_819 = tpu.vector_load %run_scoped3A[%parallel_loop3A_816, %parallel_loop3A_817, %parallel_loop3A_818] {strides = array<i32>} : memref<2x32x512xf32, #tpu.memory_space<vmem>>, vector<16xf32>,
          %parallel_loop3A_820 = arith.addf %parallel_loop3A_811, %parallel_loop3A_819 : vector<16xf32>
          %parallel_loop3A_821 = arith.mulf %parallel_loop3A_819, %parallel_loop3A_819 : vector<16xf32>
          %parallel_loop3A_822 = arith.addf %parallel_loop3A_813, %parallel_loop3A_821 : vector<16xf32>
          %parallel_loop3A_823 = arith.constant 1 : i32
          %parallel_loop3A_824 = arith.constant 21 : i32
          %parallel_loop3A_825 = arith.index_cast %parallel_loop3A_823 : i32 to index
          %parallel_loop3A_826 = arith.index_cast %parallel_loop3A_824 : i32 to index
          %parallel_loop3A_827 = arith.index_cast %parallel_loop3A_635 : i32 to index
          %parallel_loop3A_828 = tpu.vector_load %run_scoped3A[%parallel_loop3A_825, %parallel_loop3A_826, %parallel_loop3A_827] {strides = array<i32>} : memref<2x32x512xf32, #tpu.memory_space<vmem>>, vector<16xf32>,
          %parallel_loop3A_829 = arith.addf %parallel_loop3A_820, %parallel_loop3A_828 : vector<16xf32>
          %parallel_loop3A_830 = arith.mulf %parallel_loop3A_828, %parallel_loop3A_828 : vector<16xf32>
          %parallel_loop3A_831 = arith.addf %parallel_loop3A_822, %parallel_loop3A_830 : vector<16xf32>
          %parallel_loop3A_832 = arith.constant 1 : i32
          %parallel_loop3A_833 = arith.constant 22 : i32
          %parallel_loop3A_834 = arith.index_cast %parallel_loop3A_832 : i32 to index
          %parallel_loop3A_835 = arith.index_cast %parallel_loop3A_833 : i32 to index
          %parallel_loop3A_836 = arith.index_cast %parallel_loop3A_635 : i32 to index
          %parallel_loop3A_837 = tpu.vector_load %run_scoped3A[%parallel_loop3A_834, %parallel_loop3A_835, %parallel_loop3A_836] {strides = array<i32>} : memref<2x32x512xf32, #tpu.memory_space<vmem>>, vector<16xf32>,
          %parallel_loop3A_838 = arith.addf %parallel_loop3A_829, %parallel_loop3A_837 : vector<16xf32>
          %parallel_loop3A_839 = arith.mulf %parallel_loop3A_837, %parallel_loop3A_837 : vector<16xf32>
          %parallel_loop3A_840 = arith.addf %parallel_loop3A_831, %parallel_loop3A_839 : vector<16xf32>
          %parallel_loop3A_841 = arith.constant 1 : i32
          %parallel_loop3A_842 = arith.constant 23 : i32
          %parallel_loop3A_843 = arith.index_cast %parallel_loop3A_841 : i32 to index
          %parallel_loop3A_844 = arith.index_cast %parallel_loop3A_842 : i32 to index
          %parallel_loop3A_845 = arith.index_cast %parallel_loop3A_635 : i32 to index
          %parallel_loop3A_846 = tpu.vector_load %run_scoped3A[%parallel_loop3A_843, %parallel_loop3A_844, %parallel_loop3A_845] {strides = array<i32>} : memref<2x32x512xf32, #tpu.memory_space<vmem>>, vector<16xf32>,
          %parallel_loop3A_847 = arith.addf %parallel_loop3A_838, %parallel_loop3A_846 : vector<16xf32>
          %parallel_loop3A_848 = arith.mulf %parallel_loop3A_846, %parallel_loop3A_846 : vector<16xf32>
          %parallel_loop3A_849 = arith.addf %parallel_loop3A_840, %parallel_loop3A_848 : vector<16xf32>
          %parallel_loop3A_850 = arith.constant 1 : i32
          %parallel_loop3A_851 = arith.constant 24 : i32
          %parallel_loop3A_852 = arith.index_cast %parallel_loop3A_850 : i32 to index
          %parallel_loop3A_853 = arith.index_cast %parallel_loop3A_851 : i32 to index
          %parallel_loop3A_854 = arith.index_cast %parallel_loop3A_635 : i32 to index
          %parallel_loop3A_855 = tpu.vector_load %run_scoped3A[%parallel_loop3A_852, %parallel_loop3A_853, %parallel_loop3A_854] {strides = array<i32>} : memref<2x32x512xf32, #tpu.memory_space<vmem>>, vector<16xf32>,
          %parallel_loop3A_856 = arith.addf %parallel_loop3A_847, %parallel_loop3A_855 : vector<16xf32>
          %parallel_loop3A_857 = arith.mulf %parallel_loop3A_855, %parallel_loop3A_855 : vector<16xf32>
          %parallel_loop3A_858 = arith.addf %parallel_loop3A_849, %parallel_loop3A_857 : vector<16xf32>
          %parallel_loop3A_859 = arith.constant 1 : i32
          %parallel_loop3A_860 = arith.constant 25 : i32
          %parallel_loop3A_861 = arith.index_cast %parallel_loop3A_859 : i32 to index
          %parallel_loop3A_862 = arith.index_cast %parallel_loop3A_860 : i32 to index
          %parallel_loop3A_863 = arith.index_cast %parallel_loop3A_635 : i32 to index
          %parallel_loop3A_864 = tpu.vector_load %run_scoped3A[%parallel_loop3A_861, %parallel_loop3A_862, %parallel_loop3A_863] {strides = array<i32>} : memref<2x32x512xf32, #tpu.memory_space<vmem>>, vector<16xf32>,
          %parallel_loop3A_865 = arith.addf %parallel_loop3A_856, %parallel_loop3A_864 : vector<16xf32>
          %parallel_loop3A_866 = arith.mulf %parallel_loop3A_864, %parallel_loop3A_864 : vector<16xf32>
          %parallel_loop3A_867 = arith.addf %parallel_loop3A_858, %parallel_loop3A_866 : vector<16xf32>
          %parallel_loop3A_868 = arith.constant 1 : i32
          %parallel_loop3A_869 = arith.constant 26 : i32
          %parallel_loop3A_870 = arith.index_cast %parallel_loop3A_868 : i32 to index
          %parallel_loop3A_871 = arith.index_cast %parallel_loop3A_869 : i32 to index
          %parallel_loop3A_872 = arith.index_cast %parallel_loop3A_635 : i32 to index
          %parallel_loop3A_873 = tpu.vector_load %run_scoped3A[%parallel_loop3A_870, %parallel_loop3A_871, %parallel_loop3A_872] {strides = array<i32>} : memref<2x32x512xf32, #tpu.memory_space<vmem>>, vector<16xf32>,
          %parallel_loop3A_874 = arith.addf %parallel_loop3A_865, %parallel_loop3A_873 : vector<16xf32>
          %parallel_loop3A_875 = arith.mulf %parallel_loop3A_873, %parallel_loop3A_873 : vector<16xf32>
          %parallel_loop3A_876 = arith.addf %parallel_loop3A_867, %parallel_loop3A_875 : vector<16xf32>
          %parallel_loop3A_877 = arith.constant 1 : i32
          %parallel_loop3A_878 = arith.constant 27 : i32
          %parallel_loop3A_879 = arith.index_cast %parallel_loop3A_877 : i32 to index
          %parallel_loop3A_880 = arith.index_cast %parallel_loop3A_878 : i32 to index
          %parallel_loop3A_881 = arith.index_cast %parallel_loop3A_635 : i32 to index
          %parallel_loop3A_882 = tpu.vector_load %run_scoped3A[%parallel_loop3A_879, %parallel_loop3A_880, %parallel_loop3A_881] {strides = array<i32>} : memref<2x32x512xf32, #tpu.memory_space<vmem>>, vector<16xf32>,
          %parallel_loop3A_883 = arith.addf %parallel_loop3A_874, %parallel_loop3A_882 : vector<16xf32>
          %parallel_loop3A_884 = arith.mulf %parallel_loop3A_882, %parallel_loop3A_882 : vector<16xf32>
          %parallel_loop3A_885 = arith.addf %parallel_loop3A_876, %parallel_loop3A_884 : vector<16xf32>
          %parallel_loop3A_886 = arith.constant 1 : i32
          %parallel_loop3A_887 = arith.constant 28 : i32
          %parallel_loop3A_888 = arith.index_cast %parallel_loop3A_886 : i32 to index
          %parallel_loop3A_889 = arith.index_cast %parallel_loop3A_887 : i32 to index
          %parallel_loop3A_890 = arith.index_cast %parallel_loop3A_635 : i32 to index
          %parallel_loop3A_891 = tpu.vector_load %run_scoped3A[%parallel_loop3A_888, %parallel_loop3A_889, %parallel_loop3A_890] {strides = array<i32>} : memref<2x32x512xf32, #tpu.memory_space<vmem>>, vector<16xf32>,
          %parallel_loop3A_892 = arith.addf %parallel_loop3A_883, %parallel_loop3A_891 : vector<16xf32>
          %parallel_loop3A_893 = arith.mulf %parallel_loop3A_891, %parallel_loop3A_891 : vector<16xf32>
          %parallel_loop3A_894 = arith.addf %parallel_loop3A_885, %parallel_loop3A_893 : vector<16xf32>
          %parallel_loop3A_895 = arith.constant 1 : i32
          %parallel_loop3A_896 = arith.constant 29 : i32
          %parallel_loop3A_897 = arith.index_cast %parallel_loop3A_895 : i32 to index
          %parallel_loop3A_898 = arith.index_cast %parallel_loop3A_896 : i32 to index
          %parallel_loop3A_899 = arith.index_cast %parallel_loop3A_635 : i32 to index
          %parallel_loop3A_900 = tpu.vector_load %run_scoped3A[%parallel_loop3A_897, %parallel_loop3A_898, %parallel_loop3A_899] {strides = array<i32>} : memref<2x32x512xf32, #tpu.memory_space<vmem>>, vector<16xf32>,
          %parallel_loop3A_901 = arith.addf %parallel_loop3A_892, %parallel_loop3A_900 : vector<16xf32>
          %parallel_loop3A_902 = arith.mulf %parallel_loop3A_900, %parallel_loop3A_900 : vector<16xf32>
          %parallel_loop3A_903 = arith.addf %parallel_loop3A_894, %parallel_loop3A_902 : vector<16xf32>
          %parallel_loop3A_904 = arith.constant 1 : i32
          %parallel_loop3A_905 = arith.constant 30 : i32
          %parallel_loop3A_906 = arith.index_cast %parallel_loop3A_904 : i32 to index
          %parallel_loop3A_907 = arith.index_cast %parallel_loop3A_905 : i32 to index
          %parallel_loop3A_908 = arith.index_cast %parallel_loop3A_635 : i32 to index
          %parallel_loop3A_909 = tpu.vector_load %run_scoped3A[%parallel_loop3A_906, %parallel_loop3A_907, %parallel_loop3A_908] {strides = array<i32>} : memref<2x32x512xf32, #tpu.memory_space<vmem>>, vector<16xf32>,
          %parallel_loop3A_910 = arith.addf %parallel_loop3A_901, %parallel_loop3A_909 : vector<16xf32>
          %parallel_loop3A_911 = arith.mulf %parallel_loop3A_909, %parallel_loop3A_909 : vector<16xf32>
          %parallel_loop3A_912 = arith.addf %parallel_loop3A_903, %parallel_loop3A_911 : vector<16xf32>
          %parallel_loop3A_913 = arith.constant 1 : i32
          %parallel_loop3A_914 = arith.constant 31 : i32
          %parallel_loop3A_915 = arith.index_cast %parallel_loop3A_913 : i32 to index
          %parallel_loop3A_916 = arith.index_cast %parallel_loop3A_914 : i32 to index
          %parallel_loop3A_917 = arith.index_cast %parallel_loop3A_635 : i32 to index
          %parallel_loop3A_918 = tpu.vector_load %run_scoped3A[%parallel_loop3A_915, %parallel_loop3A_916, %parallel_loop3A_917] {strides = array<i32>} : memref<2x32x512xf32, #tpu.memory_space<vmem>>, vector<16xf32>,
          %parallel_loop3A_919 = arith.addf %parallel_loop3A_910, %parallel_loop3A_918 : vector<16xf32>
          %parallel_loop3A_920 = arith.mulf %parallel_loop3A_918, %parallel_loop3A_918 : vector<16xf32>
          %parallel_loop3A_921 = arith.addf %parallel_loop3A_912, %parallel_loop3A_920 : vector<16xf32>
          %parallel_loop3A_922 = arith.constant 3.125000e-02 : f32
          %parallel_loop3A_923 = vector.broadcast %parallel_loop3A_922 : f32 to vector<16xf32>
          %parallel_loop3A_924 = arith.mulf %parallel_loop3A_919, %parallel_loop3A_923 : vector<16xf32>
          %parallel_loop3A_925 = arith.constant 3.125000e-02 : f32
          %parallel_loop3A_926 = vector.broadcast %parallel_loop3A_925 : f32 to vector<16xf32>
          %parallel_loop3A_927 = arith.mulf %parallel_loop3A_921, %parallel_loop3A_926 : vector<16xf32>
          %parallel_loop3A_928 = arith.mulf %parallel_loop3A_924, %parallel_loop3A_924 : vector<16xf32>
          %parallel_loop3A_929 = arith.subf %parallel_loop3A_927, %parallel_loop3A_928 : vector<16xf32>
          %parallel_loop3A_930 = arith.constant 9.99999974E-6 : f32
          %parallel_loop3A_931 = vector.broadcast %parallel_loop3A_930 : f32 to vector<16xf32>
          %parallel_loop3A_932 = arith.addf %parallel_loop3A_929, %parallel_loop3A_931 : vector<16xf32>
          %parallel_loop3A_933 = vector.bitcast %parallel_loop3A_932 : vector<16xf32> to vector<16xi32>
          %parallel_loop3A_934 = arith.constant 1 : i32
          %parallel_loop3A_935 = vector.broadcast %parallel_loop3A_934 : i32 to vector<16xi32>
          %parallel_loop3A_936 = arith.shrsi %parallel_loop3A_933, %parallel_loop3A_935 : vector<16xi32>
          %parallel_loop3A_937 = arith.constant 1597463007 : i32
          %parallel_loop3A_938 = vector.broadcast %parallel_loop3A_937 : i32 to vector<16xi32>
          %parallel_loop3A_939 = arith.subi %parallel_loop3A_938, %parallel_loop3A_936 : vector<16xi32>
          %parallel_loop3A_940 = vector.bitcast %parallel_loop3A_939 : vector<16xi32> to vector<16xf32>
          %parallel_loop3A_941 = arith.constant 5.000000e-01 : f32
          %parallel_loop3A_942 = vector.broadcast %parallel_loop3A_941 : f32 to vector<16xf32>
          %parallel_loop3A_943 = arith.mulf %parallel_loop3A_942, %parallel_loop3A_932 : vector<16xf32>
          %parallel_loop3A_944 = arith.mulf %parallel_loop3A_943, %parallel_loop3A_940 : vector<16xf32>
          %parallel_loop3A_945 = arith.mulf %parallel_loop3A_944, %parallel_loop3A_940 : vector<16xf32>
          %parallel_loop3A_946 = arith.constant 1.500000e+00 : f32
          %parallel_loop3A_947 = vector.broadcast %parallel_loop3A_946 : f32 to vector<16xf32>
          %parallel_loop3A_948 = arith.subf %parallel_loop3A_947, %parallel_loop3A_945 : vector<16xf32>
          %parallel_loop3A_949 = arith.mulf %parallel_loop3A_940, %parallel_loop3A_948 : vector<16xf32>
          %parallel_loop3A_950 = arith.constant 5.000000e-01 : f32
          %parallel_loop3A_951 = vector.broadcast %parallel_loop3A_950 : f32 to vector<16xf32>
          %parallel_loop3A_952 = arith.mulf %parallel_loop3A_951, %parallel_loop3A_932 : vector<16xf32>
          %parallel_loop3A_953 = arith.mulf %parallel_loop3A_952, %parallel_loop3A_949 : vector<16xf32>
          %parallel_loop3A_954 = arith.mulf %parallel_loop3A_953, %parallel_loop3A_949 : vector<16xf32>
          %parallel_loop3A_955 = arith.constant 1.500000e+00 : f32
          %parallel_loop3A_956 = vector.broadcast %parallel_loop3A_955 : f32 to vector<16xf32>
          %parallel_loop3A_957 = arith.subf %parallel_loop3A_956, %parallel_loop3A_954 : vector<16xf32>
          %parallel_loop3A_958 = arith.mulf %parallel_loop3A_949, %parallel_loop3A_957 : vector<16xf32>
          %parallel_loop3A_959 = arith.constant 5.000000e-01 : f32
          %parallel_loop3A_960 = vector.broadcast %parallel_loop3A_959 : f32 to vector<16xf32>
          %parallel_loop3A_961 = arith.mulf %parallel_loop3A_960, %parallel_loop3A_932 : vector<16xf32>
          %parallel_loop3A_962 = arith.mulf %parallel_loop3A_961, %parallel_loop3A_958 : vector<16xf32>
          %parallel_loop3A_963 = arith.mulf %parallel_loop3A_962, %parallel_loop3A_958 : vector<16xf32>
          %parallel_loop3A_964 = arith.constant 1.500000e+00 : f32
          %parallel_loop3A_965 = vector.broadcast %parallel_loop3A_964 : f32 to vector<16xf32>
          %parallel_loop3A_966 = arith.subf %parallel_loop3A_965, %parallel_loop3A_963 : vector<16xf32>
          %parallel_loop3A_967 = arith.mulf %parallel_loop3A_958, %parallel_loop3A_966 : vector<16xf32>
          %parallel_loop3A_968 = arith.constant 1 : i32
          %parallel_loop3A_969 = arith.constant 0 : i32
          %parallel_loop3A_970 = arith.index_cast %parallel_loop3A_968 : i32 to index
          %parallel_loop3A_971 = arith.index_cast %parallel_loop3A_969 : i32 to index
          %parallel_loop3A_972 = arith.index_cast %parallel_loop3A_635 : i32 to index
          %parallel_loop3A_973 = tpu.vector_load %run_scoped3A[%parallel_loop3A_970, %parallel_loop3A_971, %parallel_loop3A_972] {strides = array<i32>} : memref<2x32x512xf32, #tpu.memory_space<vmem>>, vector<16xf32>,
          %parallel_loop3A_974 = arith.subf %parallel_loop3A_973, %parallel_loop3A_924 : vector<16xf32>
          %parallel_loop3A_975 = vector.broadcast %squeeze3A : f32 to vector<16xf32>
          %parallel_loop3A_976 = arith.mulf %parallel_loop3A_967, %parallel_loop3A_975 : vector<16xf32>
          %parallel_loop3A_977 = arith.mulf %parallel_loop3A_974, %parallel_loop3A_976 : vector<16xf32>
          %parallel_loop3A_978 = vector.broadcast %squeeze3A_76 : f32 to vector<16xf32>
          %parallel_loop3A_979 = arith.addf %parallel_loop3A_977, %parallel_loop3A_978 : vector<16xf32>
          %parallel_loop3A_980 = arith.constant 1 : i32
          %parallel_loop3A_981 = arith.constant 0 : i32
          %parallel_loop3A_982 = arith.index_cast %parallel_loop3A_980 : i32 to index
          %parallel_loop3A_983 = arith.index_cast %parallel_loop3A_981 : i32 to index
          %parallel_loop3A_984 = arith.index_cast %parallel_loop3A_635 : i32 to index
          %parallel_loop3A_985 = tpu.vector_load %run_scoped3A_3[%parallel_loop3A_982, %parallel_loop3A_983, %parallel_loop3A_984] {strides = array<i32>} : memref<2x32x512xf32, #tpu.memory_space<vmem>>, vector<16xf32>,
          tpu.vector_store %run_scoped3A_3[%parallel_loop3A_982, %parallel_loop3A_983, %parallel_loop3A_984], %parallel_loop3A_979 {strides = array<i32>} : memref<2x32x512xf32, #tpu.memory_space<vmem>>, vector<16xf32>,
          %parallel_loop3A_986 = arith.constant 1 : i32
          %parallel_loop3A_987 = arith.constant 1 : i32
          %parallel_loop3A_988 = arith.index_cast %parallel_loop3A_986 : i32 to index
          %parallel_loop3A_989 = arith.index_cast %parallel_loop3A_987 : i32 to index
          %parallel_loop3A_990 = arith.index_cast %parallel_loop3A_635 : i32 to index
          %parallel_loop3A_991 = tpu.vector_load %run_scoped3A[%parallel_loop3A_988, %parallel_loop3A_989, %parallel_loop3A_990] {strides = array<i32>} : memref<2x32x512xf32, #tpu.memory_space<vmem>>, vector<16xf32>,
          %parallel_loop3A_992 = arith.subf %parallel_loop3A_991, %parallel_loop3A_924 : vector<16xf32>
          %parallel_loop3A_993 = vector.broadcast %squeeze3A_14 : f32 to vector<16xf32>
          %parallel_loop3A_994 = arith.mulf %parallel_loop3A_967, %parallel_loop3A_993 : vector<16xf32>
          %parallel_loop3A_995 = arith.mulf %parallel_loop3A_992, %parallel_loop3A_994 : vector<16xf32>
          %parallel_loop3A_996 = vector.broadcast %squeeze3A_78 : f32 to vector<16xf32>
          %parallel_loop3A_997 = arith.addf %parallel_loop3A_995, %parallel_loop3A_996 : vector<16xf32>
          %parallel_loop3A_998 = arith.constant 1 : i32
          %parallel_loop3A_999 = arith.constant 1 : i32
          %parallel_loop3A_1000 = arith.index_cast %parallel_loop3A_998 : i32 to index
          %parallel_loop3A_1001 = arith.index_cast %parallel_loop3A_999 : i32 to index
          %parallel_loop3A_1002 = arith.index_cast %parallel_loop3A_635 : i32 to index
          %parallel_loop3A_1003 = tpu.vector_load %run_scoped3A_3[%parallel_loop3A_1000, %parallel_loop3A_1001, %parallel_loop3A_1002] {strides = array<i32>} : memref<2x32x512xf32, #tpu.memory_space<vmem>>, vector<16xf32>,
          tpu.vector_store %run_scoped3A_3[%parallel_loop3A_1000, %parallel_loop3A_1001, %parallel_loop3A_1002], %parallel_loop3A_997 {strides = array<i32>} : memref<2x32x512xf32, #tpu.memory_space<vmem>>, vector<16xf32>,
          %parallel_loop3A_1004 = arith.constant 1 : i32
          %parallel_loop3A_1005 = arith.constant 2 : i32
          %parallel_loop3A_1006 = arith.index_cast %parallel_loop3A_1004 : i32 to index
          %parallel_loop3A_1007 = arith.index_cast %parallel_loop3A_1005 : i32 to index
          %parallel_loop3A_1008 = arith.index_cast %parallel_loop3A_635 : i32 to index
          %parallel_loop3A_1009 = tpu.vector_load %run_scoped3A[%parallel_loop3A_1006, %parallel_loop3A_1007, %parallel_loop3A_1008] {strides = array<i32>} : memref<2x32x512xf32, #tpu.memory_space<vmem>>, vector<16xf32>,
          %parallel_loop3A_1010 = arith.subf %parallel_loop3A_1009, %parallel_loop3A_924 : vector<16xf32>
          %parallel_loop3A_1011 = vector.broadcast %squeeze3A_16 : f32 to vector<16xf32>
          %parallel_loop3A_1012 = arith.mulf %parallel_loop3A_967, %parallel_loop3A_1011 : vector<16xf32>
          %parallel_loop3A_1013 = arith.mulf %parallel_loop3A_1010, %parallel_loop3A_1012 : vector<16xf32>
          %parallel_loop3A_1014 = vector.broadcast %squeeze3A_80 : f32 to vector<16xf32>
          %parallel_loop3A_1015 = arith.addf %parallel_loop3A_1013, %parallel_loop3A_1014 : vector<16xf32>
          %parallel_loop3A_1016 = arith.constant 1 : i32
          %parallel_loop3A_1017 = arith.constant 2 : i32
          %parallel_loop3A_1018 = arith.index_cast %parallel_loop3A_1016 : i32 to index
          %parallel_loop3A_1019 = arith.index_cast %parallel_loop3A_1017 : i32 to index
          %parallel_loop3A_1020 = arith.index_cast %parallel_loop3A_635 : i32 to index
          %parallel_loop3A_1021 = tpu.vector_load %run_scoped3A_3[%parallel_loop3A_1018, %parallel_loop3A_1019, %parallel_loop3A_1020] {strides = array<i32>} : memref<2x32x512xf32, #tpu.memory_space<vmem>>, vector<16xf32>,
          tpu.vector_store %run_scoped3A_3[%parallel_loop3A_1018, %parallel_loop3A_1019, %parallel_loop3A_1020], %parallel_loop3A_1015 {strides = array<i32>} : memref<2x32x512xf32, #tpu.memory_space<vmem>>, vector<16xf32>,
          %parallel_loop3A_1022 = arith.constant 1 : i32
          %parallel_loop3A_1023 = arith.constant 3 : i32
          %parallel_loop3A_1024 = arith.index_cast %parallel_loop3A_1022 : i32 to index
          %parallel_loop3A_1025 = arith.index_cast %parallel_loop3A_1023 : i32 to index
          %parallel_loop3A_1026 = arith.index_cast %parallel_loop3A_635 : i32 to index
          %parallel_loop3A_1027 = tpu.vector_load %run_scoped3A[%parallel_loop3A_1024, %parallel_loop3A_1025, %parallel_loop3A_1026] {strides = array<i32>} : memref<2x32x512xf32, #tpu.memory_space<vmem>>, vector<16xf32>,
          %parallel_loop3A_1028 = arith.subf %parallel_loop3A_1027, %parallel_loop3A_924 : vector<16xf32>
          %parallel_loop3A_1029 = vector.broadcast %squeeze3A_18 : f32 to vector<16xf32>
          %parallel_loop3A_1030 = arith.mulf %parallel_loop3A_967, %parallel_loop3A_1029 : vector<16xf32>
          %parallel_loop3A_1031 = arith.mulf %parallel_loop3A_1028, %parallel_loop3A_1030 : vector<16xf32>
          %parallel_loop3A_1032 = vector.broadcast %squeeze3A_82 : f32 to vector<16xf32>
          %parallel_loop3A_1033 = arith.addf %parallel_loop3A_1031, %parallel_loop3A_1032 : vector<16xf32>
          %parallel_loop3A_1034 = arith.constant 1 : i32
          %parallel_loop3A_1035 = arith.constant 3 : i32
          %parallel_loop3A_1036 = arith.index_cast %parallel_loop3A_1034 : i32 to index
          %parallel_loop3A_1037 = arith.index_cast %parallel_loop3A_1035 : i32 to index
          %parallel_loop3A_1038 = arith.index_cast %parallel_loop3A_635 : i32 to index
          %parallel_loop3A_1039 = tpu.vector_load %run_scoped3A_3[%parallel_loop3A_1036, %parallel_loop3A_1037, %parallel_loop3A_1038] {strides = array<i32>} : memref<2x32x512xf32, #tpu.memory_space<vmem>>, vector<16xf32>,
          tpu.vector_store %run_scoped3A_3[%parallel_loop3A_1036, %parallel_loop3A_1037, %parallel_loop3A_1038], %parallel_loop3A_1033 {strides = array<i32>} : memref<2x32x512xf32, #tpu.memory_space<vmem>>, vector<16xf32>,
          %parallel_loop3A_1040 = arith.constant 1 : i32
          %parallel_loop3A_1041 = arith.constant 4 : i32
          %parallel_loop3A_1042 = arith.index_cast %parallel_loop3A_1040 : i32 to index
          %parallel_loop3A_1043 = arith.index_cast %parallel_loop3A_1041 : i32 to index
          %parallel_loop3A_1044 = arith.index_cast %parallel_loop3A_635 : i32 to index
          %parallel_loop3A_1045 = tpu.vector_load %run_scoped3A[%parallel_loop3A_1042, %parallel_loop3A_1043, %parallel_loop3A_1044] {strides = array<i32>} : memref<2x32x512xf32, #tpu.memory_space<vmem>>, vector<16xf32>,
          %parallel_loop3A_1046 = arith.subf %parallel_loop3A_1045, %parallel_loop3A_924 : vector<16xf32>
          %parallel_loop3A_1047 = vector.broadcast %squeeze3A_20 : f32 to vector<16xf32>
          %parallel_loop3A_1048 = arith.mulf %parallel_loop3A_967, %parallel_loop3A_1047 : vector<16xf32>
          %parallel_loop3A_1049 = arith.mulf %parallel_loop3A_1046, %parallel_loop3A_1048 : vector<16xf32>
          %parallel_loop3A_1050 = vector.broadcast %squeeze3A_84 : f32 to vector<16xf32>
          %parallel_loop3A_1051 = arith.addf %parallel_loop3A_1049, %parallel_loop3A_1050 : vector<16xf32>
          %parallel_loop3A_1052 = arith.constant 1 : i32
          %parallel_loop3A_1053 = arith.constant 4 : i32
          %parallel_loop3A_1054 = arith.index_cast %parallel_loop3A_1052 : i32 to index
          %parallel_loop3A_1055 = arith.index_cast %parallel_loop3A_1053 : i32 to index
          %parallel_loop3A_1056 = arith.index_cast %parallel_loop3A_635 : i32 to index
          %parallel_loop3A_1057 = tpu.vector_load %run_scoped3A_3[%parallel_loop3A_1054, %parallel_loop3A_1055, %parallel_loop3A_1056] {strides = array<i32>} : memref<2x32x512xf32, #tpu.memory_space<vmem>>, vector<16xf32>,
          tpu.vector_store %run_scoped3A_3[%parallel_loop3A_1054, %parallel_loop3A_1055, %parallel_loop3A_1056], %parallel_loop3A_1051 {strides = array<i32>} : memref<2x32x512xf32, #tpu.memory_space<vmem>>, vector<16xf32>,
          %parallel_loop3A_1058 = arith.constant 1 : i32
          %parallel_loop3A_1059 = arith.constant 5 : i32
          %parallel_loop3A_1060 = arith.index_cast %parallel_loop3A_1058 : i32 to index
          %parallel_loop3A_1061 = arith.index_cast %parallel_loop3A_1059 : i32 to index
          %parallel_loop3A_1062 = arith.index_cast %parallel_loop3A_635 : i32 to index
          %parallel_loop3A_1063 = tpu.vector_load %run_scoped3A[%parallel_loop3A_1060, %parallel_loop3A_1061, %parallel_loop3A_1062] {strides = array<i32>} : memref<2x32x512xf32, #tpu.memory_space<vmem>>, vector<16xf32>,
          %parallel_loop3A_1064 = arith.subf %parallel_loop3A_1063, %parallel_loop3A_924 : vector<16xf32>
          %parallel_loop3A_1065 = vector.broadcast %squeeze3A_22 : f32 to vector<16xf32>
          %parallel_loop3A_1066 = arith.mulf %parallel_loop3A_967, %parallel_loop3A_1065 : vector<16xf32>
          %parallel_loop3A_1067 = arith.mulf %parallel_loop3A_1064, %parallel_loop3A_1066 : vector<16xf32>
          %parallel_loop3A_1068 = vector.broadcast %squeeze3A_86 : f32 to vector<16xf32>
          %parallel_loop3A_1069 = arith.addf %parallel_loop3A_1067, %parallel_loop3A_1068 : vector<16xf32>
          %parallel_loop3A_1070 = arith.constant 1 : i32
          %parallel_loop3A_1071 = arith.constant 5 : i32
          %parallel_loop3A_1072 = arith.index_cast %parallel_loop3A_1070 : i32 to index
          %parallel_loop3A_1073 = arith.index_cast %parallel_loop3A_1071 : i32 to index
          %parallel_loop3A_1074 = arith.index_cast %parallel_loop3A_635 : i32 to index
          %parallel_loop3A_1075 = tpu.vector_load %run_scoped3A_3[%parallel_loop3A_1072, %parallel_loop3A_1073, %parallel_loop3A_1074] {strides = array<i32>} : memref<2x32x512xf32, #tpu.memory_space<vmem>>, vector<16xf32>,
          tpu.vector_store %run_scoped3A_3[%parallel_loop3A_1072, %parallel_loop3A_1073, %parallel_loop3A_1074], %parallel_loop3A_1069 {strides = array<i32>} : memref<2x32x512xf32, #tpu.memory_space<vmem>>, vector<16xf32>,
          %parallel_loop3A_1076 = arith.constant 1 : i32
          %parallel_loop3A_1077 = arith.constant 6 : i32
          %parallel_loop3A_1078 = arith.index_cast %parallel_loop3A_1076 : i32 to index
          %parallel_loop3A_1079 = arith.index_cast %parallel_loop3A_1077 : i32 to index
          %parallel_loop3A_1080 = arith.index_cast %parallel_loop3A_635 : i32 to index
          %parallel_loop3A_1081 = tpu.vector_load %run_scoped3A[%parallel_loop3A_1078, %parallel_loop3A_1079, %parallel_loop3A_1080] {strides = array<i32>} : memref<2x32x512xf32, #tpu.memory_space<vmem>>, vector<16xf32>,
          %parallel_loop3A_1082 = arith.subf %parallel_loop3A_1081, %parallel_loop3A_924 : vector<16xf32>
          %parallel_loop3A_1083 = vector.broadcast %squeeze3A_24 : f32 to vector<16xf32>
          %parallel_loop3A_1084 = arith.mulf %parallel_loop3A_967, %parallel_loop3A_1083 : vector<16xf32>
          %parallel_loop3A_1085 = arith.mulf %parallel_loop3A_1082, %parallel_loop3A_1084 : vector<16xf32>
          %parallel_loop3A_1086 = vector.broadcast %squeeze3A_88 : f32 to vector<16xf32>
          %parallel_loop3A_1087 = arith.addf %parallel_loop3A_1085, %parallel_loop3A_1086 : vector<16xf32>
          %parallel_loop3A_1088 = arith.constant 1 : i32
          %parallel_loop3A_1089 = arith.constant 6 : i32
          %parallel_loop3A_1090 = arith.index_cast %parallel_loop3A_1088 : i32 to index
          %parallel_loop3A_1091 = arith.index_cast %parallel_loop3A_1089 : i32 to index
          %parallel_loop3A_1092 = arith.index_cast %parallel_loop3A_635 : i32 to index
          %parallel_loop3A_1093 = tpu.vector_load %run_scoped3A_3[%parallel_loop3A_1090, %parallel_loop3A_1091, %parallel_loop3A_1092] {strides = array<i32>} : memref<2x32x512xf32, #tpu.memory_space<vmem>>, vector<16xf32>,
          tpu.vector_store %run_scoped3A_3[%parallel_loop3A_1090, %parallel_loop3A_1091, %parallel_loop3A_1092], %parallel_loop3A_1087 {strides = array<i32>} : memref<2x32x512xf32, #tpu.memory_space<vmem>>, vector<16xf32>,
          %parallel_loop3A_1094 = arith.constant 1 : i32
          %parallel_loop3A_1095 = arith.constant 7 : i32
          %parallel_loop3A_1096 = arith.index_cast %parallel_loop3A_1094 : i32 to index
          %parallel_loop3A_1097 = arith.index_cast %parallel_loop3A_1095 : i32 to index
          %parallel_loop3A_1098 = arith.index_cast %parallel_loop3A_635 : i32 to index
          %parallel_loop3A_1099 = tpu.vector_load %run_scoped3A[%parallel_loop3A_1096, %parallel_loop3A_1097, %parallel_loop3A_1098] {strides = array<i32>} : memref<2x32x512xf32, #tpu.memory_space<vmem>>, vector<16xf32>,
          %parallel_loop3A_1100 = arith.subf %parallel_loop3A_1099, %parallel_loop3A_924 : vector<16xf32>
          %parallel_loop3A_1101 = vector.broadcast %squeeze3A_26 : f32 to vector<16xf32>
          %parallel_loop3A_1102 = arith.mulf %parallel_loop3A_967, %parallel_loop3A_1101 : vector<16xf32>
          %parallel_loop3A_1103 = arith.mulf %parallel_loop3A_1100, %parallel_loop3A_1102 : vector<16xf32>
          %parallel_loop3A_1104 = vector.broadcast %squeeze3A_90 : f32 to vector<16xf32>
          %parallel_loop3A_1105 = arith.addf %parallel_loop3A_1103, %parallel_loop3A_1104 : vector<16xf32>
          %parallel_loop3A_1106 = arith.constant 1 : i32
          %parallel_loop3A_1107 = arith.constant 7 : i32
          %parallel_loop3A_1108 = arith.index_cast %parallel_loop3A_1106 : i32 to index
          %parallel_loop3A_1109 = arith.index_cast %parallel_loop3A_1107 : i32 to index
          %parallel_loop3A_1110 = arith.index_cast %parallel_loop3A_635 : i32 to index
          %parallel_loop3A_1111 = tpu.vector_load %run_scoped3A_3[%parallel_loop3A_1108, %parallel_loop3A_1109, %parallel_loop3A_1110] {strides = array<i32>} : memref<2x32x512xf32, #tpu.memory_space<vmem>>, vector<16xf32>,
          tpu.vector_store %run_scoped3A_3[%parallel_loop3A_1108, %parallel_loop3A_1109, %parallel_loop3A_1110], %parallel_loop3A_1105 {strides = array<i32>} : memref<2x32x512xf32, #tpu.memory_space<vmem>>, vector<16xf32>,
          %parallel_loop3A_1112 = arith.constant 1 : i32
          %parallel_loop3A_1113 = arith.constant 8 : i32
          %parallel_loop3A_1114 = arith.index_cast %parallel_loop3A_1112 : i32 to index
          %parallel_loop3A_1115 = arith.index_cast %parallel_loop3A_1113 : i32 to index
          %parallel_loop3A_1116 = arith.index_cast %parallel_loop3A_635 : i32 to index
          %parallel_loop3A_1117 = tpu.vector_load %run_scoped3A[%parallel_loop3A_1114, %parallel_loop3A_1115, %parallel_loop3A_1116] {strides = array<i32>} : memref<2x32x512xf32, #tpu.memory_space<vmem>>, vector<16xf32>,
          %parallel_loop3A_1118 = arith.subf %parallel_loop3A_1117, %parallel_loop3A_924 : vector<16xf32>
          %parallel_loop3A_1119 = vector.broadcast %squeeze3A_28 : f32 to vector<16xf32>
          %parallel_loop3A_1120 = arith.mulf %parallel_loop3A_967, %parallel_loop3A_1119 : vector<16xf32>
          %parallel_loop3A_1121 = arith.mulf %parallel_loop3A_1118, %parallel_loop3A_1120 : vector<16xf32>
          %parallel_loop3A_1122 = vector.broadcast %squeeze3A_92 : f32 to vector<16xf32>
          %parallel_loop3A_1123 = arith.addf %parallel_loop3A_1121, %parallel_loop3A_1122 : vector<16xf32>
          %parallel_loop3A_1124 = arith.constant 1 : i32
          %parallel_loop3A_1125 = arith.constant 8 : i32
          %parallel_loop3A_1126 = arith.index_cast %parallel_loop3A_1124 : i32 to index
          %parallel_loop3A_1127 = arith.index_cast %parallel_loop3A_1125 : i32 to index
          %parallel_loop3A_1128 = arith.index_cast %parallel_loop3A_635 : i32 to index
          %parallel_loop3A_1129 = tpu.vector_load %run_scoped3A_3[%parallel_loop3A_1126, %parallel_loop3A_1127, %parallel_loop3A_1128] {strides = array<i32>} : memref<2x32x512xf32, #tpu.memory_space<vmem>>, vector<16xf32>,
          tpu.vector_store %run_scoped3A_3[%parallel_loop3A_1126, %parallel_loop3A_1127, %parallel_loop3A_1128], %parallel_loop3A_1123 {strides = array<i32>} : memref<2x32x512xf32, #tpu.memory_space<vmem>>, vector<16xf32>,
          %parallel_loop3A_1130 = arith.constant 1 : i32
          %parallel_loop3A_1131 = arith.constant 9 : i32
          %parallel_loop3A_1132 = arith.index_cast %parallel_loop3A_1130 : i32 to index
          %parallel_loop3A_1133 = arith.index_cast %parallel_loop3A_1131 : i32 to index
          %parallel_loop3A_1134 = arith.index_cast %parallel_loop3A_635 : i32 to index
          %parallel_loop3A_1135 = tpu.vector_load %run_scoped3A[%parallel_loop3A_1132, %parallel_loop3A_1133, %parallel_loop3A_1134] {strides = array<i32>} : memref<2x32x512xf32, #tpu.memory_space<vmem>>, vector<16xf32>,
          %parallel_loop3A_1136 = arith.subf %parallel_loop3A_1135, %parallel_loop3A_924 : vector<16xf32>
          %parallel_loop3A_1137 = vector.broadcast %squeeze3A_30 : f32 to vector<16xf32>
          %parallel_loop3A_1138 = arith.mulf %parallel_loop3A_967, %parallel_loop3A_1137 : vector<16xf32>
          %parallel_loop3A_1139 = arith.mulf %parallel_loop3A_1136, %parallel_loop3A_1138 : vector<16xf32>
          %parallel_loop3A_1140 = vector.broadcast %squeeze3A_94 : f32 to vector<16xf32>
          %parallel_loop3A_1141 = arith.addf %parallel_loop3A_1139, %parallel_loop3A_1140 : vector<16xf32>
          %parallel_loop3A_1142 = arith.constant 1 : i32
          %parallel_loop3A_1143 = arith.constant 9 : i32
          %parallel_loop3A_1144 = arith.index_cast %parallel_loop3A_1142 : i32 to index
          %parallel_loop3A_1145 = arith.index_cast %parallel_loop3A_1143 : i32 to index
          %parallel_loop3A_1146 = arith.index_cast %parallel_loop3A_635 : i32 to index
          %parallel_loop3A_1147 = tpu.vector_load %run_scoped3A_3[%parallel_loop3A_1144, %parallel_loop3A_1145, %parallel_loop3A_1146] {strides = array<i32>} : memref<2x32x512xf32, #tpu.memory_space<vmem>>, vector<16xf32>,
          tpu.vector_store %run_scoped3A_3[%parallel_loop3A_1144, %parallel_loop3A_1145, %parallel_loop3A_1146], %parallel_loop3A_1141 {strides = array<i32>} : memref<2x32x512xf32, #tpu.memory_space<vmem>>, vector<16xf32>,
          %parallel_loop3A_1148 = arith.constant 1 : i32
          %parallel_loop3A_1149 = arith.constant 10 : i32
          %parallel_loop3A_1150 = arith.index_cast %parallel_loop3A_1148 : i32 to index
          %parallel_loop3A_1151 = arith.index_cast %parallel_loop3A_1149 : i32 to index
          %parallel_loop3A_1152 = arith.index_cast %parallel_loop3A_635 : i32 to index
          %parallel_loop3A_1153 = tpu.vector_load %run_scoped3A[%parallel_loop3A_1150, %parallel_loop3A_1151, %parallel_loop3A_1152] {strides = array<i32>} : memref<2x32x512xf32, #tpu.memory_space<vmem>>, vector<16xf32>,
          %parallel_loop3A_1154 = arith.subf %parallel_loop3A_1153, %parallel_loop3A_924 : vector<16xf32>
          %parallel_loop3A_1155 = vector.broadcast %squeeze3A_32 : f32 to vector<16xf32>
          %parallel_loop3A_1156 = arith.mulf %parallel_loop3A_967, %parallel_loop3A_1155 : vector<16xf32>
          %parallel_loop3A_1157 = arith.mulf %parallel_loop3A_1154, %parallel_loop3A_1156 : vector<16xf32>
          %parallel_loop3A_1158 = vector.broadcast %squeeze3A_96 : f32 to vector<16xf32>
          %parallel_loop3A_1159 = arith.addf %parallel_loop3A_1157, %parallel_loop3A_1158 : vector<16xf32>
          %parallel_loop3A_1160 = arith.constant 1 : i32
          %parallel_loop3A_1161 = arith.constant 10 : i32
          %parallel_loop3A_1162 = arith.index_cast %parallel_loop3A_1160 : i32 to index
          %parallel_loop3A_1163 = arith.index_cast %parallel_loop3A_1161 : i32 to index
          %parallel_loop3A_1164 = arith.index_cast %parallel_loop3A_635 : i32 to index
          %parallel_loop3A_1165 = tpu.vector_load %run_scoped3A_3[%parallel_loop3A_1162, %parallel_loop3A_1163, %parallel_loop3A_1164] {strides = array<i32>} : memref<2x32x512xf32, #tpu.memory_space<vmem>>, vector<16xf32>,
          tpu.vector_store %run_scoped3A_3[%parallel_loop3A_1162, %parallel_loop3A_1163, %parallel_loop3A_1164], %parallel_loop3A_1159 {strides = array<i32>} : memref<2x32x512xf32, #tpu.memory_space<vmem>>, vector<16xf32>,
          %parallel_loop3A_1166 = arith.constant 1 : i32
          %parallel_loop3A_1167 = arith.constant 11 : i32
          %parallel_loop3A_1168 = arith.index_cast %parallel_loop3A_1166 : i32 to index
          %parallel_loop3A_1169 = arith.index_cast %parallel_loop3A_1167 : i32 to index
          %parallel_loop3A_1170 = arith.index_cast %parallel_loop3A_635 : i32 to index
          %parallel_loop3A_1171 = tpu.vector_load %run_scoped3A[%parallel_loop3A_1168, %parallel_loop3A_1169, %parallel_loop3A_1170] {strides = array<i32>} : memref<2x32x512xf32, #tpu.memory_space<vmem>>, vector<16xf32>,
          %parallel_loop3A_1172 = arith.subf %parallel_loop3A_1171, %parallel_loop3A_924 : vector<16xf32>
          %parallel_loop3A_1173 = vector.broadcast %squeeze3A_34 : f32 to vector<16xf32>
          %parallel_loop3A_1174 = arith.mulf %parallel_loop3A_967, %parallel_loop3A_1173 : vector<16xf32>
          %parallel_loop3A_1175 = arith.mulf %parallel_loop3A_1172, %parallel_loop3A_1174 : vector<16xf32>
          %parallel_loop3A_1176 = vector.broadcast %squeeze3A_98 : f32 to vector<16xf32>
          %parallel_loop3A_1177 = arith.addf %parallel_loop3A_1175, %parallel_loop3A_1176 : vector<16xf32>
          %parallel_loop3A_1178 = arith.constant 1 : i32
          %parallel_loop3A_1179 = arith.constant 11 : i32
          %parallel_loop3A_1180 = arith.index_cast %parallel_loop3A_1178 : i32 to index
          %parallel_loop3A_1181 = arith.index_cast %parallel_loop3A_1179 : i32 to index
          %parallel_loop3A_1182 = arith.index_cast %parallel_loop3A_635 : i32 to index
          %parallel_loop3A_1183 = tpu.vector_load %run_scoped3A_3[%parallel_loop3A_1180, %parallel_loop3A_1181, %parallel_loop3A_1182] {strides = array<i32>} : memref<2x32x512xf32, #tpu.memory_space<vmem>>, vector<16xf32>,
          tpu.vector_store %run_scoped3A_3[%parallel_loop3A_1180, %parallel_loop3A_1181, %parallel_loop3A_1182], %parallel_loop3A_1177 {strides = array<i32>} : memref<2x32x512xf32, #tpu.memory_space<vmem>>, vector<16xf32>,
          %parallel_loop3A_1184 = arith.constant 1 : i32
          %parallel_loop3A_1185 = arith.constant 12 : i32
          %parallel_loop3A_1186 = arith.index_cast %parallel_loop3A_1184 : i32 to index
          %parallel_loop3A_1187 = arith.index_cast %parallel_loop3A_1185 : i32 to index
          %parallel_loop3A_1188 = arith.index_cast %parallel_loop3A_635 : i32 to index
          %parallel_loop3A_1189 = tpu.vector_load %run_scoped3A[%parallel_loop3A_1186, %parallel_loop3A_1187, %parallel_loop3A_1188] {strides = array<i32>} : memref<2x32x512xf32, #tpu.memory_space<vmem>>, vector<16xf32>,
          %parallel_loop3A_1190 = arith.subf %parallel_loop3A_1189, %parallel_loop3A_924 : vector<16xf32>
          %parallel_loop3A_1191 = vector.broadcast %squeeze3A_36 : f32 to vector<16xf32>
          %parallel_loop3A_1192 = arith.mulf %parallel_loop3A_967, %parallel_loop3A_1191 : vector<16xf32>
          %parallel_loop3A_1193 = arith.mulf %parallel_loop3A_1190, %parallel_loop3A_1192 : vector<16xf32>
          %parallel_loop3A_1194 = vector.broadcast %squeeze3A_100 : f32 to vector<16xf32>
          %parallel_loop3A_1195 = arith.addf %parallel_loop3A_1193, %parallel_loop3A_1194 : vector<16xf32>
          %parallel_loop3A_1196 = arith.constant 1 : i32
          %parallel_loop3A_1197 = arith.constant 12 : i32
          %parallel_loop3A_1198 = arith.index_cast %parallel_loop3A_1196 : i32 to index
          %parallel_loop3A_1199 = arith.index_cast %parallel_loop3A_1197 : i32 to index
          %parallel_loop3A_1200 = arith.index_cast %parallel_loop3A_635 : i32 to index
          %parallel_loop3A_1201 = tpu.vector_load %run_scoped3A_3[%parallel_loop3A_1198, %parallel_loop3A_1199, %parallel_loop3A_1200] {strides = array<i32>} : memref<2x32x512xf32, #tpu.memory_space<vmem>>, vector<16xf32>,
          tpu.vector_store %run_scoped3A_3[%parallel_loop3A_1198, %parallel_loop3A_1199, %parallel_loop3A_1200], %parallel_loop3A_1195 {strides = array<i32>} : memref<2x32x512xf32, #tpu.memory_space<vmem>>, vector<16xf32>,
          %parallel_loop3A_1202 = arith.constant 1 : i32
          %parallel_loop3A_1203 = arith.constant 13 : i32
          %parallel_loop3A_1204 = arith.index_cast %parallel_loop3A_1202 : i32 to index
          %parallel_loop3A_1205 = arith.index_cast %parallel_loop3A_1203 : i32 to index
          %parallel_loop3A_1206 = arith.index_cast %parallel_loop3A_635 : i32 to index
          %parallel_loop3A_1207 = tpu.vector_load %run_scoped3A[%parallel_loop3A_1204, %parallel_loop3A_1205, %parallel_loop3A_1206] {strides = array<i32>} : memref<2x32x512xf32, #tpu.memory_space<vmem>>, vector<16xf32>,
          %parallel_loop3A_1208 = arith.subf %parallel_loop3A_1207, %parallel_loop3A_924 : vector<16xf32>
          %parallel_loop3A_1209 = vector.broadcast %squeeze3A_38 : f32 to vector<16xf32>
          %parallel_loop3A_1210 = arith.mulf %parallel_loop3A_967, %parallel_loop3A_1209 : vector<16xf32>
          %parallel_loop3A_1211 = arith.mulf %parallel_loop3A_1208, %parallel_loop3A_1210 : vector<16xf32>
          %parallel_loop3A_1212 = vector.broadcast %squeeze3A_102 : f32 to vector<16xf32>
          %parallel_loop3A_1213 = arith.addf %parallel_loop3A_1211, %parallel_loop3A_1212 : vector<16xf32>
          %parallel_loop3A_1214 = arith.constant 1 : i32
          %parallel_loop3A_1215 = arith.constant 13 : i32
          %parallel_loop3A_1216 = arith.index_cast %parallel_loop3A_1214 : i32 to index
          %parallel_loop3A_1217 = arith.index_cast %parallel_loop3A_1215 : i32 to index
          %parallel_loop3A_1218 = arith.index_cast %parallel_loop3A_635 : i32 to index
          %parallel_loop3A_1219 = tpu.vector_load %run_scoped3A_3[%parallel_loop3A_1216, %parallel_loop3A_1217, %parallel_loop3A_1218] {strides = array<i32>} : memref<2x32x512xf32, #tpu.memory_space<vmem>>, vector<16xf32>,
          tpu.vector_store %run_scoped3A_3[%parallel_loop3A_1216, %parallel_loop3A_1217, %parallel_loop3A_1218], %parallel_loop3A_1213 {strides = array<i32>} : memref<2x32x512xf32, #tpu.memory_space<vmem>>, vector<16xf32>,
          %parallel_loop3A_1220 = arith.constant 1 : i32
          %parallel_loop3A_1221 = arith.constant 14 : i32
          %parallel_loop3A_1222 = arith.index_cast %parallel_loop3A_1220 : i32 to index
          %parallel_loop3A_1223 = arith.index_cast %parallel_loop3A_1221 : i32 to index
          %parallel_loop3A_1224 = arith.index_cast %parallel_loop3A_635 : i32 to index
          %parallel_loop3A_1225 = tpu.vector_load %run_scoped3A[%parallel_loop3A_1222, %parallel_loop3A_1223, %parallel_loop3A_1224] {strides = array<i32>} : memref<2x32x512xf32, #tpu.memory_space<vmem>>, vector<16xf32>,
          %parallel_loop3A_1226 = arith.subf %parallel_loop3A_1225, %parallel_loop3A_924 : vector<16xf32>
          %parallel_loop3A_1227 = vector.broadcast %squeeze3A_40 : f32 to vector<16xf32>
          %parallel_loop3A_1228 = arith.mulf %parallel_loop3A_967, %parallel_loop3A_1227 : vector<16xf32>
          %parallel_loop3A_1229 = arith.mulf %parallel_loop3A_1226, %parallel_loop3A_1228 : vector<16xf32>
          %parallel_loop3A_1230 = vector.broadcast %squeeze3A_104 : f32 to vector<16xf32>
          %parallel_loop3A_1231 = arith.addf %parallel_loop3A_1229, %parallel_loop3A_1230 : vector<16xf32>
          %parallel_loop3A_1232 = arith.constant 1 : i32
          %parallel_loop3A_1233 = arith.constant 14 : i32
          %parallel_loop3A_1234 = arith.index_cast %parallel_loop3A_1232 : i32 to index
          %parallel_loop3A_1235 = arith.index_cast %parallel_loop3A_1233 : i32 to index
          %parallel_loop3A_1236 = arith.index_cast %parallel_loop3A_635 : i32 to index
          %parallel_loop3A_1237 = tpu.vector_load %run_scoped3A_3[%parallel_loop3A_1234, %parallel_loop3A_1235, %parallel_loop3A_1236] {strides = array<i32>} : memref<2x32x512xf32, #tpu.memory_space<vmem>>, vector<16xf32>,
          tpu.vector_store %run_scoped3A_3[%parallel_loop3A_1234, %parallel_loop3A_1235, %parallel_loop3A_1236], %parallel_loop3A_1231 {strides = array<i32>} : memref<2x32x512xf32, #tpu.memory_space<vmem>>, vector<16xf32>,
          %parallel_loop3A_1238 = arith.constant 1 : i32
          %parallel_loop3A_1239 = arith.constant 15 : i32
          %parallel_loop3A_1240 = arith.index_cast %parallel_loop3A_1238 : i32 to index
          %parallel_loop3A_1241 = arith.index_cast %parallel_loop3A_1239 : i32 to index
          %parallel_loop3A_1242 = arith.index_cast %parallel_loop3A_635 : i32 to index
          %parallel_loop3A_1243 = tpu.vector_load %run_scoped3A[%parallel_loop3A_1240, %parallel_loop3A_1241, %parallel_loop3A_1242] {strides = array<i32>} : memref<2x32x512xf32, #tpu.memory_space<vmem>>, vector<16xf32>,
          %parallel_loop3A_1244 = arith.subf %parallel_loop3A_1243, %parallel_loop3A_924 : vector<16xf32>
          %parallel_loop3A_1245 = vector.broadcast %squeeze3A_42 : f32 to vector<16xf32>
          %parallel_loop3A_1246 = arith.mulf %parallel_loop3A_967, %parallel_loop3A_1245 : vector<16xf32>
          %parallel_loop3A_1247 = arith.mulf %parallel_loop3A_1244, %parallel_loop3A_1246 : vector<16xf32>
          %parallel_loop3A_1248 = vector.broadcast %squeeze3A_106 : f32 to vector<16xf32>
          %parallel_loop3A_1249 = arith.addf %parallel_loop3A_1247, %parallel_loop3A_1248 : vector<16xf32>
          %parallel_loop3A_1250 = arith.constant 1 : i32
          %parallel_loop3A_1251 = arith.constant 15 : i32
          %parallel_loop3A_1252 = arith.index_cast %parallel_loop3A_1250 : i32 to index
          %parallel_loop3A_1253 = arith.index_cast %parallel_loop3A_1251 : i32 to index
          %parallel_loop3A_1254 = arith.index_cast %parallel_loop3A_635 : i32 to index
          %parallel_loop3A_1255 = tpu.vector_load %run_scoped3A_3[%parallel_loop3A_1252, %parallel_loop3A_1253, %parallel_loop3A_1254] {strides = array<i32>} : memref<2x32x512xf32, #tpu.memory_space<vmem>>, vector<16xf32>,
          tpu.vector_store %run_scoped3A_3[%parallel_loop3A_1252, %parallel_loop3A_1253, %parallel_loop3A_1254], %parallel_loop3A_1249 {strides = array<i32>} : memref<2x32x512xf32, #tpu.memory_space<vmem>>, vector<16xf32>,
          %parallel_loop3A_1256 = arith.constant 1 : i32
          %parallel_loop3A_1257 = arith.constant 16 : i32
          %parallel_loop3A_1258 = arith.index_cast %parallel_loop3A_1256 : i32 to index
          %parallel_loop3A_1259 = arith.index_cast %parallel_loop3A_1257 : i32 to index
          %parallel_loop3A_1260 = arith.index_cast %parallel_loop3A_635 : i32 to index
          %parallel_loop3A_1261 = tpu.vector_load %run_scoped3A[%parallel_loop3A_1258, %parallel_loop3A_1259, %parallel_loop3A_1260] {strides = array<i32>} : memref<2x32x512xf32, #tpu.memory_space<vmem>>, vector<16xf32>,
          %parallel_loop3A_1262 = arith.subf %parallel_loop3A_1261, %parallel_loop3A_924 : vector<16xf32>
          %parallel_loop3A_1263 = vector.broadcast %squeeze3A_44 : f32 to vector<16xf32>
          %parallel_loop3A_1264 = arith.mulf %parallel_loop3A_967, %parallel_loop3A_1263 : vector<16xf32>
          %parallel_loop3A_1265 = arith.mulf %parallel_loop3A_1262, %parallel_loop3A_1264 : vector<16xf32>
          %parallel_loop3A_1266 = vector.broadcast %squeeze3A_108 : f32 to vector<16xf32>
          %parallel_loop3A_1267 = arith.addf %parallel_loop3A_1265, %parallel_loop3A_1266 : vector<16xf32>
          %parallel_loop3A_1268 = arith.constant 1 : i32
          %parallel_loop3A_1269 = arith.constant 16 : i32
          %parallel_loop3A_1270 = arith.index_cast %parallel_loop3A_1268 : i32 to index
          %parallel_loop3A_1271 = arith.index_cast %parallel_loop3A_1269 : i32 to index
          %parallel_loop3A_1272 = arith.index_cast %parallel_loop3A_635 : i32 to index
          %parallel_loop3A_1273 = tpu.vector_load %run_scoped3A_3[%parallel_loop3A_1270, %parallel_loop3A_1271, %parallel_loop3A_1272] {strides = array<i32>} : memref<2x32x512xf32, #tpu.memory_space<vmem>>, vector<16xf32>,
          tpu.vector_store %run_scoped3A_3[%parallel_loop3A_1270, %parallel_loop3A_1271, %parallel_loop3A_1272], %parallel_loop3A_1267 {strides = array<i32>} : memref<2x32x512xf32, #tpu.memory_space<vmem>>, vector<16xf32>,
          %parallel_loop3A_1274 = arith.constant 1 : i32
          %parallel_loop3A_1275 = arith.constant 17 : i32
          %parallel_loop3A_1276 = arith.index_cast %parallel_loop3A_1274 : i32 to index
          %parallel_loop3A_1277 = arith.index_cast %parallel_loop3A_1275 : i32 to index
          %parallel_loop3A_1278 = arith.index_cast %parallel_loop3A_635 : i32 to index
          %parallel_loop3A_1279 = tpu.vector_load %run_scoped3A[%parallel_loop3A_1276, %parallel_loop3A_1277, %parallel_loop3A_1278] {strides = array<i32>} : memref<2x32x512xf32, #tpu.memory_space<vmem>>, vector<16xf32>,
          %parallel_loop3A_1280 = arith.subf %parallel_loop3A_1279, %parallel_loop3A_924 : vector<16xf32>
          %parallel_loop3A_1281 = vector.broadcast %squeeze3A_46 : f32 to vector<16xf32>
          %parallel_loop3A_1282 = arith.mulf %parallel_loop3A_967, %parallel_loop3A_1281 : vector<16xf32>
          %parallel_loop3A_1283 = arith.mulf %parallel_loop3A_1280, %parallel_loop3A_1282 : vector<16xf32>
          %parallel_loop3A_1284 = vector.broadcast %squeeze3A_110 : f32 to vector<16xf32>
          %parallel_loop3A_1285 = arith.addf %parallel_loop3A_1283, %parallel_loop3A_1284 : vector<16xf32>
          %parallel_loop3A_1286 = arith.constant 1 : i32
          %parallel_loop3A_1287 = arith.constant 17 : i32
          %parallel_loop3A_1288 = arith.index_cast %parallel_loop3A_1286 : i32 to index
          %parallel_loop3A_1289 = arith.index_cast %parallel_loop3A_1287 : i32 to index
          %parallel_loop3A_1290 = arith.index_cast %parallel_loop3A_635 : i32 to index
          %parallel_loop3A_1291 = tpu.vector_load %run_scoped3A_3[%parallel_loop3A_1288, %parallel_loop3A_1289, %parallel_loop3A_1290] {strides = array<i32>} : memref<2x32x512xf32, #tpu.memory_space<vmem>>, vector<16xf32>,
          tpu.vector_store %run_scoped3A_3[%parallel_loop3A_1288, %parallel_loop3A_1289, %parallel_loop3A_1290], %parallel_loop3A_1285 {strides = array<i32>} : memref<2x32x512xf32, #tpu.memory_space<vmem>>, vector<16xf32>,
          %parallel_loop3A_1292 = arith.constant 1 : i32
          %parallel_loop3A_1293 = arith.constant 18 : i32
          %parallel_loop3A_1294 = arith.index_cast %parallel_loop3A_1292 : i32 to index
          %parallel_loop3A_1295 = arith.index_cast %parallel_loop3A_1293 : i32 to index
          %parallel_loop3A_1296 = arith.index_cast %parallel_loop3A_635 : i32 to index
          %parallel_loop3A_1297 = tpu.vector_load %run_scoped3A[%parallel_loop3A_1294, %parallel_loop3A_1295, %parallel_loop3A_1296] {strides = array<i32>} : memref<2x32x512xf32, #tpu.memory_space<vmem>>, vector<16xf32>,
          %parallel_loop3A_1298 = arith.subf %parallel_loop3A_1297, %parallel_loop3A_924 : vector<16xf32>
          %parallel_loop3A_1299 = vector.broadcast %squeeze3A_48 : f32 to vector<16xf32>
          %parallel_loop3A_1300 = arith.mulf %parallel_loop3A_967, %parallel_loop3A_1299 : vector<16xf32>
          %parallel_loop3A_1301 = arith.mulf %parallel_loop3A_1298, %parallel_loop3A_1300 : vector<16xf32>
          %parallel_loop3A_1302 = vector.broadcast %squeeze3A_112 : f32 to vector<16xf32>
          %parallel_loop3A_1303 = arith.addf %parallel_loop3A_1301, %parallel_loop3A_1302 : vector<16xf32>
          %parallel_loop3A_1304 = arith.constant 1 : i32
          %parallel_loop3A_1305 = arith.constant 18 : i32
          %parallel_loop3A_1306 = arith.index_cast %parallel_loop3A_1304 : i32 to index
          %parallel_loop3A_1307 = arith.index_cast %parallel_loop3A_1305 : i32 to index
          %parallel_loop3A_1308 = arith.index_cast %parallel_loop3A_635 : i32 to index
          %parallel_loop3A_1309 = tpu.vector_load %run_scoped3A_3[%parallel_loop3A_1306, %parallel_loop3A_1307, %parallel_loop3A_1308] {strides = array<i32>} : memref<2x32x512xf32, #tpu.memory_space<vmem>>, vector<16xf32>,
          tpu.vector_store %run_scoped3A_3[%parallel_loop3A_1306, %parallel_loop3A_1307, %parallel_loop3A_1308], %parallel_loop3A_1303 {strides = array<i32>} : memref<2x32x512xf32, #tpu.memory_space<vmem>>, vector<16xf32>,
          %parallel_loop3A_1310 = arith.constant 1 : i32
          %parallel_loop3A_1311 = arith.constant 19 : i32
          %parallel_loop3A_1312 = arith.index_cast %parallel_loop3A_1310 : i32 to index
          %parallel_loop3A_1313 = arith.index_cast %parallel_loop3A_1311 : i32 to index
          %parallel_loop3A_1314 = arith.index_cast %parallel_loop3A_635 : i32 to index
          %parallel_loop3A_1315 = tpu.vector_load %run_scoped3A[%parallel_loop3A_1312, %parallel_loop3A_1313, %parallel_loop3A_1314] {strides = array<i32>} : memref<2x32x512xf32, #tpu.memory_space<vmem>>, vector<16xf32>,
          %parallel_loop3A_1316 = arith.subf %parallel_loop3A_1315, %parallel_loop3A_924 : vector<16xf32>
          %parallel_loop3A_1317 = vector.broadcast %squeeze3A_50 : f32 to vector<16xf32>
          %parallel_loop3A_1318 = arith.mulf %parallel_loop3A_967, %parallel_loop3A_1317 : vector<16xf32>
          %parallel_loop3A_1319 = arith.mulf %parallel_loop3A_1316, %parallel_loop3A_1318 : vector<16xf32>
          %parallel_loop3A_1320 = vector.broadcast %squeeze3A_114 : f32 to vector<16xf32>
          %parallel_loop3A_1321 = arith.addf %parallel_loop3A_1319, %parallel_loop3A_1320 : vector<16xf32>
          %parallel_loop3A_1322 = arith.constant 1 : i32
          %parallel_loop3A_1323 = arith.constant 19 : i32
          %parallel_loop3A_1324 = arith.index_cast %parallel_loop3A_1322 : i32 to index
          %parallel_loop3A_1325 = arith.index_cast %parallel_loop3A_1323 : i32 to index
          %parallel_loop3A_1326 = arith.index_cast %parallel_loop3A_635 : i32 to index
          %parallel_loop3A_1327 = tpu.vector_load %run_scoped3A_3[%parallel_loop3A_1324, %parallel_loop3A_1325, %parallel_loop3A_1326] {strides = array<i32>} : memref<2x32x512xf32, #tpu.memory_space<vmem>>, vector<16xf32>,
          tpu.vector_store %run_scoped3A_3[%parallel_loop3A_1324, %parallel_loop3A_1325, %parallel_loop3A_1326], %parallel_loop3A_1321 {strides = array<i32>} : memref<2x32x512xf32, #tpu.memory_space<vmem>>, vector<16xf32>,
          %parallel_loop3A_1328 = arith.constant 1 : i32
          %parallel_loop3A_1329 = arith.constant 20 : i32
          %parallel_loop3A_1330 = arith.index_cast %parallel_loop3A_1328 : i32 to index
          %parallel_loop3A_1331 = arith.index_cast %parallel_loop3A_1329 : i32 to index
          %parallel_loop3A_1332 = arith.index_cast %parallel_loop3A_635 : i32 to index
          %parallel_loop3A_1333 = tpu.vector_load %run_scoped3A[%parallel_loop3A_1330, %parallel_loop3A_1331, %parallel_loop3A_1332] {strides = array<i32>} : memref<2x32x512xf32, #tpu.memory_space<vmem>>, vector<16xf32>,
          %parallel_loop3A_1334 = arith.subf %parallel_loop3A_1333, %parallel_loop3A_924 : vector<16xf32>
          %parallel_loop3A_1335 = vector.broadcast %squeeze3A_52 : f32 to vector<16xf32>
          %parallel_loop3A_1336 = arith.mulf %parallel_loop3A_967, %parallel_loop3A_1335 : vector<16xf32>
          %parallel_loop3A_1337 = arith.mulf %parallel_loop3A_1334, %parallel_loop3A_1336 : vector<16xf32>
          %parallel_loop3A_1338 = vector.broadcast %squeeze3A_116 : f32 to vector<16xf32>
          %parallel_loop3A_1339 = arith.addf %parallel_loop3A_1337, %parallel_loop3A_1338 : vector<16xf32>
          %parallel_loop3A_1340 = arith.constant 1 : i32
          %parallel_loop3A_1341 = arith.constant 20 : i32
          %parallel_loop3A_1342 = arith.index_cast %parallel_loop3A_1340 : i32 to index
          %parallel_loop3A_1343 = arith.index_cast %parallel_loop3A_1341 : i32 to index
          %parallel_loop3A_1344 = arith.index_cast %parallel_loop3A_635 : i32 to index
          %parallel_loop3A_1345 = tpu.vector_load %run_scoped3A_3[%parallel_loop3A_1342, %parallel_loop3A_1343, %parallel_loop3A_1344] {strides = array<i32>} : memref<2x32x512xf32, #tpu.memory_space<vmem>>, vector<16xf32>,
          tpu.vector_store %run_scoped3A_3[%parallel_loop3A_1342, %parallel_loop3A_1343, %parallel_loop3A_1344], %parallel_loop3A_1339 {strides = array<i32>} : memref<2x32x512xf32, #tpu.memory_space<vmem>>, vector<16xf32>,
          %parallel_loop3A_1346 = arith.constant 1 : i32
          %parallel_loop3A_1347 = arith.constant 21 : i32
          %parallel_loop3A_1348 = arith.index_cast %parallel_loop3A_1346 : i32 to index
          %parallel_loop3A_1349 = arith.index_cast %parallel_loop3A_1347 : i32 to index
          %parallel_loop3A_1350 = arith.index_cast %parallel_loop3A_635 : i32 to index
          %parallel_loop3A_1351 = tpu.vector_load %run_scoped3A[%parallel_loop3A_1348, %parallel_loop3A_1349, %parallel_loop3A_1350] {strides = array<i32>} : memref<2x32x512xf32, #tpu.memory_space<vmem>>, vector<16xf32>,
          %parallel_loop3A_1352 = arith.subf %parallel_loop3A_1351, %parallel_loop3A_924 : vector<16xf32>
          %parallel_loop3A_1353 = vector.broadcast %squeeze3A_54 : f32 to vector<16xf32>
          %parallel_loop3A_1354 = arith.mulf %parallel_loop3A_967, %parallel_loop3A_1353 : vector<16xf32>
          %parallel_loop3A_1355 = arith.mulf %parallel_loop3A_1352, %parallel_loop3A_1354 : vector<16xf32>
          %parallel_loop3A_1356 = vector.broadcast %squeeze3A_118 : f32 to vector<16xf32>
          %parallel_loop3A_1357 = arith.addf %parallel_loop3A_1355, %parallel_loop3A_1356 : vector<16xf32>
          %parallel_loop3A_1358 = arith.constant 1 : i32
          %parallel_loop3A_1359 = arith.constant 21 : i32
          %parallel_loop3A_1360 = arith.index_cast %parallel_loop3A_1358 : i32 to index
          %parallel_loop3A_1361 = arith.index_cast %parallel_loop3A_1359 : i32 to index
          %parallel_loop3A_1362 = arith.index_cast %parallel_loop3A_635 : i32 to index
          %parallel_loop3A_1363 = tpu.vector_load %run_scoped3A_3[%parallel_loop3A_1360, %parallel_loop3A_1361, %parallel_loop3A_1362] {strides = array<i32>} : memref<2x32x512xf32, #tpu.memory_space<vmem>>, vector<16xf32>,
          tpu.vector_store %run_scoped3A_3[%parallel_loop3A_1360, %parallel_loop3A_1361, %parallel_loop3A_1362], %parallel_loop3A_1357 {strides = array<i32>} : memref<2x32x512xf32, #tpu.memory_space<vmem>>, vector<16xf32>,
          %parallel_loop3A_1364 = arith.constant 1 : i32
          %parallel_loop3A_1365 = arith.constant 22 : i32
          %parallel_loop3A_1366 = arith.index_cast %parallel_loop3A_1364 : i32 to index
          %parallel_loop3A_1367 = arith.index_cast %parallel_loop3A_1365 : i32 to index
          %parallel_loop3A_1368 = arith.index_cast %parallel_loop3A_635 : i32 to index
          %parallel_loop3A_1369 = tpu.vector_load %run_scoped3A[%parallel_loop3A_1366, %parallel_loop3A_1367, %parallel_loop3A_1368] {strides = array<i32>} : memref<2x32x512xf32, #tpu.memory_space<vmem>>, vector<16xf32>,
          %parallel_loop3A_1370 = arith.subf %parallel_loop3A_1369, %parallel_loop3A_924 : vector<16xf32>
          %parallel_loop3A_1371 = vector.broadcast %squeeze3A_56 : f32 to vector<16xf32>
          %parallel_loop3A_1372 = arith.mulf %parallel_loop3A_967, %parallel_loop3A_1371 : vector<16xf32>
          %parallel_loop3A_1373 = arith.mulf %parallel_loop3A_1370, %parallel_loop3A_1372 : vector<16xf32>
          %parallel_loop3A_1374 = vector.broadcast %squeeze3A_120 : f32 to vector<16xf32>
          %parallel_loop3A_1375 = arith.addf %parallel_loop3A_1373, %parallel_loop3A_1374 : vector<16xf32>
          %parallel_loop3A_1376 = arith.constant 1 : i32
          %parallel_loop3A_1377 = arith.constant 22 : i32
          %parallel_loop3A_1378 = arith.index_cast %parallel_loop3A_1376 : i32 to index
          %parallel_loop3A_1379 = arith.index_cast %parallel_loop3A_1377 : i32 to index
          %parallel_loop3A_1380 = arith.index_cast %parallel_loop3A_635 : i32 to index
          %parallel_loop3A_1381 = tpu.vector_load %run_scoped3A_3[%parallel_loop3A_1378, %parallel_loop3A_1379, %parallel_loop3A_1380] {strides = array<i32>} : memref<2x32x512xf32, #tpu.memory_space<vmem>>, vector<16xf32>,
          tpu.vector_store %run_scoped3A_3[%parallel_loop3A_1378, %parallel_loop3A_1379, %parallel_loop3A_1380], %parallel_loop3A_1375 {strides = array<i32>} : memref<2x32x512xf32, #tpu.memory_space<vmem>>, vector<16xf32>,
          %parallel_loop3A_1382 = arith.constant 1 : i32
          %parallel_loop3A_1383 = arith.constant 23 : i32
          %parallel_loop3A_1384 = arith.index_cast %parallel_loop3A_1382 : i32 to index
          %parallel_loop3A_1385 = arith.index_cast %parallel_loop3A_1383 : i32 to index
          %parallel_loop3A_1386 = arith.index_cast %parallel_loop3A_635 : i32 to index
          %parallel_loop3A_1387 = tpu.vector_load %run_scoped3A[%parallel_loop3A_1384, %parallel_loop3A_1385, %parallel_loop3A_1386] {strides = array<i32>} : memref<2x32x512xf32, #tpu.memory_space<vmem>>, vector<16xf32>,
          %parallel_loop3A_1388 = arith.subf %parallel_loop3A_1387, %parallel_loop3A_924 : vector<16xf32>
          %parallel_loop3A_1389 = vector.broadcast %squeeze3A_58 : f32 to vector<16xf32>
          %parallel_loop3A_1390 = arith.mulf %parallel_loop3A_967, %parallel_loop3A_1389 : vector<16xf32>
          %parallel_loop3A_1391 = arith.mulf %parallel_loop3A_1388, %parallel_loop3A_1390 : vector<16xf32>
          %parallel_loop3A_1392 = vector.broadcast %squeeze3A_122 : f32 to vector<16xf32>
          %parallel_loop3A_1393 = arith.addf %parallel_loop3A_1391, %parallel_loop3A_1392 : vector<16xf32>
          %parallel_loop3A_1394 = arith.constant 1 : i32
          %parallel_loop3A_1395 = arith.constant 23 : i32
          %parallel_loop3A_1396 = arith.index_cast %parallel_loop3A_1394 : i32 to index
          %parallel_loop3A_1397 = arith.index_cast %parallel_loop3A_1395 : i32 to index
          %parallel_loop3A_1398 = arith.index_cast %parallel_loop3A_635 : i32 to index
          %parallel_loop3A_1399 = tpu.vector_load %run_scoped3A_3[%parallel_loop3A_1396, %parallel_loop3A_1397, %parallel_loop3A_1398] {strides = array<i32>} : memref<2x32x512xf32, #tpu.memory_space<vmem>>, vector<16xf32>,
          tpu.vector_store %run_scoped3A_3[%parallel_loop3A_1396, %parallel_loop3A_1397, %parallel_loop3A_1398], %parallel_loop3A_1393 {strides = array<i32>} : memref<2x32x512xf32, #tpu.memory_space<vmem>>, vector<16xf32>,
          %parallel_loop3A_1400 = arith.constant 1 : i32
          %parallel_loop3A_1401 = arith.constant 24 : i32
          %parallel_loop3A_1402 = arith.index_cast %parallel_loop3A_1400 : i32 to index
          %parallel_loop3A_1403 = arith.index_cast %parallel_loop3A_1401 : i32 to index
          %parallel_loop3A_1404 = arith.index_cast %parallel_loop3A_635 : i32 to index
          %parallel_loop3A_1405 = tpu.vector_load %run_scoped3A[%parallel_loop3A_1402, %parallel_loop3A_1403, %parallel_loop3A_1404] {strides = array<i32>} : memref<2x32x512xf32, #tpu.memory_space<vmem>>, vector<16xf32>,
          %parallel_loop3A_1406 = arith.subf %parallel_loop3A_1405, %parallel_loop3A_924 : vector<16xf32>
          %parallel_loop3A_1407 = vector.broadcast %squeeze3A_60 : f32 to vector<16xf32>
          %parallel_loop3A_1408 = arith.mulf %parallel_loop3A_967, %parallel_loop3A_1407 : vector<16xf32>
          %parallel_loop3A_1409 = arith.mulf %parallel_loop3A_1406, %parallel_loop3A_1408 : vector<16xf32>
          %parallel_loop3A_1410 = vector.broadcast %squeeze3A_124 : f32 to vector<16xf32>
          %parallel_loop3A_1411 = arith.addf %parallel_loop3A_1409, %parallel_loop3A_1410 : vector<16xf32>
          %parallel_loop3A_1412 = arith.constant 1 : i32
          %parallel_loop3A_1413 = arith.constant 24 : i32
          %parallel_loop3A_1414 = arith.index_cast %parallel_loop3A_1412 : i32 to index
          %parallel_loop3A_1415 = arith.index_cast %parallel_loop3A_1413 : i32 to index
          %parallel_loop3A_1416 = arith.index_cast %parallel_loop3A_635 : i32 to index
          %parallel_loop3A_1417 = tpu.vector_load %run_scoped3A_3[%parallel_loop3A_1414, %parallel_loop3A_1415, %parallel_loop3A_1416] {strides = array<i32>} : memref<2x32x512xf32, #tpu.memory_space<vmem>>, vector<16xf32>,
          tpu.vector_store %run_scoped3A_3[%parallel_loop3A_1414, %parallel_loop3A_1415, %parallel_loop3A_1416], %parallel_loop3A_1411 {strides = array<i32>} : memref<2x32x512xf32, #tpu.memory_space<vmem>>, vector<16xf32>,
          %parallel_loop3A_1418 = arith.constant 1 : i32
          %parallel_loop3A_1419 = arith.constant 25 : i32
          %parallel_loop3A_1420 = arith.index_cast %parallel_loop3A_1418 : i32 to index
          %parallel_loop3A_1421 = arith.index_cast %parallel_loop3A_1419 : i32 to index
          %parallel_loop3A_1422 = arith.index_cast %parallel_loop3A_635 : i32 to index
          %parallel_loop3A_1423 = tpu.vector_load %run_scoped3A[%parallel_loop3A_1420, %parallel_loop3A_1421, %parallel_loop3A_1422] {strides = array<i32>} : memref<2x32x512xf32, #tpu.memory_space<vmem>>, vector<16xf32>,
          %parallel_loop3A_1424 = arith.subf %parallel_loop3A_1423, %parallel_loop3A_924 : vector<16xf32>
          %parallel_loop3A_1425 = vector.broadcast %squeeze3A_62 : f32 to vector<16xf32>
          %parallel_loop3A_1426 = arith.mulf %parallel_loop3A_967, %parallel_loop3A_1425 : vector<16xf32>
          %parallel_loop3A_1427 = arith.mulf %parallel_loop3A_1424, %parallel_loop3A_1426 : vector<16xf32>
          %parallel_loop3A_1428 = vector.broadcast %squeeze3A_126 : f32 to vector<16xf32>
          %parallel_loop3A_1429 = arith.addf %parallel_loop3A_1427, %parallel_loop3A_1428 : vector<16xf32>
          %parallel_loop3A_1430 = arith.constant 1 : i32
          %parallel_loop3A_1431 = arith.constant 25 : i32
          %parallel_loop3A_1432 = arith.index_cast %parallel_loop3A_1430 : i32 to index
          %parallel_loop3A_1433 = arith.index_cast %parallel_loop3A_1431 : i32 to index
          %parallel_loop3A_1434 = arith.index_cast %parallel_loop3A_635 : i32 to index
          %parallel_loop3A_1435 = tpu.vector_load %run_scoped3A_3[%parallel_loop3A_1432, %parallel_loop3A_1433, %parallel_loop3A_1434] {strides = array<i32>} : memref<2x32x512xf32, #tpu.memory_space<vmem>>, vector<16xf32>,
          tpu.vector_store %run_scoped3A_3[%parallel_loop3A_1432, %parallel_loop3A_1433, %parallel_loop3A_1434], %parallel_loop3A_1429 {strides = array<i32>} : memref<2x32x512xf32, #tpu.memory_space<vmem>>, vector<16xf32>,
          %parallel_loop3A_1436 = arith.constant 1 : i32
          %parallel_loop3A_1437 = arith.constant 26 : i32
          %parallel_loop3A_1438 = arith.index_cast %parallel_loop3A_1436 : i32 to index
          %parallel_loop3A_1439 = arith.index_cast %parallel_loop3A_1437 : i32 to index
          %parallel_loop3A_1440 = arith.index_cast %parallel_loop3A_635 : i32 to index
          %parallel_loop3A_1441 = tpu.vector_load %run_scoped3A[%parallel_loop3A_1438, %parallel_loop3A_1439, %parallel_loop3A_1440] {strides = array<i32>} : memref<2x32x512xf32, #tpu.memory_space<vmem>>, vector<16xf32>,
          %parallel_loop3A_1442 = arith.subf %parallel_loop3A_1441, %parallel_loop3A_924 : vector<16xf32>
          %parallel_loop3A_1443 = vector.broadcast %squeeze3A_64 : f32 to vector<16xf32>
          %parallel_loop3A_1444 = arith.mulf %parallel_loop3A_967, %parallel_loop3A_1443 : vector<16xf32>
          %parallel_loop3A_1445 = arith.mulf %parallel_loop3A_1442, %parallel_loop3A_1444 : vector<16xf32>
          %parallel_loop3A_1446 = vector.broadcast %squeeze3A_128 : f32 to vector<16xf32>
          %parallel_loop3A_1447 = arith.addf %parallel_loop3A_1445, %parallel_loop3A_1446 : vector<16xf32>
          %parallel_loop3A_1448 = arith.constant 1 : i32
          %parallel_loop3A_1449 = arith.constant 26 : i32
          %parallel_loop3A_1450 = arith.index_cast %parallel_loop3A_1448 : i32 to index
          %parallel_loop3A_1451 = arith.index_cast %parallel_loop3A_1449 : i32 to index
          %parallel_loop3A_1452 = arith.index_cast %parallel_loop3A_635 : i32 to index
          %parallel_loop3A_1453 = tpu.vector_load %run_scoped3A_3[%parallel_loop3A_1450, %parallel_loop3A_1451, %parallel_loop3A_1452] {strides = array<i32>} : memref<2x32x512xf32, #tpu.memory_space<vmem>>, vector<16xf32>,
          tpu.vector_store %run_scoped3A_3[%parallel_loop3A_1450, %parallel_loop3A_1451, %parallel_loop3A_1452], %parallel_loop3A_1447 {strides = array<i32>} : memref<2x32x512xf32, #tpu.memory_space<vmem>>, vector<16xf32>,
          %parallel_loop3A_1454 = arith.constant 1 : i32
          %parallel_loop3A_1455 = arith.constant 27 : i32
          %parallel_loop3A_1456 = arith.index_cast %parallel_loop3A_1454 : i32 to index
          %parallel_loop3A_1457 = arith.index_cast %parallel_loop3A_1455 : i32 to index
          %parallel_loop3A_1458 = arith.index_cast %parallel_loop3A_635 : i32 to index
          %parallel_loop3A_1459 = tpu.vector_load %run_scoped3A[%parallel_loop3A_1456, %parallel_loop3A_1457, %parallel_loop3A_1458] {strides = array<i32>} : memref<2x32x512xf32, #tpu.memory_space<vmem>>, vector<16xf32>,
          %parallel_loop3A_1460 = arith.subf %parallel_loop3A_1459, %parallel_loop3A_924 : vector<16xf32>
          %parallel_loop3A_1461 = vector.broadcast %squeeze3A_66 : f32 to vector<16xf32>
          %parallel_loop3A_1462 = arith.mulf %parallel_loop3A_967, %parallel_loop3A_1461 : vector<16xf32>
          %parallel_loop3A_1463 = arith.mulf %parallel_loop3A_1460, %parallel_loop3A_1462 : vector<16xf32>
          %parallel_loop3A_1464 = vector.broadcast %squeeze3A_130 : f32 to vector<16xf32>
          %parallel_loop3A_1465 = arith.addf %parallel_loop3A_1463, %parallel_loop3A_1464 : vector<16xf32>
          %parallel_loop3A_1466 = arith.constant 1 : i32
          %parallel_loop3A_1467 = arith.constant 27 : i32
          %parallel_loop3A_1468 = arith.index_cast %parallel_loop3A_1466 : i32 to index
          %parallel_loop3A_1469 = arith.index_cast %parallel_loop3A_1467 : i32 to index
          %parallel_loop3A_1470 = arith.index_cast %parallel_loop3A_635 : i32 to index
          %parallel_loop3A_1471 = tpu.vector_load %run_scoped3A_3[%parallel_loop3A_1468, %parallel_loop3A_1469, %parallel_loop3A_1470] {strides = array<i32>} : memref<2x32x512xf32, #tpu.memory_space<vmem>>, vector<16xf32>,
          tpu.vector_store %run_scoped3A_3[%parallel_loop3A_1468, %parallel_loop3A_1469, %parallel_loop3A_1470], %parallel_loop3A_1465 {strides = array<i32>} : memref<2x32x512xf32, #tpu.memory_space<vmem>>, vector<16xf32>,
          %parallel_loop3A_1472 = arith.constant 1 : i32
          %parallel_loop3A_1473 = arith.constant 28 : i32
          %parallel_loop3A_1474 = arith.index_cast %parallel_loop3A_1472 : i32 to index
          %parallel_loop3A_1475 = arith.index_cast %parallel_loop3A_1473 : i32 to index
          %parallel_loop3A_1476 = arith.index_cast %parallel_loop3A_635 : i32 to index
          %parallel_loop3A_1477 = tpu.vector_load %run_scoped3A[%parallel_loop3A_1474, %parallel_loop3A_1475, %parallel_loop3A_1476] {strides = array<i32>} : memref<2x32x512xf32, #tpu.memory_space<vmem>>, vector<16xf32>,
          %parallel_loop3A_1478 = arith.subf %parallel_loop3A_1477, %parallel_loop3A_924 : vector<16xf32>
          %parallel_loop3A_1479 = vector.broadcast %squeeze3A_68 : f32 to vector<16xf32>
          %parallel_loop3A_1480 = arith.mulf %parallel_loop3A_967, %parallel_loop3A_1479 : vector<16xf32>
          %parallel_loop3A_1481 = arith.mulf %parallel_loop3A_1478, %parallel_loop3A_1480 : vector<16xf32>
          %parallel_loop3A_1482 = vector.broadcast %squeeze3A_132 : f32 to vector<16xf32>
          %parallel_loop3A_1483 = arith.addf %parallel_loop3A_1481, %parallel_loop3A_1482 : vector<16xf32>
          %parallel_loop3A_1484 = arith.constant 1 : i32
          %parallel_loop3A_1485 = arith.constant 28 : i32
          %parallel_loop3A_1486 = arith.index_cast %parallel_loop3A_1484 : i32 to index
          %parallel_loop3A_1487 = arith.index_cast %parallel_loop3A_1485 : i32 to index
          %parallel_loop3A_1488 = arith.index_cast %parallel_loop3A_635 : i32 to index
          %parallel_loop3A_1489 = tpu.vector_load %run_scoped3A_3[%parallel_loop3A_1486, %parallel_loop3A_1487, %parallel_loop3A_1488] {strides = array<i32>} : memref<2x32x512xf32, #tpu.memory_space<vmem>>, vector<16xf32>,
          tpu.vector_store %run_scoped3A_3[%parallel_loop3A_1486, %parallel_loop3A_1487, %parallel_loop3A_1488], %parallel_loop3A_1483 {strides = array<i32>} : memref<2x32x512xf32, #tpu.memory_space<vmem>>, vector<16xf32>,
          %parallel_loop3A_1490 = arith.constant 1 : i32
          %parallel_loop3A_1491 = arith.constant 29 : i32
          %parallel_loop3A_1492 = arith.index_cast %parallel_loop3A_1490 : i32 to index
          %parallel_loop3A_1493 = arith.index_cast %parallel_loop3A_1491 : i32 to index
          %parallel_loop3A_1494 = arith.index_cast %parallel_loop3A_635 : i32 to index
          %parallel_loop3A_1495 = tpu.vector_load %run_scoped3A[%parallel_loop3A_1492, %parallel_loop3A_1493, %parallel_loop3A_1494] {strides = array<i32>} : memref<2x32x512xf32, #tpu.memory_space<vmem>>, vector<16xf32>,
          %parallel_loop3A_1496 = arith.subf %parallel_loop3A_1495, %parallel_loop3A_924 : vector<16xf32>
          %parallel_loop3A_1497 = vector.broadcast %squeeze3A_70 : f32 to vector<16xf32>
          %parallel_loop3A_1498 = arith.mulf %parallel_loop3A_967, %parallel_loop3A_1497 : vector<16xf32>
          %parallel_loop3A_1499 = arith.mulf %parallel_loop3A_1496, %parallel_loop3A_1498 : vector<16xf32>
          %parallel_loop3A_1500 = vector.broadcast %squeeze3A_134 : f32 to vector<16xf32>
          %parallel_loop3A_1501 = arith.addf %parallel_loop3A_1499, %parallel_loop3A_1500 : vector<16xf32>
          %parallel_loop3A_1502 = arith.constant 1 : i32
          %parallel_loop3A_1503 = arith.constant 29 : i32
          %parallel_loop3A_1504 = arith.index_cast %parallel_loop3A_1502 : i32 to index
          %parallel_loop3A_1505 = arith.index_cast %parallel_loop3A_1503 : i32 to index
          %parallel_loop3A_1506 = arith.index_cast %parallel_loop3A_635 : i32 to index
          %parallel_loop3A_1507 = tpu.vector_load %run_scoped3A_3[%parallel_loop3A_1504, %parallel_loop3A_1505, %parallel_loop3A_1506] {strides = array<i32>} : memref<2x32x512xf32, #tpu.memory_space<vmem>>, vector<16xf32>,
          tpu.vector_store %run_scoped3A_3[%parallel_loop3A_1504, %parallel_loop3A_1505, %parallel_loop3A_1506], %parallel_loop3A_1501 {strides = array<i32>} : memref<2x32x512xf32, #tpu.memory_space<vmem>>, vector<16xf32>,
          %parallel_loop3A_1508 = arith.constant 1 : i32
          %parallel_loop3A_1509 = arith.constant 30 : i32
          %parallel_loop3A_1510 = arith.index_cast %parallel_loop3A_1508 : i32 to index
          %parallel_loop3A_1511 = arith.index_cast %parallel_loop3A_1509 : i32 to index
          %parallel_loop3A_1512 = arith.index_cast %parallel_loop3A_635 : i32 to index
          %parallel_loop3A_1513 = tpu.vector_load %run_scoped3A[%parallel_loop3A_1510, %parallel_loop3A_1511, %parallel_loop3A_1512] {strides = array<i32>} : memref<2x32x512xf32, #tpu.memory_space<vmem>>, vector<16xf32>,
          %parallel_loop3A_1514 = arith.subf %parallel_loop3A_1513, %parallel_loop3A_924 : vector<16xf32>
          %parallel_loop3A_1515 = vector.broadcast %squeeze3A_72 : f32 to vector<16xf32>
          %parallel_loop3A_1516 = arith.mulf %parallel_loop3A_967, %parallel_loop3A_1515 : vector<16xf32>
          %parallel_loop3A_1517 = arith.mulf %parallel_loop3A_1514, %parallel_loop3A_1516 : vector<16xf32>
          %parallel_loop3A_1518 = vector.broadcast %squeeze3A_136 : f32 to vector<16xf32>
          %parallel_loop3A_1519 = arith.addf %parallel_loop3A_1517, %parallel_loop3A_1518 : vector<16xf32>
          %parallel_loop3A_1520 = arith.constant 1 : i32
          %parallel_loop3A_1521 = arith.constant 30 : i32
          %parallel_loop3A_1522 = arith.index_cast %parallel_loop3A_1520 : i32 to index
          %parallel_loop3A_1523 = arith.index_cast %parallel_loop3A_1521 : i32 to index
          %parallel_loop3A_1524 = arith.index_cast %parallel_loop3A_635 : i32 to index
          %parallel_loop3A_1525 = tpu.vector_load %run_scoped3A_3[%parallel_loop3A_1522, %parallel_loop3A_1523, %parallel_loop3A_1524] {strides = array<i32>} : memref<2x32x512xf32, #tpu.memory_space<vmem>>, vector<16xf32>,
          tpu.vector_store %run_scoped3A_3[%parallel_loop3A_1522, %parallel_loop3A_1523, %parallel_loop3A_1524], %parallel_loop3A_1519 {strides = array<i32>} : memref<2x32x512xf32, #tpu.memory_space<vmem>>, vector<16xf32>,
          %parallel_loop3A_1526 = arith.constant 1 : i32
          %parallel_loop3A_1527 = arith.constant 31 : i32
          %parallel_loop3A_1528 = arith.index_cast %parallel_loop3A_1526 : i32 to index
          %parallel_loop3A_1529 = arith.index_cast %parallel_loop3A_1527 : i32 to index
          %parallel_loop3A_1530 = arith.index_cast %parallel_loop3A_635 : i32 to index
          %parallel_loop3A_1531 = tpu.vector_load %run_scoped3A[%parallel_loop3A_1528, %parallel_loop3A_1529, %parallel_loop3A_1530] {strides = array<i32>} : memref<2x32x512xf32, #tpu.memory_space<vmem>>, vector<16xf32>,
          %parallel_loop3A_1532 = arith.subf %parallel_loop3A_1531, %parallel_loop3A_924 : vector<16xf32>
          %parallel_loop3A_1533 = vector.broadcast %squeeze3A_74 : f32 to vector<16xf32>
          %parallel_loop3A_1534 = arith.mulf %parallel_loop3A_967, %parallel_loop3A_1533 : vector<16xf32>
          %parallel_loop3A_1535 = arith.mulf %parallel_loop3A_1532, %parallel_loop3A_1534 : vector<16xf32>
          %parallel_loop3A_1536 = vector.broadcast %squeeze3A_138 : f32 to vector<16xf32>
          %parallel_loop3A_1537 = arith.addf %parallel_loop3A_1535, %parallel_loop3A_1536 : vector<16xf32>
          %parallel_loop3A_1538 = arith.constant 1 : i32
          %parallel_loop3A_1539 = arith.constant 31 : i32
          %parallel_loop3A_1540 = arith.index_cast %parallel_loop3A_1538 : i32 to index
          %parallel_loop3A_1541 = arith.index_cast %parallel_loop3A_1539 : i32 to index
          %parallel_loop3A_1542 = arith.index_cast %parallel_loop3A_635 : i32 to index
          %parallel_loop3A_1543 = tpu.vector_load %run_scoped3A_3[%parallel_loop3A_1540, %parallel_loop3A_1541, %parallel_loop3A_1542] {strides = array<i32>} : memref<2x32x512xf32, #tpu.memory_space<vmem>>, vector<16xf32>,
          tpu.vector_store %run_scoped3A_3[%parallel_loop3A_1540, %parallel_loop3A_1541, %parallel_loop3A_1542], %parallel_loop3A_1537 {strides = array<i32>} : memref<2x32x512xf32, #tpu.memory_space<vmem>>, vector<16xf32>,
        } {sc.loop_unroll_factor = 4 : i64, sc.parallel_access}
        %jit3A_569 = arith.constant 32 : i32
        %div3A_570 = arith.divsi %add3A_502, %jit3A_569 : i32
        %sign3A_571 = arith.constant 0 : i32
        %sign3A_572 = arith.cmpi sgt, %add3A_502, %sign3A_571 : i32
        %sign3A_573 = arith.extui %sign3A_572 : i1 to i32
        %sign3A_574 = arith.constant 0 : i32
        %sign3A_575 = arith.cmpi slt, %add3A_502, %sign3A_574 : i32
        %sign3A_576 = arith.extui %sign3A_575 : i1 to i32
        %sign3A_577 = arith.subi %sign3A_573, %sign3A_576 : i32
        %sign3A_578 = arith.constant 0 : i32
        %sign3A_579 = arith.cmpi sgt, %jit3A_569, %sign3A_578 : i32
        %sign3A_580 = arith.extui %sign3A_579 : i1 to i32
        %sign3A_581 = arith.constant 0 : i32
        %sign3A_582 = arith.cmpi slt, %jit3A_569, %sign3A_581 : i32
        %sign3A_583 = arith.extui %sign3A_582 : i1 to i32
        %sign3A_584 = arith.subi %sign3A_580, %sign3A_583 : i32
        %ne3A_585 = arith.cmpi ne, %sign3A_577, %sign3A_584 : i32
        %rem3A_586 = arith.remsi %add3A_502, %jit3A_569 : i32
        %ne3A_587 = arith.constant 0 : i32
        %ne3A_588 = arith.cmpi ne, %rem3A_586, %ne3A_587 : i32
        %and3A_589 = arith.andi %ne3A_585, %ne3A_588 : i1
        %sub3A_590 = arith.constant 1 : i32
        %sub3A_591 = arith.subi %div3A_570, %sub3A_590 : i32
        %select_n3A_592 = arith.select %and3A_589, %sub3A_591, %div3A_570 : i32
        %jit3A_593 = arith.constant 32 : i32
        %eq3A_594 = arith.constant 0 : i32
        %eq3A_595 = arith.cmpi eq, %jit3A_593, %eq3A_594 : i32
        %jit3A_596 = arith.constant 1 : i32
        %select_n3A_597 = arith.select %eq3A_595, %jit3A_596, %jit3A_593 : i32
        %rem3A_598 = arith.remsi %add3A_502, %select_n3A_597 : i32
        %ne3A_599 = arith.constant 0 : i32
        %ne3A_600 = arith.cmpi ne, %rem3A_598, %ne3A_599 : i32
        %lt3A_601 = arith.constant 0 : i32
        %lt3A_602 = arith.cmpi slt, %rem3A_598, %lt3A_601 : i32
        %lt3A_603 = arith.constant 0 : i32
        %lt3A_604 = arith.cmpi slt, %select_n3A_597, %lt3A_603 : i32
        %ne3A_605 = arith.xori %lt3A_602, %lt3A_604 : i1
        %and3A_606 = arith.andi %ne3A_605, %ne3A_600 : i1
        %add3A_607 = arith.addi %rem3A_598, %select_n3A_597 : i32
        %select_n3A_608 = arith.select %and3A_606, %add3A_607, %rem3A_598 : i32
        %mul3A_609 = arith.constant 512 : i32
        %mul3A_610 = arith.muli %select_n3A_608, %mul3A_609 : i32
        %multiple_of3A_611 = tpu.assume_multiple %mul3A_610, 512 : i32
        %dma_start3A_612 = arith.constant 1 : i32
        %dma_start3A_613 = arith.constant 0 : i32
        %dma_start3A_614 = arith.constant 0 : i32
        %dma_start3A_615 = tpu.memref_slice %run_scoped3A_3[%dma_start3A_612, %dma_start3A_613, %dma_start3A_614] : memref<2x32x512xf32, #tpu.memory_space<vmem>> -> memref<1x32x512xf32, #tpu.memory_space<vmem>>
        %dma_start3A_616 = tpu.memref_squeeze %dma_start3A_615 : memref<1x32x512xf32, #tpu.memory_space<vmem>> -> memref<32x512xf32, #tpu.memory_space<vmem>>
        %dma_start3A_617 = arith.constant 0 : i32
        %dma_start3A_618 = tpu.memref_slice %arg7[%select_n3A_592, %dma_start3A_617, %multiple_of3A_611] : memref<26x32x16384xf32, #tpu.memory_space<hbm>> -> memref<1x32x512xf32, #tpu.memory_space<hbm>>
        %dma_start3A_619 = tpu.memref_squeeze %dma_start3A_618 : memref<1x32x512xf32, #tpu.memory_space<hbm>> -> memref<32x512xf32, #tpu.memory_space<hbm>>
        %dma_start3A_620 = arith.constant 0 : i32
        %dma_start3A_621 = tpu.memref_slice %arg7[%select_n3A_592, %dma_start3A_620, %multiple_of3A_611] : memref<26x32x16384xf32, #tpu.memory_space<hbm>> -> memref<1x32x512xf32, #tpu.memory_space<hbm>>
        %dma_start3A_622 = tpu.memref_squeeze %dma_start3A_621 : memref<1x32x512xf32, #tpu.memory_space<hbm>> -> memref<32x512xf32, #tpu.memory_space<hbm>>
        %dma_start3A_623 = arith.constant 0 : i32
        %dma_start3A_624 = arith.constant 0 : i32
        %dma_start3A_625 = tpu.memref_slice %run_scoped3A_3[%dma_start3A_612, %dma_start3A_623, %dma_start3A_624] : memref<2x32x512xf32, #tpu.memory_space<vmem>> -> memref<1x32x512xf32, #tpu.memory_space<vmem>>
        %dma_start3A_626 = tpu.memref_squeeze %dma_start3A_625 : memref<1x32x512xf32, #tpu.memory_space<vmem>> -> memref<32x512xf32, #tpu.memory_space<vmem>>
        tpu.enqueue_dma source(%dma_start3A_626 : memref<32x512xf32, #tpu.memory_space<vmem>>) target(%dma_start3A_622 : memref<32x512xf32, #tpu.memory_space<hbm>>) target_semaphore(%arg12 : memref<!tpu.dma_semaphore, #tpu.memory_space<semaphore_mem>>)
        %add3A_627 = arith.constant 2 : i32
        %add3A_628 = arith.addi %add3A_501, %add3A_627 : i32
        %lt3A_629 = arith.constant 26 : i32
        %lt3A_630 = arith.cmpi slt, %add3A_628, %lt3A_629 : i32
        %convert_element_type3A_631 = arith.extui %lt3A_630 : i1 to i32
        %cond3A_632 = arith.constant 0 : i32
        %cond3A_633 = arith.cmpi ne, %convert_element_type3A_631, %cond3A_632 : i32
        scf.if %cond3A_633 {
          %add3A_634 = arith.constant 2 : i32
          %add3A_635 = arith.addi %add3A_502, %add3A_634 : i32
          %jit3A_636 = arith.constant 32 : i32
          %div3A_637 = arith.divsi %add3A_635, %jit3A_636 : i32
          %sign3A_638 = arith.constant 0 : i32
          %sign3A_639 = arith.cmpi sgt, %add3A_635, %sign3A_638 : i32
          %sign3A_640 = arith.extui %sign3A_639 : i1 to i32
          %sign3A_641 = arith.constant 0 : i32
          %sign3A_642 = arith.cmpi slt, %add3A_635, %sign3A_641 : i32
          %sign3A_643 = arith.extui %sign3A_642 : i1 to i32
          %sign3A_644 = arith.subi %sign3A_640, %sign3A_643 : i32
          %sign3A_645 = arith.constant 0 : i32
          %sign3A_646 = arith.cmpi sgt, %jit3A_636, %sign3A_645 : i32
          %sign3A_647 = arith.extui %sign3A_646 : i1 to i32
          %sign3A_648 = arith.constant 0 : i32
          %sign3A_649 = arith.cmpi slt, %jit3A_636, %sign3A_648 : i32
          %sign3A_650 = arith.extui %sign3A_649 : i1 to i32
          %sign3A_651 = arith.subi %sign3A_647, %sign3A_650 : i32
          %ne3A_652 = arith.cmpi ne, %sign3A_644, %sign3A_651 : i32
          %rem3A_653 = arith.remsi %add3A_635, %jit3A_636 : i32
          %ne3A_654 = arith.constant 0 : i32
          %ne3A_655 = arith.cmpi ne, %rem3A_653, %ne3A_654 : i32
          %and3A_656 = arith.andi %ne3A_652, %ne3A_655 : i1
          %sub3A_657 = arith.constant 1 : i32
          %sub3A_658 = arith.subi %div3A_637, %sub3A_657 : i32
          %select_n3A_659 = arith.select %and3A_656, %sub3A_658, %div3A_637 : i32
          %jit3A_660 = arith.constant 32 : i32
          %eq3A_661 = arith.constant 0 : i32
          %eq3A_662 = arith.cmpi eq, %jit3A_660, %eq3A_661 : i32
          %jit3A_663 = arith.constant 1 : i32
          %select_n3A_664 = arith.select %eq3A_662, %jit3A_663, %jit3A_660 : i32
          %rem3A_665 = arith.remsi %add3A_635, %select_n3A_664 : i32
          %ne3A_666 = arith.constant 0 : i32
          %ne3A_667 = arith.cmpi ne, %rem3A_665, %ne3A_666 : i32
          %lt3A_668 = arith.constant 0 : i32
          %lt3A_669 = arith.cmpi slt, %rem3A_665, %lt3A_668 : i32
          %lt3A_670 = arith.constant 0 : i32
          %lt3A_671 = arith.cmpi slt, %select_n3A_664, %lt3A_670 : i32
          %ne3A_672 = arith.xori %lt3A_669, %lt3A_671 : i1
          %and3A_673 = arith.andi %ne3A_672, %ne3A_667 : i1
          %add3A_674 = arith.addi %rem3A_665, %select_n3A_664 : i32
          %select_n3A_675 = arith.select %and3A_673, %add3A_674, %rem3A_665 : i32
          %mul3A_676 = arith.constant 512 : i32
          %mul3A_677 = arith.muli %select_n3A_675, %mul3A_676 : i32
          %multiple_of3A_678 = tpu.assume_multiple %mul3A_677, 512 : i32
          %dma_start3A_679 = arith.constant 1 : i32
          %dma_start3A_680 = arith.constant 0 : i32
          %dma_start3A_681 = arith.constant 0 : i32
          %dma_start3A_682 = tpu.memref_slice %run_scoped3A[%dma_start3A_679, %dma_start3A_680, %dma_start3A_681] : memref<2x32x512xf32, #tpu.memory_space<vmem>> -> memref<1x32x512xf32, #tpu.memory_space<vmem>>
          %dma_start3A_683 = tpu.memref_squeeze %dma_start3A_682 : memref<1x32x512xf32, #tpu.memory_space<vmem>> -> memref<32x512xf32, #tpu.memory_space<vmem>>
          %dma_start3A_684 = arith.constant 0 : i32
          %dma_start3A_685 = tpu.memref_slice %arg7[%select_n3A_659, %dma_start3A_684, %multiple_of3A_678] : memref<26x32x16384xf32, #tpu.memory_space<hbm>> -> memref<1x32x512xf32, #tpu.memory_space<hbm>>
          %dma_start3A_686 = tpu.memref_squeeze %dma_start3A_685 : memref<1x32x512xf32, #tpu.memory_space<hbm>> -> memref<32x512xf32, #tpu.memory_space<hbm>>
          %dma_start3A_687 = arith.constant 0 : i32
          %dma_start3A_688 = arith.constant 0 : i32
          %dma_start3A_689 = tpu.memref_slice %run_scoped3A[%dma_start3A_679, %dma_start3A_687, %dma_start3A_688] : memref<2x32x512xf32, #tpu.memory_space<vmem>> -> memref<1x32x512xf32, #tpu.memory_space<vmem>>
          %dma_start3A_690 = tpu.memref_squeeze %dma_start3A_689 : memref<1x32x512xf32, #tpu.memory_space<vmem>> -> memref<32x512xf32, #tpu.memory_space<vmem>>
          %dma_start3A_691 = arith.constant 0 : i32
          %dma_start3A_692 = tpu.memref_slice %arg7[%select_n3A_659, %dma_start3A_691, %multiple_of3A_678] : memref<26x32x16384xf32, #tpu.memory_space<hbm>> -> memref<1x32x512xf32, #tpu.memory_space<hbm>>
          %dma_start3A_693 = tpu.memref_squeeze %dma_start3A_692 : memref<1x32x512xf32, #tpu.memory_space<hbm>> -> memref<32x512xf32, #tpu.memory_space<hbm>>
          tpu.enqueue_dma source(%dma_start3A_693 : memref<32x512xf32, #tpu.memory_space<hbm>>) target(%dma_start3A_690 : memref<32x512xf32, #tpu.memory_space<vmem>>) target_semaphore(%arg10 : memref<!tpu.dma_semaphore, #tpu.memory_space<semaphore_mem>>)
        } else {
        }
      }
      %scan3A_249 = arith.constant 13 : i32
      %jit3A_250 = arith.constant 32 : i32
      %div3A_251 = arith.divsi %mul3A_2, %jit3A_250 : i32
      %sign3A_252 = arith.constant 0 : i32
      %sign3A_253 = arith.cmpi sgt, %mul3A_2, %sign3A_252 : i32
      %sign3A_254 = arith.extui %sign3A_253 : i1 to i32
      %sign3A_255 = arith.constant 0 : i32
      %sign3A_256 = arith.cmpi slt, %mul3A_2, %sign3A_255 : i32
      %sign3A_257 = arith.extui %sign3A_256 : i1 to i32
      %sign3A_258 = arith.subi %sign3A_254, %sign3A_257 : i32
      %sign3A_259 = arith.constant 0 : i32
      %sign3A_260 = arith.cmpi sgt, %jit3A_250, %sign3A_259 : i32
      %sign3A_261 = arith.extui %sign3A_260 : i1 to i32
      %sign3A_262 = arith.constant 0 : i32
      %sign3A_263 = arith.cmpi slt, %jit3A_250, %sign3A_262 : i32
      %sign3A_264 = arith.extui %sign3A_263 : i1 to i32
      %sign3A_265 = arith.subi %sign3A_261, %sign3A_264 : i32
      %ne3A_266 = arith.cmpi ne, %sign3A_258, %sign3A_265 : i32
      %rem3A_267 = arith.remsi %mul3A_2, %jit3A_250 : i32
      %ne3A_268 = arith.constant 0 : i32
      %ne3A_269 = arith.cmpi ne, %rem3A_267, %ne3A_268 : i32
      %and3A_270 = arith.andi %ne3A_266, %ne3A_269 : i1
      %sub3A_271 = arith.constant 1 : i32
      %sub3A_272 = arith.subi %div3A_251, %sub3A_271 : i32
      %select_n3A_273 = arith.select %and3A_270, %sub3A_272, %div3A_251 : i32
      %jit3A_274 = arith.constant 32 : i32
      %eq3A_275 = arith.constant 0 : i32
      %eq3A_276 = arith.cmpi eq, %jit3A_274, %eq3A_275 : i32
      %jit3A_277 = arith.constant 1 : i32
      %select_n3A_278 = arith.select %eq3A_276, %jit3A_277, %jit3A_274 : i32
      %rem3A_279 = arith.remsi %mul3A_2, %select_n3A_278 : i32
      %ne3A_280 = arith.constant 0 : i32
      %ne3A_281 = arith.cmpi ne, %rem3A_279, %ne3A_280 : i32
      %lt3A_282 = arith.constant 0 : i32
      %lt3A_283 = arith.cmpi slt, %rem3A_279, %lt3A_282 : i32
      %lt3A_284 = arith.constant 0 : i32
      %lt3A_285 = arith.cmpi slt, %select_n3A_278, %lt3A_284 : i32
      %ne3A_286 = arith.xori %lt3A_283, %lt3A_285 : i1
      %and3A_287 = arith.andi %ne3A_286, %ne3A_281 : i1
      %add3A_288 = arith.addi %rem3A_279, %select_n3A_278 : i32
      %select_n3A_289 = arith.select %and3A_287, %add3A_288, %rem3A_279 : i32
      %mul3A_290 = arith.constant 512 : i32
      %mul3A_291 = arith.muli %select_n3A_289, %mul3A_290 : i32
      %multiple_of3A_292 = tpu.assume_multiple %mul3A_291, 512 : i32
      %dma_wait3A = arith.constant 0 : i32
      %dma_wait3A_293 = arith.constant 0 : i32
      %dma_wait3A_294 = arith.constant 0 : i32
      %dma_wait3A_295 = tpu.memref_slice %run_scoped3A_3[%dma_wait3A, %dma_wait3A_293, %dma_wait3A_294] : memref<2x32x512xf32, #tpu.memory_space<vmem>> -> memref<1x32x512xf32, #tpu.memory_space<vmem>>
      %dma_wait3A_296 = tpu.memref_squeeze %dma_wait3A_295 : memref<1x32x512xf32, #tpu.memory_space<vmem>> -> memref<32x512xf32, #tpu.memory_space<vmem>>
      %dma_wait3A_297 = arith.constant 0 : i32
      %dma_wait3A_298 = tpu.memref_slice %arg7[%select_n3A_273, %dma_wait3A_297, %multiple_of3A_292] : memref<26x32x16384xf32, #tpu.memory_space<hbm>> -> memref<1x32x512xf32, #tpu.memory_space<hbm>>
      %dma_wait3A_299 = tpu.memref_squeeze %dma_wait3A_298 : memref<1x32x512xf32, #tpu.memory_space<hbm>> -> memref<32x512xf32, #tpu.memory_space<hbm>>
      %dma_wait3A_300 = arith.constant 0 : i32
      %dma_wait3A_301 = tpu.memref_slice %arg7[%select_n3A_273, %dma_wait3A_300, %multiple_of3A_292] : memref<26x32x16384xf32, #tpu.memory_space<hbm>> -> memref<1x32x512xf32, #tpu.memory_space<hbm>>
      %dma_wait3A_302 = tpu.memref_squeeze %dma_wait3A_301 : memref<1x32x512xf32, #tpu.memory_space<hbm>> -> memref<32x512xf32, #tpu.memory_space<hbm>>
      %dma_wait3A_303 = arith.constant 0 : i32
      %dma_wait3A_304 = arith.constant 0 : i32
      %dma_wait3A_305 = tpu.memref_slice %run_scoped3A_3[%dma_wait3A, %dma_wait3A_303, %dma_wait3A_304] : memref<2x32x512xf32, #tpu.memory_space<vmem>> -> memref<1x32x512xf32, #tpu.memory_space<vmem>>
      %dma_wait3A_306 = tpu.memref_squeeze %dma_wait3A_305 : memref<1x32x512xf32, #tpu.memory_space<vmem>> -> memref<32x512xf32, #tpu.memory_space<vmem>>
      tpu.wait_dma2 semaphore(%arg11 : memref<!tpu.dma_semaphore, #tpu.memory_space<semaphore_mem>>) src(%dma_wait3A_306 : memref<32x512xf32, #tpu.memory_space<vmem>>) dst(%dma_wait3A_302 : memref<32x512xf32, #tpu.memory_space<hbm>>)
      %jit3A_307 = arith.constant 32 : i32
      %div3A_308 = arith.divsi %mul3A_2, %jit3A_307 : i32
      %sign3A_309 = arith.constant 0 : i32
      %sign3A_310 = arith.cmpi sgt, %mul3A_2, %sign3A_309 : i32
      %sign3A_311 = arith.extui %sign3A_310 : i1 to i32
      %sign3A_312 = arith.constant 0 : i32
      %sign3A_313 = arith.cmpi slt, %mul3A_2, %sign3A_312 : i32
      %sign3A_314 = arith.extui %sign3A_313 : i1 to i32
      %sign3A_315 = arith.subi %sign3A_311, %sign3A_314 : i32
      %sign3A_316 = arith.constant 0 : i32
      %sign3A_317 = arith.cmpi sgt, %jit3A_307, %sign3A_316 : i32
      %sign3A_318 = arith.extui %sign3A_317 : i1 to i32
      %sign3A_319 = arith.constant 0 : i32
      %sign3A_320 = arith.cmpi slt, %jit3A_307, %sign3A_319 : i32
      %sign3A_321 = arith.extui %sign3A_320 : i1 to i32
      %sign3A_322 = arith.subi %sign3A_318, %sign3A_321 : i32
      %ne3A_323 = arith.cmpi ne, %sign3A_315, %sign3A_322 : i32
      %rem3A_324 = arith.remsi %mul3A_2, %jit3A_307 : i32
      %ne3A_325 = arith.constant 0 : i32
      %ne3A_326 = arith.cmpi ne, %rem3A_324, %ne3A_325 : i32
      %and3A_327 = arith.andi %ne3A_323, %ne3A_326 : i1
      %sub3A_328 = arith.constant 1 : i32
      %sub3A_329 = arith.subi %div3A_308, %sub3A_328 : i32
      %select_n3A_330 = arith.select %and3A_327, %sub3A_329, %div3A_308 : i32
      %jit3A_331 = arith.constant 32 : i32
      %eq3A_332 = arith.constant 0 : i32
      %eq3A_333 = arith.cmpi eq, %jit3A_331, %eq3A_332 : i32
      %jit3A_334 = arith.constant 1 : i32
      %select_n3A_335 = arith.select %eq3A_333, %jit3A_334, %jit3A_331 : i32
      %rem3A_336 = arith.remsi %mul3A_2, %select_n3A_335 : i32
      %ne3A_337 = arith.constant 0 : i32
      %ne3A_338 = arith.cmpi ne, %rem3A_336, %ne3A_337 : i32
      %lt3A_339 = arith.constant 0 : i32
      %lt3A_340 = arith.cmpi slt, %rem3A_336, %lt3A_339 : i32
      %lt3A_341 = arith.constant 0 : i32
      %lt3A_342 = arith.cmpi slt, %select_n3A_335, %lt3A_341 : i32
      %ne3A_343 = arith.xori %lt3A_340, %lt3A_342 : i1
      %and3A_344 = arith.andi %ne3A_343, %ne3A_338 : i1
      %add3A_345 = arith.addi %rem3A_336, %select_n3A_335 : i32
      %select_n3A_346 = arith.select %and3A_344, %add3A_345, %rem3A_336 : i32
      %mul3A_347 = arith.constant 512 : i32
      %mul3A_348 = arith.muli %select_n3A_346, %mul3A_347 : i32
      %multiple_of3A_349 = tpu.assume_multiple %mul3A_348, 512 : i32
      %dma_wait3A_350 = arith.constant 1 : i32
      %dma_wait3A_351 = arith.constant 0 : i32
      %dma_wait3A_352 = arith.constant 0 : i32
      %dma_wait3A_353 = tpu.memref_slice %run_scoped3A_3[%dma_wait3A_350, %dma_wait3A_351, %dma_wait3A_352] : memref<2x32x512xf32, #tpu.memory_space<vmem>> -> memref<1x32x512xf32, #tpu.memory_space<vmem>>
      %dma_wait3A_354 = tpu.memref_squeeze %dma_wait3A_353 : memref<1x32x512xf32, #tpu.memory_space<vmem>> -> memref<32x512xf32, #tpu.memory_space<vmem>>
      %dma_wait3A_355 = arith.constant 0 : i32
      %dma_wait3A_356 = tpu.memref_slice %arg7[%select_n3A_330, %dma_wait3A_355, %multiple_of3A_349] : memref<26x32x16384xf32, #tpu.memory_space<hbm>> -> memref<1x32x512xf32, #tpu.memory_space<hbm>>
      %dma_wait3A_357 = tpu.memref_squeeze %dma_wait3A_356 : memref<1x32x512xf32, #tpu.memory_space<hbm>> -> memref<32x512xf32, #tpu.memory_space<hbm>>
      %dma_wait3A_358 = arith.constant 0 : i32
      %dma_wait3A_359 = tpu.memref_slice %arg7[%select_n3A_330, %dma_wait3A_358, %multiple_of3A_349] : memref<26x32x16384xf32, #tpu.memory_space<hbm>> -> memref<1x32x512xf32, #tpu.memory_space<hbm>>
      %dma_wait3A_360 = tpu.memref_squeeze %dma_wait3A_359 : memref<1x32x512xf32, #tpu.memory_space<hbm>> -> memref<32x512xf32, #tpu.memory_space<hbm>>
      %dma_wait3A_361 = arith.constant 0 : i32
      %dma_wait3A_362 = arith.constant 0 : i32
      %dma_wait3A_363 = tpu.memref_slice %run_scoped3A_3[%dma_wait3A_350, %dma_wait3A_361, %dma_wait3A_362] : memref<2x32x512xf32, #tpu.memory_space<vmem>> -> memref<1x32x512xf32, #tpu.memory_space<vmem>>
      %dma_wait3A_364 = tpu.memref_squeeze %dma_wait3A_363 : memref<1x32x512xf32, #tpu.memory_space<vmem>> -> memref<32x512xf32, #tpu.memory_space<vmem>>
      tpu.wait_dma2 semaphore(%arg12 : memref<!tpu.dma_semaphore, #tpu.memory_space<semaphore_mem>>) src(%dma_wait3A_364 : memref<32x512xf32, #tpu.memory_space<vmem>>) dst(%dma_wait3A_360 : memref<32x512xf32, #tpu.memory_space<hbm>>)
      tpu.yield
    }) : () -> ()
    return
  }
}

</mosaic_0001>

<sc_bundles>
// kernel: _run.3.cloned.1.call-start
scs
__scs_entry_jumppad:
0x0: {  	(pc) =	sbr.rel $0x88, $3  }
0x1: {  	(tag) =	ssettag $0x0;
	lr =	simm.s32 $0x1  }
0x2: {  	[smem:$0x3F9C] =	sst lr;
	_ =	strace $0xD0000000  }
0x3: {  	_ = 	snop  }
0x4: {  	_ = 	snop  }
0x5: {  	_ = 	snop  }
0x6: {  	_ = 	snop  }
0x7: {  	_ = 	snop  }
__scs_overlays_trampoline_lowered:
0x8: {  	[smem:$0x3FAB] =	sst s0  }
0x9: {  	[smem:$0x3FAC] =	sst s1  }
0xa: {  	[smem:$0x3FAD] =	sst s2  }
0xb: {  	[smem:$0x3FAE] =	sst s3  }
0xc: {  	[smem:$0x3FAF] =	sst s4  }
0xd: {  	[smem:$0x3FB0] =	sst s5  }
0xe: {  	[smem:$0x3FB1] =	sst s6  }
0xf: {  	[smem:$0x3FB2] =	sst s7  }
0x10: {  	[smem:$0x3FB3] =	sst s8  }
0x11: {  	[smem:$0x3FB4] =	sst s9;
	s0 =	simm.s32 @!p0 $0x0  }
0x12: {  	s1 =	sld [smem:$0x3F9A];
	s0 =	simm.s32 @p0 $0x1  }
0x13: {  	[smem:$0x3FB5] =	sst s0;
	s0 =	simm.s32 @!p1 $0x0  }
0x14: {  	s2 =	sld [smem:$0x3F99];
	s0 =	simm.s32 @p1 $0x1  }
0x15: {  	[smem:$0x3FB6] =	sst s0;
	s0 =	simm.s32 @!p2 $0x0  }
0x16: {  	s3 =	sld [smem:$0x3FDB];
	s0 =	simm.s32 @p2 $0x1  }
0x17: {  	s4 =	simm.s32 $0x1BF5;
	[smem:$0x3FB8] =	sst s0  }
0x18: {  	s0 =	sld [smem:$0x3F9B];
	_ =	swait.ge [sflag:s4], $0x0  }
0x19: {  	s7 =	sld [smem:$0x3F9C]  }
0x1a: {  	s8 =	sadd.s32 $0xFFFFE003, lr  }
0x1b: {  	s9 =	sadd.s32 $0xFFFFFEF7, lr;
	s5 =	simm.s32 $0xFFFFFFFF;
	p2 =	slt.u32 s8, $0xFFFFF086  }
0x1c: {  	p1 =	slt.u32 s9, $0xF7A;
	s5 =	simm.s32 @!p2 $0x0  }
0x1d: {  	s5 =	simm.s32 @p1 $0x1;
	p0 =	seq.s32 s7, s2  }
0x1e: {  	s7 =	smul.u32 @!p0 $0xF7A, s2;
	p2 =	seq.s32 @!p0 s5, $0x0  }
0x1f: {  	s9 =	smul.u32 $0xF7A, s1;
	s8 =	simm.s32 @!p0 $0x1BF5;
	p2 =	por !p2, p0  }
0x20: {  	[sflag:s8] =	ssyncset.s32 @!p0 $0xFFFFF086;
	s6 =	sadd.s32 @!p0 s3, s7;
	s7 =	simm.s32 @!p0 $0x108  }
0x21: {  	s3 =	sadd.s32 s3, s9;
	s6 =	sadd.s32 @!p0 $0x88, s6;
	s7 =	simm.s32 @p2 $0x1082  }
0x22: {  	[simem:s7], [sflag:s8] =	dma.local @!p0 [hbm:s6], $0xF7A  }
0x23: {  	s9 =	sor.u32 $0xD0000000, s2;
	s6 =	simm.s32 $0x108;
	_ =	swait.ge @!p0 [sflag:s8], $0x0  }
0x24: {  	s3 =	sadd.s32 $0x88, s3;
	s6 =	simm.s32 @!p1 $0x1082;
	[sflag:s4] =	ssyncset.s32 $0xFFFFF086  }
0x25: {  	[simem:s6], [sflag:s4] =	dma.local [hbm:s3], $0xF7A  }
0x26: {  	[smem:$0x3F9C] =	sst s1;
	(tag) =	ssettag s2;
	_ =	strace s9  }
0x27: {  	s1 =	sld [smem:$0x3FAC]  }
0x28: {  	s2 =	sld [smem:$0x3FAD]  }
0x29: {  	s4 =	sld [smem:$0x3FAF]  }
0x2a: {  	p0 =	seq.s32 s5, $0x0;
	s5 =	sld [smem:$0x3FB0]  }
0x2b: {  	s6 =	sld [smem:$0x3FB1]  }
0x2c: {  	s7 =	sld [smem:$0x3FB2]  }
0x2d: {  	s3 =	simm.s32 $0x108;
	s8 =	sld [smem:$0x3FB3]  }
0x2e: {  	s3 =	simm.s32 @!p0 $0x1082;
	s9 =	sld [smem:$0x3FB4]  }
0x2f: {  	lr =	sadd.s32 s0, s3;
	s0 =	sld [smem:$0x3FAB]  }
0x30: {  	s3 =	sld [smem:$0x3FAE]  }
0x31: {  	[smem:$0x3FB7] =	sst s10  }
0x32: {  	s10 =	sld [smem:$0x3FB5];
	_ =	sdelay $0x3  }
0x33: {  	p0 =	seq.s32 s10, $0x1;
	s10 =	sld [smem:$0x3FB7];
	_ =	sdelay $0x3  }
0x34: {  	[smem:$0x3FB7] =	sst s10  }
0x35: {  	s10 =	sld [smem:$0x3FB6];
	_ =	sdelay $0x3  }
0x36: {  	p1 =	seq.s32 s10, $0x1;
	s10 =	sld [smem:$0x3FB7];
	_ =	sdelay $0x3  }
0x37: {  	[smem:$0x3FB7] =	sst s10  }
0x38: {  	s10 =	sld [smem:$0x3FB8]  }
0x39: {  	_ = 	snop;
	(pc) =	sbr.ind lr, $3  }
0x3a: {  	_ = 	snop  }
0x3b: {  	_ = 	snop  }
0x3c: {  	p2 =	seq.s32 s10, $0x1;
	s10 =	sld [smem:$0x3FB7]  }
0x3d: {  	_ =	shalt  }
0x3e: {  	_ =	shalt  }
0x3f: {  	_ =	shalt  }
0x40: {  	_ =	shalt  }
0x41: {  	_ =	shalt  }
0x42: {  	_ =	shalt  }
0x43: {  	_ =	shalt  }
0x44: {  	_ =	shalt  }
0x45: {  	_ =	shalt  }
0x46: {  	_ =	shalt  }
0x47: {  	_ =	shalt  }
0x48: {  	_ =	shalt  }
0x49: {  	_ =	shalt  }
0x4a: {  	_ =	shalt  }
0x4b: {  	_ =	shalt  }
0x4c: {  	_ =	shalt  }
0x4d: {  	_ =	shalt  }
0x4e: {  	_ =	shalt  }
0x4f: {  	_ =	shalt  }
0x50: {  	_ =	shalt  }
0x51: {  	_ =	shalt  }
0x52: {  	_ =	shalt  }
0x53: {  	_ =	shalt  }
0x54: {  	_ =	shalt  }
0x55: {  	_ =	shalt  }
0x56: {  	_ =	shalt  }
0x57: {  	_ =	shalt  }
0x58: {  	_ =	shalt  }
0x59: {  	_ =	shalt  }
0x5a: {  	_ =	shalt  }
0x5b: {  	_ =	shalt  }
0x5c: {  	_ =	shalt  }
0x5d: {  	_ =	shalt  }
0x5e: {  	_ =	shalt  }
0x5f: {  	_ =	shalt  }
0x60: {  	_ =	shalt  }
0x61: {  	_ =	shalt  }
0x62: {  	_ =	shalt  }
0x63: {  	_ =	shalt  }
0x64: {  	_ =	shalt  }
0x65: {  	_ =	shalt  }
0x66: {  	_ =	shalt  }
0x67: {  	_ =	shalt  }
0x68: {  	_ =	shalt  }
0x69: {  	_ =	shalt  }
0x6a: {  	_ =	shalt  }
0x6b: {  	_ =	shalt  }
0x6c: {  	_ =	shalt  }
0x6d: {  	_ =	shalt  }
0x6e: {  	_ =	shalt  }
0x6f: {  	_ =	shalt  }
0x70: {  	_ =	shalt  }
0x71: {  	_ =	shalt  }
0x72: {  	_ =	shalt  }
0x73: {  	_ =	shalt  }
0x74: {  	_ =	shalt  }
0x75: {  	_ =	shalt  }
0x76: {  	_ =	shalt  }
0x77: {  	_ =	shalt  }
0x78: {  	_ =	shalt  }
0x79: {  	_ =	shalt  }
0x7a: {  	_ =	shalt  }
0x7b: {  	_ =	shalt  }
0x7c: {  	_ =	shalt  }
0x7d: {  	_ =	shalt  }
0x7e: {  	_ =	shalt  }
0x7f: {  	_ =	shalt  }
0x80: {  	_ =	shalt  }
0x81: {  	_ =	shalt  }
0x82: {  	_ =	shalt  }
0x83: {  	_ =	shalt  }
0x84: {  	_ =	shalt  }
0x85: {  	_ =	shalt  }
0x86: {  	_ =	shalt  }
0x87: {  	_ =	shalt  }
.Lfunc_end0:
.L_simem_size_0:
called_computation_lowered:
.L_overlay_start_0:
0x88: {  	s2 =	sld [smem:$0x3FD9]  }
0x89: {  	s3 =	sld [smem:$0x3FFE];
	_ =	sdelay $0x1  }
0x8a: {  	s1 =	srdreg.scid  }
0x8b: {  	s0 =	sand.u32 $0x1, s1  }
0x8c: {  	s18 =	sshll.u32 s0, $0xA;
	s2 =	sadd.s32 s3, s2  }
0x8d: {  	s2 =	sadd.s32 s2, s18  }
0x8e: {  	[smem:$0x3FC3] =	sst s2  }
0x8f: {  	_ = 	snop  }
0x90: {  	s2 =	sld [smem:$0x3FC9]  }
0x91: {  	s19 =	sld [smem:$0x3FC8]  }
0x92: {  	s4 =	sld [smem:$0x3FC7]  }
0x93: {  	s5 =	sld [smem:$0x3FC6]  }
0x94: {  	s6 =	sld [smem:$0x3FC5]  }
0x95: {  	s7 =	sld [smem:$0x3FD0];
	(tm) =	ssettm $0x1  }
0x96: {  	s8 =	sld [smem:$0x3FFB];
	_ =	sdelay $0x3  }
0x97: {  	_ =	strace s8  }
0x98: {  	s8 =	sld [smem:$0x3FFC];
	_ =	sdelay $0x3  }
0x99: {  	_ =	strace s8  }
0x9a: {  	s8 =	sld [smem:$0x3FFD];
	_ =	sdelay $0x3  }
0x9b: {  	_ =	strace s8  }
0x9c: {  	_ =	strace $0x8FFFFFFF  }
0x9d: {  	s20 =	sld [smem:$0x3FDB];
	_ =	sdelay $0x1  }
0x9e: {  	s9 =	simm.s32 $_scs_section_size  }
0x9f: {  	s10 =	simm.s32 $_size__tile_overlayer_lowered;
	s11 =	simm.s32 $_tile_overlayer_lowered  }
0xa0: {  	s23 =	simm.s32 $0x1BFF;
	s22 =	sshll.u32 s11, $0x1;
	s8 =	sadd.s32 s9, s20  }
0xa1: {  	s12 =	simm.s32 $0x0;
	s21 =	sshll.u32 s10, $0x1;
	s10 =	sadd.s32 s22, s8  }
0xa2: {  	[timem:s12], [sflag:s23] =	dma.local [hbm:s10], s21  }
0xa3: {  	_ =	swait.ge [sflag:s23], s21  }
0xa4: {  	s9 =	ssub.s32 $0x0, s21;
	[sflag:s23] =	ssyncset.done $0x0  }
0xa5: {  	[sflag:s23] =	ssyncadd.s32 s9;
	_ =	sdelay $0x1  }
0xa6: {  	s24 =	simm.s32 $0x1B8B  }
0xa7: {  	_ =	swait.ge [sflag:s24], $0x1  }
0xa8: {  	[sflag:s24] =	ssyncset.done $0x0  }
0xa9: {  	s25 =	simm.s32 $0x1B8E;
	[sflag:s24] =	ssyncadd.s32 $0xFFFFFFFF  }
0xaa: {  	s26 =	simm.s32 $execute0_lowered;
	[smem:$0x3FD2] =	sst s25  }
0xab: {  	s9 =	sshll.u32 s26, $0x1;
	_ =	strace $0x80000046;
	[dreg:$0x1] =	wrdreg $0xFFFFFFFF  }
0xac: {  	s28 =	simm.s32 $_size_execute0_lowered;
	s8 =	sadd.s32 s8, s9;
	[dreg:$0x0] =	wrdreg $0x0  }
0xad: {  	s9 =	sshll.u32 s28, $0x1;
	[dreg:$0x2] =	wrdreg s8  }
0xae: {  	[dreg:$0x3] =	wrdreg s9  }
0xaf: {  	[dreg:$0x4] =	wrdreg $0xC0  }
0xb0: {  	_ =	task [dreg:s12], $0x5FFFF  }
0xb1: {  	[dreg:$0x1] =	wrdreg $0xFFFFFFFF  }
0xb2: {  	[dreg:$0x0] =	wrdreg $0x60  }
0xb3: {  	[dreg:$0x2] =	wrdreg s2  }
0xb4: {  	[dreg:$0x3] =	wrdreg s19  }
0xb5: {  	[dreg:$0x4] =	wrdreg s4  }
0xb6: {  	[dreg:$0x5] =	wrdreg s5  }
0xb7: {  	[dreg:$0x6] =	wrdreg s6  }
0xb8: {  	[dreg:$0x7] =	wrdreg s7  }
0xb9: {  	[dreg:$0x8] =	wrdreg $0x9  }
0xba: {  	_ =	task.clear_ibuf [dreg:s12], $0x9FFFF;
	_ =	strace $0x90000046  }
0xbb: {  	s29 =	simm.s32 $0x9;
	_ =	strace $0x80000048  }
0xbc: {  	_ =	swait.ge [sflag:s29], $0x1  }
0xbd: {  	[sflag:s29] =	ssyncadd.s32 $0xFFFFFFFF  }
0xbe: {  	_ =	strace $0x90000048  }
0xbf: {  	_ =	sfence  }
0xc0: {  	s30 =	sld [smem:$0x0];
	_ =	sdelay $0x2  }
0xc1: {  	s31 =	sshll.u32 s1, $0xD;
	s1 =	sshrl.u32 s1, $0x2  }
0xc2: {  	s3 =	sand.u32 $0x4000, s31;
	s1 =	sadd.s32 s1, s30  }
0xc3: {  	s0 =	sor.u32 s3, s0;
	s1 =	sshll.u32 s1, $0x11  }
0xc4: {  	s0 =	sor.u32 s1, s0  }
0xc5: {  	s0 =	sadd.s32 $0x8F2B, s0  }
0xc6: {  	[sflag:s0] =	ssyncadd.remote.s32 $0x1  }
0xc7: {  	_ =	sfence.sel $0xFFFF  }
0xc8: {  	[dreg:$0x0] =	wrdreg $0xFFFFFFFF;
	(pc) =	sbr.abs _section_cstart, $3  }
0xc9: {  	[dreg:$0x1] =	wrdreg $0xFFFFFFFF  }
0xca: {  	_ =	task.clear_ibuf [dreg:s12], $0x2FFFF;
	_ =	strace $0x9FFFFFFF  }
0xcb: {  	(tm) =	ssettm $0x7FFFFFFF  }
tec
execute0_lowered:
.L_overlay_start_1:
0x0: {  	(tag) =	ssettag $0x1  }
0x1: {  	s10 =	rddreg [dreg:$0x0]  }
0x2: {  	s0 =	srdreg.scid;
	s11 =	rddreg [dreg:$0x1]  }
0x3: {  	s3 =	stileid.u32;
	s12 =	rddreg [dreg:$0x5];
	s9 =	simm.s32 $0x0  }
0x4: {  	s16 =	simm.s32 $0x1C700;
	s17 =	simm.s32 $0x6;
	s22 =	simm.s32 $0x4000  }
0x5: {  	s18 =	simm.s32 $0x1;
	s19 =	simm.s32 $0x2;
	s0 =	sand.u32 $0x1, s0  }
0x6: {  	[smem:$0x7FF] =	sst s9;
	s13 =	sadd.s32 $0x1000, s12;
	s14 =	sadd.s32 $0x2000, s12  }
0x7: {  	s1 =	sshll.u32 s0, $0x4;
	_ =	strace $0x80000047;
	[dreg:$0xa] =	wrdreg s13  }
0x8: {  	s15 =	sadd.s32 $0x3000, s12;
	[dreg:$0xb] =	wrdreg s14;
	s1 =	sor.u32 s3, s1  }
0x9: {  	s0 =	ssub.s32 $0x2, s0;
	[dreg:$0xc] =	wrdreg s15;
	s6 =	smul.u32 $0x1A, s1  }
0xa: {  	s3 =	sshll.u32 s3, $0x8;
	s4 =	sshrl.u32 s0, $0x1;
	s28 =	smul.u32 $0x1A000, s1  }
0xb: {  	s3 =	sand.u32 $0x300, s3;
	s0 =	ssub.s32 s0, s4;
	s1 =	smul.u32 $0x68000, s1  }
0xc: {  	s0 =	smax.u32 s0, $0x1;
	s2 =	sshrl.u32 s6, $0x3;
	s26 =	sshrl.u32 s6, $0x1  }
0xd: {  	s5 =	sshll.u32 s6, $0x6;
	[dreg:$0x7] =	wrdreg s6;
	s2 =	smul.u32 $0xC3800, s2  }
0xe: {  	s30 =	sshll.u32 s6, $0xE;
	s4 =	sand.u32 $0x1E000, s28;
	s1 =	sand.u32 $0xF80000, s1  }
0xf: {  	s29 =	sand.u32 $0xC000, s5;
	s31 =	sand.u32 $0xF80000, s30;
	s2 =	sor.u32 s3, s2  }
0x10: {  	s1 =	sor.u32 s1, s4;
	s3 =	sand.u32 $0x70, s26;
	s2 =	sshrl.u32 s2, $0x3  }
0x11: {  	s1 =	sshrl.u32 s1, $0x3;
	s3 =	sadd.s32 s10, s3;
	s2 =	sadd.s32 s11, s2  }
.Ltmp0:
0x12: {  	[dreg:$0x8] =	wrdreg s2;
	s2 =	sadd.s32 s29, s3;
	(pc) =	sbr.rel .LBB2_1-.Ltmp0, $4  }
0x13: {  	s1 =	sadd.s32 s1, s12;
	[dreg:$0x9] =	wrdreg s2;
	s2 =	sor.u32 s4, s31  }
0x14: {  	[dreg:$0xf] =	wrdreg s0;
	s1 =	sadd.s32 $0x200, s1;
	s2 =	sshrl.u32 s2, $0x3  }
0x15: {  	s20 =	simm.s32 $0x1000;
	[dreg:$0xe] =	wrdreg s1;
	s2 =	sadd.s32 s12, s2  }
0x16: {  	s21 =	simm.s32 $0x20000;
	[dreg:$0xd] =	wrdreg s2;
	s2 =	simm.s32 $0x0  }
.LBB2_26:
0x17: {  	s0 =	simm.s32 $0x4  }
0x18: {  	_ =	swait.ge [sflag:s0], $0x4000  }
0x19: {  	[sflag:s0] =	ssyncset.done $0x0  }
0x1a: {  	s1 =	simm.s32 $0x5;
	[sflag:s0] =	ssyncadd.s32 $0xFFFFC000  }
0x1b: {  	_ =	swait.ge [sflag:s1], $0x4000  }
0x1c: {  	s2 =	rddreg [dreg:$0x10]  }
0x1d: {  	s31 =	rddreg [dreg:$0xf];
	s2 =	sadd.s32 $0x1, s2  }
0x1e: {  	p0 =	sne.s32 s2, s31  }
.Ltmp1:
0x1f: {  	s13 =	rddreg [dreg:$0xa];
	(pc) =	sbr.rel @!p0 .LBB2_27-.Ltmp1, $4  }
0x20: {  	[sflag:s1] =	ssyncset.done $0x0;
	s14 =	rddreg [dreg:$0xb]  }
0x21: {  	s15 =	rddreg [dreg:$0xc];
	[sflag:s1] =	ssyncadd.s32 $0xFFFFC000  }
0x22: {  	s16 =	simm.s32 $0x1C700;
	s17 =	simm.s32 $0x6;
	s10 =	rddreg [dreg:$0x0]  }
0x23: {  	s18 =	simm.s32 $0x1;
	s19 =	simm.s32 $0x2;
	s11 =	rddreg [dreg:$0x1]  }
.LBB2_1:
0x24: {  	[dreg:$0x10] =	wrdreg s2  }
0x25: {  	s0 =	rddreg [dreg:$0x2]  }
0x26: {  	[tilespmem:s16], [sflag:$0x6] =	stream.linear.gather [hbm4b:s0+s9], $0x380, $0x38;
	[tilespmem:$0x1EA80] =	vst v63  }
0x27: {  	_ =	swait.ge [sflag:s17], $0x380  }
0x28: {  	s1 =	simm.s32 $0x80;
	[sflag:s17] =	ssyncset.done $0x0  }
0x29: {  	s30 =	simm.s32 $0x400;
	s29 =	rddreg [dreg:$0x8];
	[sflag:s17] =	ssyncadd.s32 $0xFFFFFC80  }
0x2a: {  	[tilespmem:s22], [sflag:$0x1] =	stream.strided.gather [hbm4b:s29+s1], $0x18700, s30, s1, $0x38;
	[tilespmem:$0x1EA80] =	vst v63  }
0x2b: {  	s31 =	rddreg [dreg:$0x9]  }
0x2c: {  	[tilespmem:s9], [sflag:$0x6] =	stream.strided.gather [hbm4b:s31+s1], $0x4000, s30, s1, $0x38;
	[tilespmem:$0x1EA80] =	vst v63  }
0x2d: {  	_ =	swait.ge [sflag:s17], $0x4000  }
0x2e: {  	[sflag:s17] =	ssyncset.done $0x0  }
0x2f: {  	s0 =	simm.s32 $0x0;
	[sflag:s17] =	ssyncadd.s32 $0xFFFFC000  }
.LBB2_2:
0x30: {  	s1 =	rddreg [dreg:$0x7]  }
0x31: {  	s1 =	sadd.s32 s1, s0  }
0x32: {  	v0 =	vmov s1;
	_ =	sdelay $0x4  }
0x33: {  	v0 =	vld.idx.msk [tilespmem:v0+s16+$0x0], $0xffff;
	_ =	swait.ge [sflag:s18], $0x18700  }
0x34: {  	p0 =	seq.s32 s0, $0x0;
	[sflag:s18] =	ssyncset.done $0x0  }
0x35: {  	s2 =	simm.s32 @!p0 $0x2;
	[sflag:s18] =	ssyncadd.s32 $0xFFFE7900  }
0x36: {  	_ =	swait.ge @!p0 [sflag:s2], $0x1000  }
0x37: {  	[sflag:s2] =	ssyncset.done @!p0 $0x0  }
0x38: {  	s30 =	simm.s32 $0x40;
	[sflag:s2] =	ssyncadd.s32 @!p0 $0xFFFFF000  }
0x39: {  	v1 =	vld [tilespmem:s30+$0x30]  }
0x3a: {  	v2 =	vld [tilespmem:s30+$0xFFFFFFD0]  }
0x3b: {  	v3 =	vld [tilespmem:s30+$0xFFFFFFE0]  }
0x3c: {  	v4 =	vld [tilespmem:s30+$0xFFFFFFF0]  }
0x3d: {  	v6 =	vld [tilespmem:s30+$0x10]  }
0x3e: {  	v5 =	vld [tilespmem:s30+$0x0]  }
0x3f: {  	v7 =	vld [tilespmem:s30+$0x20]  }
0x40: {  	s31 =	simm.s32 $0xC0;
	v8 =	vld [tilespmem:s30+$0xFFFFFFC0]  }
0x41: {  	v10 =	vld [tilespmem:s31+$0xFFFFFFD0]  }
0x42: {  	v11 =	vld [tilespmem:s31+$0xFFFFFFE0];
	v6 =	vadd.s32 $0x1, v6  }
0x43: {  	v12 =	vld [tilespmem:s31+$0xFFFFFFF0]  }
0x44: {  	v13 =	vld [tilespmem:s31+$0x0]  }
0x45: {  	v14 =	vld [tilespmem:s31+$0x10];
	v1 =	vadd.s32 $0x1, v1  }
0x46: {  	v15 =	vld [tilespmem:s31+$0x20];
	v2 =	vadd.s32 $0x1, v2  }
0x47: {  	v3 =	vadd.s32 $0x1, v3;
	v9 =	vld.idx.msk [tilespmem:v6+s22+$0x0], $0xffff  }
0x48: {  	v4 =	vadd.s32 $0x1, v4;
	v6 =	vld [tilespmem:s31+$0x30]  }
0x49: {  	v16 =	vld [tilespmem:s31+$0xFFFFFFC0];
	v5 =	vadd.s32 $0x1, v5  }
0x4a: {  	v8 =	vadd.s32 $0x1, v8;
	v1 =	vld.idx.msk [tilespmem:v1+s22+$0x0], $0xffff  }
0x4b: {  	v7 =	vadd.s32 $0x1, v7;
	v2 =	vld.idx.msk [tilespmem:v2+s22+$0x0], $0xffff  }
0x4c: {  	v10 =	vadd.s32 $0x1, v10;
	v3 =	vld.idx.msk [tilespmem:v3+s22+$0x0], $0xffff  }
0x4d: {  	v4 =	vld.idx.msk [tilespmem:v4+s22+$0x0], $0xffff;
	v6 =	vadd.s32 $0x1, v6  }
0x4e: {  	v12 =	vadd.s32 $0x1, v12;
	v5 =	vld.idx.msk [tilespmem:v5+s22+$0x0], $0xffff  }
0x4f: {  	v11 =	vadd.s32 $0x1, v11;
	v17 =	vld.idx.msk [tilespmem:v8+s22+$0x0], $0xffff;
	v1 =	vadd.f32 v1, v0  }
0x50: {  	s3 =	simm.s32 $0x1CAC0;
	v13 =	vadd.s32 $0x1, v13;
	v18 =	vld.idx.msk [tilespmem:v7+s22+$0x0], $0xffff;
	v2 =	vadd.f32 v2, v0  }
0x51: {  	v14 =	vadd.s32 $0x1, v14;
	v7 =	vld.idx.msk [tilespmem:v10+s22+$0x0], $0xffff;
	[tilespmem:s3+$0x30] =	vst v1;
	v1 =	vadd.f32 v3, v0  }
0x52: {  	[tilespmem:s3+$0xFFFFFFD0] =	vst v2;
	v2 =	vadd.f32 v4, v0;
	v8 =	vld.idx.msk [tilespmem:v6+s22+$0x0], $0xffff  }
0x53: {  	v3 =	vld.idx.msk [tilespmem:v12+s22+$0x0], $0xffff;
	[tilespmem:s3+$0xFFFFFFE0] =	vst v1;
	v1 =	vadd.f32 v5, v0  }
0x54: {  	[tilespmem:s3+$0xFFFFFFF0] =	vst v2;
	v2 =	vadd.f32 v9, v0;
	v6 =	vld.idx.msk [tilespmem:v11+s22+$0x0], $0xffff  }
0x55: {  	s5 =	simm.s32 $0x80;
	v4 =	vld.idx.msk [tilespmem:v13+s22+$0x0], $0xffff;
	v9 =	vadd.f32 v17, v0;
	[tilespmem:s3+$0x0] =	vst v1  }
0x56: {  	s6 =	simm.s32 $0x140;
	s4 =	sand.u32 $0x1F, s1;
	s2 =	sshrl.u32 s1, $0x5;
	v10 =	vadd.f32 v18, v0;
	v5 =	vld.idx.msk [tilespmem:v14+s22+$0x0], $0xffff;
	v1 =	vadd.s32 $0x1, v15;
	[tilespmem:s3+$0x10] =	vst v2;
	v2 =	vadd.s32 $0x1, v16  }
.LBB2_3:
0x57: {  	v11 =	vld [tilespmem:s6+$0x30];
	s5 =	sadd.s32 $0x80, s5;
	v8 =	vadd.f32 v8, v0;
	[tilespmem:s3+$0xFFFFFFC0] =	vst v9  }
0x58: {  	v7 =	vadd.f32 v7, v0;
	v9 =	vld [tilespmem:s6+$0xFFFFFFD0];
	p1 =	slt.u32 s5, $0xF80;
	[tilespmem:s3+$0x20] =	vst v10;
	s3 =	sadd.s32 $0x100, s3  }
0x59: {  	v6 =	vadd.f32 v6, v0;
	v10 =	vld [tilespmem:s6+$0xFFFFFFE0];
	[tilespmem:s3+$0x30] =	vst v8  }
0x5a: {  	v3 =	vadd.f32 v3, v0;
	v8 =	vld [tilespmem:s6+$0xFFFFFFF0];
	[tilespmem:s3+$0xFFFFFFD0] =	vst v7  }
0x5b: {  	v4 =	vadd.f32 v4, v0;
	v7 =	vld [tilespmem:s6+$0x0];
	[tilespmem:s3+$0xFFFFFFE0] =	vst v6  }
0x5c: {  	v6 =	vld [tilespmem:s6+$0x10];
	v11 =	vadd.s32 $0x1, v11;
	[tilespmem:s3+$0xFFFFFFF0] =	vst v3;
	v3 =	vadd.f32 v5, v0  }
0x5d: {  	v5 =	vadd.s32 $0x1, v9;
	v9 =	vld [tilespmem:s6+$0x20];
	[tilespmem:s3+$0x0] =	vst v4  }
0x5e: {  	v4 =	vld [tilespmem:s6+$0xFFFFFFC0];
	v10 =	vadd.s32 $0x1, v10;
	[tilespmem:s3+$0x10] =	vst v3  }
0x5f: {  	v3 =	vadd.s32 $0x1, v8;
	v12 =	vld.idx.msk [tilespmem:v2+s22+$0x0], $0xffff  }
0x60: {  	v13 =	vadd.s32 $0x1, v7;
	v14 =	vld.idx.msk [tilespmem:v1+s22+$0x0], $0xffff  }
0x61: {  	v15 =	vadd.s32 $0x1, v6;
	v8 =	vld.idx.msk [tilespmem:v11+s22+$0x0], $0xffff  }
.Ltmp2:
0x62: {  	v7 =	vld.idx.msk [tilespmem:v5+s22+$0x0], $0xffff;
	v1 =	vadd.s32 $0x1, v9;
	(pc) =	sbr.rel @p1 .LBB2_3-.Ltmp2, $4  }
0x63: {  	v2 =	vadd.s32 $0x1, v4;
	v6 =	vld.idx.msk [tilespmem:v10+s22+$0x0], $0xffff  }
0x64: {  	v3 =	vld.idx.msk [tilespmem:v3+s22+$0x0], $0xffff  }
0x65: {  	v9 =	vadd.f32 v12, v0;
	v4 =	vld.idx.msk [tilespmem:v13+s22+$0x0], $0xffff  }
0x66: {  	s6 =	sadd.s32 $0x80, s6;
	v10 =	vadd.f32 v14, v0;
	v5 =	vld.idx.msk [tilespmem:v15+s22+$0x0], $0xffff  }
0x67: {  	_ =	sdelay $0x2  }
0x68: {  	v8 =	vadd.f32 v8, v0;
	[tilespmem:s3+$0xFFFFFFC0] =	vst v9  }
0x69: {  	v7 =	vadd.f32 v7, v0;
	s6 =	sadd.s32 $0x100, s3;
	v2 =	vld.idx.msk [tilespmem:v2+s22+$0x0], $0xffff;
	[tilespmem:s3+$0x20] =	vst v10  }
0x6a: {  	v1 =	vld.idx.msk [tilespmem:v1+s22+$0x0], $0xffff;
	v6 =	vadd.f32 v6, v0;
	[tilespmem:s6+$0x30] =	vst v8  }
0x6b: {  	[tilespmem:s6+$0xFFFFFFD0] =	vst v7;
	v3 =	vadd.f32 v3, v0  }
0x6c: {  	s30 =	sshll.u32 s4, $0xB;
	[tilespmem:s6+$0xFFFFFFE0] =	vst v6;
	v4 =	vadd.f32 v4, v0  }
0x6d: {  	s5 =	sshll.u32 s2, $0x10;
	s31 =	sshll.u32 s4, $0x4;
	s3 =	sand.u32 $0xC000, s30;
	[tilespmem:s6+$0xFFFFFFF0] =	vst v3;
	v3 =	vadd.f32 v5, v0  }
0x6e: {  	s4 =	sand.u32 $0x70, s31;
	s3 =	sor.u32 s5, s3;
	[tilespmem:s6+$0x0] =	vst v4;
	v2 =	vadd.f32 v2, v0  }
0x6f: {  	s3 =	sor.u32 s4, s3;
	v1 =	vadd.f32 v1, v0;
	[tilespmem:s6+$0x10] =	vst v3  }
0x70: {  	s7 =	simm.s32 $0x1CB80;
	s4 =	sadd.s32 s12, s3;
	[tilespmem:s6+$0xFFFFFFC0] =	vst v2  }
0x71: {  	s5 =	simm.s32 $0x1CA80;
	s8 =	sadd.s32 $0x0, s4;
	[tilespmem:s6+$0x20] =	vst v1;
	s6 =	simm.s32 $0x80  }
.LBB2_5:
0x72: {  	[hbm4b:s8+s9] =	stream.linear.scatter [tilespmem:s5], [sflag:$0x2], $0x80, $0x38;
	[tilespmem:$0x1EA80] =	vst v63  }
0x73: {  	s8 =	smov.u32 s6;
	s5 =	smov.u32 s7;
	p1 =	sne.s32 s6, $0xF80  }
.Ltmp3:
0x74: {  	s6 =	sadd.s32 $0x80, s6;
	(pc) =	sbr.rel @p1 .LBB2_5-.Ltmp3, $2  }
0x75: {  	_ =	sdelay $0x2  }
0x76: {  	s7 =	sadd.s32 $0x100, s7;
	s8 =	sadd.s32 s8, s4  }
0x77: {  	[hbm4b:s8+s9] =	stream.linear.scatter [tilespmem:s5], [sflag:$0x2], $0x80, $0x38;
	[tilespmem:$0x1EA80] =	vst v63  }
0x78: {  	s4 =	simm.s32 @!p0 $0x3  }
0x79: {  	_ =	swait.ge @!p0 [sflag:s4], $0x1000  }
0x7a: {  	[sflag:s4] =	ssyncset.done @!p0 $0x0  }
0x7b: {  	s30 =	simm.s32 $0x1070;
	[sflag:s4] =	ssyncadd.s32 @!p0 $0xFFFFF000  }
0x7c: {  	v1 =	vld [tilespmem:s30+$0x0]  }
0x7d: {  	v2 =	vld [tilespmem:s30+$0xFFFFFFA0]  }
0x7e: {  	v3 =	vld [tilespmem:s30+$0xFFFFFFB0]  }
0x7f: {  	v4 =	vld [tilespmem:s30+$0xFFFFFFC0]  }
0x80: {  	v6 =	vld [tilespmem:s30+$0xFFFFFFE0]  }
0x81: {  	v5 =	vld [tilespmem:s30+$0xFFFFFFD0]  }
0x82: {  	v7 =	vld [tilespmem:s30+$0xFFFFFFF0]  }
0x83: {  	s31 =	simm.s32 $0x10F0;
	v8 =	vld [tilespmem:s30+$0xFFFFFF90]  }
0x84: {  	v10 =	vld [tilespmem:s31+$0xFFFFFFA0]  }
0x85: {  	v11 =	vld [tilespmem:s31+$0xFFFFFFB0];
	v6 =	vadd.s32 $0x1, v6  }
0x86: {  	v12 =	vld [tilespmem:s31+$0xFFFFFFC0]  }
0x87: {  	v13 =	vld [tilespmem:s31+$0xFFFFFFD0]  }
0x88: {  	v14 =	vld [tilespmem:s31+$0xFFFFFFE0];
	v1 =	vadd.s32 $0x1, v1  }
0x89: {  	v15 =	vld [tilespmem:s31+$0xFFFFFFF0];
	v2 =	vadd.s32 $0x1, v2  }
0x8a: {  	v3 =	vadd.s32 $0x1, v3;
	v9 =	vld.idx.msk [tilespmem:v6+s22+$0x0], $0xffff  }
0x8b: {  	v4 =	vadd.s32 $0x1, v4;
	v6 =	vld [tilespmem:s31+$0x0]  }
0x8c: {  	v16 =	vld [tilespmem:s31+$0xFFFFFF90];
	v5 =	vadd.s32 $0x1, v5  }
0x8d: {  	v8 =	vadd.s32 $0x1, v8;
	v1 =	vld.idx.msk [tilespmem:v1+s22+$0x0], $0xffff  }
0x8e: {  	v7 =	vadd.s32 $0x1, v7;
	v2 =	vld.idx.msk [tilespmem:v2+s22+$0x0], $0xffff  }
0x8f: {  	v10 =	vadd.s32 $0x1, v10;
	v3 =	vld.idx.msk [tilespmem:v3+s22+$0x0], $0xffff  }
0x90: {  	v4 =	vld.idx.msk [tilespmem:v4+s22+$0x0], $0xffff;
	v6 =	vadd.s32 $0x1, v6  }
0x91: {  	v12 =	vadd.s32 $0x1, v12;
	v5 =	vld.idx.msk [tilespmem:v5+s22+$0x0], $0xffff  }
0x92: {  	v11 =	vadd.s32 $0x1, v11;
	v17 =	vld.idx.msk [tilespmem:v8+s22+$0x0], $0xffff;
	v1 =	vadd.f32 v1, v0  }
0x93: {  	s4 =	simm.s32 $0x1CB70;
	v13 =	vadd.s32 $0x1, v13;
	v18 =	vld.idx.msk [tilespmem:v7+s22+$0x0], $0xffff;
	v2 =	vadd.f32 v2, v0  }
0x94: {  	v14 =	vadd.s32 $0x1, v14;
	v7 =	vld.idx.msk [tilespmem:v10+s22+$0x0], $0xffff;
	[tilespmem:s4+$0x0] =	vst v1;
	v1 =	vadd.f32 v3, v0  }
0x95: {  	[tilespmem:s4+$0xFFFFFFA0] =	vst v2;
	v2 =	vadd.f32 v4, v0;
	v8 =	vld.idx.msk [tilespmem:v6+s22+$0x0], $0xffff  }
0x96: {  	v4 =	vld.idx.msk [tilespmem:v12+s22+$0x0], $0xffff;
	[tilespmem:s4+$0xFFFFFFB0] =	vst v1;
	v1 =	vadd.f32 v5, v0  }
0x97: {  	[tilespmem:s4+$0xFFFFFFC0] =	vst v2;
	v2 =	vadd.f32 v9, v0;
	v6 =	vld.idx.msk [tilespmem:v11+s22+$0x0], $0xffff  }
0x98: {  	v3 =	vld.idx.msk [tilespmem:v13+s22+$0x0], $0xffff;
	v9 =	vadd.f32 v17, v0;
	[tilespmem:s4+$0xFFFFFFD0] =	vst v1  }
0x99: {  	s5 =	simm.s32 $0x80;
	s6 =	simm.s32 $0x1170;
	v10 =	vadd.f32 v18, v0;
	v5 =	vld.idx.msk [tilespmem:v14+s22+$0x0], $0xffff;
	v1 =	vadd.s32 $0x1, v15;
	[tilespmem:s4+$0xFFFFFFE0] =	vst v2;
	v2 =	vadd.s32 $0x1, v16  }
.LBB2_7:
0x9a: {  	v11 =	vld [tilespmem:s6+$0x0];
	s5 =	sadd.s32 $0x80, s5;
	v8 =	vadd.f32 v8, v0;
	[tilespmem:s4+$0xFFFFFF90] =	vst v9  }
0x9b: {  	v7 =	vadd.f32 v7, v0;
	v9 =	vld [tilespmem:s6+$0xFFFFFFA0];
	p0 =	slt.u32 s5, $0xF80;
	[tilespmem:s4+$0xFFFFFFF0] =	vst v10;
	s4 =	sadd.s32 $0x100, s4  }
0x9c: {  	v6 =	vadd.f32 v6, v0;
	v10 =	vld [tilespmem:s6+$0xFFFFFFB0];
	[tilespmem:s4+$0x0] =	vst v8  }
0x9d: {  	v4 =	vadd.f32 v4, v0;
	v8 =	vld [tilespmem:s6+$0xFFFFFFC0];
	[tilespmem:s4+$0xFFFFFFA0] =	vst v7  }
0x9e: {  	v3 =	vadd.f32 v3, v0;
	v7 =	vld [tilespmem:s6+$0xFFFFFFD0];
	[tilespmem:s4+$0xFFFFFFB0] =	vst v6  }
0x9f: {  	v6 =	vld [tilespmem:s6+$0xFFFFFFE0];
	v11 =	vadd.s32 $0x1, v11;
	[tilespmem:s4+$0xFFFFFFC0] =	vst v4;
	v4 =	vadd.f32 v5, v0  }
0xa0: {  	v5 =	vadd.s32 $0x1, v9;
	v9 =	vld [tilespmem:s6+$0xFFFFFFF0];
	[tilespmem:s4+$0xFFFFFFD0] =	vst v3  }
0xa1: {  	v3 =	vld [tilespmem:s6+$0xFFFFFF90];
	v10 =	vadd.s32 $0x1, v10;
	[tilespmem:s4+$0xFFFFFFE0] =	vst v4  }
0xa2: {  	v4 =	vadd.s32 $0x1, v8;
	v12 =	vld.idx.msk [tilespmem:v2+s22+$0x0], $0xffff  }
0xa3: {  	v13 =	vadd.s32 $0x1, v7;
	v14 =	vld.idx.msk [tilespmem:v1+s22+$0x0], $0xffff  }
0xa4: {  	v15 =	vadd.s32 $0x1, v6;
	v8 =	vld.idx.msk [tilespmem:v11+s22+$0x0], $0xffff  }
.Ltmp4:
0xa5: {  	v7 =	vld.idx.msk [tilespmem:v5+s22+$0x0], $0xffff;
	v1 =	vadd.s32 $0x1, v9;
	(pc) =	sbr.rel @p0 .LBB2_7-.Ltmp4, $4  }
0xa6: {  	v2 =	vadd.s32 $0x1, v3;
	v6 =	vld.idx.msk [tilespmem:v10+s22+$0x0], $0xffff  }
0xa7: {  	v4 =	vld.idx.msk [tilespmem:v4+s22+$0x0], $0xffff  }
0xa8: {  	v9 =	vadd.f32 v12, v0;
	v3 =	vld.idx.msk [tilespmem:v13+s22+$0x0], $0xffff  }
0xa9: {  	s6 =	sadd.s32 $0x80, s6;
	v10 =	vadd.f32 v14, v0;
	v5 =	vld.idx.msk [tilespmem:v15+s22+$0x0], $0xffff  }
0xaa: {  	_ =	sdelay $0x2  }
0xab: {  	v8 =	vadd.f32 v8, v0;
	[tilespmem:s4+$0xFFFFFF90] =	vst v9  }
0xac: {  	v7 =	vadd.f32 v7, v0;
	s6 =	sadd.s32 $0x100, s4;
	v2 =	vld.idx.msk [tilespmem:v2+s22+$0x0], $0xffff;
	[tilespmem:s4+$0xFFFFFFF0] =	vst v10  }
0xad: {  	v1 =	vld.idx.msk [tilespmem:v1+s22+$0x0], $0xffff;
	v6 =	vadd.f32 v6, v0;
	[tilespmem:s6+$0x0] =	vst v8  }
0xae: {  	[tilespmem:s6+$0xFFFFFFA0] =	vst v7;
	v4 =	vadd.f32 v4, v0  }
0xaf: {  	[tilespmem:s6+$0xFFFFFFB0] =	vst v6;
	v3 =	vadd.f32 v3, v0  }
0xb0: {  	[tilespmem:s6+$0xFFFFFFC0] =	vst v4;
	v63 =	vadd.f32 v5, v0  }
0xb1: {  	[tilespmem:s6+$0xFFFFFFD0] =	vst v3;
	v2 =	vadd.f32 v2, v0  }
0xb2: {  	v1 =	vadd.f32 v1, v0;
	[tilespmem:s6+$0xFFFFFFE0] =	vst v63  }
0xb3: {  	s5 =	simm.s32 $0x1CB00;
	s4 =	sadd.s32 s3, s13;
	[tilespmem:s6+$0xFFFFFF90] =	vst v2  }
0xb4: {  	s7 =	simm.s32 $0x1CC00;
	s8 =	sadd.s32 $0x0, s4;
	[tilespmem:s6+$0xFFFFFFF0] =	vst v1;
	s6 =	simm.s32 $0x80  }
.LBB2_9:
0xb5: {  	[hbm4b:s8+s9] =	stream.linear.scatter [tilespmem:s5], [sflag:$0x3], $0x80, $0x38;
	[tilespmem:$0x1EA80] =	vst v63  }
0xb6: {  	s8 =	smov.u32 s6;
	s5 =	smov.u32 s7;
	p0 =	sne.s32 s6, $0xF80  }
.Ltmp5:
0xb7: {  	s6 =	sadd.s32 $0x80, s6;
	(pc) =	sbr.rel @p0 .LBB2_9-.Ltmp5, $2  }
0xb8: {  	_ =	sdelay $0x2  }
0xb9: {  	s7 =	sadd.s32 $0x100, s7;
	s8 =	sadd.s32 s8, s4  }
0xba: {  	[hbm4b:s8+s9] =	stream.linear.scatter [tilespmem:s5], [sflag:$0x3], $0x80, $0x38;
	[tilespmem:$0x1EA80] =	vst v63  }
0xbb: {  	_ =	swait.ge [sflag:s19], $0x1000  }
0xbc: {  	[sflag:s19] =	ssyncset.done $0x0  }
0xbd: {  	s4 =	simm.s32 $0x2070;
	[sflag:s19] =	ssyncadd.s32 $0xFFFFF000  }
0xbe: {  	v1 =	vld [tilespmem:s4+$0x0]  }
0xbf: {  	v2 =	vld [tilespmem:s4+$0xFFFFFFA0]  }
0xc0: {  	v3 =	vld [tilespmem:s4+$0xFFFFFFB0]  }
0xc1: {  	v4 =	vld [tilespmem:s4+$0xFFFFFFC0]  }
0xc2: {  	v6 =	vld [tilespmem:s4+$0xFFFFFFE0]  }
0xc3: {  	v5 =	vld [tilespmem:s4+$0xFFFFFFD0]  }
0xc4: {  	v7 =	vld [tilespmem:s4+$0xFFFFFFF0]  }
0xc5: {  	s31 =	simm.s32 $0x20F0;
	v8 =	vld [tilespmem:s4+$0xFFFFFF90]  }
0xc6: {  	v10 =	vld [tilespmem:s31+$0xFFFFFFA0]  }
0xc7: {  	v11 =	vld [tilespmem:s31+$0xFFFFFFB0];
	v6 =	vadd.s32 $0x1, v6  }
0xc8: {  	v12 =	vld [tilespmem:s31+$0xFFFFFFC0]  }
0xc9: {  	v13 =	vld [tilespmem:s31+$0xFFFFFFD0]  }
0xca: {  	v14 =	vld [tilespmem:s31+$0xFFFFFFE0];
	v1 =	vadd.s32 $0x1, v1  }
0xcb: {  	v15 =	vld [tilespmem:s31+$0xFFFFFFF0];
	v2 =	vadd.s32 $0x1, v2  }
0xcc: {  	v3 =	vadd.s32 $0x1, v3;
	v9 =	vld.idx.msk [tilespmem:v6+s22+$0x0], $0xffff  }
0xcd: {  	v4 =	vadd.s32 $0x1, v4;
	v6 =	vld [tilespmem:s31+$0x0]  }
0xce: {  	v16 =	vld [tilespmem:s31+$0xFFFFFF90];
	v5 =	vadd.s32 $0x1, v5  }
0xcf: {  	v8 =	vadd.s32 $0x1, v8;
	v1 =	vld.idx.msk [tilespmem:v1+s22+$0x0], $0xffff  }
0xd0: {  	v7 =	vadd.s32 $0x1, v7;
	v2 =	vld.idx.msk [tilespmem:v2+s22+$0x0], $0xffff  }
0xd1: {  	v10 =	vadd.s32 $0x1, v10;
	v3 =	vld.idx.msk [tilespmem:v3+s22+$0x0], $0xffff  }
0xd2: {  	v4 =	vld.idx.msk [tilespmem:v4+s22+$0x0], $0xffff;
	v6 =	vadd.s32 $0x1, v6  }
0xd3: {  	v12 =	vadd.s32 $0x1, v12;
	v5 =	vld.idx.msk [tilespmem:v5+s22+$0x0], $0xffff  }
0xd4: {  	v11 =	vadd.s32 $0x1, v11;
	v17 =	vld.idx.msk [tilespmem:v8+s22+$0x0], $0xffff;
	v1 =	vadd.f32 v1, v0  }
0xd5: {  	s4 =	simm.s32 $0x1CAC0;
	v13 =	vadd.s32 $0x1, v13;
	v18 =	vld.idx.msk [tilespmem:v7+s22+$0x0], $0xffff;
	v2 =	vadd.f32 v2, v0  }
0xd6: {  	v14 =	vadd.s32 $0x1, v14;
	v7 =	vld.idx.msk [tilespmem:v10+s22+$0x0], $0xffff;
	[tilespmem:s4+$0x30] =	vst v1;
	v1 =	vadd.f32 v3, v0  }
0xd7: {  	[tilespmem:s4+$0xFFFFFFD0] =	vst v2;
	v2 =	vadd.f32 v4, v0;
	v8 =	vld.idx.msk [tilespmem:v6+s22+$0x0], $0xffff  }
0xd8: {  	v4 =	vld.idx.msk [tilespmem:v12+s22+$0x0], $0xffff;
	[tilespmem:s4+$0xFFFFFFE0] =	vst v1;
	v1 =	vadd.f32 v5, v0  }
0xd9: {  	[tilespmem:s4+$0xFFFFFFF0] =	vst v2;
	v2 =	vadd.f32 v9, v0;
	v6 =	vld.idx.msk [tilespmem:v11+s22+$0x0], $0xffff  }
0xda: {  	v3 =	vld.idx.msk [tilespmem:v13+s22+$0x0], $0xffff;
	v9 =	vadd.f32 v17, v0;
	[tilespmem:s4+$0x0] =	vst v1  }
0xdb: {  	s5 =	simm.s32 $0x80;
	s6 =	simm.s32 $0x2170;
	v10 =	vadd.f32 v18, v0;
	v5 =	vld.idx.msk [tilespmem:v14+s22+$0x0], $0xffff;
	v1 =	vadd.s32 $0x1, v15;
	[tilespmem:s4+$0x10] =	vst v2;
	v2 =	vadd.s32 $0x1, v16  }
.LBB2_11:
0xdc: {  	v11 =	vld [tilespmem:s6+$0x0];
	s5 =	sadd.s32 $0x80, s5;
	v8 =	vadd.f32 v8, v0;
	[tilespmem:s4+$0xFFFFFFC0] =	vst v9  }
0xdd: {  	v7 =	vadd.f32 v7, v0;
	v9 =	vld [tilespmem:s6+$0xFFFFFFA0];
	p0 =	slt.u32 s5, $0xF80;
	[tilespmem:s4+$0x20] =	vst v10;
	s4 =	sadd.s32 $0x100, s4  }
0xde: {  	v6 =	vadd.f32 v6, v0;
	v10 =	vld [tilespmem:s6+$0xFFFFFFB0];
	[tilespmem:s4+$0x30] =	vst v8  }
0xdf: {  	v4 =	vadd.f32 v4, v0;
	v8 =	vld [tilespmem:s6+$0xFFFFFFC0];
	[tilespmem:s4+$0xFFFFFFD0] =	vst v7  }
0xe0: {  	v3 =	vadd.f32 v3, v0;
	v7 =	vld [tilespmem:s6+$0xFFFFFFD0];
	[tilespmem:s4+$0xFFFFFFE0] =	vst v6  }
0xe1: {  	v6 =	vld [tilespmem:s6+$0xFFFFFFE0];
	v11 =	vadd.s32 $0x1, v11;
	[tilespmem:s4+$0xFFFFFFF0] =	vst v4;
	v4 =	vadd.f32 v5, v0  }
0xe2: {  	v5 =	vadd.s32 $0x1, v9;
	v9 =	vld [tilespmem:s6+$0xFFFFFFF0];
	[tilespmem:s4+$0x0] =	vst v3  }
0xe3: {  	v3 =	vld [tilespmem:s6+$0xFFFFFF90];
	v10 =	vadd.s32 $0x1, v10;
	[tilespmem:s4+$0x10] =	vst v4  }
0xe4: {  	v4 =	vadd.s32 $0x1, v8;
	v12 =	vld.idx.msk [tilespmem:v2+s22+$0x0], $0xffff  }
0xe5: {  	v13 =	vadd.s32 $0x1, v7;
	v14 =	vld.idx.msk [tilespmem:v1+s22+$0x0], $0xffff  }
0xe6: {  	v15 =	vadd.s32 $0x1, v6;
	v8 =	vld.idx.msk [tilespmem:v11+s22+$0x0], $0xffff  }
.Ltmp6:
0xe7: {  	v7 =	vld.idx.msk [tilespmem:v5+s22+$0x0], $0xffff;
	v1 =	vadd.s32 $0x1, v9;
	(pc) =	sbr.rel @p0 .LBB2_11-.Ltmp6, $4  }
0xe8: {  	v2 =	vadd.s32 $0x1, v3;
	v6 =	vld.idx.msk [tilespmem:v10+s22+$0x0], $0xffff  }
0xe9: {  	v4 =	vld.idx.msk [tilespmem:v4+s22+$0x0], $0xffff  }
0xea: {  	v9 =	vadd.f32 v12, v0;
	v3 =	vld.idx.msk [tilespmem:v13+s22+$0x0], $0xffff  }
0xeb: {  	s6 =	sadd.s32 $0x80, s6;
	v10 =	vadd.f32 v14, v0;
	v5 =	vld.idx.msk [tilespmem:v15+s22+$0x0], $0xffff  }
0xec: {  	_ =	sdelay $0x2  }
0xed: {  	v8 =	vadd.f32 v8, v0;
	[tilespmem:s4+$0xFFFFFFC0] =	vst v9  }
0xee: {  	v7 =	vadd.f32 v7, v0;
	s6 =	sadd.s32 $0x100, s4;
	v2 =	vld.idx.msk [tilespmem:v2+s22+$0x0], $0xffff;
	[tilespmem:s4+$0x20] =	vst v10  }
0xef: {  	v1 =	vld.idx.msk [tilespmem:v1+s22+$0x0], $0xffff;
	v6 =	vadd.f32 v6, v0;
	[tilespmem:s6+$0x30] =	vst v8  }
0xf0: {  	[tilespmem:s6+$0xFFFFFFD0] =	vst v7;
	v4 =	vadd.f32 v4, v0  }
0xf1: {  	[tilespmem:s6+$0xFFFFFFE0] =	vst v6;
	v3 =	vadd.f32 v3, v0  }
0xf2: {  	[tilespmem:s6+$0xFFFFFFF0] =	vst v4;
	v63 =	vadd.f32 v5, v0  }
0xf3: {  	[tilespmem:s6+$0x0] =	vst v3;
	v2 =	vadd.f32 v2, v0  }
0xf4: {  	v1 =	vadd.f32 v1, v0;
	[tilespmem:s6+$0x10] =	vst v63  }
0xf5: {  	s5 =	simm.s32 $0x1CA80;
	s4 =	sadd.s32 s3, s14;
	[tilespmem:s6+$0xFFFFFFC0] =	vst v2  }
0xf6: {  	s7 =	simm.s32 $0x1CB80;
	s8 =	sadd.s32 $0x0, s4;
	[tilespmem:s6+$0x20] =	vst v1;
	s6 =	simm.s32 $0x80  }
.LBB2_13:
0xf7: {  	[hbm4b:s8+s9] =	stream.linear.scatter [tilespmem:s5], [sflag:$0x2], $0x80, $0x38;
	[tilespmem:$0x1EA80] =	vst v63  }
0xf8: {  	s8 =	smov.u32 s6;
	s5 =	smov.u32 s7;
	p0 =	sne.s32 s6, $0xF80  }
.Ltmp7:
0xf9: {  	s6 =	sadd.s32 $0x80, s6;
	(pc) =	sbr.rel @p0 .LBB2_13-.Ltmp7, $2  }
0xfa: {  	_ =	sdelay $0x2  }
0xfb: {  	s7 =	sadd.s32 $0x100, s7;
	s8 =	sadd.s32 s8, s4  }
0xfc: {  	[hbm4b:s8+s9] =	stream.linear.scatter [tilespmem:s5], [sflag:$0x2], $0x80, $0x38;
	[tilespmem:$0x1EA80] =	vst v63  }
0xfd: {  	s4 =	simm.s32 $0x3  }
0xfe: {  	_ =	swait.ge [sflag:s4], $0x1000  }
0xff: {  	[sflag:s4] =	ssyncset.done $0x0  }
0x100: {  	s30 =	simm.s32 $0x3070;
	[sflag:s4] =	ssyncadd.s32 $0xFFFFF000  }
0x101: {  	v1 =	vld [tilespmem:s30+$0x0]  }
0x102: {  	v2 =	vld [tilespmem:s30+$0xFFFFFFA0]  }
0x103: {  	v3 =	vld [tilespmem:s30+$0xFFFFFFB0]  }
0x104: {  	v4 =	vld [tilespmem:s30+$0xFFFFFFC0]  }
0x105: {  	v6 =	vld [tilespmem:s30+$0xFFFFFFE0]  }
0x106: {  	v5 =	vld [tilespmem:s30+$0xFFFFFFD0]  }
0x107: {  	v7 =	vld [tilespmem:s30+$0xFFFFFFF0]  }
0x108: {  	s31 =	simm.s32 $0x30F0;
	v8 =	vld [tilespmem:s30+$0xFFFFFF90]  }
0x109: {  	v10 =	vld [tilespmem:s31+$0xFFFFFFA0]  }
0x10a: {  	v11 =	vld [tilespmem:s31+$0xFFFFFFB0];
	v6 =	vadd.s32 $0x1, v6  }
0x10b: {  	v12 =	vld [tilespmem:s31+$0xFFFFFFC0]  }
0x10c: {  	v13 =	vld [tilespmem:s31+$0xFFFFFFD0]  }
0x10d: {  	v14 =	vld [tilespmem:s31+$0xFFFFFFE0];
	v1 =	vadd.s32 $0x1, v1  }
0x10e: {  	v15 =	vld [tilespmem:s31+$0xFFFFFFF0];
	v2 =	vadd.s32 $0x1, v2  }
0x10f: {  	v3 =	vadd.s32 $0x1, v3;
	v9 =	vld.idx.msk [tilespmem:v6+s22+$0x0], $0xffff  }
0x110: {  	v4 =	vadd.s32 $0x1, v4;
	v6 =	vld [tilespmem:s31+$0x0]  }
0x111: {  	v16 =	vld [tilespmem:s31+$0xFFFFFF90];
	v5 =	vadd.s32 $0x1, v5  }
0x112: {  	v8 =	vadd.s32 $0x1, v8;
	v1 =	vld.idx.msk [tilespmem:v1+s22+$0x0], $0xffff  }
0x113: {  	v7 =	vadd.s32 $0x1, v7;
	v2 =	vld.idx.msk [tilespmem:v2+s22+$0x0], $0xffff  }
0x114: {  	v10 =	vadd.s32 $0x1, v10;
	v3 =	vld.idx.msk [tilespmem:v3+s22+$0x0], $0xffff  }
0x115: {  	v4 =	vld.idx.msk [tilespmem:v4+s22+$0x0], $0xffff;
	v6 =	vadd.s32 $0x1, v6  }
0x116: {  	v12 =	vadd.s32 $0x1, v12;
	v5 =	vld.idx.msk [tilespmem:v5+s22+$0x0], $0xffff  }
0x117: {  	v11 =	vadd.s32 $0x1, v11;
	v17 =	vld.idx.msk [tilespmem:v8+s22+$0x0], $0xffff;
	v1 =	vadd.f32 v1, v0  }
0x118: {  	s4 =	simm.s32 $0x1CB70;
	v13 =	vadd.s32 $0x1, v13;
	v18 =	vld.idx.msk [tilespmem:v7+s22+$0x0], $0xffff;
	v2 =	vadd.f32 v2, v0  }
0x119: {  	v14 =	vadd.s32 $0x1, v14;
	v7 =	vld.idx.msk [tilespmem:v10+s22+$0x0], $0xffff;
	[tilespmem:s4+$0x0] =	vst v1;
	v1 =	vadd.f32 v3, v0  }
0x11a: {  	[tilespmem:s4+$0xFFFFFFA0] =	vst v2;
	v2 =	vadd.f32 v4, v0;
	v8 =	vld.idx.msk [tilespmem:v6+s22+$0x0], $0xffff  }
0x11b: {  	v4 =	vld.idx.msk [tilespmem:v12+s22+$0x0], $0xffff;
	[tilespmem:s4+$0xFFFFFFB0] =	vst v1;
	v1 =	vadd.f32 v5, v0  }
0x11c: {  	[tilespmem:s4+$0xFFFFFFC0] =	vst v2;
	v2 =	vadd.f32 v9, v0;
	v6 =	vld.idx.msk [tilespmem:v11+s22+$0x0], $0xffff  }
0x11d: {  	v3 =	vld.idx.msk [tilespmem:v13+s22+$0x0], $0xffff;
	v9 =	vadd.f32 v17, v0;
	[tilespmem:s4+$0xFFFFFFD0] =	vst v1  }
0x11e: {  	s5 =	simm.s32 $0x80;
	s6 =	simm.s32 $0x3170;
	v10 =	vadd.f32 v18, v0;
	v5 =	vld.idx.msk [tilespmem:v14+s22+$0x0], $0xffff;
	v1 =	vadd.s32 $0x1, v15;
	[tilespmem:s4+$0xFFFFFFE0] =	vst v2;
	v2 =	vadd.s32 $0x1, v16  }
.LBB2_15:
0x11f: {  	v11 =	vld [tilespmem:s6+$0x0];
	s5 =	sadd.s32 $0x80, s5;
	v8 =	vadd.f32 v8, v0;
	[tilespmem:s4+$0xFFFFFF90] =	vst v9  }
0x120: {  	v7 =	vadd.f32 v7, v0;
	v9 =	vld [tilespmem:s6+$0xFFFFFFA0];
	p0 =	slt.u32 s5, $0xF80;
	[tilespmem:s4+$0xFFFFFFF0] =	vst v10;
	s4 =	sadd.s32 $0x100, s4  }
0x121: {  	v6 =	vadd.f32 v6, v0;
	v10 =	vld [tilespmem:s6+$0xFFFFFFB0];
	[tilespmem:s4+$0x0] =	vst v8  }
0x122: {  	v4 =	vadd.f32 v4, v0;
	v8 =	vld [tilespmem:s6+$0xFFFFFFC0];
	[tilespmem:s4+$0xFFFFFFA0] =	vst v7  }
0x123: {  	v3 =	vadd.f32 v3, v0;
	v7 =	vld [tilespmem:s6+$0xFFFFFFD0];
	[tilespmem:s4+$0xFFFFFFB0] =	vst v6  }
0x124: {  	v6 =	vld [tilespmem:s6+$0xFFFFFFE0];
	v11 =	vadd.s32 $0x1, v11;
	[tilespmem:s4+$0xFFFFFFC0] =	vst v4;
	v4 =	vadd.f32 v5, v0  }
0x125: {  	v5 =	vadd.s32 $0x1, v9;
	v9 =	vld [tilespmem:s6+$0xFFFFFFF0];
	[tilespmem:s4+$0xFFFFFFD0] =	vst v3  }
0x126: {  	v3 =	vld [tilespmem:s6+$0xFFFFFF90];
	v10 =	vadd.s32 $0x1, v10;
	[tilespmem:s4+$0xFFFFFFE0] =	vst v4  }
0x127: {  	v4 =	vadd.s32 $0x1, v8;
	v12 =	vld.idx.msk [tilespmem:v2+s22+$0x0], $0xffff  }
0x128: {  	v13 =	vadd.s32 $0x1, v7;
	v14 =	vld.idx.msk [tilespmem:v1+s22+$0x0], $0xffff  }
0x129: {  	v15 =	vadd.s32 $0x1, v6;
	v8 =	vld.idx.msk [tilespmem:v11+s22+$0x0], $0xffff  }
.Ltmp8:
0x12a: {  	v7 =	vld.idx.msk [tilespmem:v5+s22+$0x0], $0xffff;
	v1 =	vadd.s32 $0x1, v9;
	(pc) =	sbr.rel @p0 .LBB2_15-.Ltmp8, $4  }
0x12b: {  	v2 =	vadd.s32 $0x1, v3;
	v6 =	vld.idx.msk [tilespmem:v10+s22+$0x0], $0xffff  }
0x12c: {  	v4 =	vld.idx.msk [tilespmem:v4+s22+$0x0], $0xffff  }
0x12d: {  	v9 =	vadd.f32 v12, v0;
	v3 =	vld.idx.msk [tilespmem:v13+s22+$0x0], $0xffff  }
0x12e: {  	s6 =	sadd.s32 $0x80, s6;
	v10 =	vadd.f32 v14, v0;
	v5 =	vld.idx.msk [tilespmem:v15+s22+$0x0], $0xffff  }
0x12f: {  	_ =	sdelay $0x2  }
0x130: {  	v8 =	vadd.f32 v8, v0;
	[tilespmem:s4+$0xFFFFFF90] =	vst v9  }
0x131: {  	v7 =	vadd.f32 v7, v0;
	s5 =	sadd.s32 $0x100, s4;
	v2 =	vld.idx.msk [tilespmem:v2+s22+$0x0], $0xffff;
	[tilespmem:s4+$0xFFFFFFF0] =	vst v10  }
0x132: {  	v1 =	vld.idx.msk [tilespmem:v1+s22+$0x0], $0xffff;
	v6 =	vadd.f32 v6, v0;
	[tilespmem:s5+$0x0] =	vst v8  }
0x133: {  	[tilespmem:s5+$0xFFFFFFA0] =	vst v7;
	v4 =	vadd.f32 v4, v0  }
0x134: {  	[tilespmem:s5+$0xFFFFFFB0] =	vst v6;
	v3 =	vadd.f32 v3, v0  }
0x135: {  	[tilespmem:s5+$0xFFFFFFC0] =	vst v4;
	v62 =	vadd.f32 v5, v0  }
0x136: {  	[tilespmem:s5+$0xFFFFFFD0] =	vst v3;
	v2 =	vadd.f32 v2, v0  }
0x137: {  	v63 =	vadd.f32 v1, v0;
	[tilespmem:s5+$0xFFFFFFE0] =	vst v62  }
0x138: {  	s3 =	sadd.s32 s3, s15;
	s6 =	simm.s32 $0x1CC00;
	[tilespmem:s5+$0xFFFFFF90] =	vst v2  }
0x139: {  	s4 =	simm.s32 $0x1CB00;
	s7 =	sadd.s32 $0x0, s3;
	[tilespmem:s5+$0xFFFFFFF0] =	vst v63;
	s5 =	simm.s32 $0x80  }
.LBB2_17:
0x13a: {  	[hbm4b:s7+s9] =	stream.linear.scatter [tilespmem:s4], [sflag:$0x3], $0x80, $0x38;
	[tilespmem:$0x1EA80] =	vst v63  }
0x13b: {  	s7 =	smov.u32 s5;
	s4 =	smov.u32 s6;
	p0 =	sne.s32 s5, $0xF80  }
.Ltmp9:
0x13c: {  	s5 =	sadd.s32 $0x80, s5;
	(pc) =	sbr.rel @p0 .LBB2_17-.Ltmp9, $2  }
0x13d: {  	_ =	sdelay $0x2  }
0x13e: {  	s6 =	sadd.s32 $0x100, s6;
	s7 =	sadd.s32 s7, s3  }
0x13f: {  	[hbm4b:s7+s9] =	stream.linear.scatter [tilespmem:s4], [sflag:$0x3], $0x80, $0x38;
	[tilespmem:$0x1EA80] =	vst v63  }
0x140: {  	p0 =	seq.s32 s0, $0x19  }
0x141: {  	s0 =	sadd.s32 $0x1, s0;
	s1 =	sadd.s32 @!p0 $0x1, s1;
	s5 =	simm.s32 @!p0 $0x400  }
0x142: {  	s3 =	sshrl.u32 @!p0 s1, $0x3;
	s4 =	sshll.u32 @!p0 s1, $0x7;
	s1 =	sshrl.u32 @!p0 s1, $0x5  }
0x143: {  	s6 =	simm.s32 @!p0 $0x4000;
	s3 =	smul.u32 @!p0 $0xC3800, s3;
	p1 =	seq.s32 @!p0 s1, s2  }
0x144: {  	p2 =	sne.s32 @!p0 s0, $0x1A;
	s4 =	sand.u32 @!p0 $0x380, s4;
	p1 =	por p1, p0  }
0x145: {  	s3 =	sor.u32 @!p0 s4, s3;
	s2 =	sshll.u32 @!p1 s1, $0xE;
	s1 =	sshll.u32 @!p1 s1, $0x7  }
0x146: {  	s3 =	sshrl.u32 @!p0 s3, $0x3;
	s2 =	sand.u32 @!p1 $0xFFFE0000, s2;
	s1 =	sand.u32 @!p1 $0x380, s1  }
0x147: {  	s4 =	simm.s32 @!p0 $0x80;
	s3 =	sadd.s32 @!p0 s11, s3;
	s1 =	sor.u32 @!p1 s1, s2  }
0x148: {  	[tilespmem:s6], [sflag:$0x1] =	stream.strided.gather @!p0 [hbm4b:s3+s4], $0x18700, s5, s4, $0x38;
	[tilespmem:$0x1EA80] =	vst v63  }
0x149: {  	s2 =	simm.s32 @!p1 $0x80;
	s1 =	sshrl.u32 @!p1 s1, $0x3;
	s3 =	simm.s32 @!p1 $0x400  }
0x14a: {  	s4 =	simm.s32 @!p1 $0x0;
	p0 =	por p0, !p2;
	s1 =	sadd.s32 @!p1 s10, s1  }
0x14b: {  	[tilespmem:s4], [sflag:$0x6] =	stream.strided.gather @!p1 [hbm4b:s1+s2], $0x4000, s3, s2, $0x38;
	[tilespmem:$0x1EA80] =	vst v63  }
.Ltmp10:
0x14c: {  	_ = 	snop;
	(pc) =	sbr.rel @!p0 .LBB2_2-.Ltmp10, $4  }
0x14d: {  	s1 =	simm.s32 @!p1 $0x6  }
0x14e: {  	_ =	swait.ge @!p1 [sflag:s1], $0x4000  }
0x14f: {  	[sflag:s1] =	ssyncset.done @!p1 $0x0  }
0x150: {  	[sflag:s1] =	ssyncadd.s32 @!p1 $0xFFFFC000  }
0x151: {  	_ =	swait.ge [sflag:s19], $0x1000  }
0x152: {  	[sflag:s19] =	ssyncset.done $0x0  }
0x153: {  	s0 =	simm.s32 $0x3;
	[sflag:s19] =	ssyncadd.s32 $0xFFFFF000  }
0x154: {  	_ =	swait.ge [sflag:s0], $0x1000  }
0x155: {  	[sflag:s0] =	ssyncset.done $0x0  }
0x156: {  	[sflag:s0] =	ssyncadd.s32 $0xFFFFF000  }
0x157: {  	[bflag:$0x0] =	sbarrier.arrive $0xFFFF  }
0x158: {  	s2 =	simm.s32 $0x0;
	s1 =	simm.s32 $0x10000;
	s26 =	rddreg [dreg:$0x3]  }
0x159: {  	[tilespmem:s1], [sflag:$0x6] =	stream.linear.gather [hbm4b:s26+s2], $0x80, $0x38;
	[tilespmem:$0x1EA80] =	vst v63  }
0x15a: {  	_ =	swait.ge [sflag:s17], $0x80  }
0x15b: {  	[sflag:s17] =	ssyncset.done $0x0  }
0x15c: {  	[sflag:s17] =	ssyncadd.s32 $0xFFFFFF80  }
0x15d: {  	s29 =	simm.s32 $0x10080;
	s28 =	rddreg [dreg:$0x4]  }
0x15e: {  	[tilespmem:s29], [sflag:$0x6] =	stream.linear.gather [hbm4b:s28+s2], $0x80, $0x38;
	[tilespmem:$0x1EA80] =	vst v63  }
0x15f: {  	_ =	swait.ge [sflag:s17], $0x80  }
0x160: {  	[sflag:s17] =	ssyncset.done $0x0  }
0x161: {  	[sflag:s17] =	ssyncadd.s32 $0xFFFFFF80  }
0x162: {  	v2 =	vld [tilespmem:$0x10010]  }
0x163: {  	v3 =	vld [tilespmem:$0x10090];
	_ =	sdelay $0x1  }
0x164: {  	s30 =	rddreg [dreg:$0xd];
	v0 =	vld [tilespmem:$0x10000]  }
0x165: {  	v1 =	vld [tilespmem:$0x10080];
	[tilespmem:s2], [sflag:$0x2] =	stream.strided.gather [hbm4b:s30+s20], $0x4000, s21, s20, $0x38  }
0x166: {  	s31 =	rddreg [dreg:$0xe];
	v29 =	vbroadcast v2, $0x7  }
0x167: {  	[tilespmem:s22], [sflag:$0x3] =	stream.strided.gather [hbm4b:s31+s20], $0x4000, s21, s20, $0x38;
	v43 =	vbroadcast v3, $0x7;
	[tilespmem:$0x1EA80] =	vst v63  }
0x168: {  	v45 =	vbroadcast v2, $0x8;
	[tilespmem:$0x1FC00] =	vst v29  }
0x169: {  	v47 =	vbroadcast v2, $0x9;
	[tilespmem:$0x1FC10] =	vst v43  }
0x16a: {  	v49 =	vbroadcast v2, $0xB;
	[tilespmem:$0x1FC20] =	vst v45  }
0x16b: {  	v20 =	vbroadcast v0, $0x0;
	[tilespmem:$0x1FC30] =	vst v47  }
0x16c: {  	v21 =	vbroadcast v1, $0x0;
	[tilespmem:$0x1FC40] =	vst v49  }
0x16d: {  	v23 =	vbroadcast v0, $0x1;
	[tilespmem:$0x1FC50] =	vst v20  }
0x16e: {  	v17 =	vbroadcast v1, $0x1;
	[tilespmem:$0x1FC60] =	vst v21  }
0x16f: {  	v24 =	vbroadcast v0, $0x2;
	[tilespmem:$0x1FC70] =	vst v23  }
0x170: {  	v19 =	vbroadcast v1, $0x2;
	[tilespmem:$0x1FC80] =	vst v17  }
0x171: {  	v25 =	vbroadcast v0, $0x3;
	[tilespmem:$0x1FC90] =	vst v24  }
0x172: {  	v18 =	vbroadcast v1, $0x3;
	[tilespmem:$0x1FCA0] =	vst v19  }
0x173: {  	v22 =	vbroadcast v0, $0x4;
	[tilespmem:$0x1FCB0] =	vst v25  }
0x174: {  	v26 =	vbroadcast v1, $0x4;
	[tilespmem:$0x1FCC0] =	vst v18  }
0x175: {  	v27 =	vbroadcast v0, $0x5;
	[tilespmem:$0x1FCD0] =	vst v22  }
0x176: {  	v28 =	vbroadcast v1, $0x5;
	[tilespmem:$0x1FCE0] =	vst v26  }
0x177: {  	v30 =	vbroadcast v0, $0x6;
	[tilespmem:$0x1FCF0] =	vst v27  }
0x178: {  	v31 =	vbroadcast v1, $0x6;
	[tilespmem:$0x1FD00] =	vst v28  }
0x179: {  	v32 =	vbroadcast v0, $0x7;
	[tilespmem:$0x1FD10] =	vst v30  }
0x17a: {  	v15 =	vbroadcast v1, $0x7;
	[tilespmem:$0x1FD20] =	vst v31  }
0x17b: {  	v33 =	vbroadcast v0, $0x8;
	[tilespmem:$0x1FD30] =	vst v32  }
0x17c: {  	v34 =	vbroadcast v1, $0x8;
	[tilespmem:$0x1FD40] =	vst v15  }
0x17d: {  	v35 =	vbroadcast v0, $0x9;
	[tilespmem:$0x1FD50] =	vst v33  }
0x17e: {  	v16 =	vbroadcast v1, $0x9;
	[tilespmem:$0x1FD60] =	vst v34  }
0x17f: {  	v36 =	vbroadcast v0, $0xA;
	[tilespmem:$0x1FD70] =	vst v35  }
0x180: {  	v37 =	vbroadcast v1, $0xA;
	[tilespmem:$0x1FD80] =	vst v16  }
0x181: {  	v38 =	vbroadcast v0, $0xB;
	[tilespmem:$0x1FD90] =	vst v36  }
0x182: {  	v39 =	vbroadcast v1, $0xB;
	[tilespmem:$0x1FDA0] =	vst v37  }
0x183: {  	v40 =	vbroadcast v0, $0xC;
	[tilespmem:$0x1FDB0] =	vst v38  }
0x184: {  	v41 =	vbroadcast v1, $0xC;
	[tilespmem:$0x1FDC0] =	vst v39  }
0x185: {  	v42 =	vbroadcast v0, $0xD;
	[tilespmem:$0x1FDD0] =	vst v40  }
0x186: {  	v13 =	vbroadcast v1, $0xD;
	[tilespmem:$0x1FDE0] =	vst v41  }
0x187: {  	v44 =	vbroadcast v0, $0xE;
	[tilespmem:$0x1FDF0] =	vst v42  }
0x188: {  	v46 =	vbroadcast v1, $0xE;
	[tilespmem:$0x1FE00] =	vst v13  }
0x189: {  	v48 =	vbroadcast v0, $0xF;
	[tilespmem:$0x1FE10] =	vst v44  }
0x18a: {  	v14 =	vbroadcast v1, $0xF;
	[tilespmem:$0x1FE20] =	vst v46  }
0x18b: {  	v51 =	vbroadcast v2, $0x0;
	[tilespmem:$0x1FE30] =	vst v48  }
0x18c: {  	v52 =	vbroadcast v3, $0x0;
	[tilespmem:$0x1FE40] =	vst v14  }
0x18d: {  	v50 =	vbroadcast v2, $0x1;
	[tilespmem:$0x1FE50] =	vst v51  }
0x18e: {  	v56 =	vbroadcast v3, $0x1;
	[tilespmem:$0x1FE60] =	vst v52  }
0x18f: {  	v58 =	vbroadcast v2, $0x2;
	[tilespmem:$0x1FE70] =	vst v50  }
0x190: {  	v60 =	vbroadcast v3, $0x2;
	[tilespmem:$0x1FE80] =	vst v56  }
0x191: {  	v61 =	vbroadcast v2, $0x3;
	[tilespmem:$0x1FE90] =	vst v58  }
0x192: {  	v11 =	vbroadcast v3, $0x3;
	[tilespmem:$0x1FEA0] =	vst v60  }
0x193: {  	v62 =	vbroadcast v2, $0x4;
	[tilespmem:$0x1FEB0] =	vst v61  }
0x194: {  	v53 =	vbroadcast v3, $0x4;
	[tilespmem:$0x1FEC0] =	vst v11  }
0x195: {  	v63 =	vbroadcast v2, $0x5;
	[tilespmem:$0x1FED0] =	vst v62  }
0x196: {  	v12 =	vbroadcast v3, $0x5;
	[tilespmem:$0x1FEE0] =	vst v53  }
0x197: {  	v59 =	vbroadcast v2, $0x6;
	[tilespmem:$0x1FEF0] =	vst v63  }
0x198: {  	v57 =	vbroadcast v3, $0x6;
	[tilespmem:$0x1FF00] =	vst v12  }
0x199: {  	v55 =	vbroadcast v3, $0x8;
	[tilespmem:$0x1FF10] =	vst v59  }
0x19a: {  	v10 =	vbroadcast v3, $0x9;
	[tilespmem:$0x1FF20] =	vst v57  }
0x19b: {  	v6 =	vbroadcast v3, $0xB;
	[tilespmem:$0x1FF30] =	vst v55  }
0x19c: {  	v7 =	vbroadcast v3, $0xC;
	[tilespmem:$0x1FF40] =	vst v10  }
0x19d: {  	v5 =	vbroadcast v3, $0xD;
	[tilespmem:$0x1FF70] =	vst v6  }
0x19e: {  	v9 =	vbroadcast v2, $0xE;
	[tilespmem:$0x1FF90] =	vst v7  }
0x19f: {  	v4 =	vbroadcast v3, $0xE;
	[tilespmem:$0x1FFB0] =	vst v5  }
0x1a0: {  	v54 =	vbroadcast v3, $0xF;
	[tilespmem:$0x1FFC0] =	vst v9  }
0x1a1: {  	v43 =	vbroadcast v2, $0xA;
	[tilespmem:$0x1FFD0] =	vst v4  }
0x1a2: {  	v45 =	vbroadcast v3, $0xA;
	[tilespmem:$0x1FFF0] =	vst v54  }
0x1a3: {  	v47 =	vbroadcast v2, $0xC;
	[tilespmem:$0x1FF50] =	vst v43  }
0x1a4: {  	v49 =	vbroadcast v2, $0xD;
	[tilespmem:$0x1FF60] =	vst v45  }
0x1a5: {  	v29 =	vbroadcast v2, $0xF;
	[tilespmem:$0x1FF80] =	vst v47  }
0x1a6: {  	[tilespmem:$0x1FFA0] =	vst v49  }
0x1a7: {  	[tilespmem:$0x1FFE0] =	vst v29  }
.LBB2_20:
0x1a8: {  	_ =	swait.ge [sflag:s19], $0x4000  }
0x1a9: {  	p0 =	seq.s32 s2, $0x0;
	[dreg:$0x11] =	wrdreg s2;
	[sflag:s19] =	ssyncset.done $0x0  }
0x1aa: {  	s31 =	sshll.u32 s2, $0x1;
	s0 =	simm.s32 @!p0 $0x4;
	[sflag:s19] =	ssyncadd.s32 $0xFFFFC000  }
0x1ab: {  	s20 =	simm.s32 $0xFFFFFFC0;
	p1 =	por $0x0, $0x0;
	_ =	swait.ge @!p0 [sflag:s0], $0x4000  }
0x1ac: {  	s21 =	simm.s32 $0x0;
	s10 =	simm.s32 $0x0;
	s1 =	rddreg [dreg:$0x7]  }
0x1ad: {  	[dreg:$0x12] =	wrdreg s31;
	[sflag:s0] =	ssyncset.done @!p0 $0x0;
	s1 =	sadd.s32 s1, s31  }
0x1ae: {  	s24 =	simm.s32 $0x0;
	[sflag:s0] =	ssyncadd.s32 @!p0 $0xFFFFC000;
	[dreg:$0x14] =	wrdreg s1  }
.LBB2_21:
0x1af: {  	s20 =	sadd.s32 $0x40, s20  }
0x1b0: {  	s1 =	sand.u32 $0xC00, s10;
	s0 =	sand.u32 $0x40, s20  }
0x1b1: {  	s15 =	sor.u32 s0, s1  }
0x1b2: {  	v16 =	vld [tilespmem:s15+$0x0]  }
0x1b3: {  	v26 =	vld [tilespmem:s15+$0x80]  }
0x1b4: {  	s6 =	sand.u32 $0xFFFFFC00, s10;
	s0 =	simm.s32 $0x1  }
0x1b5: {  	s1 =	sadd.s32 s6, s24;
	s0 =	simm.s32 @!p1 $0x0;
	v10 =	vld [tilespmem:s15+$0x100]  }
0x1b6: {  	s23 =	sor.u32 $0x180, s1;
	s0 =	sshll.u32 s0, $0x6  }
0x1b7: {  	v29 =	vld [tilespmem:s23+$0x0];
	s0 =	sadd.s32 s0, s10  }
0x1b8: {  	s2 =	sor.u32 $0x200, s0;
	v0 =	vmul.f32 v16, v16;
	v1 =	vadd.f32 v26, v16;
	v2 =	vmul.f32 v26, v26  }
0x1b9: {  	v17 =	vld [tilespmem:s2+$0x0]  }
0x1ba: {  	s7 =	sor.u32 $0x280, s0;
	v53 =	vmul.f32 v10, v10;
	v0 =	vadd.f32 v2, v0;
	v1 =	vadd.f32 v10, v1  }
0x1bb: {  	v34 =	vld [tilespmem:s7+$0x0]  }
0x1bc: {  	s8 =	sor.u32 $0x300, s0;
	v54 =	vmul.f32 v29, v29;
	v0 =	vadd.f32 v53, v0;
	v1 =	vadd.f32 v29, v1  }
0x1bd: {  	v18 =	vld [tilespmem:s8+$0x0]  }
0x1be: {  	s11 =	sor.u32 $0x380, s21;
	v55 =	vmul.f32 v17, v17;
	v0 =	vadd.f32 v54, v0;
	v1 =	vadd.f32 v17, v1  }
0x1bf: {  	v31 =	vld [tilespmem:s11+$0x0]  }
0x1c0: {  	v56 =	vmul.f32 v34, v34;
	v0 =	vadd.f32 v55, v0;
	v1 =	vadd.f32 v34, v1  }
0x1c1: {  	v32 =	vld [tilespmem:s15+$0x1000]  }
0x1c2: {  	v3 =	vmul.f32 v18, v18;
	v0 =	vadd.f32 v56, v0;
	v57 =	vadd.f32 v18, v1  }
0x1c3: {  	v19 =	vld [tilespmem:s15+$0x1080]  }
0x1c4: {  	v58 =	vmul.f32 v31, v31;
	v0 =	vadd.f32 v3, v0;
	v2 =	vadd.f32 v31, v57  }
0x1c5: {  	v35 =	vld [tilespmem:s15+$0x1100]  }
0x1c6: {  	s12 =	sor.u32 $0x1180, s1;
	v4 =	vmul.f32 v32, v32;
	v0 =	vadd.f32 v58, v0;
	v59 =	vadd.f32 v32, v2  }
0x1c7: {  	v20 =	vld [tilespmem:s12+$0x0]  }
0x1c8: {  	s13 =	sor.u32 $0x1200, s0;
	v60 =	vmul.f32 v19, v19;
	v0 =	vadd.f32 v4, v0;
	v3 =	vadd.f32 v19, v59  }
0x1c9: {  	v27 =	vld [tilespmem:s13+$0x0]  }
0x1ca: {  	s14 =	sor.u32 $0x1280, s0;
	v5 =	vmul.f32 v35, v35;
	v0 =	vadd.f32 v60, v0;
	v61 =	vadd.f32 v35, v3  }
0x1cb: {  	v30 =	vld [tilespmem:s14+$0x0]  }
0x1cc: {  	s16 =	sor.u32 $0x1300, s0;
	v62 =	vmul.f32 v20, v20;
	v0 =	vadd.f32 v5, v0;
	v4 =	vadd.f32 v20, v61  }
0x1cd: {  	v38 =	vld [tilespmem:s16+$0x0]  }
0x1ce: {  	s17 =	sor.u32 $0x1380, s21;
	v8 =	vmul.f32 v27, v27;
	v0 =	vadd.f32 v62, v0;
	v63 =	vadd.f32 v27, v4  }
0x1cf: {  	v41 =	vld [tilespmem:s17+$0x0]  }
0x1d0: {  	v12 =	vmul.f32 v30, v30;
	v0 =	vadd.f32 v8, v0;
	v5 =	vadd.f32 v30, v63  }
0x1d1: {  	v44 =	vld [tilespmem:s15+$0x2000]  }
0x1d2: {  	v13 =	vmul.f32 v38, v38;
	v0 =	vadd.f32 v12, v0;
	v5 =	vadd.f32 v38, v5  }
0x1d3: {  	v63 =	vld [tilespmem:s15+$0x2080]  }
0x1d4: {  	v9 =	vmul.f32 v41, v41;
	v0 =	vadd.f32 v13, v0;
	v14 =	vadd.f32 v41, v5  }
0x1d5: {  	v46 =	vld [tilespmem:s15+$0x2100]  }
0x1d6: {  	s18 =	sor.u32 $0x2180, s1;
	v15 =	vmul.f32 v44, v44;
	v0 =	vadd.f32 v9, v0;
	v8 =	vadd.f32 v44, v14  }
0x1d7: {  	v48 =	vld [tilespmem:s18+$0x0]  }
0x1d8: {  	v25 =	vld [tilespmem:s15+$0x90];
	s19 =	sor.u32 $0x2200, s0;
	v21 =	vmul.f32 v63, v63;
	v0 =	vadd.f32 v15, v0;
	v8 =	vadd.f32 v63, v8  }
0x1d9: {  	v58 =	vld [tilespmem:s19+$0x0]  }
0x1da: {  	s25 =	sor.u32 $0x2280, s0;
	v22 =	vmul.f32 v46, v46;
	v14 =	vld [tilespmem:s15+$0x10];
	v0 =	vadd.f32 v21, v0;
	v8 =	vadd.f32 v46, v8  }
0x1db: {  	v51 =	vld [tilespmem:s25+$0x0]  }
0x1dc: {  	v6 =	vld [tilespmem:s15+$0x110];
	s26 =	sor.u32 $0x2300, s0;
	v23 =	vmul.f32 v48, v48;
	v0 =	vadd.f32 v22, v0;
	v8 =	vadd.f32 v48, v8  }
0x1dd: {  	v61 =	vld [tilespmem:s26+$0x0]  }
0x1de: {  	s28 =	sor.u32 $0x2380, s21;
	v7 =	vld [tilespmem:s15+$0x190];
	s29 =	sadd.s32 $0x10, s0;
	v24 =	vmul.f32 v58, v58;
	v0 =	vadd.f32 v23, v0;
	v8 =	vadd.f32 v58, v8  }
0x1df: {  	s3 =	sor.u32 $0x200, s29;
	v53 =	vld [tilespmem:s28+$0x0];
	v12 =	vmul.f32 v25, v25;
	v11 =	vmul.f32 v14, v14  }
0x1e0: {  	v37 =	vld [tilespmem:s3+$0x0];
	v28 =	vmul.f32 v51, v51;
	v0 =	vadd.f32 v24, v0;
	v8 =	vadd.f32 v51, v8  }
0x1e1: {  	v52 =	vld [tilespmem:s15+$0x3000];
	s4 =	sor.u32 $0x280, s29;
	[tilespmem:$0x1F3A0] =	vst v25;
	v13 =	vmul.f32 v6, v6;
	v11 =	vadd.f32 v12, v11  }
0x1e2: {  	v4 =	vmovc v25;
	v33 =	vmul.f32 v61, v61;
	v25 =	vld [tilespmem:s4+$0x0];
	v0 =	vadd.f32 v28, v0;
	v8 =	vadd.f32 v61, v8  }
0x1e3: {  	s5 =	sor.u32 $0x300, s29;
	v57 =	vld [tilespmem:s15+$0x3080];
	v15 =	vmul.f32 v7, v7;
	v11 =	vadd.f32 v13, v11  }
0x1e4: {  	v54 =	vld [tilespmem:s5+$0x0];
	v36 =	vmul.f32 v53, v53;
	v0 =	vadd.f32 v33, v0;
	v8 =	vadd.f32 v53, v8  }
0x1e5: {  	[smem:$0x7D7] =	sst s7;
	s7 =	sor.u32 $0x380, s29;
	v42 =	vmul.f32 v37, v37;
	v55 =	vld [tilespmem:s15+$0x3100];
	v11 =	vadd.f32 v15, v11  }
0x1e6: {  	s1 =	sor.u32 $0x3180, s1;
	v39 =	vmul.f32 v52, v52;
	v3 =	vld [tilespmem:s7+$0x0];
	v0 =	vadd.f32 v36, v0;
	v8 =	vadd.f32 v52, v8  }
0x1e7: {  	v62 =	vld [tilespmem:s1+$0x0];
	v45 =	vmul.f32 v25, v25;
	v11 =	vadd.f32 v42, v11  }
0x1e8: {  	v47 =	vld [tilespmem:s15+$0x1010];
	s6 =	sor.u32 $0x3200, s0;
	v40 =	vmul.f32 v57, v57;
	v0 =	vadd.f32 v39, v0;
	v8 =	vadd.f32 v57, v8  }
0x1e9: {  	v59 =	vld [tilespmem:s6+$0x0];
	v23 =	vmul.f32 v54, v54;
	v11 =	vadd.f32 v45, v11  }
0x1ea: {  	[smem:$0x7D8] =	sst s8;
	s8 =	sor.u32 $0x3280, s0;
	v43 =	vmul.f32 v55, v55;
	v12 =	vld [tilespmem:s15+$0x1090];
	v0 =	vadd.f32 v40, v0;
	v8 =	vadd.f32 v55, v8  }
0x1eb: {  	v56 =	vld [tilespmem:s8+$0x0];
	v33 =	vmul.f32 v3, v3;
	v23 =	vadd.f32 v23, v11  }
0x1ec: {  	[smem:$0x7D9] =	sst s11;
	s11 =	sor.u32 $0x3300, s0;
	v21 =	vmul.f32 v62, v62;
	v22 =	vld [tilespmem:s15+$0x1110];
	v9 =	vadd.f32 v43, v0;
	v8 =	vadd.f32 v62, v8  }
0x1ed: {  	v49 =	vld [tilespmem:s11+$0x0];
	v36 =	vmul.f32 v47, v47;
	v23 =	vadd.f32 v33, v23  }
0x1ee: {  	[smem:$0x7DA] =	sst s12;
	s12 =	sor.u32 $0x3380, s21;
	v5 =	vld [tilespmem:s15+$0x1190];
	v24 =	vmul.f32 v59, v59;
	v9 =	vadd.f32 v21, v9;
	v8 =	vadd.f32 v59, v8  }
0x1ef: {  	v50 =	vld [tilespmem:s12+$0x0];
	[smem:$0x7DB] =	sst s13;
	s13 =	sor.u32 $0x1200, s29;
	[tilespmem:$0x1F3D0] =	vst v37;
	v2 =	vmul.f32 v12, v12;
	v23 =	vadd.f32 v36, v23  }
0x1f0: {  	v60 =	vmul.f32 v56, v56;
	v13 =	vmovc v37;
	v37 =	vld [tilespmem:s13+$0x0];
	v9 =	vadd.f32 v24, v9;
	v8 =	vadd.f32 v56, v8  }
0x1f1: {  	[smem:$0x7DC] =	sst s14;
	s14 =	sor.u32 $0x1280, s29;
	v28 =	vmul.f32 v22, v22;
	v23 =	vadd.f32 v2, v23  }
0x1f2: {  	v1 =	vmul.f32 v49, v49;
	v21 =	vld [tilespmem:s14+$0x0];
	v9 =	vadd.f32 v60, v9;
	v8 =	vadd.f32 v49, v8  }
0x1f3: {  	v42 =	vmul.f32 v5, v5;
	v33 =	vadd.f32 v28, v23  }
0x1f4: {  	[smem:$0x7DD] =	sst s16;
	s16 =	sor.u32 $0x1300, s29;
	v39 =	vmul.f32 v50, v50;
	v9 =	vadd.f32 v1, v9;
	v8 =	vadd.f32 v50, v8  }
0x1f5: {  	v45 =	vmul.f32 v37, v37;
	v28 =	vld [tilespmem:s16+$0x0]  }
0x1f6: {  	[smem:$0x7DE] =	sst s17;
	s17 =	sor.u32 $0x1380, s29;
	v9 =	vadd.f32 v39, v9;
	v60 =	vmul.f32 $3.125000000e-02, v8;
	v8 =	vadd.f32 v42, v33  }
0x1f7: {  	[tilespmem:$0x1F410] =	vst v47;
	v15 =	vmov v47;
	v24 =	vld [tilespmem:s17+$0x0];
	v47 =	vmul.f32 v21, v21  }
0x1f8: {  	v1 =	vld [tilespmem:s15+$0x2010];
	v9 =	vmul.f32 $3.125000000e-02, v9;
	v43 =	vmul.f32 v60, v60;
	v8 =	vadd.f32 v45, v8  }
0x1f9: {  	v42 =	vadd.f32 v4, v14  }
0x1fa: {  	[tilespmem:$0x1F370] =	vst v49;
	v49 =	vmul.f32 v28, v28;
	v9 =	vsub.f32 v9, v43;
	v8 =	vadd.f32 v47, v8  }
0x1fb: {  	[tilespmem:$0x1F380] =	vst v50;
	v50 =	vld [tilespmem:s15+$0x2090];
	v43 =	vadd.f32 v6, v42  }
0x1fc: {  	v33 =	vmul.f32 v24, v24;
	v9 =	vadd.f32 $9.999999740e-06, v9;
	v8 =	vadd.f32 v49, v8  }
0x1fd: {  	[tilespmem:$0x1F3B0] =	vst v6;
	v36 =	vld [tilespmem:s15+$0x2110];
	v39 =	vmul.f32 v1, v1;
	v43 =	vadd.f32 v7, v43  }
0x1fe: {  	[tilespmem:$0x1F3C0] =	vst v7;
	v40 =	vshra.s32 v9, $0x1;
	v9 =	vmul.f32 $5.000000000e-01, v9;
	v8 =	vadd.f32 v33, v8  }
0x1ff: {  	[tilespmem:$0x1F3F0] =	vst v54;
	v42 =	vld [tilespmem:s15+$0x2190];
	v49 =	vadd.f32 v13, v43;
	v45 =	vsub.s32 $0x5F3759DF, v40  }
0x200: {  	[smem:$0x7DF] =	sst s18;
	s18 =	sor.u32 $0x2200, s29;
	[tilespmem:$0x1F3E0] =	vst v25;
	v40 =	vmul.f32 v50, v50;
	v47 =	vmul.f32 v45, v9;
	v8 =	vadd.f32 v39, v8  }
0x201: {  	[tilespmem:$0x1F490] =	vst v1;
	v33 =	vld [tilespmem:s18+$0x0];
	v49 =	vadd.f32 v25, v49  }
0x202: {  	[smem:$0x7E0] =	sst s19;
	s19 =	sor.u32 $0x2280, s29;
	v6 =	vmovc v1;
	v1 =	vmul.f32 v36, v36;
	v47 =	vmul.f32 v45, v47;
	v8 =	vadd.f32 v40, v8  }
0x203: {  	[tilespmem:$0x1F390] =	vst v14;
	v40 =	vld [tilespmem:s19+$0x0];
	v4 =	vadd.f32 v54, v49  }
0x204: {  	[smem:$0x7E1] =	sst s25;
	s25 =	sor.u32 $0x2300, s29;
	[tilespmem:$0x1F4B0] =	vst v36;
	v2 =	vmul.f32 v42, v42;
	v47 =	vsub.f32 $1.500000000e+00, v47;
	v8 =	vadd.f32 v1, v8  }
0x205: {  	[smem:$0x7E2] =	sst s26;
	s26 =	sor.u32 $0x2380, s29;
	v14 =	vld [tilespmem:s25+$0x0];
	[tilespmem:$0x1F4A0] =	vst v50;
	v7 =	vmov v50;
	v54 =	vadd.f32 v3, v4  }
0x206: {  	v13 =	vmovc v36;
	v36 =	vld [tilespmem:s26+$0x0];
	v25 =	vmul.f32 v33, v33;
	v50 =	vmul.f32 v45, v47;
	v8 =	vadd.f32 v2, v8  }
0x207: {  	v4 =	vld [tilespmem:s15+$0xA0];
	v47 =	vadd.f32 v15, v54  }
0x208: {  	v45 =	vmul.f32 v40, v40;
	v43 =	vmul.f32 v50, v9;
	v8 =	vadd.f32 v25, v8;
	v25 =	vld [tilespmem:s15+$0x20]  }
0x209: {  	v2 =	vld [tilespmem:s15+$0x3010]  }
0x20a: {  	v23 =	vadd.f32 v12, v47;
	v49 =	vmul.f32 v43, v50;
	v8 =	vadd.f32 v45, v8;
	v45 =	vld [tilespmem:s15+$0x120]  }
0x20b: {  	v15 =	vmul.f32 v14, v14  }
0x20c: {  	v39 =	vld [tilespmem:s15+$0x3090];
	v23 =	vadd.f32 v22, v23;
	v43 =	vsub.f32 $1.500000000e+00, v49;
	v49 =	vmul.f32 v36, v36  }
0x20d: {  	[smem:$0x7E3] =	sst s28;
	s28 =	sadd.s32 $0x20, s0;
	[tilespmem:$0x1F420] =	vst v12;
	v47 =	vld [tilespmem:s15+$0x1A0];
	v8 =	vadd.f32 v15, v8;
	v15 =	vmul.f32 v4, v4;
	v12 =	vmul.f32 v25, v25  }
0x20e: {  	s30 =	sor.u32 $0x200, s28;
	v11 =	vmul.f32 v2, v2;
	v23 =	vadd.f32 v5, v23;
	v0 =	vmul.f32 v43, v50;
	v43 =	vld [tilespmem:s15+$0x3110]  }
0x20f: {  	[tilespmem:$0x1F440] =	vst v5;
	v5 =	vld [tilespmem:s30+$0x0];
	v8 =	vadd.f32 v49, v8;
	v1 =	vadd.f32 v15, v12;
	v15 =	vmul.f32 v45, v45  }
0x210: {  	[tilespmem:$0x1F430] =	vst v22;
	v23 =	vadd.f32 v37, v23  }
0x211: {  	[tilespmem:$0x1F450] =	vst v37;
	v12 =	vmul.f32 v39, v39;
	v8 =	vadd.f32 v11, v8;
	v37 =	vadd.f32 v15, v1  }
0x212: {  	[tilespmem:$0x1F6A0] =	vst v4;
	v9 =	vmul.f32 v0, v9;
	v23 =	vadd.f32 v21, v23  }
0x213: {  	s31 =	sor.u32 $0x280, s28;
	v54 =	vmul.f32 v47, v47;
	v49 =	vmovc v4;
	v4 =	vadd.f32 v12, v8;
	v12 =	vmul.f32 v43, v43  }
0x214: {  	[tilespmem:$0x1F460] =	vst v21;
	v22 =	vld [tilespmem:s31+$0x0];
	v21 =	vmul.f32 v5, v5;
	v9 =	vmul.f32 v9, v0;
	v23 =	vadd.f32 v28, v23  }
0x215: {  	[tilespmem:$0x1F710] =	vst v5;
	v15 =	vadd.f32 v54, v37;
	v37 =	vmov v5;
	v5 =	vadd.f32 v12, v4;
	v12 =	vld [tilespmem:$0x1FC70]  }
0x216: {  	v9 =	vsub.f32 $1.500000000e+00, v9  }
0x217: {  	[tilespmem:$0x1F480] =	vst v24;
	v1 =	vadd.f32 v24, v23;
	v24 =	vld [tilespmem:$0x1FC50]  }
0x218: {  	[dreg:$0x17] =	wrdreg s4;
	s4 =	sor.u32 $0x3200, s29;
	[tilespmem:$0x1F470] =	vst v28;
	v11 =	vld [tilespmem:s15+$0x3190];
	v8 =	vmul.f32 v9, v0  }
0x219: {  	[tilespmem:$0x1F510] =	vst v2;
	v50 =	vmov v2;
	v28 =	vld [tilespmem:s4+$0x0];
	v2 =	vadd.f32 v21, v15;
	v21 =	vmul.f32 v22, v22  }
0x21a: {  	v9 =	vsub.f32 v26, v60;
	v1 =	vadd.f32 v6, v1;
	v26 =	vld [tilespmem:$0x1FC90];
	v15 =	vmul.f32 v8, v12  }
0x21b: {  	v0 =	vadd.f32 v21, v2;
	v2 =	vsub.f32 v10, v60;
	v10 =	vld [tilespmem:$0x1FCD0]  }
0x21c: {  	[dreg:$0x19] =	wrdreg s5;
	s5 =	sor.u32 $0x300, s28;
	[tilespmem:$0x1F400] =	vst v3;
	v3 =	vsub.f32 v16, v60;
	v4 =	vmul.f32 v8, v24;
	v23 =	vmul.f32 v15, v9;
	v15 =	vld [tilespmem:$0x1FCB0]  }
0x21d: {  	v1 =	vadd.f32 v7, v1;
	v24 =	vld [tilespmem:s5+$0x0]  }
0x21e: {  	[smem:$0x7E5] =	sst s6;
	s6 =	sor.u32 $0x380, s28;
	v54 =	vmul.f32 v11, v11;
	v3 =	vmul.f32 v4, v3  }
0x21f: {  	[tilespmem:$0x1F650] =	vst v25;
	v25 =	vadd.f32 v49, v25;
	v12 =	vld [tilespmem:s6+$0x0];
	v1 =	vadd.f32 v13, v1;
	v4 =	vmul.f32 v8, v26  }
0x220: {  	v21 =	vld [tilespmem:s15+$0x1020];
	v7 =	vsub.f32 v29, v60;
	[tilespmem:$0x1F580] =	vst v3;
	v3 =	vadd.f32 v54, v5;
	v54 =	vmul.f32 v28, v28  }
0x221: {  	[dreg:$0x1b] =	wrdreg s7;
	s7 =	sor.u32 $0x3280, s29;
	v49 =	vld [tilespmem:$0x1FF50];
	v1 =	vadd.f32 v42, v1;
	v2 =	vmul.f32 v4, v2;
	[tilespmem:$0x1F590] =	vst v23;
	v23 =	vmul.f32 v8, v15  }
0x222: {  	v6 =	vld [tilespmem:s7+$0x0];
	v4 =	vmul.f32 v8, v10;
	v16 =	vmul.f32 v24, v24;
	v26 =	vmov v24;
	[tilespmem:$0x1F770] =	vst v24  }
0x223: {  	v1 =	vadd.f32 v33, v1;
	[tilespmem:$0x1F5A0] =	vst v2;
	v2 =	vadd.f32 v54, v3;
	v24 =	vmul.f32 v23, v7;
	v7 =	vld [tilespmem:s15+$0x10A0]  }
0x224: {  	[smem:$0x7E6] =	sst s8;
	s8 =	sor.u32 $0x3300, s29;
	v3 =	vsub.f32 v17, v60;
	v17 =	vld [tilespmem:$0x1FCF0];
	v0 =	vadd.f32 v16, v0;
	v15 =	vmul.f32 v12, v12  }
0x225: {  	[tilespmem:$0x1F4F0] =	vst v14;
	v29 =	vmul.f32 v21, v21;
	v54 =	vld [tilespmem:s8+$0x0];
	v1 =	vadd.f32 v40, v1  }
0x226: {  	[tilespmem:$0x1F4C0] =	vst v42;
	v3 =	vmul.f32 v4, v3;
	v4 =	vsub.f32 v18, v60;
	v18 =	vld [tilespmem:$0x1FD30];
	v0 =	vadd.f32 v15, v0  }
0x227: {  	[smem:$0x7E7] =	sst s11;
	s11 =	sor.u32 $0x1200, s28;
	[tilespmem:$0x1F4D0] =	vst v33;
	v16 =	vsub.f32 v34, v60;
	v34 =	vld [tilespmem:$0x1FD10]  }
0x228: {  	[tilespmem:$0x1F500] =	vst v36;
	v1 =	vadd.f32 v14, v1;
	v15 =	vld [tilespmem:s11+$0x0];
	v0 =	vadd.f32 v29, v0;
	v42 =	vmul.f32 v7, v7  }
0x229: {  	v9 =	vsub.f32 v31, v60;
	v23 =	vmul.f32 v8, v17;
	[tilespmem:$0x1F5B0] =	vst v24;
	v24 =	vmul.f32 v6, v6;
	v29 =	vld [tilespmem:s15+$0x1120]  }
0x22a: {  	[tilespmem:$0x1F4E0] =	vst v40;
	v1 =	vadd.f32 v36, v1;
	v0 =	vadd.f32 v42, v0;
	v42 =	vld [tilespmem:$0x1FD50]  }
0x22b: {  	[tilespmem:$0x1F530] =	vst v43;
	v33 =	vmul.f32 v23, v16;
	v16 =	vld [tilespmem:s15+$0x11A0];
	v2 =	vadd.f32 v24, v2;
	v24 =	vmul.f32 v8, v18  }
0x22c: {  	[tilespmem:$0x1F5C0] =	vst v3;
	v40 =	vmul.f32 v54, v54;
	v17 =	vld [tilespmem:$0x1FD70];
	v3 =	vmul.f32 v8, v34;
	v34 =	vsub.f32 v32, v60  }
0x22d: {  	[tilespmem:$0x1F570] =	vst v54;
	v32 =	vsub.f32 v35, v60;
	v1 =	vadd.f32 v50, v1;
	v31 =	vmul.f32 v24, v9;
	v24 =	vld [tilespmem:s15+$0xB0]  }
0x22e: {  	[smem:$0x7E8] =	sst s12;
	s12 =	sor.u32 $0x1280, s28;
	v35 =	vld [tilespmem:$0x1FDB0];
	v3 =	vmul.f32 v3, v4;
	v13 =	vmov v7;
	[tilespmem:$0x1F820] =	vst v7;
	v7 =	vmul.f32 v29, v29  }
0x22f: {  	[smem:$0x7EC] =	sst s17;
	s17 =	sor.u32 $0x3380, s29;
	[tilespmem:$0x1F5D0] =	vst v33;
	v1 =	vadd.f32 v39, v1;
	v2 =	vadd.f32 v40, v2;
	v9 =	vld [tilespmem:s12+$0x0];
	v5 =	vmul.f32 v8, v42  }
0x230: {  	v40 =	vsub.f32 v19, v60;
	v33 =	vmovc v54;
	v54 =	vld [tilespmem:s17+$0x0];
	v19 =	vmul.f32 v16, v16;
	v0 =	vadd.f32 v7, v0  }
0x231: {  	[tilespmem:$0x1F5E0] =	vst v3;
	v14 =	vmul.f32 v8, v17;
	v1 =	vadd.f32 v43, v1;
	v3 =	vmul.f32 v5, v34;
	v34 =	vld [tilespmem:$0x1FD90]  }
0x232: {  	s29 =	sadd.s32 $0x30, s0;
	v0 =	vadd.f32 v19, v0;
	v19 =	vmul.f32 v24, v24;
	v43 =	vmov v24;
	[tilespmem:$0x1FA10] =	vst v24;
	v24 =	vld [tilespmem:$0x1FDD0]  }
0x233: {  	s0 =	sor.u32 $0x200, s29;
	v23 =	vsub.f32 v27, v60;
	[tilespmem:$0x1F5F0] =	vst v31;
	v31 =	vld [tilespmem:s15+$0x30];
	v1 =	vadd.f32 v11, v1  }
0x234: {  	[smem:$0x7EE] =	sst s19;
	s19 =	sor.u32 $0x1300, s28;
	[tilespmem:$0x1F520] =	vst v39;
	v36 =	vmul.f32 v15, v15;
	v39 =	vsub.f32 v20, v60;
	v4 =	vmul.f32 v14, v40;
	v40 =	vld [tilespmem:s0+$0x0]  }
0x235: {  	[tilespmem:$0x1F550] =	vst v28;
	v1 =	vadd.f32 v28, v1;
	v27 =	vmul.f32 v9, v9;
	v28 =	vld [tilespmem:s19+$0x0];
	v5 =	vmul.f32 v8, v35  }
0x236: {  	[tilespmem:$0x1F610] =	vst v4;
	v18 =	vmul.f32 v54, v54;
	v42 =	vld [tilespmem:s15+$0x130];
	v0 =	vadd.f32 v36, v0;
	v4 =	vmul.f32 v8, v34  }
0x237: {  	[tilespmem:$0x1F560] =	vst v6;
	v36 =	vld [tilespmem:s15+$0x1B0];
	v1 =	vadd.f32 v6, v1;
	v20 =	vmul.f32 v5, v39;
	v5 =	vmul.f32 v8, v24  }
0x238: {  	v7 =	vmul.f32 v31, v31;
	v50 =	vmov v31;
	[tilespmem:$0x1F600] =	vst v3;
	v3 =	vmul.f32 v4, v32;
	v32 =	vld [tilespmem:$0x1FDF0]  }
0x239: {  	[tilespmem:$0x1FA00] =	vst v31;
	v31 =	vsub.f32 v30, v60;
	v1 =	vadd.f32 v33, v1;
	v33 =	vld [tilespmem:$0x1FE50];
	v4 =	vmul.f32 v5, v23  }
0x23a: {  	v2 =	vadd.f32 v18, v2;
	v0 =	vadd.f32 v27, v0;
	v24 =	vld [tilespmem:$0x1FE30];
	v27 =	vmul.f32 v28, v28;
	[tilespmem:$0x1F8D0] =	vst v28  }
0x23b: {  	[smem:$0x7EB] =	sst s16;
	s16 =	sor.u32 $0x1380, s28;
	v6 =	vmov v28;
	v28 =	vmul.f32 v40, v40;
	[tilespmem:$0x1F640] =	vst v4;
	v4 =	vsub.f32 v38, v60;
	v38 =	vld [tilespmem:$0x1FE10]  }
0x23c: {  	v2 =	vmul.f32 $3.125000000e-02, v2;
	v34 =	vmul.f32 v42, v42;
	[tilespmem:$0x1F620] =	vst v3;
	v3 =	vadd.f32 v19, v7;
	v7 =	vld [tilespmem:s16+$0x0]  }
0x23d: {  	v1 =	vadd.f32 v54, v1;
	v23 =	vsub.f32 v41, v60;
	v41 =	vld [tilespmem:$0x1FE90];
	v17 =	vmul.f32 v8, v32  }
0x23e: {  	[smem:$0x7E9] =	sst s13;
	s13 =	sor.u32 $0x280, s29;
	[tilespmem:$0x1F630] =	vst v20;
	v39 =	vmul.f32 v36, v36;
	v20 =	vmul.f32 v8, v49;
	v3 =	vadd.f32 v34, v3;
	v34 =	vld [tilespmem:$0x1FE70]  }
0x23f: {  	[smem:$0x7EA] =	sst s14;
	s14 =	sor.u32 $0x300, s29;
	v1 =	vmul.f32 $3.125000000e-02, v1;
	v32 =	vld [tilespmem:s13+$0x0];
	v35 =	vmul.f32 v17, v31  }
0x240: {  	v3 =	vadd.f32 v39, v3;
	v39 =	vld [tilespmem:s14+$0x0];
	v5 =	vmul.f32 v8, v38;
	v17 =	vmul.f32 v8, v24  }
0x241: {  	[tilespmem:$0x1F540] =	vst v11;
	v31 =	vsub.f32 v44, v60;
	v24 =	vld [tilespmem:s15+$0x2020];
	v44 =	vmul.f32 v1, v1;
	v11 =	vmul.f32 v7, v7  }
0x242: {  	v0 =	vadd.f32 v27, v0;
	v38 =	vld [tilespmem:$0x1FED0];
	v4 =	vmul.f32 v5, v4;
	v30 =	vmul.f32 v17, v23  }
0x243: {  	v3 =	vadd.f32 v28, v3;
	v5 =	vmul.f32 v8, v33;
	v10 =	vmul.f32 v8, v34;
	v33 =	vld [tilespmem:$0x1FEB0]  }
0x244: {  	[tilespmem:$0x1F660] =	vst v35;
	v35 =	vsub.f32 v63, v60;
	v17 =	vmul.f32 v8, v41;
	v2 =	vsub.f32 v2, v44;
	v44 =	vld [tilespmem:s15+$0x20A0]  }
0x245: {  	[smem:$0x7ED] =	sst s18;
	s18 =	sor.u32 $0x380, s29;
	v63 =	vsub.f32 v46, v60;
	v0 =	vadd.f32 v11, v0;
	v23 =	vld [tilespmem:$0x1FF10];
	v27 =	vmul.f32 v32, v32  }
0x246: {  	[tilespmem:$0x1F670] =	vst v4;
	v4 =	vmul.f32 v5, v31;
	v28 =	vmul.f32 v10, v35;
	v35 =	vsub.f32 v58, v60;
	v58 =	vld [tilespmem:s18+$0x0]  }
0x247: {  	[tilespmem:$0x1F680] =	vst v30;
	v30 =	vmul.f32 v17, v63;
	v41 =	vmul.f32 v39, v39;
	v63 =	vld [tilespmem:$0x1FEF0];
	v3 =	vadd.f32 v27, v3  }
0x248: {  	v31 =	vsub.f32 v48, v60;
	v2 =	vadd.f32 $9.999999740e-06, v2;
	v17 =	vmul.f32 v8, v38;
	v38 =	vld [tilespmem:s15+$0x1030]  }
0x249: {  	v48 =	vsub.f32 v51, v60;
	v34 =	vmul.f32 v24, v24;
	v3 =	vadd.f32 v41, v3;
	v41 =	vld [tilespmem:$0x1FC20]  }
0x24a: {  	v51 =	vsub.f32 v61, v60;
	v61 =	vshra.s32 v2, $0x1;
	v46 =	vmul.f32 v17, v35;
	v35 =	vld [tilespmem:s15+$0x10B0]  }
0x24b: {  	[smem:$0x7F6] =	sst s5;
	[tilespmem:$0x1F700] =	vst v47;
	s5 =	sor.u32 $0x2300, s28;
	v2 =	vmul.f32 $5.000000000e-01, v2;
	v5 =	vmul.f32 v8, v33;
	v0 =	vadd.f32 v34, v0;
	v34 =	vld [tilespmem:s15+$0x1130]  }
0x24c: {  	[tilespmem:$0x1F690] =	vst v4;
	v18 =	vmul.f32 v8, v23;
	v33 =	vsub.f32 v55, v60;
	v23 =	vsub.f32 v56, v60;
	v56 =	vld [tilespmem:s5+$0x0]  }
0x24d: {  	v52 =	vsub.f32 v52, v60;
	v11 =	vmul.f32 v44, v44;
	v4 =	vmul.f32 v5, v31;
	[tilespmem:$0x1F6F0] =	vst v46;
	v46 =	vld [tilespmem:s15+$0x2120]  }
0x24e: {  	[tilespmem:$0x1F6D0] =	vst v30;
	v30 =	vadd.f32 v45, v25;
	v27 =	vmul.f32 v58, v58;
	v55 =	vmul.f32 v20, v33;
	v33 =	vld [tilespmem:$0x1FC40]  }
0x24f: {  	[tilespmem:$0x1F6C0] =	vst v28;
	v10 =	vsub.s32 $0x5F3759DF, v61;
	v14 =	vmul.f32 v8, v63;
	v5 =	vmul.f32 v18, v51;
	v18 =	vld [tilespmem:$0x1F380]  }
0x250: {  	v28 =	vmul.f32 v10, v2;
	v20 =	vld [tilespmem:$0x1F3C0];
	v25 =	vmul.f32 v38, v38;
	[tilespmem:$0x1F6E0] =	vst v4;
	v3 =	vadd.f32 v27, v3  }
0x251: {  	v4 =	vmul.f32 v14, v48;
	[tilespmem:$0x1F730] =	vst v5;
	v5 =	vadd.f32 v47, v30;
	v47 =	vld [tilespmem:$0x1FC00];
	v61 =	vmul.f32 v8, v41  }
0x252: {  	[smem:$0x7F3] =	sst s8;
	s8 =	sor.u32 $0x2200, s28;
	v0 =	vadd.f32 v11, v0;
	v48 =	vld [tilespmem:s15+$0x21A0];
	v51 =	vmul.f32 v35, v35;
	v3 =	vadd.f32 v25, v3  }
0x253: {  	[smem:$0x7F2] =	sst s7;
	s7 =	sor.u32 $0x2280, s28;
	[tilespmem:$0x1F720] =	vst v4;
	v4 =	vmul.f32 v10, v28;
	v5 =	vadd.f32 v37, v5;
	v28 =	vmul.f32 v61, v52;
	v52 =	vld [tilespmem:s8+$0x0]  }
0x254: {  	[smem:$0x7FD] =	sst s18;
	s18 =	sor.u32 $0x1200, s29;
	v31 =	vsub.f32 v53, v60;
	v63 =	vmul.f32 v46, v46;
	v3 =	vadd.f32 v51, v3;
	v51 =	vld [tilespmem:s7+$0x0]  }
0x255: {  	v4 =	vsub.f32 $1.500000000e+00, v4;
	v5 =	vadd.f32 v22, v5;
	[tilespmem:$0x1F750] =	vst v28;
	v28 =	vld [tilespmem:s18+$0x0]  }
0x256: {  	[smem:$0x7FB] =	sst s13;
	s13 =	sor.u32 $0x1300, s29;
	v53 =	vmul.f32 v8, v47;
	v0 =	vadd.f32 v63, v0;
	v63 =	vsub.f32 v62, v60;
	v62 =	vld [tilespmem:$0x1F370]  }
0x257: {  	[tilespmem:$0x1F6B0] =	vst v45;
	v61 =	vmul.f32 v34, v34;
	v45 =	vmul.f32 v48, v48;
	v5 =	vadd.f32 v26, v5;
	v26 =	vld [tilespmem:s13+$0x0]  }
0x258: {  	v4 =	vmul.f32 v10, v4;
	v27 =	vmul.f32 v53, v31;
	v31 =	vld [tilespmem:$0x1FC30]  }
0x259: {  	v0 =	vadd.f32 v45, v0;
	v45 =	vld [tilespmem:$0x1FFA0]  }
0x25a: {  	[smem:$0x7FC] =	sst s14;
	s14 =	sor.u32 $0x1280, s29;
	v3 =	vadd.f32 v61, v3;
	v61 =	vld [tilespmem:$0x1FC70];
	v37 =	vmul.f32 v4, v2;
	v5 =	vadd.f32 v12, v5  }
0x25b: {  	v11 =	vmul.f32 v8, v33;
	[tilespmem:$0x1F740] =	vst v27;
	v27 =	vld [tilespmem:s14+$0x0]  }
0x25c: {  	v53 =	vmul.f32 v37, v4;
	v5 =	vadd.f32 v21, v5;
	v37 =	vld [tilespmem:$0x1FF80]  }
0x25d: {  	[dreg:$0x15] =	wrdreg s3;
	s3 =	sor.u32 $0x2380, s28;
	[tilespmem:$0x1F7D0] =	vst v21;
	v30 =	vsub.f32 v57, v60;
	v21 =	vmul.f32 v11, v63;
	v11 =	vld [tilespmem:$0x1FFC0];
	v14 =	vmul.f32 v8, v31  }
0x25e: {  	[tilespmem:$0x1F760] =	vst v22;
	v63 =	vld [tilespmem:s3+$0x0];
	v5 =	vadd.f32 v13, v5;
	v17 =	vmul.f32 v8, v45  }
0x25f: {  	[tilespmem:$0x1F7C0] =	vst v12;
	v22 =	vsub.f32 v59, v60;
	v57 =	vmul.f32 v52, v52;
	v31 =	vld [tilespmem:s15+$0x11B0];
	v10 =	vmul.f32 v14, v30  }
0x260: {  	[tilespmem:$0x1F790] =	vst v55;
	v49 =	vmul.f32 v51, v51;
	v5 =	vadd.f32 v29, v5;
	v55 =	vmul.f32 v17, v23;
	v23 =	vld [tilespmem:$0x1FFE0]  }
0x261: {  	v0 =	vadd.f32 v57, v0;
	v45 =	vld [tilespmem:$0x1FC50];
	v14 =	vmul.f32 v8, v37;
	[tilespmem:$0x1F780] =	vst v10;
	v10 =	vsub.f32 $1.500000000e+00, v53  }
0x262: {  	[tilespmem:$0x1F7A0] =	vst v21;
	v21 =	vld [tilespmem:$0x1FCB0];
	v12 =	vmul.f32 v8, v11;
	v5 =	vadd.f32 v16, v5  }
0x263: {  	[tilespmem:$0x1F880] =	vst v15;
	v57 =	vadd.f32 v49, v0;
	v4 =	vmul.f32 v10, v4;
	v10 =	vmul.f32 v14, v22;
	v22 =	vld [tilespmem:s15+$0x2030]  }
0x264: {  	[smem:$0x7F9] =	sst s12;
	s12 =	sor.u32 $0x1380, s29;
	[tilespmem:$0x1F870] =	vst v16;
	v16 =	vmul.f32 v56, v56;
	v30 =	vmul.f32 v31, v31;
	v5 =	vadd.f32 v15, v5;
	v15 =	vld [tilespmem:$0x1F3B0]  }
0x265: {  	v25 =	vmul.f32 v63, v63;
	v8 =	vmul.f32 v8, v23;
	v23 =	vld [tilespmem:s12+$0x0]  }
0x266: {  	v53 =	vmul.f32 v28, v28;
	v19 =	vadd.f32 v16, v57;
	v3 =	vadd.f32 v30, v3;
	v30 =	vld [tilespmem:$0x1F390]  }
0x267: {  	[tilespmem:$0x1F8C0] =	vst v9;
	v2 =	vmul.f32 v4, v2;
	v5 =	vadd.f32 v9, v5;
	v9 =	vld [tilespmem:$0x1FD10]  }
0x268: {  	v17 =	vmul.f32 v27, v27;
	v3 =	vadd.f32 v53, v3;
	v53 =	vadd.f32 v25, v19;
	v25 =	vld [tilespmem:$0x1F3D0]  }
0x269: {  	[tilespmem:$0x1FA40] =	vst v40;
	v59 =	vmul.f32 v2, v4;
	v2 =	vsub.f32 v62, v60;
	v5 =	vadd.f32 v6, v5;
	v6 =	vld [tilespmem:s15+$0x3120]  }
0x26a: {  	[tilespmem:$0x1FA20] =	vst v42;
	v3 =	vadd.f32 v17, v3;
	v17 =	vld [tilespmem:$0x1FC90]  }
0x26b: {  	[tilespmem:$0x1F920] =	vst v7;
	v0 =	vsub.f32 $1.500000000e+00, v59;
	v2 =	vmul.f32 v12, v2;
	v59 =	vld [tilespmem:$0x1F3A0]  }
0x26c: {  	[tilespmem:$0x1F7E0] =	vst v55;
	v55 =	vadd.f32 v7, v5;
	v7 =	vld [tilespmem:s15+$0x31A0]  }
0x26d: {  	[tilespmem:$0x1F7F0] =	vst v2;
	v2 =	vsub.f32 v18, v60;
	v60 =	vld [tilespmem:s15+$0x3020]  }
0x26e: {  	[tilespmem:$0x1FA30] =	vst v36;
	v49 =	vmul.f32 v26, v26;
	v0 =	vmul.f32 v0, v4;
	v4 =	vadd.f32 v24, v55;
	v55 =	vld [tilespmem:$0x1F3E0]  }
0x26f: {  	[tilespmem:$0x1FA50] =	vst v32;
	v37 =	vsub.f32 v30, v1;
	v30 =	vsub.f32 v25, v1;
	v25 =	vld [tilespmem:s15+$0x21B0]  }
0x270: {  	[tilespmem:$0x1FA60] =	vst v39;
	v3 =	vadd.f32 v49, v3;
	v18 =	vmul.f32 v23, v23;
	v13 =	vmul.f32 v0, v45;
	v45 =	vld [tilespmem:$0x1FCD0]  }
0x271: {  	[tilespmem:$0x1F940] =	vst v24;
	v2 =	vmul.f32 v8, v2;
	v8 =	vmul.f32 v0, v61;
	v61 =	vld [tilespmem:$0x1F3F0]  }
0x272: {  	[tilespmem:$0x1FA70] =	vst v58;
	v49 =	vmul.f32 v22, v22;
	v3 =	vadd.f32 v18, v3;
	v18 =	vld [tilespmem:$0x1FD30]  }
0x273: {  	[tilespmem:$0x1FA80] =	vst v38;
	v4 =	vadd.f32 v44, v4;
	v5 =	vsub.f32 v59, v1;
	v57 =	vmul.f32 v13, v37;
	v37 =	vld [tilespmem:s15+$0x30A0]  }
0x274: {  	[tilespmem:$0x1FA90] =	vst v35;
	v16 =	vsub.f32 v15, v1;
	v59 =	vmul.f32 v6, v6;
	v13 =	vmul.f32 v0, v17;
	v17 =	vld [tilespmem:$0x1F400]  }
0x275: {  	[tilespmem:$0x1FAA0] =	vst v34;
	v4 =	vadd.f32 v46, v4;
	v3 =	vadd.f32 v49, v3;
	v49 =	vld [tilespmem:$0x1FD50];
	v5 =	vmul.f32 v8, v5  }
0x276: {  	v62 =	vmul.f32 v60, v60;
	v8 =	vmul.f32 v0, v21;
	[tilespmem:$0x1F810] =	vst v57;
	v57 =	vld [tilespmem:$0x1FCF0]  }
0x277: {  	v19 =	vmul.f32 v13, v16;
	v4 =	vadd.f32 v48, v4;
	[tilespmem:$0x1F830] =	vst v5;
	v5 =	vsub.f32 v20, v1;
	v20 =	vld [tilespmem:s15+$0x20B0]  }
0x278: {  	[tilespmem:$0x1F800] =	vst v2;
	v2 =	vadd.f32 v62, v53;
	v13 =	vmul.f32 v0, v45;
	v62 =	vsub.f32 v61, v1;
	v61 =	vld [tilespmem:$0x1FD70]  }
0x279: {  	[tilespmem:$0x1F840] =	vst v19;
	v4 =	vadd.f32 v52, v4;
	v19 =	vld [tilespmem:s15+$0x2130];
	v24 =	vmul.f32 v37, v37;
	v5 =	vmul.f32 v8, v5  }
0x27a: {  	[smem:$0x7FA] =	sst s0;
	s0 =	sor.u32 $0x3200, s28;
	[tilespmem:$0x1FAC0] =	vst v28;
	v53 =	vmul.f32 v13, v30;
	v13 =	vmul.f32 v0, v9;
	v30 =	vld [tilespmem:$0x1F410]  }
0x27b: {  	v4 =	vadd.f32 v51, v4;
	[tilespmem:$0x1F850] =	vst v5;
	v5 =	vsub.f32 v55, v1;
	v8 =	vmul.f32 v0, v57;
	v55 =	vld [tilespmem:s0+$0x0]  }
0x27c: {  	[tilespmem:$0x1FAE0] =	vst v26;
	v2 =	vadd.f32 v24, v2;
	v16 =	vmul.f32 v13, v62;
	v24 =	vld [tilespmem:$0x1FD90];
	v11 =	vmul.f32 v20, v20  }
0x27d: {  	[tilespmem:$0x1FAD0] =	vst v27;
	v13 =	vmul.f32 v0, v49;
	v49 =	vld [tilespmem:$0x1F440];
	v4 =	vadd.f32 v56, v4;
	v5 =	vmul.f32 v8, v5  }
0x27e: {  	[smem:$0x7F7] =	sst s6;
	s6 =	sor.u32 $0x2200, s29;
	[tilespmem:$0x1FAB0] =	vst v31;
	v2 =	vadd.f32 v59, v2;
	v8 =	vmul.f32 v0, v18;
	v59 =	vld [tilespmem:$0x1F420];
	v3 =	vadd.f32 v11, v3  }
0x27f: {  	[tilespmem:$0x1F860] =	vst v53;
	v53 =	vmul.f32 v19, v19;
	v18 =	vld [tilespmem:s6+$0x0];
	v45 =	vsub.f32 v30, v1;
	v4 =	vadd.f32 v63, v4  }
0x280: {  	[smem:$0x7F5] =	sst s31;
	s31 =	sor.u32 $0x3280, s28;
	v21 =	vmul.f32 v7, v7;
	v30 =	vmul.f32 v25, v25;
	[tilespmem:$0x1F890] =	vst v5;
	v5 =	vsub.f32 v17, v1;
	v17 =	vld [tilespmem:$0x1F430]  }
0x281: {  	[tilespmem:$0x1F7B0] =	vst v10;
	v57 =	vmul.f32 v13, v45;
	v3 =	vadd.f32 v53, v3;
	v53 =	vld [tilespmem:s31+$0x0];
	v4 =	vadd.f32 v60, v4  }
0x282: {  	[tilespmem:$0x1FB00] =	vst v22;
	v5 =	vmul.f32 v8, v5;
	v8 =	vmul.f32 v0, v61;
	v61 =	vld [tilespmem:$0x1F450]  }
0x283: {  	[smem:$0x7F1] =	sst s4;
	s4 =	sor.u32 $0x2280, s29;
	v2 =	vadd.f32 v21, v2;
	[tilespmem:$0x1F8E0] =	vst v57;
	v4 =	vadd.f32 v37, v4;
	v57 =	vld [tilespmem:$0x1FDB0]  }
0x284: {  	v3 =	vadd.f32 v30, v3;
	v30 =	vld [tilespmem:s4+$0x0];
	[tilespmem:$0x1F8B0] =	vst v5;
	v5 =	vsub.f32 v59, v1  }
0x285: {  	[tilespmem:$0x1F9E0] =	vst v6;
	v12 =	vmul.f32 v0, v24;
	v21 =	vsub.f32 v17, v1;
	v4 =	vadd.f32 v6, v4;
	v6 =	vld [tilespmem:$0x1FDD0]  }
0x286: {  	[tilespmem:$0x1FAF0] =	vst v23;
	v17 =	vld [tilespmem:$0x1F460];
	v5 =	vmul.f32 v8, v5  }
0x287: {  	[tilespmem:$0x1F9F0] =	vst v7;
	v62 =	vmul.f32 v55, v55;
	v45 =	vmul.f32 v12, v21;
	v21 =	vld [tilespmem:$0x1FDF0]  }
0x288: {  	v4 =	vadd.f32 v7, v4;
	v7 =	vld [tilespmem:$0x1FE10];
	[tilespmem:$0x1F8F0] =	vst v5;
	v5 =	vsub.f32 v49, v1;
	v8 =	vmul.f32 v0, v57  }
0x289: {  	[tilespmem:$0x1FB30] =	vst v25;
	v9 =	vmul.f32 v18, v18;
	v57 =	vld [tilespmem:$0x1F470]  }
0x28a: {  	[smem:$0x7F0] =	sst s26;
	s26 =	sor.u32 $0x3300, s28;
	v15 =	vld [tilespmem:$0x1F480];
	[tilespmem:$0x1FB10] =	vst v20;
	v2 =	vadd.f32 v62, v2;
	v5 =	vmul.f32 v8, v5  }
0x28b: {  	[tilespmem:$0x1F8A0] =	vst v16;
	v3 =	vadd.f32 v9, v3;
	v59 =	vmul.f32 v53, v53;
	v49 =	vld [tilespmem:s26+$0x0];
	v9 =	vmul.f32 v30, v30  }
0x28c: {  	v62 =	vsub.f32 v61, v1;
	v12 =	vmul.f32 v0, v6;
	[tilespmem:$0x1F910] =	vst v5;
	v5 =	vsub.f32 v17, v1;
	v17 =	vld [tilespmem:$0x1FE30]  }
0x28d: {  	[smem:$0x7D6] =	sst s2;
	s2 =	sor.u32 $0x2300, s29;
	[tilespmem:$0x1FB20] =	vst v19;
	v2 =	vadd.f32 v59, v2;
	v3 =	vadd.f32 v9, v3;
	v9 =	vld [tilespmem:$0x1FE70];
	v8 =	vmul.f32 v0, v21  }
0x28e: {  	[tilespmem:$0x1FB40] =	vst v18;
	v16 =	vmul.f32 v12, v62;
	v12 =	vmul.f32 v0, v7;
	v62 =	vld [tilespmem:s2+$0x0];
	v59 =	vsub.f32 v57, v1  }
0x28f: {  	[tilespmem:$0x1FB50] =	vst v30;
	v21 =	vld [tilespmem:$0x1F4A0];
	v5 =	vmul.f32 v8, v5  }
0x290: {  	[tilespmem:$0x1F900] =	vst v45;
	v14 =	vmul.f32 v12, v59;
	v59 =	vld [tilespmem:$0x1FE50]  }
0x291: {  	[tilespmem:$0x1F950] =	vst v5;
	v5 =	vsub.f32 v15, v1;
	v10 =	vmul.f32 v0, v17  }
0x292: {  	[smem:$0x7EF] =	sst s25;
	s25 =	sor.u32 $0x3380, s28;
	v4 =	vadd.f32 v55, v4;
	v24 =	vmul.f32 v49, v49;
	[tilespmem:$0x1F930] =	vst v16  }
0x293: {  	[smem:$0x7E4] =	sst s1;
	v45 =	vld [tilespmem:s25+$0x0];
	[tilespmem:$0x1F960] =	vst v14;
	v5 =	vmul.f32 v10, v5  }
0x294: {  	[smem:$0x7F4] =	sst s30;
	s1 =	sor.u32 $0x2380, s29;
	v4 =	vadd.f32 v53, v4;
	v16 =	vld [tilespmem:$0x1F490];
	v2 =	vadd.f32 v24, v2;
	[tilespmem:$0x1FB60] =	vst v62  }
0x295: {  	[smem:$0x7F8] =	sst s11;
	v24 =	vsub.f32 v21, v1;
	v14 =	vmul.f32 v0, v9;
	v12 =	vmul.f32 v0, v59;
	v59 =	vld [tilespmem:s1+$0x0];
	[tilespmem:$0x1F970] =	vst v5  }
0x296: {  	v21 =	vld [tilespmem:$0x1F4B0]  }
0x297: {  	v4 =	vadd.f32 v49, v4;
	v17 =	vmul.f32 v14, v24;
	v24 =	vld [tilespmem:$0x1FE90]  }
0x298: {  	v61 =	vmul.f32 v45, v45;
	v57 =	vld [tilespmem:$0x1F4C0]  }
0x299: {  	v4 =	vadd.f32 v45, v4;
	v15 =	vmul.f32 v62, v62;
	[tilespmem:$0x1F990] =	vst v17;
	v17 =	vld [tilespmem:$0x1FED0]  }
0x29a: {  	v2 =	vadd.f32 v61, v2;
	v8 =	vsub.f32 v16, v1;
	v6 =	vld [tilespmem:s15+$0x30B0]  }
0x29b: {  	v3 =	vadd.f32 v15, v3;
	v15 =	vadd.f32 v43, v50;
	v43 =	vld [tilespmem:$0x1FEF0]  }
0x29c: {  	v11 =	vmul.f32 $3.125000000e-02, v4;
	v16 =	vmul.f32 v12, v8;
	v4 =	vsub.f32 v21, v1;
	v21 =	vld [tilespmem:$0x1F4D0]  }
0x29d: {  	v50 =	vld [tilespmem:$0x1F4F0];
	v5 =	vmul.f32 v0, v24  }
0x29e: {  	v2 =	vmul.f32 $3.125000000e-02, v2;
	v9 =	vmul.f32 v11, v11;
	[tilespmem:$0x1F980] =	vst v16;
	v16 =	vld [tilespmem:$0x1FEB0]  }
0x29f: {  	v24 =	vld [tilespmem:s15+$0x3030];
	v4 =	vmul.f32 v5, v4  }
0x2a0: {  	v2 =	vsub.f32 v2, v9;
	v7 =	vld [tilespmem:$0x1FF10];
	v61 =	vsub.f32 v57, v1  }
0x2a1: {  	[tilespmem:$0x1F9A0] =	vst v4;
	v4 =	vadd.f32 v42, v15;
	v57 =	vsub.f32 v21, v1;
	v21 =	vld [tilespmem:$0x1F4E0]  }
0x2a2: {  	v2 =	vadd.f32 $9.999999740e-06, v2;
	v14 =	vmul.f32 v59, v59;
	v12 =	vmul.f32 v0, v17  }
0x2a3: {  	v13 =	vld [tilespmem:$0x1F540];
	v8 =	vmul.f32 v0, v43;
	v10 =	vmul.f32 v0, v16;
	v4 =	vadd.f32 v36, v4  }
0x2a4: {  	v3 =	vadd.f32 v14, v3;
	v15 =	vld [tilespmem:s15+$0x3130];
	v9 =	vmul.f32 v24, v24;
	v16 =	vmul.f32 v12, v57  }
0x2a5: {  	v57 =	vsub.f32 v50, v1;
	v12 =	vmul.f32 v0, v7;
	v50 =	vld [tilespmem:$0x1F510];
	v4 =	vadd.f32 v40, v4  }
0x2a6: {  	v43 =	vld [tilespmem:$0x1F500];
	v3 =	vadd.f32 v9, v3;
	v5 =	vsub.f32 v21, v1;
	v21 =	vmul.f32 v6, v6  }
0x2a7: {  	v42 =	vshra.s32 v2, $0x1;
	v2 =	vmul.f32 $5.000000000e-01, v2;
	v40 =	vld [tilespmem:s15+$0x31B0];
	v4 =	vadd.f32 v32, v4  }
0x2a8: {  	v9 =	vmul.f32 v0, v41;
	v17 =	vmul.f32 v12, v57;
	v3 =	vadd.f32 v21, v3;
	v21 =	vld [tilespmem:$0x1FC30]  }
0x2a9: {  	[tilespmem:$0x1F9B0] =	vst v16;
	v5 =	vmul.f32 v8, v5;
	v8 =	vsub.s32 $0x5F3759DF, v42;
	v4 =	vadd.f32 v39, v4;
	v39 =	vld [tilespmem:$0x1F530]  }
0x2aa: {  	v14 =	vmul.f32 v15, v15;
	[tilespmem:$0x1F9D0] =	vst v17;
	v57 =	vsub.f32 v50, v1;
	v50 =	vld [tilespmem:$0x1FF50];
	v12 =	vmul.f32 v8, v2  }
0x2ab: {  	s11 =	sor.u32 $0x3200, s29;
	v17 =	vld [tilespmem:$0x1F520];
	[tilespmem:$0x1F9C0] =	vst v5;
	v5 =	vsub.f32 v43, v1;
	v43 =	vmov v47;
	v47 =	vmul.f32 v0, v47  }
0x2ac: {  	s30 =	sor.u32 $0x3280, s29;
	v32 =	vmovc v41;
	v41 =	vmul.f32 v9, v57;
	v4 =	vadd.f32 v58, v4;
	v57 =	vld [tilespmem:s11+$0x0];
	v16 =	vmul.f32 v8, v12  }
0x2ad: {  	v3 =	vadd.f32 v14, v3;
	v9 =	vmul.f32 v40, v40;
	v14 =	vld [tilespmem:s30+$0x0]  }
0x2ae: {  	v47 =	vmul.f32 v47, v5;
	v4 =	vadd.f32 v38, v4;
	v5 =	vsub.f32 $1.500000000e+00, v16;
	v16 =	vld [tilespmem:$0x1F550]  }
0x2af: {  	v12 =	vmul.f32 v0, v21;
	v42 =	vsub.f32 v39, v1;
	v58 =	vmul.f32 v0, v50;
	v21 =	vld [tilespmem:$0x1F560]  }
0x2b0: {  	s28 =	sor.u32 $0x3300, s29;
	v61 =	vmul.f32 v10, v61;
	v4 =	vadd.f32 v35, v4;
	v35 =	vld [tilespmem:$0x1F570]  }
0x2b1: {  	v3 =	vadd.f32 v9, v3;
	v38 =	vmul.f32 v58, v42;
	v42 =	vld [tilespmem:s28+$0x0];
	v50 =	vmul.f32 v57, v57  }
0x2b2: {  	v10 =	vsub.f32 v17, v1;
	v5 =	vmul.f32 v8, v5;
	v8 =	vsub.f32 v13, v1;
	v13 =	vld [tilespmem:$0x1F5C0]  }
0x2b3: {  	v3 =	vadd.f32 v50, v3;
	v50 =	vld [tilespmem:$0x1FC60]  }
0x2b4: {  	v39 =	vmul.f32 v12, v10;
	[tilespmem:$0x1FBD0] =	vst v14;
	v4 =	vadd.f32 v34, v4;
	v9 =	vsub.f32 v16, v1;
	v16 =	vld [tilespmem:$0x1FC80]  }
0x2b5: {  	v34 =	vmovc v14;
	v17 =	vmul.f32 v5, v2;
	v12 =	vsub.f32 v21, v1;
	v21 =	vmul.f32 v14, v14;
	v14 =	vld [tilespmem:$0x1FD00]  }
0x2b6: {  	v7 =	vsub.f32 v35, v1;
	v1 =	vsub.f32 v54, v1;
	v54 =	vld [tilespmem:$0x1F580]  }
0x2b7: {  	v58 =	vmul.f32 v0, v33;
	v4 =	vadd.f32 v31, v4;
	v10 =	vmul.f32 v17, v5;
	v17 =	vld [tilespmem:$0x1F590]  }
0x2b8: {  	v3 =	vadd.f32 v21, v3;
	v21 =	vld [tilespmem:$0x1FCA0]  }
0x2b9: {  	v35 =	vmul.f32 v58, v8;
	v58 =	vmul.f32 v42, v42;
	v4 =	vadd.f32 v28, v4;
	v28 =	vld [tilespmem:$0x1F5A0]  }
0x2ba: {  	v33 =	vsub.f32 $1.500000000e+00, v10;
	v10 =	vld [tilespmem:$0x1FCE0]  }
0x2bb: {  	v31 =	vadd.f32 v58, v3;
	v58 =	vld [tilespmem:$0x1F5B0]  }
0x2bc: {  	v4 =	vadd.f32 v27, v4;
	v27 =	vld [tilespmem:$0x1F5E0]  }
0x2bd: {  	v5 =	vmul.f32 v33, v5;
	v33 =	vld [tilespmem:$0x1FF80]  }
0x2be: {  	[tilespmem:$0x1FB90] =	vst v6;
	v36 =	vmov v6;
	v6 =	vadd.f32 v54, v50;
	v54 =	vld [tilespmem:$0x1FCC0]  }
0x2bf: {  	v8 =	vadd.f32 v17, v16;
	v16 =	vld [tilespmem:$0x1F5D0]  }
0x2c0: {  	v4 =	vadd.f32 v26, v4;
	v17 =	vld [tilespmem:$0x1FFA0]  }
0x2c1: {  	v26 =	vld [tilespmem:$0x1FD20]  }
0x2c2: {  	[tilespmem:s15+$0x8000] =	vst v6;
	v6 =	vadd.f32 v28, v21;
	v4 =	vadd.f32 v23, v4;
	v23 =	vld [tilespmem:$0x1FD80]  }
0x2c3: {  	v50 =	vmul.f32 v0, v33;
	v33 =	vld [tilespmem:$0x1FD40]  }
0x2c4: {  	[tilespmem:s15+$0x8100] =	vst v6;
	v6 =	vadd.f32 v13, v10;
	v13 =	vld [tilespmem:$0x1F640]  }
0x2c5: {  	[tilespmem:s15+$0x8080] =	vst v8;
	v8 =	vadd.f32 v58, v54;
	v54 =	vld [tilespmem:$0x1FFC0]  }
0x2c6: {  	v4 =	vadd.f32 v22, v4;
	v21 =	vmul.f32 v0, v17;
	v17 =	vld [tilespmem:$0x1F600]  }
0x2c7: {  	v28 =	vmul.f32 v50, v9;
	v50 =	vld [tilespmem:$0x1F5F0]  }
0x2c8: {  	v9 =	vadd.f32 v16, v14;
	v16 =	vld [tilespmem:$0x1FD60];
	v4 =	vadd.f32 v20, v4;
	[tilespmem:s23+$0x8000] =	vst v8;
	s23 =	sld [smem:$0x7D6]  }
0x2c9: {  	v14 =	vld [tilespmem:$0x1FFE0]  }
0x2ca: {  	v4 =	vadd.f32 v19, v4;
	v19 =	vld [tilespmem:$0x1FC70]  }
0x2cb: {  	[tilespmem:s23+$0x8000] =	vst v6;
	v6 =	vadd.f32 v27, v26;
	v26 =	vld [tilespmem:$0x1F610]  }
0x2cc: {  	v58 =	vmul.f32 v0, v54;
	v54 =	vld [tilespmem:$0x1FDA0]  }
0x2cd: {  	v27 =	vmul.f32 v21, v12;
	v12 =	vld [tilespmem:$0x1FDE0]  }
0x2ce: {  	s23 =	sld [smem:$0x7D7];
	v21 =	vadd.f32 v17, v16;
	v16 =	vld [tilespmem:$0x1F650]  }
0x2cf: {  	v0 =	vmul.f32 v0, v14;
	v14 =	vld [tilespmem:$0x1F690]  }
0x2d0: {  	v2 =	vmul.f32 v5, v2;
	v10 =	vadd.f32 v50, v33;
	v50 =	vmul.f32 v58, v7;
	v58 =	vld [tilespmem:$0x1F620]  }
0x2d1: {  	[tilespmem:s23+$0x8000] =	vst v9;
	v9 =	vld [tilespmem:$0x1FDC0]  }
0x2d2: {  	v2 =	vmul.f32 v2, v5;
	v33 =	vadd.f32 v26, v23;
	v23 =	vld [tilespmem:$0x1FE00]  }
0x2d3: {  	s23 =	sld [smem:$0x7D8];
	v26 =	vld [tilespmem:$0x1F660]  }
0x2d4: {  	v2 =	vsub.f32 $1.500000000e+00, v2;
	v7 =	vadd.f32 v13, v12;
	v12 =	vld [tilespmem:$0x1F680]  }
0x2d5: {  	v13 =	vld [tilespmem:$0x1FE60]  }
0x2d6: {  	[tilespmem:s23+$0x8000] =	vst v6;
	s23 =	sld [smem:$0x7D9];
	v6 =	vmul.f32 v2, v5;
	v2 =	vadd.f32 v58, v54;
	v54 =	vld [tilespmem:$0x1FE20]  }
0x2d7: {  	v58 =	vld [tilespmem:$0x1F670]  }
0x2d8: {  	v17 =	vsub.f32 v16, v11;
	v16 =	vld [tilespmem:$0x1F6A0]  }
0x2d9: {  	[tilespmem:s23+$0x8000] =	vst v10;
	v10 =	vld [tilespmem:$0x1F630]  }
0x2da: {  	[tilespmem:s15+$0x9000] =	vst v21;
	v21 =	vld [tilespmem:$0x1FC50]  }
0x2db: {  	[tilespmem:s15+$0x9080] =	vst v33;
	v33 =	vmul.f32 v0, v1;
	v0 =	vadd.f32 v26, v23;
	v26 =	vld [tilespmem:$0x1FE80]  }
0x2dc: {  	v1 =	vadd.f32 v58, v54;
	v54 =	vld [tilespmem:$0x1F6C0]  }
0x2dd: {  	v58 =	vld [tilespmem:$0x1FEA0]  }
0x2de: {  	s23 =	sld [smem:$0x7DA];
	v5 =	vadd.f32 v10, v9;
	v10 =	vld [tilespmem:$0x1FE40]  }
0x2df: {  	v9 =	vld [tilespmem:$0x1FF00]  }
0x2e0: {  	v4 =	vadd.f32 v25, v4;
	[tilespmem:s15+$0x9100] =	vst v2;
	v22 =	vmul.f32 v6, v21;
	v21 =	vld [tilespmem:$0x1F6B0]  }
0x2e1: {  	[tilespmem:s23+$0x8000] =	vst v5;
	v5 =	vadd.f32 v14, v13;
	v13 =	vld [tilespmem:$0x1F6E0]  }
0x2e2: {  	v14 =	vadd.f32 v18, v4;
	v18 =	vld [tilespmem:$0x1F700]  }
0x2e3: {  	v23 =	vmul.f32 v22, v17;
	v22 =	vld [tilespmem:$0x1FC90]  }
0x2e4: {  	s23 =	sld [smem:$0x7DB];
	v17 =	vsub.f32 v16, v11;
	v16 =	vld [tilespmem:$0x1FEE0]  }
0x2e5: {  	v2 =	vadd.f32 v12, v10;
	v10 =	vld [tilespmem:$0x1F6D0]  }
0x2e6: {  	v20 =	vmul.f32 v6, v19;
	v12 =	vld [tilespmem:$0x1FEC0]  }
0x2e7: {  	[tilespmem:s23+$0x8000] =	vst v7;
	s23 =	sld [smem:$0x7DC];
	v19 =	vsub.f32 v18, v11;
	v18 =	vld [tilespmem:$0x1F750]  }
0x2e8: {  	v25 =	vmul.f32 v6, v22;
	v22 =	vmul.f32 v20, v17;
	v17 =	vld [tilespmem:$0x1F6F0]  }
0x2e9: {  	v20 =	vld [tilespmem:$0x1FCB0]  }
0x2ea: {  	[tilespmem:s23+$0x8000] =	vst v0;
	s23 =	sld [smem:$0x7DD];
	v7 =	vadd.f32 v10, v58;
	v58 =	vld [tilespmem:$0x1FCD0]  }
0x2eb: {  	v10 =	vld [tilespmem:$0x1F720]  }
0x2ec: {  	v3 =	vadd.f32 v13, v12;
	v12 =	vld [tilespmem:$0x1FF20]  }
0x2ed: {  	v13 =	vld [tilespmem:$0x1F730];
	[tilespmem:s23+$0x8000] =	vst v1;
	s23 =	sld [smem:$0x7DE]  }
0x2ee: {  	v0 =	vsub.f32 v21, v11;
	v1 =	vadd.f32 v54, v26;
	v26 =	vld [tilespmem:$0x1F710]  }
0x2ef: {  	v4 =	vadd.f32 v17, v16;
	v17 =	vld [tilespmem:$0x1FF30]  }
0x2f0: {  	v21 =	vmul.f32 v25, v0;
	v25 =	vmul.f32 v6, v20;
	[tilespmem:s23+$0x8000] =	vst v2;
	v2 =	vadd.f32 v30, v14;
	v14 =	vld [tilespmem:$0x1F740]  }
0x2f1: {  	v30 =	vld [tilespmem:$0x1FCF0]  }
0x2f2: {  	v20 =	vmul.f32 v25, v19;
	v25 =	vld [tilespmem:$0x1F760]  }
0x2f3: {  	v0 =	vmul.f32 v6, v58;
	v58 =	vld [tilespmem:$0x1F770]  }
0x2f4: {  	[tilespmem:s15+$0xA000] =	vst v5;
	v5 =	vadd.f32 v10, v9;
	v10 =	vld [tilespmem:$0x1FD10]  }
0x2f5: {  	[tilespmem:s15+$0xA100] =	vst v7;
	v7 =	vadd.f32 v13, v12;
	v12 =	vld [tilespmem:$0x1FF40];
	v54 =	vsub.f32 v26, v11  }
0x2f6: {  	v13 =	vld [tilespmem:$0x1F780];
	v16 =	vadd.f32 v62, v2  }
0x2f7: {  	v19 =	vmul.f32 v0, v54;
	v54 =	vld [tilespmem:$0x1FC10]  }
0x2f8: {  	v9 =	vadd.f32 v59, v16;
	v16 =	vld [tilespmem:$0x1FF60]  }
0x2f9: {  	[tilespmem:$0x1FB70] =	vst v59;
	v59 =	vld [tilespmem:$0x1F7C0]  }
0x2fa: {  	s23 =	sld [smem:$0x7DF];
	v0 =	vmul.f32 v6, v30;
	v30 =	vld [tilespmem:$0x1FF90]  }
0x2fb: {  	v26 =	vsub.f32 v25, v11;
	v25 =	vld [tilespmem:$0x1FF70]  }
0x2fc: {  	[tilespmem:s15+$0xA080] =	vst v1;
	v62 =	vsub.f32 v58, v11;
	v58 =	vld [tilespmem:$0x1F7B0]  }
0x2fd: {  	[tilespmem:s23+$0x8000] =	vst v3;
	s23 =	sld [smem:$0x7E0];
	v2 =	vadd.f32 v24, v9;
	v9 =	vld [tilespmem:$0x1F7D0]  }
0x2fe: {  	[tilespmem:$0x1FB80] =	vst v24;
	v24 =	vld [tilespmem:$0x1FFB0]  }
0x2ff: {  	v3 =	vadd.f32 v13, v12;
	v12 =	vld [tilespmem:$0x1FC80]  }
0x300: {  	[tilespmem:s23+$0x8000] =	vst v4;
	s23 =	sld [smem:$0x7E1];
	v13 =	vld [tilespmem:$0x1F830]  }
0x301: {  	v1 =	vmul.f32 v6, v10;
	v10 =	vadd.f32 v36, v2;
	v36 =	vld [tilespmem:$0x1F7F0]  }
0x302: {  	v8 =	vadd.f32 v14, v54;
	v14 =	vadd.f32 v18, v17;
	v18 =	vld [tilespmem:$0x1F790]  }
0x303: {  	[tilespmem:s23+$0x8000] =	vst v5;
	s23 =	sld [smem:$0x7E2];
	v17 =	vmul.f32 v0, v26;
	v26 =	vld [tilespmem:$0x1F7A0]  }
0x304: {  	v5 =	vadd.f32 v58, v30;
	v30 =	vld [tilespmem:$0x1FFD0]  }
0x305: {  	v58 =	vld [tilespmem:$0x1FFF0]  }
0x306: {  	[tilespmem:s23+$0x8000] =	vst v7;
	s23 =	sld [smem:$0x7E3];
	v7 =	vld [tilespmem:$0x1FD30]  }
0x307: {  	v4 =	vadd.f32 v18, v16;
	v18 =	vld [tilespmem:$0x1FD50]  }
0x308: {  	v16 =	vmul.f32 v1, v62;
	v1 =	vadd.f32 v26, v25;
	v25 =	vld [tilespmem:$0x1F7E0]  }
0x309: {  	v62 =	vsub.f32 v59, v11;
	v59 =	vld [tilespmem:$0x1F800];
	[tilespmem:s23+$0x8000] =	vst v8  }
0x30a: {  	[tilespmem:s15+$0xB100] =	vst v4;
	v4 =	vadd.f32 v36, v30;
	v30 =	vld [tilespmem:$0x1F810]  }
0x30b: {  	v36 =	vld [tilespmem:$0x1F820]  }
0x30c: {  	s29 =	sor.u32 $0x3380, s29;
	[tilespmem:s15+$0xB000] =	vst v14;
	v14 =	vld [tilespmem:$0x1FCA0];
	v0 =	vmul.f32 v6, v7  }
0x30d: {  	s23 =	sld [smem:$0x7E4];
	[tilespmem:s15+$0xB080] =	vst v3;
	v3 =	vsub.f32 v9, v11;
	v9 =	vld [tilespmem:s29+$0x0]  }
0x30e: {  	v26 =	vmul.f32 v0, v62;
	v0 =	vadd.f32 v25, v24;
	v24 =	vld [tilespmem:$0x1FC60]  }
0x30f: {  	v2 =	vmul.f32 v6, v18;
	v62 =	vadd.f32 v15, v10;
	v18 =	vld [tilespmem:$0x1FD70]  }
0x310: {  	[tilespmem:s23+$0x8000] =	vst v1;
	v1 =	vadd.f32 v59, v58;
	v59 =	vld [tilespmem:$0x1FD90]  }
0x311: {  	[tilespmem:$0x1FBA0] =	vst v15;
	s23 =	sld [smem:$0x7E5];
	v15 =	vld [tilespmem:$0x1F840];
	v25 =	vmul.f32 v2, v3;
	v3 =	vadd.f32 v40, v62  }
0x312: {  	v58 =	vsub.f32 v36, v11;
	v36 =	vsub.f32 v29, v11;
	v29 =	vld [tilespmem:$0x1FCE0]  }
0x313: {  	[tilespmem:$0x1FBC0] =	vst v57;
	v3 =	vadd.f32 v57, v3;
	v57 =	vld [tilespmem:$0x1FDB0]  }
0x314: {  	[tilespmem:s23+$0x8000] =	vst v5;
	v5 =	vadd.f32 v30, v24;
	v24 =	vmul.f32 v6, v18;
	v18 =	vld [tilespmem:$0x1FCC0]  }
0x315: {  	s23 =	sld [smem:$0x7E6];
	v30 =	vld [tilespmem:$0x1F860]  }
0x316: {  	v8 =	vadd.f32 v15, v14;
	v14 =	vld [tilespmem:$0x1FD00]  }
0x317: {  	v15 =	vld [tilespmem:$0x1F890]  }
0x318: {  	[tilespmem:s23+$0x8000] =	vst v0;
	s23 =	sld [smem:$0x7E7];
	v3 =	vadd.f32 v34, v3;
	v34 =	vld [tilespmem:$0x1F8B0]  }
0x319: {  	v62 =	vmul.f32 v6, v59;
	v59 =	vmul.f32 v24, v58;
	v24 =	vld [tilespmem:$0x1F850]  }
0x31a: {  	v58 =	vld [tilespmem:$0x1F880]  }
0x31b: {  	[tilespmem:s23+$0x8000] =	vst v4;
	v4 =	vadd.f32 v13, v12;
	v13 =	vmul.f32 v62, v36;
	v36 =	vld [tilespmem:$0x1F870]  }
0x31c: {  	v12 =	vld [tilespmem:$0x1FDD0]  }
0x31d: {  	v0 =	vmul.f32 v6, v57;
	v57 =	vld [tilespmem:$0x1FDF0]  }
0x31e: {  	[tilespmem:s15+$0x8010] =	vst v5;
	v5 =	vadd.f32 v30, v29;
	v30 =	vld [tilespmem:$0x1FD40]  }
0x31f: {  	v2 =	vadd.f32 v15, v14;
	v15 =	vld [tilespmem:$0x1F8D0]  }
0x320: {  	s23 =	sld [smem:$0x7E8];
	v7 =	vadd.f32 v24, v18;
	v18 =	vld [tilespmem:$0x1FD20]  }
0x321: {  	[tilespmem:$0x1FBB0] =	vst v40;
	v24 =	vld [tilespmem:$0x1F8A0];
	v40 =	vsub.f32 v36, v11  }
0x322: {  	[tilespmem:$0x1FBE0] =	vst v42;
	v62 =	vsub.f32 v58, v11;
	v58 =	vmul.f32 v6, v57;
	v57 =	vld [tilespmem:$0x1FDC0]  }
0x323: {  	[tilespmem:s23+$0x8000] =	vst v1;
	v1 =	vmul.f32 v6, v12;
	v10 =	vmul.f32 v0, v40;
	v40 =	vld [tilespmem:$0x1F8C0]  }
0x324: {  	[tilespmem:s15+$0x8110] =	vst v8;
	v36 =	vadd.f32 v34, v30;
	v30 =	vld [tilespmem:$0x1F8E0]  }
0x325: {  	[tilespmem:s15+$0x8090] =	vst v4;
	v12 =	vmul.f32 v1, v62;
	v62 =	vmul.f32 v9, v9;
	v34 =	vld [tilespmem:$0x1F8F0]  }
0x326: {  	s23 =	rddreg [dreg:$0x15];
	[tilespmem:s15+$0x8190] =	vst v7;
	v29 =	vadd.f32 v24, v18;
	v24 =	vld [tilespmem:$0x1FE10]  }
0x327: {  	[tilespmem:s23+$0x8000] =	vst v5;
	s23 =	rddreg [dreg:$0x17];
	v1 =	vadd.f32 v62, v31;
	v31 =	vld [tilespmem:$0x1FD80]  }
0x328: {  	[tilespmem:s23+$0x8000] =	vst v2;
	s23 =	rddreg [dreg:$0x19];
	v18 =	vsub.f32 v15, v11;
	v15 =	vld [tilespmem:$0x1FE90]  }
0x329: {  	v3 =	vadd.f32 v42, v3;
	[tilespmem:s23+$0x8000] =	vst v29;
	v29 =	vld [tilespmem:$0x1FD60];
	v42 =	vsub.f32 v40, v11  }
0x32a: {  	v40 =	vld [tilespmem:$0x1FDA0]  }
0x32b: {  	[tilespmem:$0x1FBF0] =	vst v9;
	v3 =	vadd.f32 v9, v3;
	v9 =	vmul.f32 v58, v42;
	v42 =	vld [tilespmem:$0x1F900]  }
0x32c: {  	s23 =	rddreg [dreg:$0x1b];
	v0 =	vmul.f32 v6, v24;
	v58 =	vld [tilespmem:$0x1F910]  }
0x32d: {  	[tilespmem:s23+$0x8000] =	vst v36;
	v36 =	vadd.f32 v34, v31;
	v34 =	vld [tilespmem:$0x1FDE0]  }
0x32e: {  	v8 =	vmul.f32 v0, v18;
	v18 =	vld [tilespmem:$0x1F920]  }
0x32f: {  	v5 =	vadd.f32 v30, v29;
	v0 =	vmul.f32 $3.125000000e-02, v3;
	v29 =	vld [tilespmem:$0x1FE30]  }
0x330: {  	[tilespmem:s15+$0x9090] =	vst v36;
	v36 =	vld [tilespmem:$0x1F930]  }
0x331: {  	v62 =	vmul.f32 $3.125000000e-02, v1;
	v31 =	vmul.f32 v0, v0;
	v3 =	vadd.f32 v42, v40;
	v42 =	vld [tilespmem:$0x1F940]  }
0x332: {  	[tilespmem:s15+$0x9010] =	vst v5;
	v5 =	vadd.f32 v58, v57;
	v58 =	vld [tilespmem:$0x1FE50]  }
0x333: {  	v4 =	vsub.f32 v62, v31;
	v62 =	vld [tilespmem:$0x1FE00]  }
0x334: {  	v31 =	vld [tilespmem:$0x1F970]  }
0x335: {  	v24 =	vsub.f32 v18, v11;
	v18 =	vld [tilespmem:$0x1F950]  }
0x336: {  	v30 =	vmul.f32 v6, v29;
	v29 =	vld [tilespmem:$0x1F960]  }
0x337: {  	v40 =	vadd.f32 v36, v34;
	v34 =	vld [tilespmem:$0x1FE60]  }
0x338: {  	s23 =	sld [smem:$0x7E9];
	v36 =	vld [tilespmem:$0x1F980]  }
0x339: {  	[tilespmem:s15+$0x9190] =	vst v5;
	v5 =	vmul.f32 v30, v24;
	v24 =	vld [tilespmem:$0x1FE20]  }
0x33a: {  	[tilespmem:s15+$0x9110] =	vst v3;
	v30 =	vld [tilespmem:$0x1FE40]  }
0x33b: {  	[tilespmem:s23+$0x8000] =	vst v40;
	v40 =	vsub.f32 v44, v11;
	v44 =	vld [tilespmem:$0x1FE80]  }
0x33c: {  	v57 =	vsub.f32 v42, v11;
	v1 =	vmul.f32 v6, v58;
	v42 =	vld [tilespmem:$0x1FE70]  }
0x33d: {  	v58 =	vsub.f32 v46, v11;
	v46 =	vmul.f32 v6, v15;
	v15 =	vld [tilespmem:$0x1FFB0]  }
0x33e: {  	s23 =	sld [smem:$0x7EA];
	v1 =	vmul.f32 v1, v57;
	v57 =	vld [tilespmem:$0x1F990]  }
0x33f: {  	v7 =	vadd.f32 v18, v62;
	v62 =	vld [tilespmem:$0x1FED0]  }
0x340: {  	v2 =	vadd.f32 v29, v24;
	v24 =	vld [tilespmem:$0x1F9A0]  }
0x341: {  	[tilespmem:s23+$0x8000] =	vst v7;
	s23 =	sld [smem:$0x7EB];
	v29 =	vld [tilespmem:$0x1FEC0]  }
0x342: {  	v3 =	vadd.f32 v31, v30;
	v30 =	vld [tilespmem:$0x1FEE0]  }
0x343: {  	v31 =	vld [tilespmem:$0x1F9B0]  }
0x344: {  	v7 =	vadd.f32 v36, v34;
	v34 =	vld [tilespmem:$0x1FF00];
	[tilespmem:s23+$0x8000] =	vst v2;
	s23 =	sld [smem:$0x7EC]  }
0x345: {  	v36 =	vld [tilespmem:$0x1F9C0];
	v18 =	vmul.f32 v6, v42  }
0x346: {  	v27 =	vadd.f32 v27, v15;
	v15 =	vld [tilespmem:$0x1FC80]  }
0x347: {  	[tilespmem:s23+$0x8000] =	vst v3;
	v3 =	vmul.f32 v18, v40;
	v18 =	vld [tilespmem:$0x1FEA0]  }
0x348: {  	v42 =	vld [tilespmem:$0x1F9D0]  }
0x349: {  	v2 =	vadd.f32 v57, v44;
	v57 =	vsub.f32 v48, v11;
	v48 =	vld [tilespmem:$0x1FE30]  }
0x34a: {  	v44 =	vadd.f32 v31, v30;
	v31 =	vld [tilespmem:$0x1FF30]  }
0x34b: {  	v40 =	vld [tilespmem:$0x1FF20]  }
0x34c: {  	v22 =	vadd.f32 v22, v15;
	v15 =	vld [tilespmem:$0x1FD20];
	[tilespmem:s15+$0xA010] =	vst v7;
	v14 =	vadd.f32 v24, v18  }
0x34d: {  	s23 =	sld [smem:$0x7ED];
	v7 =	vmul.f32 v46, v58;
	v46 =	vadd.f32 v36, v34;
	[tilespmem:s15+$0xA090] =	vst v2;
	v34 =	vld [tilespmem:$0x1FF40];
	v18 =	vadd.f32 v61, v29  }
0x34e: {  	v4 =	vadd.f32 $9.999999740e-06, v4;
	v61 =	vld [tilespmem:$0x1FEB0];
	[tilespmem:s15+$0xA110] =	vst v14  }
0x34f: {  	v30 =	vmul.f32 v6, v62;
	v58 =	vld [tilespmem:$0x1FE90];
	v41 =	vadd.f32 v41, v31;
	v29 =	vsub.f32 v52, v11;
	[tilespmem:s15+$0xA190] =	vst v18  }
0x350: {  	v36 =	vld [tilespmem:$0x1FF60];
	v14 =	vadd.f32 v47, v54;
	v47 =	vshra.s32 v4, $0x1;
	v4 =	vmul.f32 $5.000000000e-01, v4;
	[tilespmem:s23+$0x8000] =	vst v44;
	s23 =	sld [smem:$0x7EE]  }
0x351: {  	v2 =	vadd.f32 v42, v40;
	v52 =	vld [tilespmem:$0x1FE60];
	v40 =	vmul.f32 v30, v29;
	v30 =	vsub.s32 $0x5F3759DF, v47  }
0x352: {  	v39 =	vadd.f32 v39, v34;
	v34 =	vsub.f32 v51, v11;
	v51 =	vld [tilespmem:$0x1FE50];
	v31 =	vmul.f32 v30, v4  }
0x353: {  	v24 =	vmul.f32 v6, v61;
	[tilespmem:s23+$0x8000] =	vst v46;
	v46 =	vld [tilespmem:$0x1FF70]  }
0x354: {  	v42 =	vmul.f32 v30, v31;
	v31 =	vld [tilespmem:$0x1FCC0]  }
0x355: {  	s23 =	sld [smem:$0x7EF];
	v18 =	vmul.f32 v24, v57;
	v57 =	vld [tilespmem:$0x1FF90]  }
0x356: {  	v24 =	vld [tilespmem:$0x1FFD0]  }
0x357: {  	v29 =	vld [tilespmem:$0x1FE70]  }
0x358: {  	v38 =	vadd.f32 v38, v36;
	[tilespmem:s23+$0x8000] =	vst v2;
	s23 =	sld [smem:$0x7F0];
	v36 =	vadd.f32 v35, v46;
	v35 =	vld [tilespmem:$0x1FEF0]  }
0x359: {  	v20 =	vadd.f32 v20, v31;
	v31 =	vld [tilespmem:$0x1FD60]  }
0x35a: {  	v2 =	vadd.f32 v28, v57;
	v28 =	vld [tilespmem:$0x1FFF0]  }
0x35b: {  	[tilespmem:s23+$0x8000] =	vst v14;
	v14 =	vadd.f32 v50, v24;
	v50 =	vsub.f32 v56, v11;
	v56 =	vld [tilespmem:$0x1FE80]  }
0x35c: {  	v57 =	vld [tilespmem:$0x1FF10]  }
0x35d: {  	[tilespmem:s15+$0xB090] =	vst v39;
	v39 =	vld [tilespmem:$0x1FDC0]  }
0x35e: {  	s23 =	sld [smem:$0x7F1];
	[tilespmem:s15+$0xB010] =	vst v41;
	v41 =	vld [tilespmem:$0x1FDE0]  }
0x35f: {  	[tilespmem:s15+$0xB110] =	vst v38;
	v44 =	vmul.f32 v6, v35;
	v35 =	vsub.f32 v63, v11;
	v63 =	vld [tilespmem:$0x1FEF0]  }
0x360: {  	v16 =	vadd.f32 v16, v15;
	[tilespmem:s15+$0xB190] =	vst v36;
	v15 =	vadd.f32 v25, v31;
	v25 =	vld [tilespmem:$0x1FC30]  }
0x361: {  	[tilespmem:s23+$0x8000] =	vst v2;
	s23 =	sld [smem:$0x7F2];
	v24 =	vadd.f32 v33, v28;
	v33 =	vld [tilespmem:$0x1FC60]  }
0x362: {  	v28 =	vld [tilespmem:$0x1FCA0]  }
0x363: {  	v46 =	vmul.f32 v6, v57;
	v57 =	vld [tilespmem:$0x1FD00]  }
0x364: {  	v38 =	vmul.f32 v44, v34;
	v44 =	vld [tilespmem:$0x1FE10];
	[tilespmem:s23+$0x8000] =	vst v27;
	s23 =	sld [smem:$0x7F3]  }
0x365: {  	v34 =	vld [tilespmem:$0x1FCE0];
	v36 =	vmul.f32 v46, v50;
	v50 =	vmul.f32 v6, v43  }
0x366: {  	v46 =	vld [tilespmem:$0x1FE20]  }
0x367: {  	[tilespmem:s23+$0x8000] =	vst v14;
	v14 =	vmul.f32 v50, v35;
	v50 =	vsub.f32 v60, v11;
	v60 =	vld [tilespmem:$0x1FEA0]  }
0x368: {  	v23 =	vadd.f32 v23, v33;
	v33 =	vsub.f32 $1.500000000e+00, v42;
	v42 =	vld [tilespmem:$0x1FDF0]  }
0x369: {  	v21 =	vadd.f32 v21, v28;
	v28 =	vld [tilespmem:$0x1FE00]  }
0x36a: {  	v47 =	vmovc v43;
	v43 =	vmov v32;
	v17 =	vadd.f32 v17, v57;
	v57 =	vmul.f32 v6, v32;
	v32 =	vld [tilespmem:$0x1FEE0]  }
0x36b: {  	v2 =	vadd.f32 v19, v34;
	v34 =	vld [tilespmem:$0x1FDA0]  }
0x36c: {  	v27 =	vmul.f32 v30, v33;
	v33 =	vld [tilespmem:$0x1FD80]  }
0x36d: {  	v30 =	vld [tilespmem:$0x1FD40]  }
0x36e: {  	[tilespmem:s15+$0x8120] =	vst v21;
	v21 =	vmul.f32 v57, v50;
	v50 =	vld [tilespmem:$0x1FE40]  }
0x36f: {  	[tilespmem:s15+$0x80A0] =	vst v22;
	v57 =	vld [tilespmem:$0x1F9E0]  }
0x370: {  	[tilespmem:s15+$0x81A0] =	vst v20;
	s23 =	sld [smem:$0x7F4];
	v13 =	vadd.f32 v13, v34;
	v34 =	vmul.f32 v6, v25;
	v25 =	vld [tilespmem:$0x1F9F0]  }
0x371: {  	[tilespmem:s17+$0x8000] =	vst v24;
	v35 =	vmul.f32 v27, v4;
	v24 =	vadd.f32 v59, v33;
	v59 =	vsub.f32 v37, v11;
	v37 =	vld [tilespmem:$0x1FDA0]  }
0x372: {  	[tilespmem:s15+$0x8020] =	vst v23;
	v19 =	vadd.f32 v26, v30;
	v30 =	vld [tilespmem:$0x1FD10]  }
0x373: {  	[tilespmem:s23+$0x8000] =	vst v2;
	s23 =	sld [smem:$0x7F5];
	v26 =	vmul.f32 v35, v27;
	v35 =	vld [tilespmem:$0x1FD70]  }
0x374: {  	v33 =	vld [tilespmem:$0x1FD50]  }
0x375: {  	v5 =	vadd.f32 v5, v50;
	v50 =	vld [tilespmem:$0x1FC40]  }
0x376: {  	[tilespmem:s23+$0x8000] =	vst v17;
	s23 =	sld [smem:$0x7F6];
	v2 =	vsub.f32 v57, v11;
	v57 =	vld [tilespmem:$0x1FF80]  }
0x377: {  	v20 =	vmul.f32 v34, v59;
	v34 =	vld [tilespmem:$0x1FD60]  }
0x378: {  	v31 =	vsub.f32 $1.500000000e+00, v26;
	v26 =	vld [tilespmem:$0x1FCE0]  }
0x379: {  	v59 =	vld [tilespmem:$0x1FF50];
	[tilespmem:s23+$0x8000] =	vst v16;
	s23 =	sld [smem:$0x7F7]  }
0x37a: {  	v17 =	vmul.f32 v31, v27;
	v27 =	vld [tilespmem:$0x1FCF0]  }
0x37b: {  	v31 =	vld [tilespmem:$0x1FEC0]  }
0x37c: {  	[tilespmem:s23+$0x8000] =	vst v19;
	v19 =	vadd.f32 v40, v32;
	v40 =	vld [tilespmem:$0x1FDD0]  }
0x37d: {  	v32 =	vld [tilespmem:$0x1FD30]  }
0x37e: {  	v22 =	vmul.f32 v6, v57;
	v57 =	vld [tilespmem:$0x1FF20]  }
0x37f: {  	[tilespmem:s15+$0x9120] =	vst v13;
	v13 =	vsub.f32 v49, v11;
	v49 =	vld [tilespmem:$0x1FFA0]  }
0x380: {  	v23 =	vmul.f32 v6, v59;
	v59 =	vsub.f32 v53, v11;
	v53 =	vld [tilespmem:$0x1FF00]  }
0x381: {  	v10 =	vadd.f32 v10, v39;
	s23 =	sld [smem:$0x7F8];
	[tilespmem:s15+$0x9020] =	vst v15;
	v18 =	vadd.f32 v18, v31;
	v31 =	vld [tilespmem:$0x1FD20]  }
0x382: {  	v12 =	vadd.f32 v12, v41;
	[tilespmem:s15+$0x90A0] =	vst v24;
	v16 =	vmul.f32 v23, v2;
	v2 =	vsub.f32 v25, v11;
	v25 =	vld [tilespmem:$0x1FCB0]  }
0x383: {  	v55 =	vsub.f32 v55, v11;
	[tilespmem:s15+$0x91A0] =	vst v10;
	v23 =	vld [tilespmem:$0x1FC70]  }
0x384: {  	v9 =	vadd.f32 v9, v28;
	[tilespmem:s23+$0x8000] =	vst v12;
	s23 =	sld [smem:$0x7F9];
	v11 =	vsub.f32 v45, v11;
	v45 =	vld [tilespmem:$0x1FFC0]  }
0x385: {  	v28 =	vmul.f32 v6, v50;
	v4 =	vmul.f32 v17, v4;
	v12 =	vadd.f32 v36, v57;
	v36 =	vld [tilespmem:$0x1FD90]  }
0x386: {  	v8 =	vadd.f32 v8, v46;
	v57 =	vld [tilespmem:$0x1FF70]  }
0x387: {  	v4 =	vmul.f32 v4, v17;
	v15 =	vmul.f32 v28, v2;
	v28 =	vld [tilespmem:$0x1FD00];
	[tilespmem:s23+$0x8000] =	vst v9  }
0x388: {  	v1 =	vadd.f32 v1, v52;
	v3 =	vadd.f32 v3, v56;
	v24 =	vmul.f32 v6, v49;
	v49 =	vld [tilespmem:$0x1FF40];
	[tilespmem:s19+$0x8000] =	vst v8  }
0x389: {  	v10 =	vmul.f32 v22, v55;
	v55 =	vsub.f32 $1.500000000e+00, v4;
	v22 =	vadd.f32 v38, v53;
	v38 =	vld [tilespmem:$0x1FDB0];
	[tilespmem:s16+$0x8000] =	vst v5  }
0x38a: {  	v7 =	vadd.f32 v7, v60;
	v53 =	vld [tilespmem:$0x1FF60];
	[tilespmem:s15+$0xA020] =	vst v1  }
0x38b: {  	v2 =	vmul.f32 v55, v17;
	v55 =	vld [tilespmem:$0x1FFE0];
	[tilespmem:s15+$0xA0A0] =	vst v3  }
0x38c: {  	v4 =	vmul.f32 v24, v59;
	v24 =	vld [tilespmem:$0x1FC90];
	[tilespmem:s15+$0xA120] =	vst v7  }
0x38d: {  	v59 =	vld [tilespmem:$0x1FF30];
	[tilespmem:s15+$0xA1A0] =	vst v18  }
0x38e: {  	[tilespmem:s8+$0x8000] =	vst v19;
	v19 =	vld [tilespmem:$0x1FCA0]  }
0x38f: {  	v17 =	vmul.f32 v6, v45;
	v8 =	vadd.f32 v20, v49;
	v20 =	vld [tilespmem:$0x1FC50]  }
0x390: {  	v49 =	vld [tilespmem:$0x1FA00]  }
0x391: {  	v45 =	vmul.f32 v17, v13;
	v17 =	vld [tilespmem:$0x1FFD0]  }
0x392: {  	[tilespmem:s7+$0x8000] =	vst v22;
	v22 =	vld [tilespmem:$0x1FC80]  }
0x393: {  	v6 =	vmul.f32 v6, v55;
	v9 =	vadd.f32 v21, v59;
	v21 =	vld [tilespmem:$0x1FC60]  }
0x394: {  	v59 =	vld [tilespmem:$0x1FF90]  }
0x395: {  	v55 =	vmul.f32 v6, v11;
	v6 =	vadd.f32 v15, v57;
	v15 =	vld [tilespmem:$0x1FFB0]  }
0x396: {  	v14 =	vadd.f32 v14, v54;
	v57 =	vld [tilespmem:$0x1FA30]  }
0x397: {  	v16 =	vadd.f32 v16, v53;
	[tilespmem:s5+$0x8000] =	vst v12;
	v5 =	vadd.f32 v45, v17;
	v45 =	vld [tilespmem:$0x1FA10]  }
0x398: {  	[tilespmem:s3+$0x8000] =	vst v14;
	v13 =	vsub.f32 v49, v0;
	v53 =	vmul.f32 v2, v20;
	v20 =	vld [tilespmem:$0x1FFF0]  }
0x399: {  	[tilespmem:s15+$0xB120] =	vst v16;
	v16 =	vld [tilespmem:$0x1FB60]  }
0x39a: {  	v13 =	vmul.f32 v53, v13;
	v53 =	vld [tilespmem:$0x1FA20]  }
0x39b: {  	v10 =	vadd.f32 v10, v59;
	v59 =	vmul.f32 v2, v25;
	v25 =	vld [tilespmem:$0x1FA40]  }
0x39c: {  	v49 =	vmul.f32 v2, v23;
	v11 =	vsub.f32 v57, v0;
	v57 =	vld [tilespmem:$0x1FA60];
	v7 =	vsub.f32 v45, v0  }
0x39d: {  	v1 =	vadd.f32 v55, v20;
	v55 =	vmul.f32 v2, v24;
	v24 =	vld [tilespmem:$0x1FCD0]  }
0x39e: {  	v7 =	vmul.f32 v49, v7;
	v49 =	vld [tilespmem:$0x1FA50]  }
0x39f: {  	v3 =	vadd.f32 v13, v21;
	v13 =	vsub.f32 v53, v0;
	v53 =	vmul.f32 v2, v27;
	v27 =	vld [tilespmem:$0x1FA80]  }
0x3a0: {  	v17 =	vld [tilespmem:$0x1FF10]  }
0x3a1: {  	v4 =	vadd.f32 v4, v15;
	v15 =	vsub.f32 v25, v0;
	v25 =	vld [tilespmem:$0x1FA70]  }
0x3a2: {  	v11 =	vmul.f32 v59, v11;
	v45 =	vmul.f32 v2, v24;
	v24 =	vld [tilespmem:$0x1FCC0]  }
0x3a3: {  	v59 =	vmul.f32 v2, v30;
	v13 =	vmul.f32 v55, v13;
	v12 =	vsub.f32 v49, v0;
	v49 =	vld [tilespmem:$0x1FAB0]  }
0x3a4: {  	[tilespmem:s15+$0xB0A0] =	vst v8;
	v55 =	vmul.f32 v45, v15;
	v15 =	vsub.f32 v57, v0;
	v8 =	vsub.f32 v27, v0;
	v57 =	vld [tilespmem:$0x1FAC0]  }
0x3a5: {  	v27 =	vmul.f32 v2, v44;
	v44 =	vld [tilespmem:$0x1FE40];
	v21 =	vmul.f32 v53, v12;
	v12 =	vadd.f32 v13, v19  }
0x3a6: {  	v13 =	vadd.f32 v55, v26;
	v26 =	vmul.f32 v2, v32;
	v32 =	vmul.f32 v2, v35;
	v35 =	vld [tilespmem:$0x1FAA0]  }
0x3a7: {  	v53 =	vmul.f32 v2, v38;
	v38 =	vld [tilespmem:$0x1FB20]  }
0x3a8: {  	v23 =	vmul.f32 v59, v15;
	v19 =	vld [tilespmem:$0x1FB70]  }
0x3a9: {  	v11 =	vadd.f32 v11, v24;
	v24 =	vld [tilespmem:$0x1FAD0]  }
0x3aa: {  	[tilespmem:s15+$0xB1A0] =	vst v6;
	v6 =	vadd.f32 v23, v31;
	v31 =	vld [tilespmem:$0x1FA90]  }
0x3ab: {  	[tilespmem:s15+$0xB020] =	vst v9;
	v14 =	vsub.f32 v25, v0;
	v9 =	vadd.f32 v21, v28;
	v28 =	vmul.f32 v2, v33;
	v21 =	vld [tilespmem:$0x1FD40]  }
0x3ac: {  	v23 =	vld [tilespmem:$0x1FD80]  }
0x3ad: {  	v30 =	vmul.f32 v26, v14;
	v26 =	vld [tilespmem:$0x1FAE0];
	v33 =	vmul.f32 v28, v8  }
0x3ae: {  	[tilespmem:s0+$0x8000] =	vst v10;
	v28 =	vld [tilespmem:$0x1FAF0]  }
0x3af: {  	[tilespmem:s31+$0x8000] =	vst v4;
	v8 =	vsub.f32 v35, v0;
	v35 =	vld [tilespmem:$0x1FB10];
	v4 =	vadd.f32 v33, v34  }
0x3b0: {  	v33 =	vmul.f32 v2, v51;
	v51 =	vld [tilespmem:$0x1FF40];
	v10 =	vadd.f32 v30, v21;
	v30 =	vmul.f32 v2, v48  }
0x3b1: {  	v48 =	vmul.f32 v2, v61;
	v61 =	vmul.f32 v2, v62;
	v62 =	vld [tilespmem:$0x1FB50]  }
0x3b2: {  	v36 =	vmul.f32 v2, v36;
	[tilespmem:s15+$0x81B0] =	vst v11;
	v14 =	vsub.f32 v31, v0;
	v11 =	vsub.f32 v26, v0;
	v26 =	vld [tilespmem:$0x1FEC0]  }
0x3b3: {  	[tilespmem:s26+$0x8000] =	vst v5;
	v7 =	vadd.f32 v7, v22;
	v59 =	vmul.f32 v2, v40;
	v21 =	vmul.f32 v2, v47;
	v47 =	vld [tilespmem:$0x1FFA0]  }
0x3b4: {  	[tilespmem:s15+$0x8030] =	vst v3;
	v55 =	vmul.f32 v36, v8;
	v8 =	vsub.f32 v57, v0;
	v45 =	vmul.f32 v32, v14;
	v32 =	vld [tilespmem:$0x1FB00]  }
0x3b5: {  	s23 =	sld [smem:$0x7FA];
	[tilespmem:s25+$0x8000] =	vst v1;
	v57 =	vld [tilespmem:$0x1FFE0]  }
0x3b6: {  	s25 =	sld [smem:$0x7FB];
	[tilespmem:s15+$0x80B0] =	vst v7;
	v14 =	vsub.f32 v49, v0;
	v22 =	vmul.f32 v59, v8;
	v8 =	vsub.f32 v24, v0;
	v24 =	vld [tilespmem:$0x1FEE0]  }
0x3b7: {  	[tilespmem:s15+$0x8130] =	vst v12;
	v12 =	vsub.f32 v28, v0;
	v31 =	vmul.f32 v27, v11;
	v28 =	vld [tilespmem:$0x1FF00]  }
0x3b8: {  	[tilespmem:s23+$0x8000] =	vst v13;
	v1 =	vadd.f32 v55, v37;
	v20 =	vmul.f32 v53, v14;
	v7 =	vadd.f32 v22, v41;
	v41 =	vld [tilespmem:$0x1FE00]  }
0x3b9: {  	s26 =	sld [smem:$0x7FC];
	[tilespmem:s25+$0x8000] =	vst v9;
	v9 =	vadd.f32 v31, v46;
	v46 =	vld [tilespmem:$0x1FB30];
	v11 =	vsub.f32 v32, v0  }
0x3ba: {  	s31 =	sld [smem:$0x7FD];
	v5 =	vadd.f32 v45, v23;
	v34 =	vmul.f32 v30, v12;
	v23 =	vld [tilespmem:$0x1FB80];
	v3 =	vadd.f32 v20, v39  }
0x3bb: {  	v30 =	vld [tilespmem:$0x1FC30];
	v39 =	vmul.f32 v2, v58;
	v37 =	vmul.f32 v33, v11;
	v11 =	vsub.f32 v38, v0  }
0x3bc: {  	[tilespmem:s26+$0x8000] =	vst v6;
	v31 =	vld [tilespmem:$0x1FB90]  }
0x3bd: {  	v25 =	vmul.f32 v2, v42;
	[tilespmem:s31+$0x8000] =	vst v10;
	v12 =	vsub.f32 v35, v0;
	v35 =	vld [tilespmem:$0x1FF50];
	v42 =	vmul.f32 v39, v11  }
0x3be: {  	v36 =	vmul.f32 v2, v29;
	[tilespmem:s15+$0x9030] =	vst v4;
	v53 =	vld [tilespmem:$0x1FFC0]  }
0x3bf: {  	v63 =	vmul.f32 v2, v63;
	v8 =	vmul.f32 v25, v8;
	[tilespmem:s15+$0x9130] =	vst v1;
	v49 =	vadd.f32 v42, v60;
	v60 =	vld [tilespmem:$0x1FB40]  }
0x3c0: {  	v18 =	vmul.f32 v2, v17;
	v40 =	vmul.f32 v36, v12;
	[tilespmem:s15+$0x90B0] =	vst v5;
	v20 =	vld [tilespmem:$0x1FF20]  }
0x3c1: {  	v25 =	vmul.f32 v2, v43;
	v6 =	vadd.f32 v34, v44;
	v34 =	vld [tilespmem:$0x1FBA0];
	[tilespmem:s15+$0x91B0] =	vst v3;
	v8 =	vadd.f32 v8, v41  }
0x3c2: {  	v58 =	vld [tilespmem:$0x1FF70];
	v45 =	vadd.f32 v40, v56;
	v40 =	vmul.f32 v2, v50;
	v4 =	vsub.f32 v46, v0;
	[tilespmem:s18+$0x8000] =	vst v7  }
0x3c3: {  	v32 =	vld [tilespmem:$0x1FF30];
	v7 =	vsub.f32 v62, v0;
	v33 =	vmul.f32 v2, v30;
	v10 =	vadd.f32 v37, v52;
	[tilespmem:s14+$0x8000] =	vst v8  }
0x3c4: {  	v36 =	vmul.f32 v2, v35;
	v38 =	vld [tilespmem:$0x1FBB0];
	v8 =	vsub.f32 v16, v0;
	[tilespmem:s13+$0x8000] =	vst v9;
	v5 =	vsub.f32 v60, v0  }
0x3c5: {  	v41 =	vld [tilespmem:$0x1FBC0];
	v4 =	vmul.f32 v48, v4;
	v7 =	vmul.f32 v63, v7;
	v9 =	vsub.f32 v19, v0;
	[tilespmem:s12+$0x8000] =	vst v6  }
0x3c6: {  	v46 =	vld [tilespmem:$0x1FBD0];
	v22 =	vmul.f32 v18, v8;
	v8 =	vsub.f32 v23, v0;
	[tilespmem:s15+$0xA030] =	vst v10;
	v5 =	vmul.f32 v61, v5  }
0x3c7: {  	v4 =	vadd.f32 v4, v26;
	v7 =	vadd.f32 v7, v28;
	v42 =	vld [tilespmem:$0x1FF80];
	v9 =	vmul.f32 v21, v9;
	[tilespmem:s15+$0xA0B0] =	vst v45  }
0x3c8: {  	v39 =	vld [tilespmem:$0x1FF60];
	v27 =	vmul.f32 v25, v8;
	[tilespmem:s15+$0xA130] =	vst v49;
	v8 =	vsub.f32 v31, v0;
	v5 =	vadd.f32 v5, v24  }
0x3c9: {  	v55 =	vmul.f32 v2, v53;
	[tilespmem:s15+$0xA1B0] =	vst v4;
	v4 =	vsub.f32 v34, v0;
	v29 =	vadd.f32 v9, v54;
	v54 =	vld [tilespmem:$0x1FBE0]  }
0x3ca: {  	v56 =	vld [tilespmem:$0x1FBF0];
	v6 =	vadd.f32 v22, v20;
	v49 =	vmul.f32 v2, v47;
	v1 =	vadd.f32 v27, v32;
	[tilespmem:s6+$0x8000] =	vst v5  }
0x3cb: {  	v37 =	vmul.f32 v33, v8;
	v8 =	vsub.f32 v38, v0;
	v4 =	vmul.f32 v36, v4;
	v60 =	vld [tilespmem:$0x1FF90];
	[tilespmem:s4+$0x8000] =	vst v7  }
0x3cc: {  	v43 =	vmul.f32 v2, v42;
	v2 =	vmul.f32 v2, v57;
	v61 =	vld [tilespmem:$0x1FFB0];
	v7 =	vsub.f32 v41, v0;
	[tilespmem:s2+$0x8000] =	vst v6  }
0x3cd: {  	v62 =	vld [tilespmem:$0x1FFD0];
	v44 =	vmul.f32 v40, v8;
	v8 =	vsub.f32 v46, v0;
	v5 =	vadd.f32 v37, v51;
	[tilespmem:s1+$0x8000] =	vst v29  }
0x3ce: {  	v63 =	vld [tilespmem:$0x1FFF0];
	v4 =	vadd.f32 v4, v39;
	v50 =	vmul.f32 v43, v7;
	v7 =	vsub.f32 v54, v0;
	[tilespmem:s15+$0xB030] =	vst v1  }
0x3cf: {  	v52 =	vmul.f32 v49, v8;
	v0 =	vsub.f32 v56, v0;
	[tilespmem:s15+$0xB0B0] =	vst v5;
	v5 =	vadd.f32 v44, v58  }
0x3d0: {  	p2 =	slt.u32 s20, $0x1C0;
	[tilespmem:s15+$0xB130] =	vst v4;
	v59 =	vmul.f32 v55, v7;
	v3 =	vadd.f32 v50, v60  }
.Ltmp11:
0x3d1: {  	v1 =	vadd.f32 v52, v61;
	v0 =	vmul.f32 v2, v0;
	[tilespmem:s15+$0xB1B0] =	vst v5;
	(pc) =	sbr.rel @p2 .LBB2_21-.Ltmp11, $4  }
0x3d2: {  	[tilespmem:s11+$0x8000] =	vst v3;
	v2 =	vadd.f32 v59, v62  }
0x3d3: {  	v0 =	vadd.f32 v0, v63;
	[tilespmem:s30+$0x8000] =	vst v1  }
0x3d4: {  	s24 =	sadd.s32 $0x40, s24;
	[tilespmem:s28+$0x8000] =	vst v2  }
0x3d5: {  	p1 =	por !p1, !p1;
	s21 =	sadd.s32 $0x240, s21;
	s10 =	sadd.s32 $0x200, s10;
	[tilespmem:s29+$0x8000] =	vst v0  }
0x3d6: {  	s5 =	rddreg [dreg:$0x14]  }
0x3d7: {  	s2 =	rddreg [dreg:$0x5];
	s26 =	simm.s32 $0x1000;
	s0 =	sshll.u32 s5, $0x9  }
0x3d8: {  	s3 =	simm.s32 $0x20000;
	s1 =	sshll.u32 s5, $0xB;
	s0 =	sand.u32 $0x3C00, s0  }
0x3d9: {  	s28 =	rddreg [dreg:$0x11];
	s1 =	sand.u32 $0xFFF0000, s1;
	s0 =	sadd.s32 s2, s0  }
0x3da: {  	s4 =	simm.s32 $0x8000;
	p1 =	seq.s32 s28, $0xC;
	s0 =	sadd.s32 s1, s0  }
0x3db: {  	[hbm4b:s0+s26] =	stream.strided.scatter [tilespmem:s4], [sflag:$0x4], $0x4000, s3, s26, $0x38;
	[tilespmem:$0x1EA80] =	vst v63  }
0x3dc: {  	s0 =	sadd.s32 @!p1 $0x2, s5  }
0x3dd: {  	s1 =	sshll.u32 @!p1 s0, $0x9  }
0x3de: {  	s29 =	simm.s32 $0x3;
	s0 =	sshll.u32 @!p1 s0, $0xB;
	s1 =	sand.u32 @!p1 $0x3C00, s1  }
0x3df: {  	s3 =	simm.s32 @!p1 $0x0;
	s0 =	sand.u32 @!p1 $0xFFF0000, s0;
	s1 =	sadd.s32 @!p1 s2, s1  }
0x3e0: {  	s2 =	simm.s32 @!p1 $0x20000;
	s0 =	sadd.s32 @!p1 s0, s1;
	s1 =	simm.s32 @!p1 $0x1000  }
0x3e1: {  	[tilespmem:s3], [sflag:$0x2] =	stream.strided.gather @!p1 [hbm4b:s0+s1], $0x4000, s2, s1, $0x38;
	[tilespmem:$0x1EA80] =	vst v63  }
0x3e2: {  	s20 =	simm.s32 $0xFFFFFFC0;
	_ =	swait.ge [sflag:s29], $0x4000  }
0x3e3: {  	s21 =	simm.s32 $0x0;
	[sflag:s29] =	ssyncset.done $0x0;
	s30 =	rddreg [dreg:$0x7]  }
0x3e4: {  	s0 =	simm.s32 @!p0 $0x5;
	s31 =	rddreg [dreg:$0x12];
	[sflag:s29] =	ssyncadd.s32 $0xFFFFC000  }
0x3e5: {  	s10 =	simm.s32 $0x0;
	s1 =	sadd.s32 s31, s30;
	_ =	swait.ge @!p0 [sflag:s0], $0x4000  }
0x3e6: {  	s24 =	simm.s32 $0x0;
	s1 =	sadd.s32 $0x1, s1;
	[sflag:s0] =	ssyncset.done @!p0 $0x0  }
0x3e7: {  	[dreg:$0x13] =	wrdreg s1;
	[sflag:s0] =	ssyncadd.s32 @!p0 $0xFFFFC000;
	p0 =	por $0x0, $0x0  }
.LBB2_23:
0x3e8: {  	s20 =	sadd.s32 $0x40, s20  }
0x3e9: {  	s1 =	sand.u32 $0xC00, s10;
	s0 =	sand.u32 $0x40, s20  }
0x3ea: {  	s15 =	sor.u32 s0, s1  }
0x3eb: {  	v16 =	vld [tilespmem:s15+$0x4000]  }
0x3ec: {  	v26 =	vld [tilespmem:s15+$0x4080]  }
0x3ed: {  	s6 =	sand.u32 $0xFFFFFC00, s10;
	s0 =	simm.s32 $0x1  }
0x3ee: {  	s1 =	sadd.s32 s6, s24;
	s0 =	simm.s32 @!p0 $0x0;
	v17 =	vld [tilespmem:s15+$0x4100]  }
0x3ef: {  	s23 =	sor.u32 $0x4180, s1;
	s0 =	sshll.u32 s0, $0x6  }
0x3f0: {  	v29 =	vld [tilespmem:s23+$0x0];
	s0 =	sadd.s32 s0, s10  }
0x3f1: {  	s2 =	sor.u32 $0x4200, s0;
	v0 =	vmul.f32 v16, v16;
	v1 =	vadd.f32 v26, v16;
	v2 =	vmul.f32 v26, v26  }
0x3f2: {  	v18 =	vld [tilespmem:s2+$0x0]  }
0x3f3: {  	s7 =	sor.u32 $0x4280, s0;
	v53 =	vmul.f32 v17, v17;
	v0 =	vadd.f32 v2, v0;
	v1 =	vadd.f32 v17, v1  }
0x3f4: {  	v34 =	vld [tilespmem:s7+$0x0]  }
0x3f5: {  	s8 =	sor.u32 $0x4300, s0;
	v54 =	vmul.f32 v29, v29;
	v0 =	vadd.f32 v53, v0;
	v1 =	vadd.f32 v29, v1  }
0x3f6: {  	v19 =	vld [tilespmem:s8+$0x0]  }
0x3f7: {  	s11 =	sor.u32 $0x4380, s21;
	v55 =	vmul.f32 v18, v18;
	v0 =	vadd.f32 v54, v0;
	v1 =	vadd.f32 v18, v1  }
0x3f8: {  	v31 =	vld [tilespmem:s11+$0x0]  }
0x3f9: {  	v56 =	vmul.f32 v34, v34;
	v0 =	vadd.f32 v55, v0;
	v1 =	vadd.f32 v34, v1  }
0x3fa: {  	v32 =	vld [tilespmem:s15+$0x5000]  }
0x3fb: {  	v3 =	vmul.f32 v19, v19;
	v0 =	vadd.f32 v56, v0;
	v57 =	vadd.f32 v19, v1  }
0x3fc: {  	v20 =	vld [tilespmem:s15+$0x5080]  }
0x3fd: {  	v58 =	vmul.f32 v31, v31;
	v0 =	vadd.f32 v3, v0;
	v2 =	vadd.f32 v31, v57  }
0x3fe: {  	v35 =	vld [tilespmem:s15+$0x5100]  }
0x3ff: {  	s12 =	sor.u32 $0x5180, s1;
	v4 =	vmul.f32 v32, v32;
	v0 =	vadd.f32 v58, v0;
	v59 =	vadd.f32 v32, v2  }
0x400: {  	v25 =	vld [tilespmem:s12+$0x0]  }
0x401: {  	s13 =	sor.u32 $0x5200, s0;
	v60 =	vmul.f32 v20, v20;
	v0 =	vadd.f32 v4, v0;
	v3 =	vadd.f32 v20, v59  }
0x402: {  	v27 =	vld [tilespmem:s13+$0x0]  }
0x403: {  	s14 =	sor.u32 $0x5280, s0;
	v5 =	vmul.f32 v35, v35;
	v0 =	vadd.f32 v60, v0;
	v61 =	vadd.f32 v35, v3  }
0x404: {  	v30 =	vld [tilespmem:s14+$0x0]  }
0x405: {  	s16 =	sor.u32 $0x5300, s0;
	v62 =	vmul.f32 v25, v25;
	v0 =	vadd.f32 v5, v0;
	v4 =	vadd.f32 v25, v61  }
0x406: {  	v38 =	vld [tilespmem:s16+$0x0]  }
0x407: {  	s17 =	sor.u32 $0x5380, s21;
	v8 =	vmul.f32 v27, v27;
	v0 =	vadd.f32 v62, v0;
	v63 =	vadd.f32 v27, v4  }
0x408: {  	v41 =	vld [tilespmem:s17+$0x0]  }
0x409: {  	v12 =	vmul.f32 v30, v30;
	v0 =	vadd.f32 v8, v0;
	v5 =	vadd.f32 v30, v63  }
0x40a: {  	v44 =	vld [tilespmem:s15+$0x6000]  }
0x40b: {  	v13 =	vmul.f32 v38, v38;
	v0 =	vadd.f32 v12, v0;
	v5 =	vadd.f32 v38, v5  }
0x40c: {  	v63 =	vld [tilespmem:s15+$0x6080]  }
0x40d: {  	v9 =	vmul.f32 v41, v41;
	v0 =	vadd.f32 v13, v0;
	v14 =	vadd.f32 v41, v5  }
0x40e: {  	v46 =	vld [tilespmem:s15+$0x6100]  }
0x40f: {  	s18 =	sor.u32 $0x6180, s1;
	v15 =	vmul.f32 v44, v44;
	v0 =	vadd.f32 v9, v0;
	v8 =	vadd.f32 v44, v14  }
0x410: {  	v48 =	vld [tilespmem:s18+$0x0]  }
0x411: {  	s19 =	sor.u32 $0x6200, s0;
	v21 =	vmul.f32 v63, v63;
	v0 =	vadd.f32 v15, v0;
	v8 =	vadd.f32 v63, v8  }
0x412: {  	v58 =	vld [tilespmem:s19+$0x0]  }
0x413: {  	v28 =	vld [tilespmem:s15+$0x4090];
	s25 =	sor.u32 $0x6280, s0;
	v22 =	vmul.f32 v46, v46;
	v0 =	vadd.f32 v21, v0;
	v8 =	vadd.f32 v46, v8  }
0x414: {  	v51 =	vld [tilespmem:s25+$0x0]  }
0x415: {  	v7 =	vld [tilespmem:s15+$0x4110];
	s26 =	sor.u32 $0x6300, s0;
	v23 =	vmul.f32 v48, v48;
	v0 =	vadd.f32 v22, v0;
	v8 =	vadd.f32 v48, v8  }
0x416: {  	v61 =	vld [tilespmem:s26+$0x0]  }
0x417: {  	s28 =	sor.u32 $0x6380, s21;
	v24 =	vmul.f32 v58, v58;
	v14 =	vld [tilespmem:s15+$0x4010];
	v0 =	vadd.f32 v23, v0;
	v8 =	vadd.f32 v58, v8  }
0x418: {  	v53 =	vld [tilespmem:s28+$0x0]  }
0x419: {  	v52 =	vld [tilespmem:s15+$0x7000];
	v33 =	vmul.f32 v51, v51;
	v0 =	vadd.f32 v24, v0;
	v8 =	vadd.f32 v51, v8  }
0x41a: {  	v10 =	vld [tilespmem:s15+$0x4190]  }
0x41b: {  	v49 =	vld [tilespmem:s15+$0x5010];
	s29 =	sadd.s32 $0x10, s0;
	v36 =	vmul.f32 v61, v61;
	v0 =	vadd.f32 v33, v0;
	v8 =	vadd.f32 v61, v8  }
0x41c: {  	s3 =	sor.u32 $0x4200, s29;
	v57 =	vld [tilespmem:s15+$0x7080];
	v12 =	vmul.f32 v28, v28;
	v11 =	vmul.f32 v14, v14  }
0x41d: {  	v39 =	vld [tilespmem:s3+$0x0];
	v37 =	vmul.f32 v53, v53;
	v0 =	vadd.f32 v36, v0;
	v8 =	vadd.f32 v53, v8  }
0x41e: {  	s4 =	sor.u32 $0x4280, s29;
	v55 =	vld [tilespmem:s15+$0x7100];
	v13 =	vmul.f32 v7, v7;
	v11 =	vadd.f32 v12, v11  }
0x41f: {  	s1 =	sor.u32 $0x7180, s1;
	v40 =	vmul.f32 v52, v52;
	v22 =	vld [tilespmem:s4+$0x0];
	v0 =	vadd.f32 v37, v0;
	v8 =	vadd.f32 v52, v8  }
0x420: {  	s5 =	sor.u32 $0x4300, s29;
	v62 =	vld [tilespmem:s1+$0x0];
	v15 =	vmul.f32 v10, v10;
	v11 =	vadd.f32 v13, v11  }
0x421: {  	s6 =	sor.u32 $0x7200, s0;
	v54 =	vld [tilespmem:s5+$0x0];
	v42 =	vmul.f32 v57, v57;
	v0 =	vadd.f32 v40, v0;
	v8 =	vadd.f32 v57, v8  }
0x422: {  	[dreg:$0x1e] =	wrdreg s7;
	s7 =	sor.u32 $0x4380, s29;
	v43 =	vmul.f32 v39, v39;
	v59 =	vld [tilespmem:s6+$0x0];
	v11 =	vadd.f32 v15, v11  }
0x423: {  	[dreg:$0x1f] =	wrdreg s8;
	s8 =	sor.u32 $0x7280, s0;
	v45 =	vmul.f32 v55, v55;
	v3 =	vld [tilespmem:s7+$0x0];
	v0 =	vadd.f32 v42, v0;
	v8 =	vadd.f32 v55, v8  }
0x424: {  	[smem:$0x7B2] =	sst s12;
	s12 =	sor.u32 $0x7380, s21;
	v56 =	vld [tilespmem:s8+$0x0];
	v47 =	vmul.f32 v22, v22;
	v11 =	vadd.f32 v43, v11  }
0x425: {  	[smem:$0x7B1] =	sst s11;
	v6 =	vld [tilespmem:s12+$0x0];
	s11 =	sor.u32 $0x7300, s0;
	v21 =	vmul.f32 v62, v62;
	v9 =	vadd.f32 v45, v0;
	v8 =	vadd.f32 v62, v8  }
0x426: {  	v50 =	vld [tilespmem:s11+$0x0];
	v23 =	vmul.f32 v54, v54;
	v11 =	vadd.f32 v47, v11  }
0x427: {  	v12 =	vld [tilespmem:s15+$0x5090];
	v24 =	vmul.f32 v59, v59;
	v9 =	vadd.f32 v21, v9;
	v8 =	vadd.f32 v59, v8  }
0x428: {  	v33 =	vmul.f32 v3, v3;
	v23 =	vadd.f32 v23, v11  }
0x429: {  	v60 =	vmul.f32 v56, v56;
	v21 =	vld [tilespmem:s15+$0x5110];
	v9 =	vadd.f32 v24, v9;
	v8 =	vadd.f32 v56, v8  }
0x42a: {  	v36 =	vmul.f32 v49, v49;
	v23 =	vadd.f32 v33, v23  }
0x42b: {  	[tilespmem:$0x1EB10] =	vst v6;
	v1 =	vmul.f32 v50, v50;
	v5 =	vld [tilespmem:s15+$0x5190];
	v9 =	vadd.f32 v60, v9;
	v8 =	vadd.f32 v50, v8  }
0x42c: {  	[smem:$0x7B3] =	sst s13;
	s13 =	sor.u32 $0x5200, s29;
	[tilespmem:$0x1EB60] =	vst v39;
	v2 =	vmul.f32 v12, v12;
	v23 =	vadd.f32 v36, v23  }
0x42d: {  	v13 =	vmovc v39;
	v39 =	vmul.f32 v6, v6;
	v9 =	vadd.f32 v1, v9;
	v8 =	vadd.f32 v6, v8;
	v6 =	vld [tilespmem:s13+$0x0]  }
0x42e: {  	[smem:$0x7B4] =	sst s14;
	s14 =	sor.u32 $0x5280, s29;
	[tilespmem:$0x1EB30] =	vst v28;
	v4 =	vmov v28;
	v23 =	vadd.f32 v2, v23;
	v28 =	vmul.f32 v21, v21  }
0x42f: {  	v37 =	vld [tilespmem:s14+$0x0];
	v9 =	vadd.f32 v39, v9;
	v60 =	vmul.f32 $3.125000000e-02, v8  }
0x430: {  	[smem:$0x7B5] =	sst s16;
	s16 =	sor.u32 $0x5300, s29;
	v42 =	vmul.f32 v5, v5;
	v33 =	vadd.f32 v28, v23  }
0x431: {  	[smem:$0x7B6] =	sst s17;
	s17 =	sor.u32 $0x5380, s29;
	v28 =	vld [tilespmem:s16+$0x0];
	v9 =	vmul.f32 $3.125000000e-02, v9;
	v43 =	vmul.f32 v60, v60  }
0x432: {  	v24 =	vld [tilespmem:s17+$0x0];
	v8 =	vadd.f32 v42, v33;
	v42 =	vadd.f32 v4, v14;
	v45 =	vmul.f32 v6, v6  }
0x433: {  	v9 =	vsub.f32 v9, v43  }
0x434: {  	v47 =	vmul.f32 v37, v37;
	v43 =	vadd.f32 v7, v42;
	v8 =	vadd.f32 v45, v8  }
0x435: {  	[tilespmem:$0x1EBA0] =	vst v49;
	v1 =	vld [tilespmem:s15+$0x6010];
	v9 =	vadd.f32 $9.999999740e-06, v9  }
0x436: {  	v15 =	vmovc v49;
	v49 =	vmul.f32 v28, v28;
	v43 =	vadd.f32 v10, v43;
	v8 =	vadd.f32 v47, v8  }
0x437: {  	[tilespmem:$0x1EB00] =	vst v50;
	v50 =	vld [tilespmem:s15+$0x6090];
	v33 =	vmul.f32 v24, v24;
	v40 =	vshra.s32 v9, $0x1;
	v9 =	vmul.f32 $5.000000000e-01, v9  }
0x438: {  	v8 =	vadd.f32 v49, v8;
	v45 =	vsub.s32 $0x5F3759DF, v40;
	v49 =	vadd.f32 v13, v43  }
0x439: {  	v36 =	vld [tilespmem:s15+$0x6110];
	v47 =	vmul.f32 v45, v9  }
0x43a: {  	[tilespmem:$0x1EB40] =	vst v7;
	v39 =	vmul.f32 v1, v1;
	v8 =	vadd.f32 v33, v8;
	v49 =	vadd.f32 v22, v49  }
0x43b: {  	[tilespmem:$0x1EB50] =	vst v10;
	v42 =	vld [tilespmem:s15+$0x6190];
	v47 =	vmul.f32 v45, v47  }
0x43c: {  	[smem:$0x7B7] =	sst s18;
	s18 =	sor.u32 $0x6200, s29;
	[tilespmem:$0x1EB80] =	vst v54;
	v40 =	vmul.f32 v50, v50;
	v8 =	vadd.f32 v39, v8;
	v4 =	vadd.f32 v54, v49  }
0x43d: {  	[tilespmem:$0x1EC20] =	vst v1;
	v33 =	vld [tilespmem:s18+$0x0];
	v47 =	vsub.f32 $1.500000000e+00, v47  }
0x43e: {  	[smem:$0x7B8] =	sst s19;
	s19 =	sor.u32 $0x6280, s29;
	v7 =	vmovc v1;
	v1 =	vmul.f32 v36, v36;
	v8 =	vadd.f32 v40, v8;
	v54 =	vadd.f32 v3, v4  }
0x43f: {  	[tilespmem:$0x1EC30] =	vst v50;
	v10 =	vmov v50;
	v40 =	vld [tilespmem:s19+$0x0];
	v50 =	vmul.f32 v45, v47  }
0x440: {  	[smem:$0x7B9] =	sst s25;
	s25 =	sor.u32 $0x6300, s29;
	v2 =	vmul.f32 v42, v42;
	v8 =	vadd.f32 v1, v8;
	v47 =	vadd.f32 v15, v54  }
0x441: {  	[tilespmem:$0x1EB20] =	vst v14;
	v14 =	vld [tilespmem:s25+$0x0];
	v43 =	vmul.f32 v50, v9  }
0x442: {  	[smem:$0x7BA] =	sst s26;
	s26 =	sor.u32 $0x6380, s29;
	[tilespmem:$0x1EB70] =	vst v22;
	v22 =	vld [tilespmem:s15+$0x4020];
	v11 =	vmul.f32 v33, v33;
	v8 =	vadd.f32 v2, v8;
	v23 =	vadd.f32 v12, v47  }
0x443: {  	[tilespmem:$0x1EC40] =	vst v36;
	v13 =	vmov v36;
	v36 =	vld [tilespmem:s26+$0x0];
	v49 =	vmul.f32 v43, v50  }
0x444: {  	v4 =	vld [tilespmem:s15+$0x40A0];
	v45 =	vmul.f32 v40, v40;
	v8 =	vadd.f32 v11, v8;
	v23 =	vadd.f32 v21, v23  }
0x445: {  	v2 =	vld [tilespmem:s15+$0x7010];
	v43 =	vsub.f32 $1.500000000e+00, v49  }
0x446: {  	v15 =	vmul.f32 v14, v14;
	v8 =	vadd.f32 v45, v8;
	v45 =	vld [tilespmem:s15+$0x4120];
	v23 =	vadd.f32 v5, v23  }
0x447: {  	[tilespmem:$0x1EBB0] =	vst v12;
	v39 =	vld [tilespmem:s15+$0x7090];
	v12 =	vmul.f32 v22, v22;
	v0 =	vmul.f32 v43, v50  }
0x448: {  	v49 =	vmul.f32 v36, v36;
	v8 =	vadd.f32 v15, v8;
	v23 =	vadd.f32 v6, v23  }
0x449: {  	[tilespmem:$0x1EB90] =	vst v3;
	v47 =	vld [tilespmem:s15+$0x41A0];
	v15 =	vmul.f32 v4, v4;
	v9 =	vmul.f32 v0, v9  }
0x44a: {  	[smem:$0x7BB] =	sst s28;
	s28 =	sadd.s32 $0x20, s0;
	[tilespmem:$0x1EBD0] =	vst v5;
	v11 =	vmul.f32 v2, v2;
	v8 =	vadd.f32 v49, v8;
	v23 =	vadd.f32 v37, v23  }
0x44b: {  	s30 =	sor.u32 $0x4200, s28;
	[tilespmem:$0x1EC10] =	vst v24;
	v43 =	vld [tilespmem:s15+$0x7110];
	v1 =	vadd.f32 v15, v12;
	v15 =	vmul.f32 v45, v45;
	v9 =	vmul.f32 v9, v0  }
0x44c: {  	[tilespmem:$0x1EE20] =	vst v4;
	v5 =	vld [tilespmem:s30+$0x0];
	v12 =	vmul.f32 v39, v39;
	v8 =	vadd.f32 v11, v8;
	v23 =	vadd.f32 v28, v23  }
0x44d: {  	v50 =	vmov v2;
	[tilespmem:$0x1ECA0] =	vst v2;
	v11 =	vld [tilespmem:s15+$0x7190];
	v2 =	vadd.f32 v15, v1;
	v9 =	vsub.f32 $1.500000000e+00, v9  }
0x44e: {  	s31 =	sor.u32 $0x4280, s28;
	v49 =	vmovc v4;
	v4 =	vadd.f32 v12, v8;
	v8 =	vmul.f32 v47, v47;
	v1 =	vadd.f32 v24, v23;
	v24 =	vld [tilespmem:$0x1FC50]  }
0x44f: {  	[tilespmem:$0x1EBF0] =	vst v37;
	v3 =	vsub.f32 v16, v60;
	v12 =	vld [tilespmem:s31+$0x0]  }
0x450: {  	[tilespmem:$0x1EBC0] =	vst v21;
	v54 =	vmul.f32 v43, v43;
	v15 =	vadd.f32 v8, v2;
	v8 =	vmul.f32 v9, v0;
	v9 =	vld [tilespmem:$0x1FC70]  }
0x451: {  	[tilespmem:$0x1EBE0] =	vst v6;
	v6 =	vsub.f32 v26, v60;
	v26 =	vld [tilespmem:$0x1FC90];
	v1 =	vadd.f32 v7, v1  }
0x452: {  	[dreg:$0x18] =	wrdreg s4;
	s4 =	sor.u32 $0x7200, s29;
	v21 =	vmul.f32 v5, v5;
	v37 =	vmov v5;
	[tilespmem:$0x1EE90] =	vst v5;
	v5 =	vadd.f32 v54, v4  }
0x453: {  	[dreg:$0x1a] =	wrdreg s5;
	s5 =	sor.u32 $0x4300, s28;
	[tilespmem:$0x1EC00] =	vst v28;
	v28 =	vld [tilespmem:s4+$0x0];
	v7 =	vsub.f32 v29, v60;
	v1 =	vadd.f32 v10, v1;
	v4 =	vmul.f32 v8, v24  }
0x454: {  	v54 =	vmul.f32 v11, v11;
	v2 =	vadd.f32 v21, v15;
	v24 =	vld [tilespmem:s5+$0x0];
	v21 =	vmul.f32 v12, v12  }
0x455: {  	[smem:$0x7BD] =	sst s6;
	s6 =	sor.u32 $0x4380, s28;
	v29 =	vld [tilespmem:$0x1FCD0];
	v1 =	vadd.f32 v13, v1;
	v15 =	vmul.f32 v8, v9;
	v3 =	vmul.f32 v4, v3  }
0x456: {  	v16 =	vld [tilespmem:s6+$0x0];
	v0 =	vadd.f32 v21, v2;
	v2 =	vsub.f32 v17, v60;
	v4 =	vmul.f32 v8, v26  }
0x457: {  	[dreg:$0x1c] =	wrdreg s7;
	s7 =	sor.u32 $0x7280, s29;
	v13 =	vld [tilespmem:s15+$0x50A0];
	v1 =	vadd.f32 v42, v1;
	v23 =	vmul.f32 v15, v6  }
0x458: {  	[tilespmem:$0x1ED00] =	vst v3;
	v3 =	vadd.f32 v54, v5;
	v54 =	vmul.f32 v28, v28;
	v6 =	vld [tilespmem:s7+$0x0];
	v2 =	vmul.f32 v4, v2  }
0x459: {  	[tilespmem:$0x1EC60] =	vst v33;
	v15 =	vld [tilespmem:$0x1FCB0];
	v17 =	vmul.f32 v24, v24;
	v1 =	vadd.f32 v33, v1  }
0x45a: {  	v4 =	vmul.f32 v8, v29;
	v33 =	vld [tilespmem:$0x1FD10];
	[tilespmem:$0x1ED20] =	vst v2;
	v2 =	vadd.f32 v54, v3;
	v3 =	vsub.f32 v18, v60  }
0x45b: {  	v0 =	vadd.f32 v17, v0;
	v17 =	vld [tilespmem:$0x1FCF0]  }
0x45c: {  	[tilespmem:$0x1EC80] =	vst v14;
	v3 =	vmul.f32 v4, v3;
	v4 =	vsub.f32 v19, v60;
	v19 =	vsub.f32 v31, v60;
	v31 =	vld [tilespmem:$0x1FD30]  }
0x45d: {  	[smem:$0x7BE] =	sst s8;
	s8 =	sor.u32 $0x7300, s29;
	[tilespmem:$0x1EC50] =	vst v42;
	v21 =	vld [tilespmem:s15+$0x5020];
	v42 =	vmul.f32 v16, v16;
	v26 =	vmov v24  }
0x45e: {  	[smem:$0x7C4] =	sst s17;
	s17 =	sor.u32 $0x7380, s29;
	[tilespmem:$0x1ED10] =	vst v23;
	v54 =	vld [tilespmem:s8+$0x0];
	v1 =	vadd.f32 v40, v1;
	v23 =	vmul.f32 v8, v15;
	v15 =	vsub.f32 v34, v60  }
0x45f: {  	v18 =	vmul.f32 v6, v6;
	v0 =	vadd.f32 v42, v0;
	v42 =	vld [tilespmem:s17+$0x0];
	[tilespmem:$0x1ED40] =	vst v3;
	v3 =	vmul.f32 v8, v33  }
0x460: {  	[tilespmem:$0x1EEF0] =	vst v24;
	v1 =	vadd.f32 v14, v1;
	v14 =	vld [tilespmem:$0x1FD50];
	v24 =	vmul.f32 v23, v7;
	v23 =	vmul.f32 v8, v17  }
0x461: {  	v2 =	vadd.f32 v18, v2;
	v3 =	vmul.f32 v3, v4;
	v33 =	vmul.f32 v8, v31;
	v31 =	vld [tilespmem:s15+$0x4030]  }
0x462: {  	v1 =	vadd.f32 v36, v1;
	[tilespmem:$0x1ED30] =	vst v24;
	v24 =	vmul.f32 v21, v21;
	v29 =	vmul.f32 v23, v15;
	v15 =	vld [tilespmem:s15+$0x51A0]  }
0x463: {  	v34 =	vmul.f32 v54, v54;
	[tilespmem:$0x1ED60] =	vst v3;
	v3 =	vsub.f32 v32, v60;
	v32 =	vsub.f32 v35, v60;
	v35 =	vld [tilespmem:$0x1FDB0]  }
0x464: {  	v18 =	vmul.f32 v13, v13;
	v1 =	vadd.f32 v50, v1;
	v0 =	vadd.f32 v24, v0;
	[tilespmem:$0x1ED50] =	vst v29;
	v29 =	vld [tilespmem:s15+$0x5120]  }
0x465: {  	v2 =	vadd.f32 v34, v2;
	v34 =	vmul.f32 v33, v19;
	v24 =	vld [tilespmem:s15+$0x40B0]  }
0x466: {  	[smem:$0x7BF] =	sst s11;
	s11 =	sor.u32 $0x5200, s28;
	[tilespmem:$0x1EC70] =	vst v40;
	v1 =	vadd.f32 v39, v1;
	v0 =	vadd.f32 v18, v0;
	v18 =	vld [tilespmem:$0x1FD70]  }
0x467: {  	v40 =	vsub.f32 v20, v60;
	v5 =	vmul.f32 v8, v14;
	v19 =	vmul.f32 v42, v42;
	[tilespmem:$0x1ED70] =	vst v34;
	v34 =	vld [tilespmem:s11+$0x0]  }
0x468: {  	[smem:$0x7C0] =	sst s12;
	s12 =	sor.u32 $0x5280, s28;
	[tilespmem:$0x1ECB0] =	vst v39;
	v39 =	vsub.f32 v25, v60;
	v1 =	vadd.f32 v43, v1  }
0x469: {  	v9 =	vld [tilespmem:s12+$0x0];
	v3 =	vmul.f32 v5, v3;
	v2 =	vadd.f32 v19, v2;
	v17 =	vmul.f32 v29, v29  }
0x46a: {  	[tilespmem:$0x1EC90] =	vst v36;
	v33 =	vld [tilespmem:$0x1FD90];
	v7 =	vmul.f32 v31, v31;
	v20 =	vmul.f32 v15, v15;
	v1 =	vadd.f32 v11, v1  }
0x46b: {  	[smem:$0x7C6] =	sst s19;
	s19 =	sor.u32 $0x5300, s28;
	[tilespmem:$0x1ECC0] =	vst v43;
	v25 =	vld [tilespmem:$0x1FDD0];
	v19 =	vmul.f32 v24, v24;
	v14 =	vmul.f32 v8, v18;
	v0 =	vadd.f32 v17, v0  }
0x46c: {  	[smem:$0x7C3] =	sst s16;
	s16 =	sor.u32 $0x5380, s28;
	[tilespmem:$0x1ECE0] =	vst v28;
	v5 =	vmul.f32 v8, v35;
	v1 =	vadd.f32 v28, v1;
	v28 =	vld [tilespmem:s19+$0x0];
	v36 =	vmul.f32 v34, v34  }
0x46d: {  	[tilespmem:$0x1F180] =	vst v31;
	v23 =	vadd.f32 v19, v7;
	v7 =	vld [tilespmem:s16+$0x0];
	v4 =	vmul.f32 v14, v40;
	v0 =	vadd.f32 v20, v0  }
0x46e: {  	v38 =	vsub.f32 v38, v60;
	[tilespmem:$0x1F190] =	vst v24;
	v40 =	vld [tilespmem:s15+$0x4130];
	v20 =	vmul.f32 v5, v39  }
0x46f: {  	v1 =	vadd.f32 v6, v1;
	[tilespmem:$0x1ED90] =	vst v4;
	v4 =	vmul.f32 v8, v33;
	v0 =	vadd.f32 v36, v0;
	v36 =	vld [tilespmem:s15+$0x41B0]  }
0x470: {  	v50 =	vmovc v31;
	v31 =	vsub.f32 v30, v60;
	v43 =	vmov v24;
	v24 =	vsub.f32 v27, v60;
	[tilespmem:$0x1EDB0] =	vst v20;
	v20 =	vld [tilespmem:$0x1FE10]  }
0x471: {  	s29 =	sadd.s32 $0x30, s0;
	[tilespmem:$0x1ED80] =	vst v3;
	v27 =	vmul.f32 v9, v9;
	v1 =	vadd.f32 v54, v1;
	v3 =	vmul.f32 v4, v32;
	v32 =	vld [tilespmem:$0x1FDF0]  }
0x472: {  	s0 =	sor.u32 $0x4200, s29;
	[tilespmem:$0x1ECD0] =	vst v11;
	v2 =	vmul.f32 $3.125000000e-02, v2;
	v11 =	vsub.f32 v63, v60;
	v5 =	vmul.f32 v8, v25  }
0x473: {  	v39 =	vld [tilespmem:s0+$0x0];
	v1 =	vadd.f32 v42, v1;
	v0 =	vadd.f32 v27, v0;
	v27 =	vmul.f32 v28, v28  }
0x474: {  	v4 =	vmul.f32 v5, v24;
	v24 =	vsub.f32 v41, v60;
	v41 =	vld [tilespmem:$0x1FE50];
	v33 =	vmul.f32 v40, v40  }
0x475: {  	[smem:$0x7C1] =	sst s13;
	s13 =	sor.u32 $0x4280, s29;
	[tilespmem:$0x1ECF0] =	vst v6;
	v25 =	vld [tilespmem:$0x1FE30];
	v30 =	vmul.f32 v7, v7;
	v0 =	vadd.f32 v27, v0;
	v5 =	vmul.f32 v8, v20  }
0x476: {  	[tilespmem:$0x1EDA0] =	vst v3;
	v3 =	vadd.f32 v33, v23;
	v23 =	vmul.f32 v36, v36;
	v17 =	vmul.f32 v8, v32;
	v32 =	vld [tilespmem:s13+$0x0]  }
0x477: {  	[smem:$0x7C2] =	sst s14;
	s14 =	sor.u32 $0x4300, s29;
	v6 =	vmovc v28;
	[tilespmem:$0x1F040] =	vst v28;
	v1 =	vmul.f32 $3.125000000e-02, v1;
	v0 =	vadd.f32 v30, v0;
	v30 =	vsub.f32 v51, v60;
	v51 =	vld [tilespmem:$0x1FF10]  }
0x478: {  	[tilespmem:$0x1EDC0] =	vst v4;
	v28 =	vmul.f32 v39, v39;
	v3 =	vadd.f32 v23, v3;
	v4 =	vmul.f32 v5, v38;
	v38 =	vld [tilespmem:s14+$0x0]  }
0x479: {  	v5 =	vmul.f32 v8, v41;
	v41 =	vsub.f32 v48, v60;
	v48 =	vld [tilespmem:$0x1FEB0];
	v35 =	vmul.f32 v17, v31  }
0x47a: {  	v27 =	vmul.f32 v1, v1;
	v17 =	vmul.f32 v8, v25;
	v25 =	vld [tilespmem:$0x1FE90];
	v3 =	vadd.f32 v28, v3  }
0x47b: {  	v28 =	vsub.f32 v46, v60;
	v46 =	vld [tilespmem:$0x1FEF0];
	[tilespmem:$0x1EDE0] =	vst v35;
	v35 =	vsub.f32 v44, v60  }
0x47c: {  	v2 =	vsub.f32 v2, v27;
	v33 =	vmul.f32 v17, v24;
	v44 =	vld [tilespmem:$0x1FE70];
	v31 =	vmul.f32 v32, v32  }
0x47d: {  	[smem:$0x7C5] =	sst s18;
	s18 =	sor.u32 $0x4380, s29;
	v23 =	vsub.f32 v58, v60;
	[tilespmem:$0x1EDF0] =	vst v4;
	v24 =	vld [tilespmem:s15+$0x6020];
	v18 =	vmul.f32 v8, v51;
	v4 =	vmul.f32 v5, v35  }
0x47e: {  	v58 =	vld [tilespmem:s18+$0x0];
	v2 =	vadd.f32 $9.999999740e-06, v2;
	v5 =	vmul.f32 v8, v48;
	v27 =	vmul.f32 v38, v38  }
0x47f: {  	[smem:$0x7CE] =	sst s5;
	[tilespmem:$0x1EDD0] =	vst v22;
	s5 =	sor.u32 $0x6300, s28;
	v17 =	vmul.f32 v8, v25;
	v3 =	vadd.f32 v31, v3;
	v25 =	vld [tilespmem:$0x1FED0];
	v31 =	vsub.f32 v61, v60  }
0x480: {  	v61 =	vadd.f32 v49, v22;
	v22 =	vsub.f32 v56, v60;
	v56 =	vld [tilespmem:s5+$0x0];
	[tilespmem:$0x1EE10] =	vst v4;
	v4 =	vmul.f32 v5, v41  }
0x481: {  	v41 =	vshra.s32 v2, $0x1;
	v2 =	vmul.f32 $5.000000000e-01, v2;
	v10 =	vmul.f32 v8, v44;
	v44 =	vld [tilespmem:s15+$0x60A0]  }
0x482: {  	v14 =	vmul.f32 v8, v46;
	v46 =	vld [tilespmem:s15+$0x6120];
	v63 =	vmul.f32 v24, v24  }
0x483: {  	[tilespmem:$0x1EE00] =	vst v33;
	v35 =	vmul.f32 v17, v28;
	v3 =	vadd.f32 v27, v3;
	v33 =	vmul.f32 v10, v11;
	v11 =	vld [tilespmem:s15+$0x5030]  }
0x484: {  	[tilespmem:$0x1EE80] =	vst v47;
	v5 =	vmul.f32 v18, v31;
	v0 =	vadd.f32 v63, v0;
	v10 =	vsub.s32 $0x5F3759DF, v41;
	v41 =	vld [tilespmem:$0x1FC20]  }
0x485: {  	[tilespmem:$0x1EE60] =	vst v4;
	v63 =	vmul.f32 v58, v58;
	v17 =	vmul.f32 v8, v25;
	v25 =	vadd.f32 v45, v61;
	v61 =	vld [tilespmem:$0x1FC00]  }
0x486: {  	v27 =	vsub.f32 v53, v60;
	v18 =	vld [tilespmem:$0x1FFE0];
	v4 =	vmul.f32 v14, v30;
	[tilespmem:$0x1EE50] =	vst v35;
	v48 =	vmul.f32 v44, v44  }
0x487: {  	[tilespmem:$0x1EEB0] =	vst v5;
	v35 =	vld [tilespmem:s15+$0x50B0];
	v3 =	vadd.f32 v63, v3;
	v28 =	vmul.f32 v17, v23;
	v23 =	vmul.f32 v10, v2  }
0x488: {  	[tilespmem:$0x1EEA0] =	vst v4;
	v49 =	vmul.f32 v46, v46;
	v5 =	vadd.f32 v47, v25;
	v25 =	vld [tilespmem:$0x1FC30];
	v0 =	vadd.f32 v48, v0  }
0x489: {  	v47 =	vld [tilespmem:$0x1FF50];
	[tilespmem:$0x1EE70] =	vst v28;
	v28 =	vsub.f32 v52, v60;
	v4 =	vmul.f32 v10, v23;
	v31 =	vmul.f32 v8, v41  }
0x48a: {  	[smem:$0x7D5] =	sst s18;
	s18 =	sor.u32 $0x5200, s29;
	v48 =	vld [tilespmem:s15+$0x61A0];
	v51 =	vmul.f32 v11, v11;
	v5 =	vadd.f32 v37, v5;
	v30 =	vmul.f32 v8, v61  }
0x48b: {  	v4 =	vsub.f32 $1.500000000e+00, v4;
	v53 =	vmul.f32 v31, v28;
	v0 =	vadd.f32 v49, v0;
	v28 =	vld [tilespmem:s18+$0x0]  }
0x48c: {  	v3 =	vadd.f32 v51, v3;
	v49 =	vmul.f32 v35, v35;
	v52 =	vmul.f32 v30, v27;
	v27 =	vld [tilespmem:s15+$0x5130]  }
0x48d: {  	[smem:$0x7CA] =	sst s7;
	s7 =	sor.u32 $0x6280, s28;
	v5 =	vadd.f32 v12, v5;
	v31 =	vsub.f32 v55, v60;
	v30 =	vld [tilespmem:$0x1FFA0]  }
0x48e: {  	[smem:$0x7D3] =	sst s13;
	s13 =	sor.u32 $0x5300, s29;
	v20 =	vmul.f32 v8, v47;
	v4 =	vmul.f32 v10, v4;
	v3 =	vadd.f32 v49, v3;
	v49 =	vld [tilespmem:s7+$0x0]  }
0x48f: {  	[tilespmem:$0x1EE40] =	vst v33;
	v5 =	vadd.f32 v26, v5;
	v26 =	vld [tilespmem:s13+$0x0]  }
0x490: {  	[smem:$0x7CB] =	sst s8;
	s8 =	sor.u32 $0x6200, s28;
	[tilespmem:$0x1EED0] =	vst v53;
	v53 =	vmul.f32 v20, v31;
	v31 =	vld [tilespmem:s15+$0x51B0];
	v33 =	vmul.f32 v4, v2  }
0x491: {  	v63 =	vsub.f32 v57, v60;
	v14 =	vmul.f32 v8, v25;
	[tilespmem:$0x1EEC0] =	vst v52;
	v52 =	vld [tilespmem:s8+$0x0]  }
0x492: {  	[tilespmem:$0x1EF40] =	vst v16;
	v5 =	vadd.f32 v16, v5;
	v51 =	vmul.f32 v33, v4;
	v33 =	vld [tilespmem:$0x1FC40]  }
0x493: {  	v10 =	vmul.f32 v14, v63;
	v57 =	vmul.f32 v27, v27;
	v16 =	vmov v27;
	[tilespmem:$0x1F220] =	vst v27;
	v27 =	vld [tilespmem:$0x1FF80]  }
0x494: {  	[tilespmem:$0x1EF50] =	vst v21;
	v5 =	vadd.f32 v21, v5;
	v21 =	vsub.f32 v59, v60;
	v17 =	vmul.f32 v8, v30;
	v59 =	vld [tilespmem:$0x1FFC0]  }
0x495: {  	v3 =	vadd.f32 v57, v3;
	v23 =	vmul.f32 v31, v31;
	v57 =	vld [tilespmem:$0x1EB00]  }
0x496: {  	[smem:$0x7D1] =	sst s12;
	s12 =	sor.u32 $0x5380, s29;
	[tilespmem:$0x1EF00] =	vst v10;
	v10 =	vsub.f32 $1.500000000e+00, v51;
	v51 =	vmul.f32 v17, v22;
	v22 =	vld [tilespmem:$0x1FC50]  }
0x497: {  	[tilespmem:$0x1EE30] =	vst v45;
	v37 =	vmul.f32 v48, v48;
	v3 =	vadd.f32 v23, v3;
	v23 =	vld [tilespmem:s12+$0x0]  }
0x498: {  	[smem:$0x7D4] =	sst s14;
	s14 =	sor.u32 $0x5280, s29;
	v5 =	vadd.f32 v13, v5;
	[tilespmem:$0x1EF60] =	vst v51;
	v51 =	vld [tilespmem:$0x1EB30]  }
0x499: {  	[tilespmem:$0x1EEE0] =	vst v12;
	v0 =	vadd.f32 v37, v0;
	v55 =	vmul.f32 v52, v52;
	v14 =	vmul.f32 v8, v27;
	v27 =	vld [tilespmem:s14+$0x0]  }
0x49a: {  	v45 =	vmovc v11;
	v37 =	vmul.f32 v49, v49;
	v5 =	vadd.f32 v29, v5;
	v12 =	vmul.f32 v8, v59;
	v59 =	vld [tilespmem:$0x1EB40]  }
0x49b: {  	[tilespmem:$0x1F200] =	vst v11;
	v0 =	vadd.f32 v55, v0;
	v11 =	vmul.f32 v8, v33;
	v8 =	vmul.f32 v8, v18;
	v18 =	vld [tilespmem:$0x1FD30]  }
0x49c: {  	[tilespmem:$0x1EFE0] =	vst v15;
	v63 =	vsub.f32 v62, v60;
	v5 =	vadd.f32 v15, v5;
	v15 =	vld [tilespmem:$0x1EB10]  }
0x49d: {  	[dreg:$0x16] =	wrdreg s3;
	s3 =	sor.u32 $0x6380, s28;
	[tilespmem:$0x1EF10] =	vst v53;
	v4 =	vmul.f32 v10, v4;
	v53 =	vadd.f32 v37, v0;
	v37 =	vld [tilespmem:s15+$0x70A0]  }
0x49e: {  	v62 =	vmul.f32 v56, v56;
	v20 =	vmul.f32 v11, v63;
	v63 =	vld [tilespmem:s3+$0x0]  }
0x49f: {  	v2 =	vmul.f32 v4, v2;
	v10 =	vmul.f32 v14, v21;
	v14 =	vld [tilespmem:$0x1EB50]  }
0x4a0: {  	[tilespmem:$0x1EF90] =	vst v13;
	v5 =	vadd.f32 v34, v5;
	v17 =	vadd.f32 v62, v53;
	v53 =	vld [tilespmem:$0x1FC70]  }
0x4a1: {  	v55 =	vmul.f32 v2, v4;
	[tilespmem:$0x1EF20] =	vst v20;
	v20 =	vld [tilespmem:$0x1EB20]  }
0x4a2: {  	[tilespmem:$0x1F030] =	vst v9;
	v2 =	vsub.f32 v57, v60;
	v5 =	vadd.f32 v9, v5;
	v9 =	vld [tilespmem:$0x1FC90]  }
0x4a3: {  	[tilespmem:$0x1EFF0] =	vst v34;
	v0 =	vsub.f32 $1.500000000e+00, v55;
	v62 =	vsub.f32 v59, v1;
	v59 =	vld [tilespmem:$0x1EB80]  }
0x4a4: {  	[tilespmem:$0x1F090] =	vst v7;
	v57 =	vmul.f32 v12, v2;
	v2 =	vsub.f32 v15, v60;
	v60 =	vld [tilespmem:s15+$0x7020]  }
0x4a5: {  	[tilespmem:$0x1F1A0] =	vst v40;
	v47 =	vmul.f32 v28, v28;
	v15 =	vld [tilespmem:$0x1FCB0];
	v0 =	vmul.f32 v0, v4  }
0x4a6: {  	[tilespmem:$0x1F1C0] =	vst v39;
	v5 =	vadd.f32 v6, v5;
	v6 =	vld [tilespmem:$0x1FD10]  }
0x4a7: {  	[tilespmem:$0x1F1B0] =	vst v36;
	v25 =	vmul.f32 v26, v26;
	v3 =	vadd.f32 v47, v3;
	v13 =	vmul.f32 v0, v22;
	v22 =	vld [tilespmem:s15+$0x6030]  }
0x4a8: {  	[tilespmem:$0x1F1D0] =	vst v32;
	v11 =	vmul.f32 v27, v27;
	v19 =	vmul.f32 v63, v63;
	v21 =	vsub.f32 v20, v1;
	v20 =	vld [tilespmem:s15+$0x60B0]  }
0x4a9: {  	[tilespmem:$0x1F1E0] =	vst v38;
	v2 =	vmul.f32 v8, v2;
	v34 =	vadd.f32 v7, v5;
	v5 =	vsub.f32 v51, v1;
	v51 =	vld [tilespmem:$0x1EB70]  }
0x4aa: {  	[tilespmem:$0x1F1F0] =	vst v58;
	v3 =	vadd.f32 v11, v3;
	v8 =	vmul.f32 v0, v53;
	v7 =	vld [tilespmem:s15+$0x71A0];
	v47 =	vmul.f32 v13, v21  }
0x4ab: {  	[tilespmem:$0x1F0B0] =	vst v24;
	v30 =	vadd.f32 v19, v17;
	v55 =	vmul.f32 v60, v60;
	v13 =	vmul.f32 v0, v9;
	v9 =	vld [tilespmem:s15+$0x7120]  }
0x4ac: {  	[tilespmem:$0x1F210] =	vst v35;
	v11 =	vmul.f32 v23, v23;
	v3 =	vadd.f32 v25, v3;
	v4 =	vadd.f32 v24, v34;
	v24 =	vld [tilespmem:$0x1EB60]  }
0x4ad: {  	[tilespmem:$0x1EF70] =	vst v2;
	v5 =	vmul.f32 v8, v5;
	v2 =	vadd.f32 v55, v30;
	v30 =	vld [tilespmem:$0x1FCD0]  }
0x4ae: {  	[tilespmem:$0x1F240] =	vst v28;
	v17 =	vmul.f32 v37, v37;
	v53 =	vld [tilespmem:$0x1FCF0];
	v3 =	vadd.f32 v11, v3;
	v4 =	vadd.f32 v44, v4  }
0x4af: {  	v19 =	vld [tilespmem:s15+$0x6130];
	v8 =	vmul.f32 v0, v15;
	[tilespmem:$0x1EFA0] =	vst v5;
	v13 =	vmul.f32 v13, v62;
	v5 =	vsub.f32 v14, v1  }
0x4b0: {  	[tilespmem:$0x1F260] =	vst v26;
	v62 =	vsub.f32 v59, v1;
	v59 =	vld [tilespmem:$0x1FD70];
	v34 =	vmul.f32 v22, v22;
	v4 =	vadd.f32 v46, v4  }
0x4b1: {  	[tilespmem:$0x1F230] =	vst v31;
	v5 =	vmul.f32 v8, v5;
	v2 =	vadd.f32 v17, v2;
	v17 =	vld [tilespmem:$0x1EB90];
	v55 =	vmul.f32 v9, v9  }
0x4b2: {  	[tilespmem:$0x1EFB0] =	vst v13;
	v25 =	vsub.f32 v24, v1;
	v4 =	vadd.f32 v48, v4;
	v13 =	vmul.f32 v0, v30;
	v30 =	vld [tilespmem:$0x1EBA0]  }
0x4b3: {  	[smem:$0x7D2] =	sst s0;
	s0 =	sor.u32 $0x7200, s28;
	v8 =	vmul.f32 v0, v53;
	[tilespmem:$0x1EFC0] =	vst v5;
	v5 =	vsub.f32 v51, v1;
	v2 =	vadd.f32 v55, v2;
	v55 =	vld [tilespmem:$0x1EBB0]  }
0x4b4: {  	[tilespmem:$0x1EF80] =	vst v47;
	v4 =	vadd.f32 v52, v4;
	v47 =	vmul.f32 v13, v25;
	v13 =	vmul.f32 v0, v6;
	v6 =	vld [tilespmem:s0+$0x0]  }
0x4b5: {  	[tilespmem:$0x1EF30] =	vst v10;
	v11 =	vmul.f32 v20, v20;
	v3 =	vadd.f32 v34, v3;
	v5 =	vmul.f32 v8, v5;
	v25 =	vld [tilespmem:s15+$0x61B0]  }
0x4b6: {  	v4 =	vadd.f32 v49, v4;
	[tilespmem:$0x1EFD0] =	vst v47;
	v15 =	vmul.f32 v13, v62;
	v47 =	vld [tilespmem:$0x1FD50]  }
0x4b7: {  	v51 =	vmul.f32 v19, v19;
	v3 =	vadd.f32 v11, v3;
	[tilespmem:$0x1F000] =	vst v5;
	v5 =	vsub.f32 v17, v1;
	v17 =	vld [tilespmem:$0x1FD90]  }
0x4b8: {  	v21 =	vmul.f32 v7, v7;
	v8 =	vmul.f32 v0, v18;
	v4 =	vadd.f32 v56, v4;
	[tilespmem:$0x1F010] =	vst v15;
	v15 =	vld [tilespmem:$0x1EBC0]  }
0x4b9: {  	[smem:$0x7CF] =	sst s6;
	s6 =	sor.u32 $0x6200, s29;
	[tilespmem:$0x1F270] =	vst v23;
	v3 =	vadd.f32 v51, v3;
	v51 =	vld [tilespmem:$0x1EBE0]  }
0x4ba: {  	[tilespmem:$0x1F250] =	vst v27;
	v18 =	vld [tilespmem:s6+$0x0];
	v2 =	vadd.f32 v21, v2;
	v5 =	vmul.f32 v8, v5;
	v4 =	vadd.f32 v63, v4  }
0x4bb: {  	[smem:$0x7CD] =	sst s31;
	s31 =	sor.u32 $0x7280, s28;
	[tilespmem:$0x1F280] =	vst v22;
	v34 =	vsub.f32 v30, v1;
	v8 =	vmul.f32 v0, v59;
	v30 =	vld [tilespmem:$0x1EBD0];
	v13 =	vmul.f32 v0, v47  }
0x4bc: {  	[tilespmem:$0x1F020] =	vst v5;
	v5 =	vsub.f32 v55, v1;
	v55 =	vld [tilespmem:s31+$0x0];
	v62 =	vmul.f32 v6, v6;
	v4 =	vadd.f32 v60, v4  }
0x4bd: {  	[tilespmem:$0x1F290] =	vst v20;
	v12 =	vmul.f32 v0, v17;
	v53 =	vmul.f32 v13, v34;
	v11 =	vsub.f32 v15, v1;
	v34 =	vld [tilespmem:$0x1FDB0]  }
0x4be: {  	[tilespmem:$0x1F160] =	vst v7;
	v21 =	vmul.f32 v25, v25;
	v59 =	vsub.f32 v51, v1;
	v51 =	vld [tilespmem:$0x1EC00];
	v4 =	vadd.f32 v37, v4  }
0x4bf: {  	[tilespmem:$0x1F2A0] =	vst v19;
	v2 =	vadd.f32 v62, v2;
	v62 =	vld [tilespmem:$0x1FDD0];
	v24 =	vmul.f32 v12, v11  }
0x4c0: {  	[tilespmem:$0x1F150] =	vst v9;
	v5 =	vmul.f32 v8, v5;
	v3 =	vadd.f32 v21, v3;
	v21 =	vld [tilespmem:$0x1EBF0];
	v4 =	vadd.f32 v9, v4  }
0x4c1: {  	[tilespmem:$0x1F070] =	vst v24;
	v24 =	vld [tilespmem:$0x1FDF0]  }
0x4c2: {  	[smem:$0x7C9] =	sst s4;
	s4 =	sor.u32 $0x6280, s29;
	[tilespmem:$0x1F060] =	vst v5;
	v5 =	vsub.f32 v30, v1;
	v4 =	vadd.f32 v7, v4;
	v7 =	vld [tilespmem:$0x1FE10];
	v8 =	vmul.f32 v0, v34  }
0x4c3: {  	[smem:$0x7C8] =	sst s26;
	s26 =	sor.u32 $0x7300, s28;
	[tilespmem:$0x1F2C0] =	vst v18;
	v30 =	vld [tilespmem:s4+$0x0]  }
0x4c4: {  	v47 =	vmul.f32 v55, v55;
	[tilespmem:$0x1F050] =	vst v53;
	v53 =	vld [tilespmem:s26+$0x0];
	v5 =	vmul.f32 v8, v5  }
0x4c5: {  	v14 =	vld [tilespmem:$0x1EC10];
	[tilespmem:$0x1F170] =	vst v6;
	v12 =	vmul.f32 v0, v62  }
0x4c6: {  	[smem:$0x7C7] =	sst s25;
	s25 =	sor.u32 $0x7380, s28;
	v15 =	vld [tilespmem:$0x1EC20];
	v2 =	vadd.f32 v47, v2;
	[tilespmem:$0x1F080] =	vst v5;
	v5 =	vsub.f32 v21, v1;
	v8 =	vmul.f32 v0, v24  }
0x4c7: {  	[dreg:$0x1d] =	wrdreg s2;
	s2 =	sor.u32 $0x6300, s29;
	[tilespmem:$0x1F2B0] =	vst v25;
	v47 =	vld [tilespmem:s25+$0x0];
	v17 =	vmul.f32 v12, v59;
	v59 =	vsub.f32 v51, v1;
	v12 =	vmul.f32 v0, v7  }
0x4c8: {  	v62 =	vld [tilespmem:s2+$0x0];
	[tilespmem:$0x1F2D0] =	vst v30;
	v5 =	vmul.f32 v8, v5  }
0x4c9: {  	[smem:$0x7BC] =	sst s1;
	[tilespmem:$0x1F0A0] =	vst v17;
	v34 =	vmul.f32 v53, v53;
	v17 =	vld [tilespmem:$0x1FE30];
	v12 =	vmul.f32 v12, v59  }
0x4ca: {  	[smem:$0x7CC] =	sst s30;
	v21 =	vld [tilespmem:$0x1EC30];
	[tilespmem:$0x1F0C0] =	vst v5  }
0x4cb: {  	[smem:$0x7D0] =	sst s11;
	v2 =	vadd.f32 v34, v2;
	v34 =	vld [tilespmem:$0x1FE50];
	[tilespmem:$0x1F0D0] =	vst v12  }
0x4cc: {  	v9 =	vmul.f32 v18, v18;
	v4 =	vadd.f32 v6, v4;
	v7 =	vld [tilespmem:$0x1FE70];
	_ =	sdelay $0x1  }
0x4cd: {  	v3 =	vadd.f32 v9, v3;
	v9 =	vmul.f32 v30, v30;
	v4 =	vadd.f32 v55, v4  }
0x4ce: {  	s1 =	sor.u32 $0x6380, s29;
	v24 =	vsub.f32 v21, v1;
	v21 =	vld [tilespmem:$0x1EC40]  }
0x4cf: {  	v3 =	vadd.f32 v9, v3;
	v51 =	vmul.f32 v47, v47;
	v4 =	vadd.f32 v53, v4;
	v59 =	vld [tilespmem:s1+$0x0]  }
0x4d0: {  	v8 =	vsub.f32 v15, v1;
	v12 =	vmul.f32 v0, v34;
	v34 =	vld [tilespmem:$0x1EC50];
	v9 =	vmul.f32 v0, v7  }
0x4d1: {  	v2 =	vadd.f32 v51, v2;
	v10 =	vmul.f32 v0, v17;
	v4 =	vadd.f32 v47, v4;
	v6 =	vld [tilespmem:s15+$0x70B0]  }
0x4d2: {  	v5 =	vsub.f32 v14, v1;
	v14 =	vmul.f32 v62, v62;
	v17 =	vmul.f32 v9, v24;
	v24 =	vld [tilespmem:$0x1FE90]  }
0x4d3: {  	v11 =	vmul.f32 $3.125000000e-02, v4;
	v15 =	vmul.f32 v12, v8;
	v4 =	vsub.f32 v21, v1;
	v21 =	vld [tilespmem:$0x1EC60]  }
0x4d4: {  	[tilespmem:$0x1F100] =	vst v17;
	v17 =	vld [tilespmem:$0x1FED0]  }
0x4d5: {  	v2 =	vmul.f32 $3.125000000e-02, v2;
	v5 =	vmul.f32 v10, v5;
	v3 =	vadd.f32 v14, v3;
	[tilespmem:$0x1F0F0] =	vst v15;
	v15 =	vld [tilespmem:$0x1FEB0]  }
0x4d6: {  	v14 =	vadd.f32 v43, v50;
	v43 =	vld [tilespmem:$0x1EC80];
	v51 =	vsub.f32 v34, v1;
	v34 =	vmul.f32 v11, v11  }
0x4d7: {  	[tilespmem:$0x1F0E0] =	vst v5;
	v7 =	vld [tilespmem:$0x1FF10];
	v5 =	vmul.f32 v0, v24  }
0x4d8: {  	v2 =	vsub.f32 v2, v34;
	v24 =	vld [tilespmem:s15+$0x7030]  }
0x4d9: {  	v34 =	vld [tilespmem:$0x1EC70];
	v13 =	vsub.f32 v21, v1;
	v12 =	vmul.f32 v0, v17;
	v4 =	vmul.f32 v5, v4  }
0x4da: {  	v9 =	vmul.f32 v59, v59;
	v10 =	vmul.f32 v0, v15  }
0x4db: {  	v2 =	vadd.f32 $9.999999740e-06, v2;
	[tilespmem:$0x1F110] =	vst v4;
	v15 =	vmul.f32 v12, v13;
	v4 =	vadd.f32 v40, v14;
	v40 =	vld [tilespmem:$0x1FEF0]  }
0x4dc: {  	v50 =	vsub.f32 v43, v1;
	v3 =	vadd.f32 v9, v3  }
0x4dd: {  	v21 =	vshra.s32 v2, $0x1;
	v9 =	vmul.f32 v24, v24;
	[tilespmem:$0x1F120] =	vst v15;
	v4 =	vadd.f32 v36, v4;
	v15 =	vld [tilespmem:s15+$0x7130]  }
0x4de: {  	[tilespmem:$0x1F310] =	vst v6;
	v2 =	vmul.f32 $5.000000000e-01, v2;
	v5 =	vsub.f32 v34, v1;
	v34 =	vld [tilespmem:$0x1EC90];
	v12 =	vmul.f32 v0, v7  }
0x4df: {  	v17 =	vmul.f32 v6, v6;
	v36 =	vmovc v6;
	v6 =	vld [tilespmem:s15+$0x71B0];
	v3 =	vadd.f32 v9, v3;
	v4 =	vadd.f32 v39, v4  }
0x4e0: {  	v14 =	vmul.f32 v12, v50;
	v8 =	vmul.f32 v0, v40;
	v40 =	vld [tilespmem:$0x1ECA0]  }
0x4e1: {  	v39 =	vmul.f32 v0, v61;
	v3 =	vadd.f32 v17, v3;
	v4 =	vadd.f32 v32, v4  }
0x4e2: {  	v17 =	vld [tilespmem:$0x1ECE0];
	v5 =	vmul.f32 v8, v5;
	v8 =	vsub.s32 $0x5F3759DF, v21;
	v9 =	vmul.f32 v15, v15  }
0x4e3: {  	v43 =	vmovc v61;
	v61 =	vmul.f32 v0, v41;
	v21 =	vld [tilespmem:$0x1ECB0];
	v12 =	vmul.f32 v8, v2;
	v4 =	vadd.f32 v38, v4  }
0x4e4: {  	v38 =	vld [tilespmem:$0x1FC30];
	[tilespmem:$0x1F130] =	vst v5;
	v5 =	vsub.f32 v34, v1;
	v3 =	vadd.f32 v9, v3;
	v9 =	vmul.f32 v6, v6  }
0x4e5: {  	[tilespmem:$0x1F140] =	vst v14;
	v50 =	vsub.f32 v40, v1;
	v14 =	vmul.f32 v8, v12;
	v4 =	vadd.f32 v58, v4;
	v58 =	vld [tilespmem:$0x1FF50]  }
0x4e6: {  	s11 =	sor.u32 $0x7200, s29;
	v40 =	vmul.f32 v39, v5;
	v39 =	vld [tilespmem:$0x1ECC0]  }
0x4e7: {  	s28 =	sor.u32 $0x7300, s29;
	v32 =	vmovc v41;
	v3 =	vadd.f32 v9, v3;
	v41 =	vmul.f32 v61, v50;
	v5 =	vsub.f32 $1.500000000e+00, v14;
	v50 =	vld [tilespmem:s11+$0x0]  }
0x4e8: {  	v9 =	vsub.f32 v17, v1;
	v17 =	vld [tilespmem:s28+$0x0];
	v4 =	vadd.f32 v45, v4  }
0x4e9: {  	v34 =	vsub.f32 v21, v1;
	v14 =	vld [tilespmem:$0x1ECD0];
	v12 =	vmul.f32 v0, v38;
	v5 =	vmul.f32 v8, v5  }
0x4ea: {  	s30 =	sor.u32 $0x7280, s29;
	v51 =	vmul.f32 v10, v51;
	v7 =	vsub.f32 v54, v1;
	v4 =	vadd.f32 v35, v4;
	v35 =	vld [tilespmem:$0x1ECF0]  }
0x4eb: {  	v13 =	vsub.f32 v39, v1;
	v39 =	vmul.f32 v12, v34;
	v34 =	vld [tilespmem:s30+$0x0];
	v21 =	vmul.f32 v5, v2  }
0x4ec: {  	v4 =	vadd.f32 v16, v4;
	v45 =	vmul.f32 v50, v50;
	v54 =	vmov v50;
	[tilespmem:$0x1F340] =	vst v50;
	v50 =	vld [tilespmem:$0x1ED10]  }
0x4ed: {  	v61 =	vmul.f32 v0, v58;
	v10 =	vmul.f32 v21, v5;
	v21 =	vld [tilespmem:$0x1FC60]  }
0x4ee: {  	v4 =	vadd.f32 v31, v4;
	v31 =	vld [tilespmem:$0x1ED00]  }
0x4ef: {  	v38 =	vmul.f32 v61, v13;
	v13 =	vld [tilespmem:$0x1FF80]  }
0x4f0: {  	[tilespmem:$0x1F360] =	vst v17;
	v8 =	vsub.f32 v14, v1;
	v61 =	vmul.f32 v0, v33;
	v3 =	vadd.f32 v45, v3;
	v45 =	vld [tilespmem:$0x1FC80]  }
0x4f1: {  	v33 =	vmul.f32 v17, v17;
	v12 =	vsub.f32 v35, v1;
	v1 =	vsub.f32 v42, v1;
	v42 =	vmovc v17;
	v17 =	vld [tilespmem:$0x1ED30]  }
0x4f2: {  	v35 =	vmul.f32 v61, v8;
	v16 =	vsub.f32 $1.500000000e+00, v10;
	v61 =	vld [tilespmem:$0x1FCA0]  }
0x4f3: {  	v4 =	vadd.f32 v28, v4;
	v10 =	vld [tilespmem:$0x1ED20]  }
0x4f4: {  	v5 =	vmul.f32 v16, v5;
	v16 =	vld [tilespmem:$0x1FCC0]  }
0x4f5: {  	v14 =	vmul.f32 v34, v34;
	v4 =	vadd.f32 v27, v4;
	v27 =	vld [tilespmem:$0x1ED40]  }
0x4f6: {  	[tilespmem:$0x1F330] =	vst v6;
	v58 =	vmov v6;
	v6 =	vadd.f32 v31, v21;
	v21 =	vld [tilespmem:$0x1FCE0]  }
0x4f7: {  	v3 =	vadd.f32 v14, v3;
	v14 =	vmul.f32 v0, v13;
	v13 =	vld [tilespmem:$0x1ED60]  }
0x4f8: {  	v8 =	vadd.f32 v50, v45;
	v45 =	vld [tilespmem:$0x1ED50]  }
0x4f9: {  	v50 =	vld [tilespmem:$0x1FFA0]  }
0x4fa: {  	v4 =	vadd.f32 v26, v4;
	v26 =	vld [tilespmem:$0x1EDC0]  }
0x4fb: {  	v31 =	vadd.f32 v33, v3;
	v33 =	vld [tilespmem:$0x1FD00]  }
0x4fc: {  	[tilespmem:s15+$0xC000] =	vst v6;
	v6 =	vadd.f32 v10, v61;
	v10 =	vld [tilespmem:$0x1FD20]  }
0x4fd: {  	v28 =	vmul.f32 v14, v9;
	v14 =	vld [tilespmem:$0x1FD40]  }
0x4fe: {  	v4 =	vadd.f32 v23, v4;
	v23 =	vld [tilespmem:$0x1FDE0]  }
0x4ff: {  	[tilespmem:s15+$0xC080] =	vst v8;
	v8 =	vadd.f32 v17, v16;
	v16 =	vld [tilespmem:$0x1ED70]  }
0x500: {  	v17 =	vld [tilespmem:$0x1FFC0]  }
0x501: {  	[tilespmem:s15+$0xC100] =	vst v6;
	v4 =	vadd.f32 v22, v4;
	v22 =	vld [tilespmem:$0x1EDB0]  }
0x502: {  	[tilespmem:s23+$0x8000] =	vst v8;
	v8 =	vld [tilespmem:$0x1FEE0]  }
0x503: {  	v6 =	vadd.f32 v27, v21;
	v9 =	vadd.f32 v45, v33;
	v33 =	vld [tilespmem:$0x1FD60]  }
0x504: {  	s23 =	rddreg [dreg:$0x1d];
	v45 =	vld [tilespmem:$0x1ED80]  }
0x505: {  	v61 =	vmul.f32 v0, v50;
	[tilespmem:s23+$0x8000] =	vst v6;
	v6 =	vadd.f32 v13, v10;
	v13 =	vld [tilespmem:$0x1ED90]  }
0x506: {  	v4 =	vadd.f32 v20, v4;
	v20 =	vld [tilespmem:$0x1FE40]  }
0x507: {  	v27 =	vmul.f32 v61, v12;
	v12 =	vld [tilespmem:$0x1FD80]  }
0x508: {  	v10 =	vadd.f32 v16, v14;
	v16 =	vld [tilespmem:$0x1FDA0]  }
0x509: {  	v21 =	vmul.f32 v0, v17;
	v17 =	vld [tilespmem:$0x1EDA0]  }
0x50a: {  	s23 =	rddreg [dreg:$0x1e];
	v4 =	vadd.f32 v19, v4;
	v19 =	vld [tilespmem:$0x1FE80]  }
0x50b: {  	[tilespmem:s23+$0x8000] =	vst v9;
	v9 =	vld [tilespmem:$0x1EE70]  }
0x50c: {  	v50 =	vmul.f32 v21, v7;
	v21 =	vld [tilespmem:$0x1FDC0]  }
0x50d: {  	v2 =	vmul.f32 v5, v2;
	s23 =	rddreg [dreg:$0x1f];
	v7 =	vadd.f32 v26, v23;
	v26 =	vld [tilespmem:$0x1EE10]  }
0x50e: {  	[tilespmem:s23+$0x8000] =	vst v6;
	s23 =	sld [smem:$0x7B1];
	v4 =	vadd.f32 v25, v4;
	v25 =	vld [tilespmem:$0x1EE50]  }
0x50f: {  	v2 =	vmul.f32 v2, v5;
	v61 =	vadd.f32 v45, v33;
	v33 =	vld [tilespmem:$0x1FFE0]  }
0x510: {  	v45 =	vld [tilespmem:$0x1EDD0]  }
0x511: {  	v2 =	vsub.f32 $1.500000000e+00, v2;
	[tilespmem:s23+$0x8000] =	vst v10;
	v10 =	vld [tilespmem:$0x1FC50]  }
0x512: {  	v14 =	vadd.f32 v13, v12;
	v13 =	vld [tilespmem:$0x1FE00]  }
0x513: {  	v6 =	vmul.f32 v2, v5;
	v2 =	vadd.f32 v17, v16;
	v16 =	vld [tilespmem:$0x1FE20]  }
0x514: {  	v17 =	vld [tilespmem:$0x1EDF0]  }
0x515: {  	[tilespmem:s15+$0xD080] =	vst v14;
	v14 =	vld [tilespmem:$0x1EDE0]  }
0x516: {  	v5 =	vadd.f32 v22, v21;
	v21 =	vld [tilespmem:$0x1EE00]  }
0x517: {  	v22 =	vld [tilespmem:$0x1FE60]  }
0x518: {  	[tilespmem:s15+$0xD000] =	vst v61;
	v0 =	vmul.f32 v0, v33;
	v61 =	vsub.f32 v45, v11;
	v45 =	vld [tilespmem:$0x1EE20]  }
0x519: {  	s23 =	sld [smem:$0x7B2];
	v12 =	vmul.f32 v6, v10;
	v10 =	vld [tilespmem:$0x1EE80]  }
0x51a: {  	v33 =	vmul.f32 v0, v1;
	v1 =	vadd.f32 v17, v16;
	v16 =	vld [tilespmem:$0x1FC90]  }
0x51b: {  	[tilespmem:s15+$0xD100] =	vst v2;
	v23 =	vmul.f32 v12, v61;
	v12 =	vld [tilespmem:$0x1FC70]  }
0x51c: {  	[tilespmem:s23+$0x8000] =	vst v5;
	s23 =	sld [smem:$0x7B3];
	v0 =	vadd.f32 v14, v13;
	v14 =	vld [tilespmem:$0x1EE30]  }
0x51d: {  	v2 =	vadd.f32 v21, v20;
	v21 =	vld [tilespmem:$0x1FEA0]  }
0x51e: {  	v5 =	vadd.f32 v26, v22;
	v26 =	vld [tilespmem:$0x1FEC0]  }
0x51f: {  	[tilespmem:s23+$0x8000] =	vst v7;
	s23 =	sld [smem:$0x7B4];
	v61 =	vsub.f32 v45, v11;
	v45 =	vld [tilespmem:$0x1EE60]  }
0x520: {  	v20 =	vld [tilespmem:$0x1EE40]  }
0x521: {  	v17 =	vmul.f32 v6, v16;
	v16 =	vld [tilespmem:$0x1EE90];
	v13 =	vmul.f32 v6, v12  }
0x522: {  	[tilespmem:s23+$0x8000] =	vst v0;
	s23 =	sld [smem:$0x7B5];
	v7 =	vadd.f32 v25, v21;
	v25 =	vld [tilespmem:$0x1FCD0]  }
0x523: {  	v22 =	vmul.f32 v13, v61;
	v13 =	vld [tilespmem:$0x1FCB0]  }
0x524: {  	v3 =	vadd.f32 v45, v26;
	v26 =	vld [tilespmem:$0x1FF00]  }
0x525: {  	v0 =	vsub.f32 v14, v11;
	[tilespmem:s23+$0x8000] =	vst v1;
	s23 =	sld [smem:$0x7B6];
	v45 =	vld [tilespmem:$0x1FF20]  }
0x526: {  	v61 =	vadd.f32 v18, v4;
	v4 =	vadd.f32 v9, v8;
	v9 =	vld [tilespmem:$0x1EEC0]  }
0x527: {  	v21 =	vmul.f32 v17, v0;
	v17 =	vsub.f32 v16, v11;
	v16 =	vld [tilespmem:$0x1EED0]  }
0x528: {  	[tilespmem:s23+$0x8000] =	vst v2;
	v2 =	vadd.f32 v30, v61;
	v30 =	vld [tilespmem:$0x1EEA0]  }
0x529: {  	v61 =	vld [tilespmem:$0x1EEB0]  }
0x52a: {  	v0 =	vmul.f32 v6, v25;
	v25 =	vld [tilespmem:$0x1FCF0]  }
0x52b: {  	[tilespmem:$0x1F2E0] =	vst v62;
	v12 =	vsub.f32 v10, v11;
	v10 =	vadd.f32 v62, v2;
	v62 =	vld [tilespmem:$0x1FD10]  }
0x52c: {  	v14 =	vmul.f32 v6, v13;
	v13 =	vld [tilespmem:$0x1FF70]  }
0x52d: {  	v1 =	vadd.f32 v20, v19;
	v19 =	vmul.f32 v0, v17;
	v17 =	vld [tilespmem:$0x1EEE0]  }
0x52e: {  	v20 =	vmul.f32 v14, v12;
	v14 =	vld [tilespmem:$0x1FF30]  }
0x52f: {  	v12 =	vld [tilespmem:$0x1EF10]  }
0x530: {  	[tilespmem:s15+$0xE100] =	vst v7;
	v7 =	vadd.f32 v61, v45;
	v45 =	vld [tilespmem:$0x1FC10]  }
0x531: {  	s23 =	sld [smem:$0x7B7];
	[tilespmem:s15+$0xE000] =	vst v5;
	v5 =	vadd.f32 v30, v26;
	v26 =	vld [tilespmem:$0x1EEF0]  }
0x532: {  	[tilespmem:$0x1F2F0] =	vst v59;
	v61 =	vadd.f32 v59, v10;
	v10 =	vld [tilespmem:$0x1FF60]  }
0x533: {  	[tilespmem:s15+$0xE080] =	vst v1;
	v59 =	vld [tilespmem:$0x1FD30]  }
0x534: {  	[tilespmem:s23+$0x8000] =	vst v3;
	s23 =	sld [smem:$0x7B8];
	v0 =	vmul.f32 v6, v25;
	v25 =	vld [tilespmem:$0x1EF30]  }
0x535: {  	[tilespmem:$0x1F300] =	vst v24;
	v2 =	vadd.f32 v24, v61;
	v24 =	vld [tilespmem:$0x1FF90]  }
0x536: {  	v61 =	vld [tilespmem:$0x1EF50]  }
0x537: {  	[tilespmem:s23+$0x8000] =	vst v4;
	s23 =	sld [smem:$0x7B9];
	v1 =	vmul.f32 v6, v62;
	v18 =	vsub.f32 v17, v11;
	v62 =	vadd.f32 v36, v2;
	v36 =	vld [tilespmem:$0x1EF90]  }
0x538: {  	v8 =	vadd.f32 v9, v45;
	v9 =	vld [tilespmem:$0x1EF00]  }
0x539: {  	v17 =	vmul.f32 v0, v18;
	v18 =	vld [tilespmem:$0x1EF20]  }
0x53a: {  	[tilespmem:s23+$0x8000] =	vst v5;
	s23 =	sld [smem:$0x7BA];
	v30 =	vsub.f32 v26, v11;
	v26 =	vld [tilespmem:$0x1EF40]  }
0x53b: {  	v4 =	vadd.f32 v12, v10;
	v10 =	vld [tilespmem:$0x1FFD0]  }
0x53c: {  	v12 =	vld [tilespmem:$0x1FFF0]  }
0x53d: {  	v0 =	vmul.f32 v6, v59;
	v59 =	vld [tilespmem:$0x1FD70];
	[tilespmem:s23+$0x8000] =	vst v7;
	s23 =	sld [smem:$0x7BB]  }
0x53e: {  	v7 =	vld [tilespmem:$0x1FF40]  }
0x53f: {  	v5 =	vadd.f32 v25, v24;
	v24 =	vld [tilespmem:$0x1FC60]  }
0x540: {  	[tilespmem:s23+$0x8000] =	vst v8;
	v8 =	vld [tilespmem:$0x1FFB0]  }
0x541: {  	v14 =	vadd.f32 v16, v14;
	v16 =	vmul.f32 v1, v30;
	v1 =	vadd.f32 v18, v13;
	v13 =	vld [tilespmem:$0x1EF70]  }
0x542: {  	s29 =	sor.u32 $0x7380, s29;
	[tilespmem:$0x1F320] =	vst v15;
	v18 =	vadd.f32 v15, v62;
	v15 =	vld [tilespmem:$0x1FC80]  }
0x543: {  	v62 =	vsub.f32 v29, v11;
	v29 =	vld [tilespmem:s29+$0x0]  }
0x544: {  	[tilespmem:s15+$0xF000] =	vst v14;
	v14 =	vld [tilespmem:$0x1F070]  }
0x545: {  	v30 =	vsub.f32 v26, v11;
	s23 =	sld [smem:$0x7BC];
	v3 =	vadd.f32 v9, v7;
	v9 =	vld [tilespmem:$0x1EF60]  }
0x546: {  	[tilespmem:s15+$0xF100] =	vst v4;
	v4 =	vadd.f32 v57, v10;
	v57 =	vsub.f32 v36, v11;
	v7 =	vld [tilespmem:$0x1FD50]  }
0x547: {  	v26 =	vmul.f32 v0, v30;
	v30 =	vld [tilespmem:$0x1EF80];
	[tilespmem:s15+$0xF080] =	vst v3;
	v3 =	vsub.f32 v61, v11;
	v61 =	vmul.f32 v6, v59  }
0x548: {  	[tilespmem:s23+$0x8000] =	vst v1;
	v1 =	vadd.f32 v13, v12;
	v12 =	vld [tilespmem:$0x1FD90]  }
0x549: {  	s23 =	sld [smem:$0x7BD];
	v59 =	vmul.f32 v61, v57;
	v57 =	vld [tilespmem:$0x1FCC0]  }
0x54a: {  	v0 =	vadd.f32 v9, v8;
	v9 =	vld [tilespmem:$0x1EFE0]  }
0x54b: {  	v8 =	vld [tilespmem:$0x1F030]  }
0x54c: {  	v2 =	vmul.f32 v6, v7;
	[tilespmem:s23+$0x8000] =	vst v5;
	v5 =	vadd.f32 v30, v24;
	v24 =	vld [tilespmem:$0x1FCA0]  }
0x54d: {  	v30 =	vld [tilespmem:$0x1EFB0]  }
0x54e: {  	v25 =	vmul.f32 v2, v3;
	v3 =	vadd.f32 v58, v18;
	v18 =	vld [tilespmem:$0x1EFA0]  }
0x54f: {  	v58 =	vld [tilespmem:$0x1EFC0]  }
0x550: {  	[tilespmem:s15+$0xC010] =	vst v5;
	v5 =	vld [tilespmem:$0x1EFD0]  }
0x551: {  	s23 =	sld [smem:$0x7BE];
	v13 =	vmul.f32 v6, v12;
	v12 =	vld [tilespmem:$0x1FDB0]  }
0x552: {  	v3 =	vadd.f32 v54, v3;
	v54 =	vld [tilespmem:$0x1F010]  }
0x553: {  	v13 =	vmul.f32 v13, v62;
	v62 =	vld [tilespmem:$0x1FCE0]  }
0x554: {  	[tilespmem:s23+$0x8000] =	vst v0;
	s23 =	sld [smem:$0x7BF];
	v36 =	vadd.f32 v30, v24;
	v24 =	vld [tilespmem:$0x1FDD0]  }
0x555: {  	v30 =	vld [tilespmem:$0x1FD00]  }
0x556: {  	[tilespmem:$0x1F350] =	vst v34;
	v3 =	vadd.f32 v34, v3;
	v34 =	vld [tilespmem:$0x1F000]  }
0x557: {  	[tilespmem:s23+$0x8000] =	vst v4;
	v4 =	vadd.f32 v18, v15;
	v15 =	vld [tilespmem:$0x1EFF0]  }
0x558: {  	v61 =	vadd.f32 v58, v57;
	v58 =	vld [tilespmem:$0x1FD40]  }
0x559: {  	[tilespmem:s15+$0xC110] =	vst v36;
	v36 =	vld [tilespmem:$0x1FD20]  }
0x55a: {  	v3 =	vadd.f32 v42, v3;
	v42 =	vld [tilespmem:$0x1FD60]  }
0x55b: {  	s23 =	sld [smem:$0x7C0];
	[tilespmem:s15+$0xC190] =	vst v61;
	v61 =	vld [tilespmem:$0x1F020]  }
0x55c: {  	v2 =	vadd.f32 v34, v30;
	v30 =	vld [tilespmem:$0x1F040]  }
0x55d: {  	[tilespmem:s15+$0xC090] =	vst v4;
	v5 =	vadd.f32 v5, v62;
	v18 =	vsub.f32 v15, v11;
	v15 =	vld [tilespmem:$0x1FDF0]  }
0x55e: {  	[tilespmem:s23+$0x8000] =	vst v1;
	s23 =	rddreg [dreg:$0x16];
	v57 =	vadd.f32 v54, v36;
	v36 =	vld [tilespmem:$0x1FE10]  }
0x55f: {  	[tilespmem:s23+$0x8000] =	vst v5;
	s23 =	rddreg [dreg:$0x18];
	v54 =	vld [tilespmem:$0x1F050]  }
0x560: {  	[tilespmem:s23+$0x8000] =	vst v2;
	s23 =	rddreg [dreg:$0x1a];
	v62 =	vadd.f32 v61, v58;
	v58 =	vld [tilespmem:$0x1F060]  }
0x561: {  	[tilespmem:s23+$0x8000] =	vst v57;
	s23 =	rddreg [dreg:$0x1c];
	v57 =	vld [tilespmem:$0x1FD80]  }
0x562: {  	v1 =	vmul.f32 v6, v24;
	[tilespmem:s23+$0x8000] =	vst v62;
	v62 =	vld [tilespmem:$0x1FDA0]  }
0x563: {  	v10 =	vsub.f32 v9, v11;
	v0 =	vmul.f32 v6, v12;
	v34 =	vsub.f32 v30, v11;
	v30 =	vld [tilespmem:$0x1F090]  }
0x564: {  	v9 =	vsub.f32 v8, v11;
	v12 =	vmul.f32 v1, v18;
	v18 =	vmul.f32 v6, v15;
	v15 =	vld [tilespmem:$0x1FDC0]  }
0x565: {  	v10 =	vmul.f32 v0, v10;
	v0 =	vmul.f32 v6, v36;
	v5 =	vadd.f32 v54, v42;
	v54 =	vld [tilespmem:$0x1FDE0]  }
0x566: {  	v3 =	vadd.f32 v29, v3;
	v24 =	vmul.f32 v29, v29;
	v9 =	vmul.f32 v18, v9;
	v18 =	vld [tilespmem:$0x1F080]  }
0x567: {  	v8 =	vmul.f32 v0, v34;
	v34 =	vld [tilespmem:$0x1FE30]  }
0x568: {  	v1 =	vadd.f32 v24, v31;
	v61 =	vadd.f32 v58, v57;
	v0 =	vmul.f32 $3.125000000e-02, v3;
	v57 =	vld [tilespmem:$0x1F0A0]  }
0x569: {  	v31 =	vsub.f32 v30, v11;
	v30 =	vld [tilespmem:$0x1F0C0]  }
0x56a: {  	v24 =	vmul.f32 $3.125000000e-02, v1;
	[tilespmem:s15+$0xD090] =	vst v61;
	v42 =	vmul.f32 v0, v0;
	v61 =	vld [tilespmem:$0x1F0B0]  }
0x56b: {  	[tilespmem:s15+$0xD010] =	vst v5;
	v5 =	vadd.f32 v18, v15;
	v15 =	vld [tilespmem:$0x1FE50]  }
0x56c: {  	v4 =	vsub.f32 v24, v42;
	v24 =	vld [tilespmem:$0x1FE00]  }
0x56d: {  	v42 =	vld [tilespmem:$0x1F0E0]  }
0x56e: {  	v36 =	vmul.f32 v6, v34;
	v34 =	vld [tilespmem:$0x1F0D0]  }
0x56f: {  	v58 =	vadd.f32 v57, v54;
	v54 =	vld [tilespmem:$0x1FE60]  }
0x570: {  	s23 =	sld [smem:$0x7C1];
	v3 =	vadd.f32 v14, v62;
	v57 =	vld [tilespmem:$0x1F0F0]  }
0x571: {  	[tilespmem:s15+$0xD190] =	vst v5;
	v5 =	vmul.f32 v36, v31;
	v31 =	vld [tilespmem:$0x1FE20]  }
0x572: {  	[tilespmem:s15+$0xD110] =	vst v3;
	v36 =	vld [tilespmem:$0x1FE40]  }
0x573: {  	v62 =	vsub.f32 v61, v11;
	[tilespmem:s23+$0x8000] =	vst v58;
	s23 =	sld [smem:$0x7C2];
	v61 =	vld [tilespmem:$0x1FE70];
	v1 =	vmul.f32 v6, v15  }
0x574: {  	v7 =	vadd.f32 v30, v24;
	v24 =	vld [tilespmem:$0x1F100]  }
0x575: {  	v1 =	vmul.f32 v1, v62;
	v62 =	vld [tilespmem:$0x1FE80]  }
0x576: {  	[tilespmem:s23+$0x8000] =	vst v7;
	v7 =	vadd.f32 v57, v54;
	v54 =	vld [tilespmem:$0x1F120]  }
0x577: {  	v57 =	vld [tilespmem:$0x1FF00]  }
0x578: {  	v2 =	vadd.f32 v34, v31;
	v31 =	vld [tilespmem:$0x1FE90]  }
0x579: {  	s23 =	sld [smem:$0x7C3];
	v34 =	vld [tilespmem:$0x1FEA0]  }
0x57a: {  	v3 =	vadd.f32 v42, v36;
	v42 =	vld [tilespmem:$0x1FEC0]  }
0x57b: {  	v36 =	vld [tilespmem:$0x1F110]  }
0x57c: {  	v18 =	vmul.f32 v6, v61;
	v61 =	vld [tilespmem:$0x1FEB0];
	[tilespmem:s23+$0x8000] =	vst v2;
	s23 =	sld [smem:$0x7C4]  }
0x57d: {  	v58 =	vsub.f32 v44, v11;
	v2 =	vadd.f32 v24, v62;
	v62 =	vld [tilespmem:$0x1FED0]  }
0x57e: {  	v24 =	vld [tilespmem:$0x1FF20]  }
0x57f: {  	[tilespmem:s23+$0x8000] =	vst v3;
	v3 =	vmul.f32 v18, v58;
	v18 =	vadd.f32 v51, v42;
	v51 =	vld [tilespmem:$0x1FEE0]  }
0x580: {  	v30 =	vsub.f32 v46, v11;
	v58 =	vld [tilespmem:$0x1F130]  }
0x581: {  	v46 =	vmul.f32 v6, v31;
	v14 =	vadd.f32 v36, v34;
	v36 =	vsub.f32 v52, v11;
	v52 =	vld [tilespmem:$0x1FE60]  }
0x582: {  	v31 =	vsub.f32 v48, v11;
	v34 =	vmul.f32 v6, v61;
	v48 =	vld [tilespmem:$0x1FFB0]  }
0x583: {  	[tilespmem:s15+$0xE010] =	vst v7;
	v7 =	vmul.f32 v46, v30;
	v30 =	vld [tilespmem:$0x1F140]  }
0x584: {  	[tilespmem:s15+$0xE190] =	vst v18;
	v18 =	vmul.f32 v34, v31;
	v31 =	vld [tilespmem:$0x1FF60]  }
0x585: {  	v34 =	vld [tilespmem:$0x1FF70]  }
0x586: {  	v44 =	vadd.f32 v54, v51;
	v51 =	vld [tilespmem:$0x1FE90]  }
0x587: {  	v46 =	vadd.f32 v58, v57;
	v58 =	vld [tilespmem:$0x1FE30]  }
0x588: {  	v54 =	vld [tilespmem:$0x1FFD0]  }
0x589: {  	s23 =	sld [smem:$0x7C5];
	v57 =	vld [tilespmem:$0x1FFF0]  }
0x58a: {  	[tilespmem:s15+$0xE090] =	vst v2;
	v27 =	vadd.f32 v27, v48;
	v48 =	vld [tilespmem:$0x1FEF0]  }
0x58b: {  	[tilespmem:s15+$0xE110] =	vst v14;
	v2 =	vadd.f32 v30, v24;
	v24 =	vld [tilespmem:$0x1FF30]  }
0x58c: {  	v4 =	vadd.f32 $9.999999740e-06, v4;
	v15 =	vmul.f32 v6, v62;
	[tilespmem:s23+$0x8000] =	vst v44;
	v30 =	vld [tilespmem:$0x1FF40];
	v38 =	vadd.f32 v38, v31;
	s23 =	sld [smem:$0x7C6]  }
0x58d: {  	v31 =	vsub.f32 v49, v11;
	v49 =	vsub.f32 v56, v11;
	v56 =	vld [tilespmem:$0x1FE80]  }
0x58e: {  	v14 =	vadd.f32 v40, v45;
	v40 =	vmul.f32 v15, v36;
	v36 =	vadd.f32 v35, v34;
	v34 =	vld [tilespmem:$0x1FCE0]  }
0x58f: {  	[tilespmem:s23+$0x8000] =	vst v46;
	v46 =	vld [tilespmem:$0x1FF90]  }
0x590: {  	v35 =	vshra.s32 v4, $0x1;
	s23 =	sld [smem:$0x7C7];
	v44 =	vmul.f32 v6, v48;
	v48 =	vld [tilespmem:$0x1FDF0]  }
0x591: {  	v4 =	vmul.f32 $5.000000000e-01, v4;
	v41 =	vadd.f32 v41, v24;
	v24 =	vadd.f32 v33, v57;
	v33 =	vld [tilespmem:$0x1FE50]  }
0x592: {  	v39 =	vadd.f32 v39, v30;
	v30 =	vsub.s32 $0x5F3759DF, v35;
	v57 =	vld [tilespmem:$0x1FC80]  }
0x593: {  	v35 =	vsub.f32 v63, v11;
	v63 =	vld [tilespmem:$0x1FEF0];
	[tilespmem:s23+$0x8000] =	vst v2;
	s23 =	sld [smem:$0x7C8];
	v15 =	vmul.f32 v30, v4  }
0x594: {  	v2 =	vadd.f32 v28, v46;
	v28 =	vld [tilespmem:$0x1FC60]  }
0x595: {  	v42 =	vmul.f32 v30, v15;
	v15 =	vld [tilespmem:$0x1FCA0]  }
0x596: {  	[tilespmem:s23+$0x8000] =	vst v14;
	v14 =	vadd.f32 v50, v54;
	v50 =	vld [tilespmem:$0x1FE70]  }
0x597: {  	v54 =	vld [tilespmem:$0x1FF10]  }
0x598: {  	[tilespmem:s15+$0xF090] =	vst v39;
	v39 =	vld [tilespmem:$0x1FDC0]  }
0x599: {  	s23 =	sld [smem:$0x7C9];
	[tilespmem:s15+$0xF010] =	vst v41;
	v22 =	vadd.f32 v22, v57;
	v57 =	vld [tilespmem:$0x1FD00]  }
0x59a: {  	[tilespmem:s15+$0xF110] =	vst v38;
	v41 =	vld [tilespmem:$0x1FDE0]  }
0x59b: {  	v38 =	vmul.f32 v44, v31;
	[tilespmem:s15+$0xF190] =	vst v36;
	v31 =	vsub.f32 $1.500000000e+00, v42;
	v42 =	vld [tilespmem:$0x1F150]  }
0x59c: {  	[tilespmem:s23+$0x8000] =	vst v2;
	v2 =	vadd.f32 v19, v34;
	v34 =	vld [tilespmem:$0x1FDA0]  }
0x59d: {  	s23 =	sld [smem:$0x7CA];
	v23 =	vadd.f32 v23, v28;
	v28 =	vld [tilespmem:$0x1FCC0]  }
0x59e: {  	v21 =	vadd.f32 v21, v15;
	v15 =	vld [tilespmem:$0x1FD20]  }
0x59f: {  	v46 =	vmul.f32 v6, v54;
	v54 =	vld [tilespmem:$0x1FE10]  }
0x5a0: {  	[tilespmem:s23+$0x8000] =	vst v27;
	v27 =	vmul.f32 v30, v31;
	v30 =	vld [tilespmem:$0x1FD60]  }
0x5a1: {  	v31 =	vld [tilespmem:$0x1FD80]  }
0x5a2: {  	[tilespmem:s15+$0xC020] =	vst v23;
	v23 =	vsub.f32 v60, v11;
	v60 =	vld [tilespmem:$0x1FEA0]  }
0x5a3: {  	v17 =	vadd.f32 v17, v57;
	v57 =	vmul.f32 v6, v32;
	v36 =	vmul.f32 v46, v49;
	v46 =	vld [tilespmem:$0x1FE20]  }
0x5a4: {  	v44 =	vmul.f32 v6, v43;
	s23 =	sld [smem:$0x7CB];
	v49 =	vmov v43;
	v43 =	vmov v32;
	v32 =	vld [tilespmem:$0x1FD30]  }
0x5a5: {  	[tilespmem:s15+$0xC120] =	vst v21;
	v21 =	vmul.f32 v57, v23;
	v57 =	vld [tilespmem:$0x1F160]  }
0x5a6: {  	v20 =	vadd.f32 v20, v28;
	v28 =	vld [tilespmem:$0x1FD40]  }
0x5a7: {  	[tilespmem:s23+$0x8000] =	vst v14;
	v14 =	vmul.f32 v44, v35;
	v44 =	vld [tilespmem:$0x1FF50]  }
0x5a8: {  	s23 =	sld [smem:$0x7CC];
	[tilespmem:s17+$0x8000] =	vst v24;
	v24 =	vadd.f32 v59, v31;
	v59 =	vsub.f32 v37, v11;
	v37 =	vld [tilespmem:$0x1FDA0]  }
0x5a9: {  	[tilespmem:s15+$0xC0A0] =	vst v22;
	v16 =	vadd.f32 v16, v15;
	v15 =	vadd.f32 v25, v30;
	v25 =	vld [tilespmem:$0x1FC30]  }
0x5aa: {  	v30 =	vld [tilespmem:$0x1FD10];
	[tilespmem:s15+$0xC1A0] =	vst v20  }
0x5ab: {  	v35 =	vmul.f32 v27, v4;
	[tilespmem:s23+$0x8000] =	vst v2;
	v2 =	vsub.f32 v42, v11;
	v42 =	vld [tilespmem:$0x1FC40]  }
0x5ac: {  	v19 =	vadd.f32 v26, v28;
	v28 =	vld [tilespmem:$0x1FE00]  }
0x5ad: {  	s23 =	sld [smem:$0x7CD];
	v26 =	vmul.f32 v35, v27;
	v35 =	vld [tilespmem:$0x1FE40]  }
0x5ae: {  	v23 =	vmul.f32 v6, v44;
	v44 =	vld [tilespmem:$0x1FD50]  }
0x5af: {  	v13 =	vadd.f32 v13, v34;
	v34 =	vmul.f32 v6, v25;
	v31 =	vsub.f32 $1.500000000e+00, v26;
	v26 =	vld [tilespmem:$0x1FCE0]  }
0x5b0: {  	[tilespmem:s23+$0x8000] =	vst v17;
	s23 =	sld [smem:$0x7CE];
	v25 =	vld [tilespmem:$0x1FEE0]  }
0x5b1: {  	v20 =	vmul.f32 v34, v59;
	v34 =	vld [tilespmem:$0x1FD60]  }
0x5b2: {  	v17 =	vmul.f32 v31, v27;
	v27 =	vld [tilespmem:$0x1FCF0]  }
0x5b3: {  	[tilespmem:s23+$0x8000] =	vst v16;
	v16 =	vmul.f32 v23, v2;
	v23 =	vld [tilespmem:$0x1FEC0]  }
0x5b4: {  	v31 =	vld [tilespmem:$0x1FF80]  }
0x5b5: {  	v2 =	vsub.f32 v57, v11;
	s23 =	sld [smem:$0x7CF];
	v57 =	vsub.f32 v55, v11;
	v55 =	vld [tilespmem:$0x1FF30]  }
0x5b6: {  	v5 =	vadd.f32 v5, v35;
	v35 =	vld [tilespmem:$0x1FD70]  }
0x5b7: {  	v9 =	vadd.f32 v9, v28;
	v28 =	vld [tilespmem:$0x1F170]  }
0x5b8: {  	v59 =	vmul.f32 v6, v42;
	[tilespmem:s23+$0x8000] =	vst v19;
	v19 =	vadd.f32 v40, v25;
	v40 =	vld [tilespmem:$0x1FDD0]  }
0x5b9: {  	v25 =	vld [tilespmem:$0x1FCB0]  }
0x5ba: {  	v4 =	vmul.f32 v17, v4;
	[tilespmem:s15+$0xD020] =	vst v15;
	v15 =	vmul.f32 v59, v2;
	v59 =	vld [tilespmem:$0x1FFA0]  }
0x5bb: {  	v10 =	vadd.f32 v10, v39;
	[tilespmem:s15+$0xD120] =	vst v13;
	v13 =	vsub.f32 v53, v11;
	v53 =	vld [tilespmem:$0x1FF20]  }
0x5bc: {  	v12 =	vadd.f32 v12, v41;
	s23 =	sld [smem:$0x7D0];
	v4 =	vmul.f32 v4, v17;
	v22 =	vmul.f32 v6, v31;
	v31 =	vld [tilespmem:$0x1FD20]  }
0x5bd: {  	[tilespmem:s15+$0xD0A0] =	vst v24;
	v18 =	vadd.f32 v18, v23;
	v23 =	vld [tilespmem:$0x1FC70];
	v2 =	vsub.f32 v28, v11  }
0x5be: {  	[tilespmem:s15+$0xD1A0] =	vst v10;
	v28 =	vld [tilespmem:$0x1FD00];
	v11 =	vsub.f32 v47, v11;
	v47 =	vsub.f32 $1.500000000e+00, v4  }
0x5bf: {  	[tilespmem:s23+$0x8000] =	vst v12;
	s23 =	sld [smem:$0x7D1];
	v10 =	vmul.f32 v22, v2;
	v22 =	vld [tilespmem:$0x1FF00]  }
0x5c0: {  	v2 =	vmul.f32 v47, v17;
	v47 =	vld [tilespmem:$0x1FC50]  }
0x5c1: {  	v12 =	vadd.f32 v36, v53;
	v36 =	vld [tilespmem:$0x1FD90]  }
0x5c2: {  	v8 =	vadd.f32 v8, v46;
	[tilespmem:s23+$0x8000] =	vst v9;
	v9 =	vadd.f32 v21, v55;
	v21 =	vld [tilespmem:$0x1FC60]  }
0x5c3: {  	v24 =	vmul.f32 v6, v59;
	v59 =	vld [tilespmem:$0x1FF40]  }
0x5c4: {  	v1 =	vadd.f32 v1, v52;
	v53 =	vld [tilespmem:$0x1FF60];
	[tilespmem:s19+$0x8000] =	vst v8  }
0x5c5: {  	v3 =	vadd.f32 v3, v56;
	v55 =	vld [tilespmem:$0x1FFE0];
	[tilespmem:s16+$0x8000] =	vst v5  }
0x5c6: {  	v4 =	vmul.f32 v24, v57;
	v24 =	vld [tilespmem:$0x1FC90];
	[tilespmem:s15+$0xE020] =	vst v1  }
0x5c7: {  	v7 =	vadd.f32 v7, v60;
	v57 =	vld [tilespmem:$0x1FFC0];
	[tilespmem:s15+$0xE0A0] =	vst v3  }
0x5c8: {  	[tilespmem:s15+$0xE1A0] =	vst v18;
	v18 =	vld [tilespmem:$0x1FCD0]  }
0x5c9: {  	[tilespmem:s15+$0xE120] =	vst v7;
	v22 =	vadd.f32 v38, v22;
	v38 =	vld [tilespmem:$0x1FDB0]  }
0x5ca: {  	[tilespmem:s8+$0x8000] =	vst v19;
	v19 =	vld [tilespmem:$0x1FCA0]  }
0x5cb: {  	v8 =	vadd.f32 v20, v59;
	v20 =	vld [tilespmem:$0x1F190]  }
0x5cc: {  	[tilespmem:s7+$0x8000] =	vst v22;
	v22 =	vld [tilespmem:$0x1FCC0];
	v17 =	vmul.f32 v6, v57  }
0x5cd: {  	v14 =	vadd.f32 v14, v45;
	v57 =	vld [tilespmem:$0x1FF90]  }
0x5ce: {  	v16 =	vadd.f32 v16, v53;
	[tilespmem:s5+$0x8000] =	vst v12;
	v5 =	vmul.f32 v17, v13;
	v17 =	vld [tilespmem:$0x1F180]  }
0x5cf: {  	v6 =	vmul.f32 v6, v55;
	v55 =	vld [tilespmem:$0x1FF70];
	[tilespmem:s3+$0x8000] =	vst v14  }
0x5d0: {  	[tilespmem:s15+$0xF120] =	vst v16;
	v16 =	vld [tilespmem:$0x1F2E0]  }
0x5d1: {  	v7 =	vsub.f32 v20, v0;
	v20 =	vld [tilespmem:$0x1FC80]  }
0x5d2: {  	v10 =	vadd.f32 v10, v57;
	v57 =	vld [tilespmem:$0x1F1B0]  }
0x5d3: {  	v47 =	vmul.f32 v2, v47;
	v13 =	vsub.f32 v17, v0;
	v17 =	vld [tilespmem:$0x1FFF0]  }
0x5d4: {  	v53 =	vmul.f32 v6, v11;
	v6 =	vadd.f32 v15, v55;
	v15 =	vld [tilespmem:$0x1FFD0]  }
0x5d5: {  	v59 =	vmul.f32 v47, v13;
	v13 =	vld [tilespmem:$0x1FFB0]  }
0x5d6: {  	v47 =	vmul.f32 v2, v23;
	v23 =	vld [tilespmem:$0x1F1C0]  }
0x5d7: {  	v3 =	vadd.f32 v59, v21;
	v59 =	vmul.f32 v2, v25;
	v25 =	vld [tilespmem:$0x1F1D0]  }
0x5d8: {  	v11 =	vsub.f32 v57, v0;
	v7 =	vmul.f32 v47, v7;
	v1 =	vadd.f32 v53, v17;
	v53 =	vld [tilespmem:$0x1F1A0]  }
0x5d9: {  	v17 =	vld [tilespmem:$0x1FF10]  }
0x5da: {  	v11 =	vmul.f32 v59, v11;
	v7 =	vadd.f32 v7, v20;
	v20 =	vld [tilespmem:$0x1FD40]  }
0x5db: {  	v55 =	vmul.f32 v2, v24;
	v5 =	vadd.f32 v5, v15;
	v15 =	vsub.f32 v23, v0;
	v23 =	vld [tilespmem:$0x1F1F0]  }
0x5dc: {  	v24 =	vmul.f32 v2, v18;
	v4 =	vadd.f32 v4, v13;
	v11 =	vadd.f32 v11, v22;
	v22 =	vld [tilespmem:$0x1FD80]  }
0x5dd: {  	v47 =	vmul.f32 v2, v27;
	v12 =	vsub.f32 v25, v0;
	v25 =	vld [tilespmem:$0x1F200];
	v13 =	vsub.f32 v53, v0  }
0x5de: {  	v53 =	vmul.f32 v24, v15;
	v24 =	vmul.f32 v2, v32;
	v32 =	vld [tilespmem:$0x1F220]  }
0x5df: {  	v59 =	vmul.f32 v47, v12;
	v13 =	vmul.f32 v55, v13;
	v55 =	vld [tilespmem:$0x1F1E0]  }
0x5e0: {  	v14 =	vsub.f32 v23, v0;
	v23 =	vld [tilespmem:$0x1F250]  }
0x5e1: {  	[tilespmem:s15+$0xF020] =	vst v9;
	v9 =	vadd.f32 v59, v28;
	v28 =	vld [tilespmem:$0x1F210]  }
0x5e2: {  	v12 =	vadd.f32 v13, v19;
	v13 =	vadd.f32 v53, v26;
	v26 =	vmul.f32 v2, v44;
	v44 =	vld [tilespmem:$0x1F230]  }
0x5e3: {  	[tilespmem:s15+$0xF0A0] =	vst v8;
	v8 =	vsub.f32 v25, v0;
	v27 =	vmul.f32 v24, v14;
	v24 =	vmul.f32 v2, v48;
	v25 =	vld [tilespmem:$0x1F260]  }
0x5e4: {  	v48 =	vmul.f32 v2, v61;
	v61 =	vmul.f32 v2, v62;
	v62 =	vld [tilespmem:$0x1F2D0]  }
0x5e5: {  	[tilespmem:s15+$0xF1A0] =	vst v6;
	v19 =	vld [tilespmem:$0x1F2F0]  }
0x5e6: {  	[tilespmem:s0+$0x8000] =	vst v10;
	v57 =	vmul.f32 v2, v30;
	v10 =	vadd.f32 v27, v20;
	v27 =	vld [tilespmem:$0x1F270];
	v15 =	vsub.f32 v55, v0  }
0x5e7: {  	v30 =	vmul.f32 v2, v35;
	v20 =	vld [tilespmem:$0x1FF20]  }
0x5e8: {  	v35 =	vmul.f32 v2, v36;
	v55 =	vld [tilespmem:$0x1F240];
	v14 =	vsub.f32 v28, v0;
	v21 =	vmul.f32 v57, v15  }
0x5e9: {  	v47 =	vmul.f32 v2, v38;
	v57 =	vmul.f32 v2, v40;
	v40 =	vld [tilespmem:$0x1FE00]  }
0x5ea: {  	v36 =	vmul.f32 v30, v14;
	v14 =	vsub.f32 v44, v0;
	v44 =	vld [tilespmem:$0x1FE40];
	v6 =	vadd.f32 v21, v31  }
0x5eb: {  	[tilespmem:s31+$0x8000] =	vst v4;
	v31 =	vmul.f32 v26, v8;
	v8 =	vsub.f32 v32, v0;
	v26 =	vmul.f32 v2, v54;
	v54 =	vld [tilespmem:$0x1FFC0]  }
0x5ec: {  	[tilespmem:s26+$0x8000] =	vst v5;
	v59 =	vmul.f32 v47, v14;
	v47 =	vld [tilespmem:$0x1F2B0]  }
0x5ed: {  	[tilespmem:s15+$0xC1B0] =	vst v11;
	v53 =	vmul.f32 v35, v8;
	v4 =	vadd.f32 v31, v34;
	v31 =	vld [tilespmem:$0x1F280]  }
0x5ee: {  	[tilespmem:s25+$0x8000] =	vst v1;
	v11 =	vsub.f32 v25, v0;
	v34 =	vld [tilespmem:$0x1F290]  }
0x5ef: {  	s23 =	sld [smem:$0x7D2];
	[tilespmem:s15+$0xC130] =	vst v12;
	v28 =	vmul.f32 v2, v58;
	v12 =	vsub.f32 v27, v0;
	v1 =	vadd.f32 v53, v37;
	v37 =	vld [tilespmem:$0x1F2A0]  }
0x5f0: {  	[tilespmem:s15+$0xC030] =	vst v3;
	s25 =	sld [smem:$0x7D3];
	v30 =	vmul.f32 v26, v11;
	v26 =	vld [tilespmem:$0x1FEC0]  }
0x5f1: {  	[tilespmem:s15+$0xC0B0] =	vst v7;
	s26 =	sld [smem:$0x7D4];
	v32 =	vmul.f32 v2, v33;
	v8 =	vsub.f32 v55, v0;
	v33 =	vmul.f32 v28, v12;
	v28 =	vld [tilespmem:$0x1FF00]  }
0x5f2: {  	v38 =	vmul.f32 v2, v51;
	[tilespmem:s23+$0x8000] =	vst v13;
	v55 =	vld [tilespmem:$0x1F360];
	v11 =	vsub.f32 v31, v0  }
0x5f3: {  	s31 =	sld [smem:$0x7D5];
	[tilespmem:s25+$0x8000] =	vst v9;
	v5 =	vadd.f32 v36, v22;
	v21 =	vmul.f32 v57, v8;
	v8 =	vsub.f32 v23, v0;
	v23 =	vld [tilespmem:$0x1F300]  }
0x5f4: {  	[tilespmem:s26+$0x8000] =	vst v6;
	v6 =	vadd.f32 v33, v44;
	v33 =	vld [tilespmem:$0x1FC30];
	v36 =	vmul.f32 v32, v11;
	v11 =	vsub.f32 v37, v0  }
0x5f5: {  	v57 =	vld [tilespmem:$0x1FFE0]  }
0x5f6: {  	[tilespmem:s31+$0x8000] =	vst v10;
	v7 =	vadd.f32 v21, v41;
	v8 =	vmul.f32 v24, v8;
	v24 =	vld [tilespmem:$0x1FEE0];
	v41 =	vmul.f32 v38, v11  }
0x5f7: {  	v3 =	vadd.f32 v59, v39;
	[tilespmem:s15+$0xD030] =	vst v4;
	v4 =	vsub.f32 v47, v0;
	v47 =	vld [tilespmem:$0x1FFA0]  }
0x5f8: {  	v63 =	vmul.f32 v2, v63;
	v35 =	vmul.f32 v2, v50;
	[tilespmem:s15+$0xD0B0] =	vst v5;
	v50 =	vadd.f32 v41, v60;
	v60 =	vld [tilespmem:$0x1F2C0]  }
0x5f9: {  	v18 =	vmul.f32 v2, v17;
	v25 =	vmul.f32 v2, v43;
	v9 =	vadd.f32 v30, v46;
	[tilespmem:s15+$0xD1B0] =	vst v3;
	v31 =	vld [tilespmem:$0x1F310]  }
0x5fa: {  	[tilespmem:s15+$0xD130] =	vst v1;
	v12 =	vsub.f32 v34, v0;
	v34 =	vld [tilespmem:$0x1F320];
	v8 =	vadd.f32 v8, v40;
	v4 =	vmul.f32 v48, v4  }
0x5fb: {  	v21 =	vmul.f32 v2, v49;
	[tilespmem:s18+$0x8000] =	vst v7;
	v7 =	vsub.f32 v62, v0;
	v40 =	vmul.f32 v2, v42;
	v42 =	vld [tilespmem:$0x1FF80]  }
0x5fc: {  	v39 =	vmul.f32 v35, v12;
	v32 =	vld [tilespmem:$0x1FF30];
	[tilespmem:s14+$0x8000] =	vst v8;
	v8 =	vsub.f32 v16, v0;
	v4 =	vadd.f32 v4, v26  }
0x5fd: {  	v35 =	vld [tilespmem:$0x1FF50];
	v7 =	vmul.f32 v63, v7;
	v10 =	vadd.f32 v36, v52;
	[tilespmem:s13+$0x8000] =	vst v9;
	v5 =	vsub.f32 v60, v0  }
0x5fe: {  	v46 =	vadd.f32 v39, v56;
	v9 =	vsub.f32 v19, v0;
	v38 =	vld [tilespmem:$0x1F330];
	v56 =	vmul.f32 v2, v54;
	[tilespmem:s12+$0x8000] =	vst v6  }
0x5ff: {  	v52 =	vld [tilespmem:$0x1FF40];
	v22 =	vmul.f32 v18, v8;
	v8 =	vsub.f32 v23, v0;
	[tilespmem:s15+$0xE030] =	vst v10;
	v5 =	vmul.f32 v61, v5  }
0x600: {  	v7 =	vadd.f32 v7, v28;
	v9 =	vmul.f32 v21, v9;
	[tilespmem:s15+$0xE1B0] =	vst v4;
	v4 =	vsub.f32 v34, v0;
	v41 =	vld [tilespmem:$0x1F340]  }
0x601: {  	[tilespmem:s15+$0xE0B0] =	vst v46;
	v43 =	vmul.f32 v2, v42;
	v46 =	vld [tilespmem:$0x1F350];
	v27 =	vmul.f32 v25, v8;
	v5 =	vadd.f32 v5, v24  }
0x602: {  	v39 =	vld [tilespmem:$0x1FF60];
	v8 =	vsub.f32 v31, v0;
	[tilespmem:s15+$0xE130] =	vst v50;
	v30 =	vadd.f32 v9, v45;
	v9 =	vmul.f32 v2, v33  }
0x603: {  	v58 =	vld [tilespmem:$0x1FF70];
	v6 =	vadd.f32 v22, v20;
	v36 =	vmul.f32 v2, v35;
	v50 =	vmul.f32 v2, v47;
	[tilespmem:s6+$0x8000] =	vst v5  }
0x604: {  	v2 =	vmul.f32 v2, v57;
	v37 =	vmul.f32 v9, v8;
	v8 =	vsub.f32 v38, v0;
	v60 =	vld [tilespmem:$0x1FF90];
	[tilespmem:s4+$0x8000] =	vst v7  }
0x605: {  	v1 =	vadd.f32 v27, v32;
	v4 =	vmul.f32 v36, v4;
	v61 =	vld [tilespmem:$0x1FFB0];
	v7 =	vsub.f32 v41, v0;
	[tilespmem:s2+$0x8000] =	vst v6  }
0x606: {  	v62 =	vld [tilespmem:$0x1FFD0];
	v44 =	vmul.f32 v40, v8;
	v8 =	vsub.f32 v46, v0;
	v5 =	vadd.f32 v37, v52;
	[tilespmem:s1+$0x8000] =	vst v30  }
0x607: {  	v63 =	vld [tilespmem:$0x1FFF0];
	v4 =	vadd.f32 v4, v39;
	v51 =	vmul.f32 v43, v7;
	v7 =	vsub.f32 v55, v0;
	[tilespmem:s15+$0xF030] =	vst v1  }
0x608: {  	v53 =	vmul.f32 v50, v8;
	v0 =	vsub.f32 v29, v0;
	[tilespmem:s15+$0xF0B0] =	vst v5;
	v5 =	vadd.f32 v44, v58  }
0x609: {  	p2 =	slt.u32 s20, $0x1C0;
	[tilespmem:s15+$0xF130] =	vst v4;
	v59 =	vmul.f32 v56, v7;
	v3 =	vadd.f32 v51, v60  }
.Ltmp12:
0x60a: {  	v1 =	vadd.f32 v53, v61;
	v0 =	vmul.f32 v2, v0;
	[tilespmem:s15+$0xF1B0] =	vst v5;
	(pc) =	sbr.rel @p2 .LBB2_23-.Ltmp12, $4  }
0x60b: {  	[tilespmem:s11+$0x8000] =	vst v3;
	v2 =	vadd.f32 v59, v62  }
0x60c: {  	v0 =	vadd.f32 v0, v63;
	[tilespmem:s30+$0x8000] =	vst v1  }
0x60d: {  	s24 =	sadd.s32 $0x40, s24;
	[tilespmem:s28+$0x8000] =	vst v2  }
0x60e: {  	p0 =	por !p0, !p0;
	s21 =	sadd.s32 $0x240, s21;
	s10 =	sadd.s32 $0x200, s10;
	[tilespmem:s29+$0x8000] =	vst v0  }
0x60f: {  	s2 =	rddreg [dreg:$0x13]  }
.Ltmp13:
0x610: {  	s0 =	sshll.u32 s2, $0x9;
	(pc) =	sbr.rel @p1 .LBB2_26-.Ltmp13, $4  }
0x611: {  	s12 =	rddreg [dreg:$0x5];
	s1 =	sshll.u32 s2, $0xB;
	s0 =	sand.u32 $0x3E00, s0  }
0x612: {  	s20 =	simm.s32 $0x1000;
	s1 =	sand.u32 $0xFFF0000, s1;
	s0 =	sadd.s32 s12, s0  }
0x613: {  	s21 =	simm.s32 $0x20000;
	s31 =	simm.s32 $0xC000;
	s0 =	sadd.s32 s1, s0  }
0x614: {  	[hbm4b:s0+s20] =	stream.strided.scatter [tilespmem:s31], [sflag:$0x5], $0x4000, s21, s20, $0x38;
	[tilespmem:$0x1EA80] =	vst v63  }
0x615: {  	s0 =	sadd.s32 $0x2, s2  }
.Ltmp14:
0x616: {  	s1 =	sshll.u32 s0, $0x9;
	(pc) =	sbr.rel .LBB2_20-.Ltmp14, $4  }
0x617: {  	s0 =	sshll.u32 s0, $0xB;
	s1 =	sand.u32 $0x3E00, s1  }
0x618: {  	s31 =	rddreg [dreg:$0x11];
	s0 =	sand.u32 $0xFFF0000, s0;
	s1 =	sadd.s32 s12, s1  }
0x619: {  	s19 =	simm.s32 $0x2;
	s2 =	sadd.s32 $0x1, s31;
	s0 =	sadd.s32 s0, s1  }
0x61a: {  	[tilespmem:s22], [sflag:$0x3] =	stream.strided.gather [hbm4b:s0+s20], $0x4000, s21, s20, $0x38;
	[tilespmem:$0x1EA80] =	vst v63  }
.LBB2_27:
0x61b: {  	_ =	sfence.sel $0x180000  }
0x61c: {  	[bflag:$0x0] =	sbarrier.arrive $0xFFFF  }
0x61d: {  	_ =	strace $0x90000047  }
0x61e: {  	s0 =	stileid.u32;
	[bflag:$0x2] =	sbarrier.arrive $0xFFFF  }
0x61f: {  	p0 =	sne.s32 s0, $0x0;
	s0 =	rddreg [dreg:$0x6]  }
0x620: {  	s0 =	sadd.s32 @!p0 $0x100000, s0  }
0x621: {  	[sflag:s0] =	ssyncadd.tile.s32 @!p0 $0x1;
	_ =	shalt  }
.Lfunc_end2:
_tile_overlayer_lowered:
.L_overlay_start_2:
0x622: {  	(tag) =	ssettag $0x2  }
0x623: {  	s0 =	rddreg [dreg:$0x0];
	s2 =	stileid.u32  }
0x624: {  	s1 =	rddreg [dreg:$0x1];
	p0 =	sne.s32 s2, $0x0  }
0x625: {  	s3 =	rddreg [dreg:$0x2];
	[bflag:$0x3] =	sbarrier.arrive $0xFFFF;
	s2 =	simm.s32 @!p0 $0x1C06  }
0x626: {  	[timem:s3], [sflag:s2] =	dma.local @!p0 [hbm:s0], s1  }
0x627: {  	s0 =	simm.s32 @!p0 $0x6  }
0x628: {  	_ =	swait.ge @!p0 [sflag:s0], s1  }
0x629: {  	s1 =	ssub.s32 @!p0 $0x0, s1;
	[sflag:s0] =	ssyncset.done @!p0 $0x0  }
0x62a: {  	[sflag:s0] =	ssyncadd.s32 @!p0 s1  }
0x62b: {  	[bflag:$0x3] =	sbarrier.arrive $0xFFFF  }
0x62c: {  	_ =	shalt  }

</sc_bundles>
